<compile_context>
chip_gen: v7x
topology: tpu7x:2x2x1
jax: 0.10.2.dev20260603
libtpu: 0.0.44.dev20260713+nightly
codegen_flags: <defaults>
</compile_context>

<pallas_src>
import functools

import jax
import jax.numpy as jnp
from jax import lax
from jax.experimental import pallas as pl
from jax.experimental.pallas import tpu as pltpu
from jax.experimental.pallas import tpu_sc as plsc

B, N1, N2 = 4, 2048, 2048
F1 = F2 = 256
H_DIM = 256
NNZ = 262144

NSEG = B * N1
NW = 32
CHUNK = NNZ // NW
VECS = CHUNK // 16
STRIPE = NSEG // 16
MV_BLK = 4096


def _mv_body(t1_ref, t2_ref, w1_ref, w2_ref, v_ref, a1_ref, a2_ref):
    u1 = lax.dot_general(v_ref[...], w1_ref[...], (((1,), (0,)), ((), ())),
                         preferred_element_type=jnp.float32)
    u2 = lax.dot_general(v_ref[...], w2_ref[...], (((1,), (0,)), ((), ())),
                         preferred_element_type=jnp.float32)
    a1_ref[...] = jnp.sum(t1_ref[...] * u1, axis=1, keepdims=True)
    a2_ref[...] = jnp.sum(t2_ref[...] * u2, axis=1, keepdims=True)


_matvec = pl.pallas_call(
    _mv_body,
    grid=(B * N1 // MV_BLK,),
    in_specs=[
        pl.BlockSpec((MV_BLK, F1), lambda i: (i, 0)),
        pl.BlockSpec((MV_BLK, F2), lambda i: (i, 0)),
        pl.BlockSpec((H_DIM, F1), lambda i: (0, 0)),
        pl.BlockSpec((H_DIM, F2), lambda i: (0, 0)),
        pl.BlockSpec((1, H_DIM), lambda i: (0, 0)),
    ],
    out_specs=[pl.BlockSpec((MV_BLK, 1), lambda i: (i, 0)),
               pl.BlockSpec((MV_BLK, 1), lambda i: (i, 0))],
    out_shape=[jax.ShapeDtypeStruct((B * N1, 1), jnp.float32),
               jax.ShapeDtypeStruct((B * N2, 1), jnp.float32)],
)

_MESH = plsc.VectorSubcoreMesh(core_axis_name="c", subcore_axis_name="s")
_SC_PARAMS = pltpu.CompilerParams(needs_layout_passes=False)


@functools.partial(
    pl.kernel,
    out_type=(jax.ShapeDtypeStruct((NNZ,), jnp.float32),
              jax.ShapeDtypeStruct((2, NSEG), jnp.float32)),
    mesh=_MESH,
    compiler_params=_SC_PARAMS,
    scratch_types=[
        pltpu.VMEM((NSEG,), jnp.float32),
        pltpu.VMEM((NSEG,), jnp.float32),
        pltpu.VMEM((CHUNK,), jnp.int32),
        pltpu.VMEM((CHUNK,), jnp.int32),
        pltpu.VMEM((CHUNK,), jnp.int32),
        pltpu.VMEM((CHUNK,), jnp.float32),
        pltpu.VMEM((NSEG,), jnp.float32),
        pltpu.VMEM((STRIPE,), jnp.float32),
        pltpu.VMEM((16 * STRIPE,), jnp.float32),
        pltpu.VMEM_SHARED((16, NSEG), jnp.float32),
        pltpu.SemaphoreType.DMA,
    ],
)
def _sc_logits(a1_hbm, a2_hbm, idx_hbm, ew_hbm, ps_hbm,
               a1_v, a2_v, b_v, r_v, c_v, ew_v, tbl_v, acc_v, tmp_v, shared,
               sem):
    cid = lax.axis_index("c")
    sid = lax.axis_index("s")
    base = (cid * 16 + sid) * CHUNK
    rbase = sid * STRIPE
    copies = [
        pltpu.async_copy(a1_hbm, a1_v, sem),
        pltpu.async_copy(a2_hbm, a2_v, sem),
        pltpu.async_copy(idx_hbm.at[pl.ds(base, CHUNK)], b_v, sem),
        pltpu.async_copy(idx_hbm.at[pl.ds(NNZ + base, CHUNK)], r_v, sem),
        pltpu.async_copy(idx_hbm.at[pl.ds(2 * NNZ + base, CHUNK)], c_v, sem),
    ]

    zeros16 = jnp.zeros((16,), jnp.float32)

    def zero_body(i, carry):
        off = i * 64
        for u in range(4):
            tbl_v[pl.ds(off + u * 16, 16)] = zeros16
        return carry

    lax.fori_loop(0, NSEG // 64, zero_body, 0)
    for cp in copies:
        cp.wait()

    @plsc.parallel_loop(0, VECS, 1, unroll=4)
    def _(i):
        sl = pl.ds(i * 16, 16)
        b16 = b_v[sl]
        seg = b16 * N1 + r_v[sl]
        col = b16 * N2 + c_v[sl]
        e1 = plsc.load_gather(a1_v, [seg])
        e2 = plsc.load_gather(a2_v, [col])
        e = jnp.exp(e1 + e2)
        ew_v[sl] = e
        plsc.addupdate_scatter(tbl_v, [seg], e)

    out_cp = pltpu.async_copy(ew_v, ew_hbm.at[pl.ds(base, CHUNK)], sem)

    pltpu.sync_copy(tbl_v, shared.at[sid])
    plsc.subcore_barrier()
    red_cps = [pltpu.async_copy(shared.at[k, pl.ds(rbase, STRIPE)],
                                tmp_v.at[pl.ds(k * STRIPE, STRIPE)], sem)
               for k in range(16)]
    out_cp.wait()
    for cp in red_cps:
        cp.wait()
    for j in range(STRIPE // 16):
        sl = pl.ds(j * 16, 16)
        acc16 = tmp_v[pl.ds(j * 16, 16)]
        for k in range(1, 16):
            acc16 = acc16 + tmp_v[pl.ds(k * STRIPE + j * 16, 16)]
        acc_v[sl] = acc16
    pltpu.sync_copy(acc_v, ps_hbm.at[cid, pl.ds(rbase, STRIPE)])


@functools.partial(
    pl.kernel,
    out_type=jax.ShapeDtypeStruct((NNZ,), jnp.float32),
    mesh=_MESH,
    compiler_params=_SC_PARAMS,
    scratch_types=[
        pltpu.VMEM((STRIPE,), jnp.float32),
        pltpu.VMEM((STRIPE,), jnp.float32),
        pltpu.VMEM((STRIPE,), jnp.float32),
        pltpu.VMEM((NSEG,), jnp.float32),
        pltpu.VMEM((CHUNK,), jnp.int32),
        pltpu.VMEM((CHUNK,), jnp.int32),
        pltpu.VMEM((CHUNK,), jnp.float32),
        pltpu.VMEM((CHUNK,), jnp.float32),
        pltpu.VMEM_SHARED((NSEG,), jnp.float32),
        pltpu.SemaphoreType.DMA,
    ],
)
def _sc_normalize(ps_hbm, idx_hbm, ew_hbm, out_hbm,
                  p0_v, p1_v, is_v, inv_v, b_v, r_v, ew_v, o_v, shared, sem):
    cid = lax.axis_index("c")
    sid = lax.axis_index("s")
    base = (cid * 16 + sid) * CHUNK
    rbase = sid * STRIPE
    copies = [
        pltpu.async_copy(idx_hbm.at[pl.ds(base, CHUNK)], b_v, sem),
        pltpu.async_copy(idx_hbm.at[pl.ds(NNZ + base, CHUNK)], r_v, sem),
        pltpu.async_copy(ew_hbm.at[pl.ds(base, CHUNK)], ew_v, sem),
    ]
    pltpu.sync_copy(ps_hbm.at[0, pl.ds(rbase, STRIPE)], p0_v)
    pltpu.sync_copy(ps_hbm.at[1, pl.ds(rbase, STRIPE)], p1_v)

    ones16 = jnp.ones((16,), jnp.float32)
    for j in range(STRIPE // 16):
        sl = pl.ds(j * 16, 16)
        is_v[sl] = ones16 / (p0_v[sl] + p1_v[sl])
    pltpu.sync_copy(is_v, shared.at[pl.ds(rbase, STRIPE)])
    plsc.subcore_barrier()
    pltpu.sync_copy(shared, inv_v)
    for cp in copies:
        cp.wait()

    @plsc.parallel_loop(0, VECS, 1, unroll=4)
    def _(i):
        sl = pl.ds(i * 16, 16)
        seg = b_v[sl] * N1 + r_v[sl]
        g = plsc.load_gather(inv_v, [seg])
        o_v[sl] = ew_v[sl] * g

    pltpu.sync_copy(o_v, out_hbm.at[pl.ds(base, CHUNK)])


def kernel(t1, t2, H_indices, H_values, W1, b1, W2, b2, v):
    del H_values, b1, b2
    t1f = t1.reshape(B * N1, F1)
    t2f = t2.reshape(B * N2, F2)
    v2d = v.reshape(1, H_DIM)
    idx_flat = H_indices.reshape(3 * NNZ)
    a1, a2 = _matvec(t1f, t2f, W1, W2, v2d)
    ew, ps = _sc_logits(a1.reshape(NSEG), a2.reshape(NSEG), idx_flat)
    return _sc_normalize(ps, idx_flat, ew)

# --- scband reference (transcript-rebuilt; emitter-appended) ---
"""Pipeline reference for scband-attention-42502996361360 (READ-ONLY COPY).

The authoritative reference and input builder live on the scoring server;
editing this copy changes nothing except your own understanding.
"""

import jax, jax.numpy as jnp
import numpy as np

B, N1, N2 = 4, 2048, 2048
F1 = F2 = 256
H_DIM = 256
NNZ = 262144


def setup_inputs(seed: int = 0) -> dict:
    key = jax.random.key(seed)
    ks = jax.random.split(key, 11)
    t1 = jax.random.normal(ks[0], (B, N1, F1), dtype=jnp.float32)
    t2 = jax.random.normal(ks[1], (B, N2, F2), dtype=jnp.float32)
    b_idx = jax.random.randint(ks[2], (NNZ,), 0, B, dtype=jnp.int32)
    r_idx = jax.random.randint(ks[3], (NNZ,), 0, N1, dtype=jnp.int32)
    c_idx = jax.random.randint(ks[4], (NNZ,), 0, N2, dtype=jnp.int32)
    H_indices = jnp.stack([b_idx, r_idx, c_idx], axis=0)
    H_values = jax.random.uniform(ks[5], (NNZ,), dtype=jnp.float32)
    lim1 = 1.0 / np.sqrt(F1)
    lim2 = 1.0 / np.sqrt(F2)
    W1 = jax.random.uniform(ks[6], (H_DIM, F1), minval=-lim1, maxval=lim1, dtype=jnp.float32)
    b1 = jax.random.uniform(ks[7], (H_DIM,), minval=-lim1, maxval=lim1, dtype=jnp.float32)
    W2 = jax.random.uniform(ks[8], (H_DIM, F2), minval=-lim2, maxval=lim2, dtype=jnp.float32)
    b2 = jax.random.uniform(ks[9], (H_DIM,), minval=-lim2, maxval=lim2, dtype=jnp.float32)
    v = jax.random.uniform(ks[10], (H_DIM,), minval=-1.0 / H_DIM, maxval=1.0 / H_DIM, dtype=jnp.float32)
    return {"t1": t1, "t2": t2, "H_indices": H_indices, "H_values": H_values,
            "W1": W1, "b1": b1, "W2": W2, "b2": b2, "v": v}


def reference(t1, t2, H_indices, H_values, W1, b1, W2, b2, v):
    # H_values only defines the sparsity pattern (torch sparse_mask keeps dense
    # values at sparse positions; the mask's own values are discarded).
    b_idx = H_indices[0]
    r_idx = H_indices[1]
    c_idx = H_indices[2]
    # linear1(t1), linear2(t2)
    L1 = jnp.einsum('bnf,hf->bnh', t1, W1) + b1  # [B, N1, H]
    L2 = jnp.einsum('bnf,hf->bnh', t2, W2) + b2  # [B, N2, H]
    # gather only the nnz entries of the broadcast sum (sparse_mask)
    x_vals = L1[b_idx, r_idx] + L2[b_idx, c_idx]  # [NNZ, H]
    w = x_vals @ v  # [NNZ]
    # softmax over each (batch, row) segment of the sparse tensor
    seg = b_idx * N1 + r_idx
    num_segments = B * N1
    m = jax.ops.segment_max(w, seg, num_segments=num_segments)
    m = jnp.where(jnp.isfinite(m), m, 0.0)
    w_exp = jnp.exp(w - m[seg])
    s = jax.ops.segment_sum(w_exp, seg, num_segments=num_segments)
    w_softmax_data = w_exp / s[seg]
    return w_softmax_data

if __name__ == "__main__":
    import jax
    _d = setup_inputs()
    print(jax.jit(kernel)(*tuple(_d.values())))

</pallas_src>

<mosaic_0001>
#map = affine_map<(d0, d1) -> (0)>
#map1 = affine_map<(d0, d1) -> (0, 0)>
module attributes {stable_mosaic.version = 14 : i64} {
  func.func @_sc_logits(%arg0: i32, %arg1: i32, %arg2: memref<8192xf32, #tpu.memory_space<hbm>>, %arg3: memref<8192xf32, #tpu.memory_space<hbm>>, %arg4: memref<786432xi32, #tpu.memory_space<hbm>>, %arg5: memref<262144xf32, #tpu.memory_space<hbm>>, %arg6: memref<2x8192xf32, #tpu.memory_space<hbm>>, %arg7: memref<8192xf32, #tpu.memory_space<vmem>>, %arg8: memref<8192xf32, #tpu.memory_space<vmem>>, %arg9: memref<8192xi32, #tpu.memory_space<vmem>>, %arg10: memref<8192xi32, #tpu.memory_space<vmem>>, %arg11: memref<8192xi32, #tpu.memory_space<vmem>>, %arg12: memref<8192xf32, #tpu.memory_space<vmem>>, %arg13: memref<8192xf32, #tpu.memory_space<vmem>>, %arg14: memref<512xf32, #tpu.memory_space<vmem>>, %arg15: memref<8192xf32, #tpu.memory_space<vmem>>, %arg16: memref<16x8192xf32, #tpu.memory_space<vmem_shared>>, %arg17: memref<!tpu.dma_semaphore, #tpu.memory_space<semaphore_mem>>) attributes {dimension_semantics = [#tpu.dimension_semantics<core_parallel>, #tpu.dimension_semantics<subcore_parallel>], iteration_bounds = array<i64: 2, 16>, scalar_prefetch = 0 : i64, scratch_operands = 11 : i64, tpu.core_type = #tpu.core_type<sc_vector_subcore>, window_params = [{transform_indices = #map}, {transform_indices = #map}, {transform_indices = #map}, {transform_indices = #map}, {transform_indices = #map1}]} {
    %mul3A = arith.constant 16 : i32
    %mul3A_0 = arith.muli %arg0, %mul3A : i32
    %add3A = arith.addi %mul3A_0, %arg1 : i32
    %mul3A_1 = arith.constant 8192 : i32
    %mul3A_2 = arith.muli %add3A, %mul3A_1 : i32
    %mul3A_3 = arith.constant 512 : i32
    %mul3A_4 = arith.muli %arg1, %mul3A_3 : i32
    tpu.enqueue_dma source(%arg2 : memref<8192xf32, #tpu.memory_space<hbm>>) target(%arg7 : memref<8192xf32, #tpu.memory_space<vmem>>) target_semaphore(%arg17 : memref<!tpu.dma_semaphore, #tpu.memory_space<semaphore_mem>>)
    tpu.enqueue_dma source(%arg3 : memref<8192xf32, #tpu.memory_space<hbm>>) target(%arg8 : memref<8192xf32, #tpu.memory_space<vmem>>) target_semaphore(%arg17 : memref<!tpu.dma_semaphore, #tpu.memory_space<semaphore_mem>>)
    %dma_start3A = tpu.memref_slice %arg4[%mul3A_2] : memref<786432xi32, #tpu.memory_space<hbm>> -> memref<8192xi32, #tpu.memory_space<hbm>>
    %dma_start3A_5 = tpu.memref_slice %arg4[%mul3A_2] : memref<786432xi32, #tpu.memory_space<hbm>> -> memref<8192xi32, #tpu.memory_space<hbm>>
    tpu.enqueue_dma source(%dma_start3A_5 : memref<8192xi32, #tpu.memory_space<hbm>>) target(%arg9 : memref<8192xi32, #tpu.memory_space<vmem>>) target_semaphore(%arg17 : memref<!tpu.dma_semaphore, #tpu.memory_space<semaphore_mem>>)
    %add3A_6 = arith.constant 262144 : i32
    %add3A_7 = arith.addi %add3A_6, %mul3A_2 : i32
    %dma_start3A_8 = tpu.memref_slice %arg4[%add3A_7] : memref<786432xi32, #tpu.memory_space<hbm>> -> memref<8192xi32, #tpu.memory_space<hbm>>
    %dma_start3A_9 = tpu.memref_slice %arg4[%add3A_7] : memref<786432xi32, #tpu.memory_space<hbm>> -> memref<8192xi32, #tpu.memory_space<hbm>>
    tpu.enqueue_dma source(%dma_start3A_9 : memref<8192xi32, #tpu.memory_space<hbm>>) target(%arg10 : memref<8192xi32, #tpu.memory_space<vmem>>) target_semaphore(%arg17 : memref<!tpu.dma_semaphore, #tpu.memory_space<semaphore_mem>>)
    %add3A_10 = arith.constant 524288 : i32
    %add3A_11 = arith.addi %add3A_10, %mul3A_2 : i32
    %dma_start3A_12 = tpu.memref_slice %arg4[%add3A_11] : memref<786432xi32, #tpu.memory_space<hbm>> -> memref<8192xi32, #tpu.memory_space<hbm>>
    %dma_start3A_13 = tpu.memref_slice %arg4[%add3A_11] : memref<786432xi32, #tpu.memory_space<hbm>> -> memref<8192xi32, #tpu.memory_space<hbm>>
    tpu.enqueue_dma source(%dma_start3A_13 : memref<8192xi32, #tpu.memory_space<hbm>>) target(%arg11 : memref<8192xi32, #tpu.memory_space<vmem>>) target_semaphore(%arg17 : memref<!tpu.dma_semaphore, #tpu.memory_space<semaphore_mem>>)
    %broadcast_in_dim3A = arith.constant 0.000000e+00 : f32
    %broadcast_in_dim3A_14 = vector.broadcast %broadcast_in_dim3A : f32 to vector<16xf32>
    %scan3A = arith.constant 0 : i32
    %scan3A_15 = arith.constant 0 : i32
    %scan3A_16 = arith.constant 128 : i32
    %scan3A_17 = arith.addi %scan3A_15, %scan3A_16 : i32
    %scan3A_18 = arith.constant 1 : i32
    scf.for %scan3A_1885 = %scan3A_15 to %scan3A_17 step %scan3A_18  : i32 {
      %mul3A_1886 = arith.constant 64 : i32
      %mul3A_1887 = arith.muli %scan3A_1885, %mul3A_1886 : i32
      %add3A_1888 = arith.constant 0 : i32
      %add3A_1889 = arith.addi %mul3A_1887, %add3A_1888 : i32
      %swap3A_1890 = arith.index_cast %add3A_1889 : i32 to index
      %swap3A_1891 = tpu.vector_load %arg13[%swap3A_1890] {strides = array<i32>} : memref<8192xf32, #tpu.memory_space<vmem>>, vector<16xf32>,
      tpu.vector_store %arg13[%swap3A_1890], %broadcast_in_dim3A_14 {strides = array<i32>} : memref<8192xf32, #tpu.memory_space<vmem>>, vector<16xf32>,
      %add3A_1892 = arith.constant 16 : i32
      %add3A_1893 = arith.addi %mul3A_1887, %add3A_1892 : i32
      %swap3A_1894 = arith.index_cast %add3A_1893 : i32 to index
      %swap3A_1895 = tpu.vector_load %arg13[%swap3A_1894] {strides = array<i32>} : memref<8192xf32, #tpu.memory_space<vmem>>, vector<16xf32>,
      tpu.vector_store %arg13[%swap3A_1894], %broadcast_in_dim3A_14 {strides = array<i32>} : memref<8192xf32, #tpu.memory_space<vmem>>, vector<16xf32>,
      %add3A_1896 = arith.constant 32 : i32
      %add3A_1897 = arith.addi %mul3A_1887, %add3A_1896 : i32
      %swap3A_1898 = arith.index_cast %add3A_1897 : i32 to index
      %swap3A_1899 = tpu.vector_load %arg13[%swap3A_1898] {strides = array<i32>} : memref<8192xf32, #tpu.memory_space<vmem>>, vector<16xf32>,
      tpu.vector_store %arg13[%swap3A_1898], %broadcast_in_dim3A_14 {strides = array<i32>} : memref<8192xf32, #tpu.memory_space<vmem>>, vector<16xf32>,
      %add3A_1900 = arith.constant 48 : i32
      %add3A_1901 = arith.addi %mul3A_1887, %add3A_1900 : i32
      %swap3A_1902 = arith.index_cast %add3A_1901 : i32 to index
      %swap3A_1903 = tpu.vector_load %arg13[%swap3A_1902] {strides = array<i32>} : memref<8192xf32, #tpu.memory_space<vmem>>, vector<16xf32>,
      tpu.vector_store %arg13[%swap3A_1902], %broadcast_in_dim3A_14 {strides = array<i32>} : memref<8192xf32, #tpu.memory_space<vmem>>, vector<16xf32>,
    }
    %scan3A_19 = arith.constant 128 : i32
    tpu.wait_dma2 semaphore(%arg17 : memref<!tpu.dma_semaphore, #tpu.memory_space<semaphore_mem>>) src(%arg2 : memref<8192xf32, #tpu.memory_space<hbm>>) dst(%arg7 : memref<8192xf32, #tpu.memory_space<vmem>>)
    tpu.wait_dma2 semaphore(%arg17 : memref<!tpu.dma_semaphore, #tpu.memory_space<semaphore_mem>>) src(%arg3 : memref<8192xf32, #tpu.memory_space<hbm>>) dst(%arg8 : memref<8192xf32, #tpu.memory_space<vmem>>)
    %dma_wait3A = tpu.memref_slice %arg4[%mul3A_2] : memref<786432xi32, #tpu.memory_space<hbm>> -> memref<8192xi32, #tpu.memory_space<hbm>>
    %dma_wait3A_20 = tpu.memref_slice %arg4[%mul3A_2] : memref<786432xi32, #tpu.memory_space<hbm>> -> memref<8192xi32, #tpu.memory_space<hbm>>
    tpu.wait_dma2 semaphore(%arg17 : memref<!tpu.dma_semaphore, #tpu.memory_space<semaphore_mem>>) src(%dma_wait3A_20 : memref<8192xi32, #tpu.memory_space<hbm>>) dst(%arg9 : memref<8192xi32, #tpu.memory_space<vmem>>)
    %dma_wait3A_21 = tpu.memref_slice %arg4[%add3A_7] : memref<786432xi32, #tpu.memory_space<hbm>> -> memref<8192xi32, #tpu.memory_space<hbm>>
    %dma_wait3A_22 = tpu.memref_slice %arg4[%add3A_7] : memref<786432xi32, #tpu.memory_space<hbm>> -> memref<8192xi32, #tpu.memory_space<hbm>>
    tpu.wait_dma2 semaphore(%arg17 : memref<!tpu.dma_semaphore, #tpu.memory_space<semaphore_mem>>) src(%dma_wait3A_22 : memref<8192xi32, #tpu.memory_space<hbm>>) dst(%arg10 : memref<8192xi32, #tpu.memory_space<vmem>>)
    %dma_wait3A_23 = tpu.memref_slice %arg4[%add3A_11] : memref<786432xi32, #tpu.memory_space<hbm>> -> memref<8192xi32, #tpu.memory_space<hbm>>
    %dma_wait3A_24 = tpu.memref_slice %arg4[%add3A_11] : memref<786432xi32, #tpu.memory_space<hbm>> -> memref<8192xi32, #tpu.memory_space<hbm>>
    tpu.wait_dma2 semaphore(%arg17 : memref<!tpu.dma_semaphore, #tpu.memory_space<semaphore_mem>>) src(%dma_wait3A_24 : memref<8192xi32, #tpu.memory_space<hbm>>) dst(%arg11 : memref<8192xi32, #tpu.memory_space<vmem>>)
    %parallel_loop3A = arith.constant 0 : i32
    %parallel_loop3A_25 = arith.constant 512 : i32
    %parallel_loop3A_26 = arith.constant 1 : i32
    scf.for %parallel_loop3A_1885 = %parallel_loop3A to %parallel_loop3A_25 step %parallel_loop3A_26  : i32 {
      %parallel_loop3A_1886 = arith.constant 16 : i32
      %parallel_loop3A_1887 = arith.muli %parallel_loop3A_1885, %parallel_loop3A_1886 : i32
      %parallel_loop3A_1888 = arith.index_cast %parallel_loop3A_1887 : i32 to index
      %parallel_loop3A_1889 = tpu.vector_load %arg9[%parallel_loop3A_1888] {strides = array<i32>} : memref<8192xi32, #tpu.memory_space<vmem>>, vector<16xi32>,
      %parallel_loop3A_1890 = arith.constant 2048 : i32
      %parallel_loop3A_1891 = vector.broadcast %parallel_loop3A_1890 : i32 to vector<16xi32>
      %parallel_loop3A_1892 = arith.muli %parallel_loop3A_1889, %parallel_loop3A_1891 : vector<16xi32>
      %parallel_loop3A_1893 = arith.index_cast %parallel_loop3A_1887 : i32 to index
      %parallel_loop3A_1894 = tpu.vector_load %arg10[%parallel_loop3A_1893] {strides = array<i32>} : memref<8192xi32, #tpu.memory_space<vmem>>, vector<16xi32>,
      %parallel_loop3A_1895 = arith.addi %parallel_loop3A_1892, %parallel_loop3A_1894 : vector<16xi32>
      %parallel_loop3A_1896 = arith.constant 2048 : i32
      %parallel_loop3A_1897 = vector.broadcast %parallel_loop3A_1896 : i32 to vector<16xi32>
      %parallel_loop3A_1898 = arith.muli %parallel_loop3A_1889, %parallel_loop3A_1897 : vector<16xi32>
      %parallel_loop3A_1899 = arith.index_cast %parallel_loop3A_1887 : i32 to index
      %parallel_loop3A_1900 = tpu.vector_load %arg11[%parallel_loop3A_1899] {strides = array<i32>} : memref<8192xi32, #tpu.memory_space<vmem>>, vector<16xi32>,
      %parallel_loop3A_1901 = arith.addi %parallel_loop3A_1898, %parallel_loop3A_1900 : vector<16xi32>
      %parallel_loop3A_1902 = tpu.vector_load_idx %arg7[%parallel_loop3A_1895] : memref<8192xf32, #tpu.memory_space<vmem>>[vector<16xi32>], vector<16xf32>,
      %parallel_loop3A_1903 = tpu.vector_load_idx %arg8[%parallel_loop3A_1901] : memref<8192xf32, #tpu.memory_space<vmem>>[vector<16xi32>], vector<16xf32>,
      %parallel_loop3A_1904 = arith.addf %parallel_loop3A_1902, %parallel_loop3A_1903 : vector<16xf32>
      %parallel_loop3A_1905 = math.exp %parallel_loop3A_1904 : vector<16xf32>
      %parallel_loop3A_1906 = arith.index_cast %parallel_loop3A_1887 : i32 to index
      %parallel_loop3A_1907 = tpu.vector_load %arg12[%parallel_loop3A_1906] {strides = array<i32>} : memref<8192xf32, #tpu.memory_space<vmem>>, vector<16xf32>,
      tpu.vector_store %arg12[%parallel_loop3A_1906], %parallel_loop3A_1905 {strides = array<i32>} : memref<8192xf32, #tpu.memory_space<vmem>>, vector<16xf32>,
      tpu.vector_store_idx %arg13[%parallel_loop3A_1895], %parallel_loop3A_1905 {add = true} : memref<8192xf32, #tpu.memory_space<vmem>>[vector<16xi32>], vector<16xf32>,
    } {sc.loop_unroll_factor = 4 : i64, sc.parallel_access}
    %dma_start3A_27 = tpu.memref_slice %arg5[%mul3A_2] : memref<262144xf32, #tpu.memory_space<hbm>> -> memref<8192xf32, #tpu.memory_space<hbm>>
    %dma_start3A_28 = tpu.memref_slice %arg5[%mul3A_2] : memref<262144xf32, #tpu.memory_space<hbm>> -> memref<8192xf32, #tpu.memory_space<hbm>>
    tpu.enqueue_dma source(%arg12 : memref<8192xf32, #tpu.memory_space<vmem>>) target(%dma_start3A_28 : memref<8192xf32, #tpu.memory_space<hbm>>) target_semaphore(%arg17 : memref<!tpu.dma_semaphore, #tpu.memory_space<semaphore_mem>>)
    "tpu.region"() ({
      %run_scoped3A = tpu.sem_alloc : memref<!tpu.dma_semaphore, #tpu.memory_space<semaphore_mem>>
      %dma_start3A_1885 = arith.constant 0 : i32
      %dma_start3A_1886 = tpu.memref_slice %arg16[%arg1, %dma_start3A_1885] : memref<16x8192xf32, #tpu.memory_space<vmem_shared>> -> memref<1x8192xf32, #tpu.memory_space<vmem_shared>>
      %dma_start3A_1887 = tpu.memref_squeeze %dma_start3A_1886 : memref<1x8192xf32, #tpu.memory_space<vmem_shared>> -> memref<8192xf32, #tpu.memory_space<vmem_shared>>
      %dma_start3A_1888 = arith.constant 0 : i32
      %dma_start3A_1889 = tpu.memref_slice %arg16[%arg1, %dma_start3A_1888] : memref<16x8192xf32, #tpu.memory_space<vmem_shared>> -> memref<1x8192xf32, #tpu.memory_space<vmem_shared>>
      %dma_start3A_1890 = tpu.memref_squeeze %dma_start3A_1889 : memref<1x8192xf32, #tpu.memory_space<vmem_shared>> -> memref<8192xf32, #tpu.memory_space<vmem_shared>>
      tpu.enqueue_dma source(%arg13 : memref<8192xf32, #tpu.memory_space<vmem>>) target(%dma_start3A_1890 : memref<8192xf32, #tpu.memory_space<vmem_shared>>) target_semaphore(%run_scoped3A : memref<!tpu.dma_semaphore, #tpu.memory_space<semaphore_mem>>)
      %dma_wait3A_1891 = arith.constant 0 : i32
      %dma_wait3A_1892 = tpu.memref_slice %arg16[%arg1, %dma_wait3A_1891] : memref<16x8192xf32, #tpu.memory_space<vmem_shared>> -> memref<1x8192xf32, #tpu.memory_space<vmem_shared>>
      %dma_wait3A_1893 = tpu.memref_squeeze %dma_wait3A_1892 : memref<1x8192xf32, #tpu.memory_space<vmem_shared>> -> memref<8192xf32, #tpu.memory_space<vmem_shared>>
      %dma_wait3A_1894 = arith.constant 0 : i32
      %dma_wait3A_1895 = tpu.memref_slice %arg16[%arg1, %dma_wait3A_1894] : memref<16x8192xf32, #tpu.memory_space<vmem_shared>> -> memref<1x8192xf32, #tpu.memory_space<vmem_shared>>
      %dma_wait3A_1896 = tpu.memref_squeeze %dma_wait3A_1895 : memref<1x8192xf32, #tpu.memory_space<vmem_shared>> -> memref<8192xf32, #tpu.memory_space<vmem_shared>>
      tpu.wait_dma2 semaphore(%run_scoped3A : memref<!tpu.dma_semaphore, #tpu.memory_space<semaphore_mem>>) src(%arg13 : memref<8192xf32, #tpu.memory_space<vmem>>) dst(%dma_wait3A_1896 : memref<8192xf32, #tpu.memory_space<vmem_shared>>)
      tpu.yield
    }) : () -> ()
    %barrier3A = arith.constant 0 : index
    tpu.barrier barrier_id(%barrier3A)
    %dma_start3A_29 = arith.constant 0 : i32
    %dma_start3A_30 = arith.constant 0 : i32
    %dma_start3A_31 = tpu.memref_slice %arg15[%dma_start3A_30] : memref<8192xf32, #tpu.memory_space<vmem>> -> memref<512xf32, #tpu.memory_space<vmem>>
    %dma_start3A_32 = tpu.memref_slice %arg16[%dma_start3A_29, %mul3A_4] : memref<16x8192xf32, #tpu.memory_space<vmem_shared>> -> memref<1x512xf32, #tpu.memory_space<vmem_shared>>
    %dma_start3A_33 = tpu.memref_squeeze %dma_start3A_32 : memref<1x512xf32, #tpu.memory_space<vmem_shared>> -> memref<512xf32, #tpu.memory_space<vmem_shared>>
    %dma_start3A_34 = arith.constant 0 : i32
    %dma_start3A_35 = tpu.memref_slice %arg15[%dma_start3A_34] : memref<8192xf32, #tpu.memory_space<vmem>> -> memref<512xf32, #tpu.memory_space<vmem>>
    %dma_start3A_36 = tpu.memref_slice %arg16[%dma_start3A_29, %mul3A_4] : memref<16x8192xf32, #tpu.memory_space<vmem_shared>> -> memref<1x512xf32, #tpu.memory_space<vmem_shared>>
    %dma_start3A_37 = tpu.memref_squeeze %dma_start3A_36 : memref<1x512xf32, #tpu.memory_space<vmem_shared>> -> memref<512xf32, #tpu.memory_space<vmem_shared>>
    tpu.enqueue_dma source(%dma_start3A_37 : memref<512xf32, #tpu.memory_space<vmem_shared>>) target(%dma_start3A_35 : memref<512xf32, #tpu.memory_space<vmem>>) target_semaphore(%arg17 : memref<!tpu.dma_semaphore, #tpu.memory_space<semaphore_mem>>)
    %dma_start3A_38 = arith.constant 1 : i32
    %dma_start3A_39 = arith.constant 512 : i32
    %dma_start3A_40 = tpu.memref_slice %arg15[%dma_start3A_39] : memref<8192xf32, #tpu.memory_space<vmem>> -> memref<512xf32, #tpu.memory_space<vmem>>
    %dma_start3A_41 = tpu.memref_slice %arg16[%dma_start3A_38, %mul3A_4] : memref<16x8192xf32, #tpu.memory_space<vmem_shared>> -> memref<1x512xf32, #tpu.memory_space<vmem_shared>>
    %dma_start3A_42 = tpu.memref_squeeze %dma_start3A_41 : memref<1x512xf32, #tpu.memory_space<vmem_shared>> -> memref<512xf32, #tpu.memory_space<vmem_shared>>
    %dma_start3A_43 = arith.constant 512 : i32
    %dma_start3A_44 = tpu.memref_slice %arg15[%dma_start3A_43] : memref<8192xf32, #tpu.memory_space<vmem>> -> memref<512xf32, #tpu.memory_space<vmem>>
    %dma_start3A_45 = tpu.memref_slice %arg16[%dma_start3A_38, %mul3A_4] : memref<16x8192xf32, #tpu.memory_space<vmem_shared>> -> memref<1x512xf32, #tpu.memory_space<vmem_shared>>
    %dma_start3A_46 = tpu.memref_squeeze %dma_start3A_45 : memref<1x512xf32, #tpu.memory_space<vmem_shared>> -> memref<512xf32, #tpu.memory_space<vmem_shared>>
    tpu.enqueue_dma source(%dma_start3A_46 : memref<512xf32, #tpu.memory_space<vmem_shared>>) target(%dma_start3A_44 : memref<512xf32, #tpu.memory_space<vmem>>) target_semaphore(%arg17 : memref<!tpu.dma_semaphore, #tpu.memory_space<semaphore_mem>>)
    %dma_start3A_47 = arith.constant 2 : i32
    %dma_start3A_48 = arith.constant 1024 : i32
    %dma_start3A_49 = tpu.memref_slice %arg15[%dma_start3A_48] : memref<8192xf32, #tpu.memory_space<vmem>> -> memref<512xf32, #tpu.memory_space<vmem>>
    %dma_start3A_50 = tpu.memref_slice %arg16[%dma_start3A_47, %mul3A_4] : memref<16x8192xf32, #tpu.memory_space<vmem_shared>> -> memref<1x512xf32, #tpu.memory_space<vmem_shared>>
    %dma_start3A_51 = tpu.memref_squeeze %dma_start3A_50 : memref<1x512xf32, #tpu.memory_space<vmem_shared>> -> memref<512xf32, #tpu.memory_space<vmem_shared>>
    %dma_start3A_52 = arith.constant 1024 : i32
    %dma_start3A_53 = tpu.memref_slice %arg15[%dma_start3A_52] : memref<8192xf32, #tpu.memory_space<vmem>> -> memref<512xf32, #tpu.memory_space<vmem>>
    %dma_start3A_54 = tpu.memref_slice %arg16[%dma_start3A_47, %mul3A_4] : memref<16x8192xf32, #tpu.memory_space<vmem_shared>> -> memref<1x512xf32, #tpu.memory_space<vmem_shared>>
    %dma_start3A_55 = tpu.memref_squeeze %dma_start3A_54 : memref<1x512xf32, #tpu.memory_space<vmem_shared>> -> memref<512xf32, #tpu.memory_space<vmem_shared>>
    tpu.enqueue_dma source(%dma_start3A_55 : memref<512xf32, #tpu.memory_space<vmem_shared>>) target(%dma_start3A_53 : memref<512xf32, #tpu.memory_space<vmem>>) target_semaphore(%arg17 : memref<!tpu.dma_semaphore, #tpu.memory_space<semaphore_mem>>)
    %dma_start3A_56 = arith.constant 3 : i32
    %dma_start3A_57 = arith.constant 1536 : i32
    %dma_start3A_58 = tpu.memref_slice %arg15[%dma_start3A_57] : memref<8192xf32, #tpu.memory_space<vmem>> -> memref<512xf32, #tpu.memory_space<vmem>>
    %dma_start3A_59 = tpu.memref_slice %arg16[%dma_start3A_56, %mul3A_4] : memref<16x8192xf32, #tpu.memory_space<vmem_shared>> -> memref<1x512xf32, #tpu.memory_space<vmem_shared>>
    %dma_start3A_60 = tpu.memref_squeeze %dma_start3A_59 : memref<1x512xf32, #tpu.memory_space<vmem_shared>> -> memref<512xf32, #tpu.memory_space<vmem_shared>>
    %dma_start3A_61 = arith.constant 1536 : i32
    %dma_start3A_62 = tpu.memref_slice %arg15[%dma_start3A_61] : memref<8192xf32, #tpu.memory_space<vmem>> -> memref<512xf32, #tpu.memory_space<vmem>>
    %dma_start3A_63 = tpu.memref_slice %arg16[%dma_start3A_56, %mul3A_4] : memref<16x8192xf32, #tpu.memory_space<vmem_shared>> -> memref<1x512xf32, #tpu.memory_space<vmem_shared>>
    %dma_start3A_64 = tpu.memref_squeeze %dma_start3A_63 : memref<1x512xf32, #tpu.memory_space<vmem_shared>> -> memref<512xf32, #tpu.memory_space<vmem_shared>>
    tpu.enqueue_dma source(%dma_start3A_64 : memref<512xf32, #tpu.memory_space<vmem_shared>>) target(%dma_start3A_62 : memref<512xf32, #tpu.memory_space<vmem>>) target_semaphore(%arg17 : memref<!tpu.dma_semaphore, #tpu.memory_space<semaphore_mem>>)
    %dma_start3A_65 = arith.constant 4 : i32
    %dma_start3A_66 = arith.constant 2048 : i32
    %dma_start3A_67 = tpu.memref_slice %arg15[%dma_start3A_66] : memref<8192xf32, #tpu.memory_space<vmem>> -> memref<512xf32, #tpu.memory_space<vmem>>
    %dma_start3A_68 = tpu.memref_slice %arg16[%dma_start3A_65, %mul3A_4] : memref<16x8192xf32, #tpu.memory_space<vmem_shared>> -> memref<1x512xf32, #tpu.memory_space<vmem_shared>>
    %dma_start3A_69 = tpu.memref_squeeze %dma_start3A_68 : memref<1x512xf32, #tpu.memory_space<vmem_shared>> -> memref<512xf32, #tpu.memory_space<vmem_shared>>
    %dma_start3A_70 = arith.constant 2048 : i32
    %dma_start3A_71 = tpu.memref_slice %arg15[%dma_start3A_70] : memref<8192xf32, #tpu.memory_space<vmem>> -> memref<512xf32, #tpu.memory_space<vmem>>
    %dma_start3A_72 = tpu.memref_slice %arg16[%dma_start3A_65, %mul3A_4] : memref<16x8192xf32, #tpu.memory_space<vmem_shared>> -> memref<1x512xf32, #tpu.memory_space<vmem_shared>>
    %dma_start3A_73 = tpu.memref_squeeze %dma_start3A_72 : memref<1x512xf32, #tpu.memory_space<vmem_shared>> -> memref<512xf32, #tpu.memory_space<vmem_shared>>
    tpu.enqueue_dma source(%dma_start3A_73 : memref<512xf32, #tpu.memory_space<vmem_shared>>) target(%dma_start3A_71 : memref<512xf32, #tpu.memory_space<vmem>>) target_semaphore(%arg17 : memref<!tpu.dma_semaphore, #tpu.memory_space<semaphore_mem>>)
    %dma_start3A_74 = arith.constant 5 : i32
    %dma_start3A_75 = arith.constant 2560 : i32
    %dma_start3A_76 = tpu.memref_slice %arg15[%dma_start3A_75] : memref<8192xf32, #tpu.memory_space<vmem>> -> memref<512xf32, #tpu.memory_space<vmem>>
    %dma_start3A_77 = tpu.memref_slice %arg16[%dma_start3A_74, %mul3A_4] : memref<16x8192xf32, #tpu.memory_space<vmem_shared>> -> memref<1x512xf32, #tpu.memory_space<vmem_shared>>
    %dma_start3A_78 = tpu.memref_squeeze %dma_start3A_77 : memref<1x512xf32, #tpu.memory_space<vmem_shared>> -> memref<512xf32, #tpu.memory_space<vmem_shared>>
    %dma_start3A_79 = arith.constant 2560 : i32
    %dma_start3A_80 = tpu.memref_slice %arg15[%dma_start3A_79] : memref<8192xf32, #tpu.memory_space<vmem>> -> memref<512xf32, #tpu.memory_space<vmem>>
    %dma_start3A_81 = tpu.memref_slice %arg16[%dma_start3A_74, %mul3A_4] : memref<16x8192xf32, #tpu.memory_space<vmem_shared>> -> memref<1x512xf32, #tpu.memory_space<vmem_shared>>
    %dma_start3A_82 = tpu.memref_squeeze %dma_start3A_81 : memref<1x512xf32, #tpu.memory_space<vmem_shared>> -> memref<512xf32, #tpu.memory_space<vmem_shared>>
    tpu.enqueue_dma source(%dma_start3A_82 : memref<512xf32, #tpu.memory_space<vmem_shared>>) target(%dma_start3A_80 : memref<512xf32, #tpu.memory_space<vmem>>) target_semaphore(%arg17 : memref<!tpu.dma_semaphore, #tpu.memory_space<semaphore_mem>>)
    %dma_start3A_83 = arith.constant 6 : i32
    %dma_start3A_84 = arith.constant 3072 : i32
    %dma_start3A_85 = tpu.memref_slice %arg15[%dma_start3A_84] : memref<8192xf32, #tpu.memory_space<vmem>> -> memref<512xf32, #tpu.memory_space<vmem>>
    %dma_start3A_86 = tpu.memref_slice %arg16[%dma_start3A_83, %mul3A_4] : memref<16x8192xf32, #tpu.memory_space<vmem_shared>> -> memref<1x512xf32, #tpu.memory_space<vmem_shared>>
    %dma_start3A_87 = tpu.memref_squeeze %dma_start3A_86 : memref<1x512xf32, #tpu.memory_space<vmem_shared>> -> memref<512xf32, #tpu.memory_space<vmem_shared>>
    %dma_start3A_88 = arith.constant 3072 : i32
    %dma_start3A_89 = tpu.memref_slice %arg15[%dma_start3A_88] : memref<8192xf32, #tpu.memory_space<vmem>> -> memref<512xf32, #tpu.memory_space<vmem>>
    %dma_start3A_90 = tpu.memref_slice %arg16[%dma_start3A_83, %mul3A_4] : memref<16x8192xf32, #tpu.memory_space<vmem_shared>> -> memref<1x512xf32, #tpu.memory_space<vmem_shared>>
    %dma_start3A_91 = tpu.memref_squeeze %dma_start3A_90 : memref<1x512xf32, #tpu.memory_space<vmem_shared>> -> memref<512xf32, #tpu.memory_space<vmem_shared>>
    tpu.enqueue_dma source(%dma_start3A_91 : memref<512xf32, #tpu.memory_space<vmem_shared>>) target(%dma_start3A_89 : memref<512xf32, #tpu.memory_space<vmem>>) target_semaphore(%arg17 : memref<!tpu.dma_semaphore, #tpu.memory_space<semaphore_mem>>)
    %dma_start3A_92 = arith.constant 7 : i32
    %dma_start3A_93 = arith.constant 3584 : i32
    %dma_start3A_94 = tpu.memref_slice %arg15[%dma_start3A_93] : memref<8192xf32, #tpu.memory_space<vmem>> -> memref<512xf32, #tpu.memory_space<vmem>>
    %dma_start3A_95 = tpu.memref_slice %arg16[%dma_start3A_92, %mul3A_4] : memref<16x8192xf32, #tpu.memory_space<vmem_shared>> -> memref<1x512xf32, #tpu.memory_space<vmem_shared>>
    %dma_start3A_96 = tpu.memref_squeeze %dma_start3A_95 : memref<1x512xf32, #tpu.memory_space<vmem_shared>> -> memref<512xf32, #tpu.memory_space<vmem_shared>>
    %dma_start3A_97 = arith.constant 3584 : i32
    %dma_start3A_98 = tpu.memref_slice %arg15[%dma_start3A_97] : memref<8192xf32, #tpu.memory_space<vmem>> -> memref<512xf32, #tpu.memory_space<vmem>>
    %dma_start3A_99 = tpu.memref_slice %arg16[%dma_start3A_92, %mul3A_4] : memref<16x8192xf32, #tpu.memory_space<vmem_shared>> -> memref<1x512xf32, #tpu.memory_space<vmem_shared>>
    %dma_start3A_100 = tpu.memref_squeeze %dma_start3A_99 : memref<1x512xf32, #tpu.memory_space<vmem_shared>> -> memref<512xf32, #tpu.memory_space<vmem_shared>>
    tpu.enqueue_dma source(%dma_start3A_100 : memref<512xf32, #tpu.memory_space<vmem_shared>>) target(%dma_start3A_98 : memref<512xf32, #tpu.memory_space<vmem>>) target_semaphore(%arg17 : memref<!tpu.dma_semaphore, #tpu.memory_space<semaphore_mem>>)
    %dma_start3A_101 = arith.constant 8 : i32
    %dma_start3A_102 = arith.constant 4096 : i32
    %dma_start3A_103 = tpu.memref_slice %arg15[%dma_start3A_102] : memref<8192xf32, #tpu.memory_space<vmem>> -> memref<512xf32, #tpu.memory_space<vmem>>
    %dma_start3A_104 = tpu.memref_slice %arg16[%dma_start3A_101, %mul3A_4] : memref<16x8192xf32, #tpu.memory_space<vmem_shared>> -> memref<1x512xf32, #tpu.memory_space<vmem_shared>>
    %dma_start3A_105 = tpu.memref_squeeze %dma_start3A_104 : memref<1x512xf32, #tpu.memory_space<vmem_shared>> -> memref<512xf32, #tpu.memory_space<vmem_shared>>
    %dma_start3A_106 = arith.constant 4096 : i32
    %dma_start3A_107 = tpu.memref_slice %arg15[%dma_start3A_106] : memref<8192xf32, #tpu.memory_space<vmem>> -> memref<512xf32, #tpu.memory_space<vmem>>
    %dma_start3A_108 = tpu.memref_slice %arg16[%dma_start3A_101, %mul3A_4] : memref<16x8192xf32, #tpu.memory_space<vmem_shared>> -> memref<1x512xf32, #tpu.memory_space<vmem_shared>>
    %dma_start3A_109 = tpu.memref_squeeze %dma_start3A_108 : memref<1x512xf32, #tpu.memory_space<vmem_shared>> -> memref<512xf32, #tpu.memory_space<vmem_shared>>
    tpu.enqueue_dma source(%dma_start3A_109 : memref<512xf32, #tpu.memory_space<vmem_shared>>) target(%dma_start3A_107 : memref<512xf32, #tpu.memory_space<vmem>>) target_semaphore(%arg17 : memref<!tpu.dma_semaphore, #tpu.memory_space<semaphore_mem>>)
    %dma_start3A_110 = arith.constant 9 : i32
    %dma_start3A_111 = arith.constant 4608 : i32
    %dma_start3A_112 = tpu.memref_slice %arg15[%dma_start3A_111] : memref<8192xf32, #tpu.memory_space<vmem>> -> memref<512xf32, #tpu.memory_space<vmem>>
    %dma_start3A_113 = tpu.memref_slice %arg16[%dma_start3A_110, %mul3A_4] : memref<16x8192xf32, #tpu.memory_space<vmem_shared>> -> memref<1x512xf32, #tpu.memory_space<vmem_shared>>
    %dma_start3A_114 = tpu.memref_squeeze %dma_start3A_113 : memref<1x512xf32, #tpu.memory_space<vmem_shared>> -> memref<512xf32, #tpu.memory_space<vmem_shared>>
    %dma_start3A_115 = arith.constant 4608 : i32
    %dma_start3A_116 = tpu.memref_slice %arg15[%dma_start3A_115] : memref<8192xf32, #tpu.memory_space<vmem>> -> memref<512xf32, #tpu.memory_space<vmem>>
    %dma_start3A_117 = tpu.memref_slice %arg16[%dma_start3A_110, %mul3A_4] : memref<16x8192xf32, #tpu.memory_space<vmem_shared>> -> memref<1x512xf32, #tpu.memory_space<vmem_shared>>
    %dma_start3A_118 = tpu.memref_squeeze %dma_start3A_117 : memref<1x512xf32, #tpu.memory_space<vmem_shared>> -> memref<512xf32, #tpu.memory_space<vmem_shared>>
    tpu.enqueue_dma source(%dma_start3A_118 : memref<512xf32, #tpu.memory_space<vmem_shared>>) target(%dma_start3A_116 : memref<512xf32, #tpu.memory_space<vmem>>) target_semaphore(%arg17 : memref<!tpu.dma_semaphore, #tpu.memory_space<semaphore_mem>>)
    %dma_start3A_119 = arith.constant 10 : i32
    %dma_start3A_120 = arith.constant 5120 : i32
    %dma_start3A_121 = tpu.memref_slice %arg15[%dma_start3A_120] : memref<8192xf32, #tpu.memory_space<vmem>> -> memref<512xf32, #tpu.memory_space<vmem>>
    %dma_start3A_122 = tpu.memref_slice %arg16[%dma_start3A_119, %mul3A_4] : memref<16x8192xf32, #tpu.memory_space<vmem_shared>> -> memref<1x512xf32, #tpu.memory_space<vmem_shared>>
    %dma_start3A_123 = tpu.memref_squeeze %dma_start3A_122 : memref<1x512xf32, #tpu.memory_space<vmem_shared>> -> memref<512xf32, #tpu.memory_space<vmem_shared>>
    %dma_start3A_124 = arith.constant 5120 : i32
    %dma_start3A_125 = tpu.memref_slice %arg15[%dma_start3A_124] : memref<8192xf32, #tpu.memory_space<vmem>> -> memref<512xf32, #tpu.memory_space<vmem>>
    %dma_start3A_126 = tpu.memref_slice %arg16[%dma_start3A_119, %mul3A_4] : memref<16x8192xf32, #tpu.memory_space<vmem_shared>> -> memref<1x512xf32, #tpu.memory_space<vmem_shared>>
    %dma_start3A_127 = tpu.memref_squeeze %dma_start3A_126 : memref<1x512xf32, #tpu.memory_space<vmem_shared>> -> memref<512xf32, #tpu.memory_space<vmem_shared>>
    tpu.enqueue_dma source(%dma_start3A_127 : memref<512xf32, #tpu.memory_space<vmem_shared>>) target(%dma_start3A_125 : memref<512xf32, #tpu.memory_space<vmem>>) target_semaphore(%arg17 : memref<!tpu.dma_semaphore, #tpu.memory_space<semaphore_mem>>)
    %dma_start3A_128 = arith.constant 11 : i32
    %dma_start3A_129 = arith.constant 5632 : i32
    %dma_start3A_130 = tpu.memref_slice %arg15[%dma_start3A_129] : memref<8192xf32, #tpu.memory_space<vmem>> -> memref<512xf32, #tpu.memory_space<vmem>>
    %dma_start3A_131 = tpu.memref_slice %arg16[%dma_start3A_128, %mul3A_4] : memref<16x8192xf32, #tpu.memory_space<vmem_shared>> -> memref<1x512xf32, #tpu.memory_space<vmem_shared>>
    %dma_start3A_132 = tpu.memref_squeeze %dma_start3A_131 : memref<1x512xf32, #tpu.memory_space<vmem_shared>> -> memref<512xf32, #tpu.memory_space<vmem_shared>>
    %dma_start3A_133 = arith.constant 5632 : i32
    %dma_start3A_134 = tpu.memref_slice %arg15[%dma_start3A_133] : memref<8192xf32, #tpu.memory_space<vmem>> -> memref<512xf32, #tpu.memory_space<vmem>>
    %dma_start3A_135 = tpu.memref_slice %arg16[%dma_start3A_128, %mul3A_4] : memref<16x8192xf32, #tpu.memory_space<vmem_shared>> -> memref<1x512xf32, #tpu.memory_space<vmem_shared>>
    %dma_start3A_136 = tpu.memref_squeeze %dma_start3A_135 : memref<1x512xf32, #tpu.memory_space<vmem_shared>> -> memref<512xf32, #tpu.memory_space<vmem_shared>>
    tpu.enqueue_dma source(%dma_start3A_136 : memref<512xf32, #tpu.memory_space<vmem_shared>>) target(%dma_start3A_134 : memref<512xf32, #tpu.memory_space<vmem>>) target_semaphore(%arg17 : memref<!tpu.dma_semaphore, #tpu.memory_space<semaphore_mem>>)
    %dma_start3A_137 = arith.constant 12 : i32
    %dma_start3A_138 = arith.constant 6144 : i32
    %dma_start3A_139 = tpu.memref_slice %arg15[%dma_start3A_138] : memref<8192xf32, #tpu.memory_space<vmem>> -> memref<512xf32, #tpu.memory_space<vmem>>
    %dma_start3A_140 = tpu.memref_slice %arg16[%dma_start3A_137, %mul3A_4] : memref<16x8192xf32, #tpu.memory_space<vmem_shared>> -> memref<1x512xf32, #tpu.memory_space<vmem_shared>>
    %dma_start3A_141 = tpu.memref_squeeze %dma_start3A_140 : memref<1x512xf32, #tpu.memory_space<vmem_shared>> -> memref<512xf32, #tpu.memory_space<vmem_shared>>
    %dma_start3A_142 = arith.constant 6144 : i32
    %dma_start3A_143 = tpu.memref_slice %arg15[%dma_start3A_142] : memref<8192xf32, #tpu.memory_space<vmem>> -> memref<512xf32, #tpu.memory_space<vmem>>
    %dma_start3A_144 = tpu.memref_slice %arg16[%dma_start3A_137, %mul3A_4] : memref<16x8192xf32, #tpu.memory_space<vmem_shared>> -> memref<1x512xf32, #tpu.memory_space<vmem_shared>>
    %dma_start3A_145 = tpu.memref_squeeze %dma_start3A_144 : memref<1x512xf32, #tpu.memory_space<vmem_shared>> -> memref<512xf32, #tpu.memory_space<vmem_shared>>
    tpu.enqueue_dma source(%dma_start3A_145 : memref<512xf32, #tpu.memory_space<vmem_shared>>) target(%dma_start3A_143 : memref<512xf32, #tpu.memory_space<vmem>>) target_semaphore(%arg17 : memref<!tpu.dma_semaphore, #tpu.memory_space<semaphore_mem>>)
    %dma_start3A_146 = arith.constant 13 : i32
    %dma_start3A_147 = arith.constant 6656 : i32
    %dma_start3A_148 = tpu.memref_slice %arg15[%dma_start3A_147] : memref<8192xf32, #tpu.memory_space<vmem>> -> memref<512xf32, #tpu.memory_space<vmem>>
    %dma_start3A_149 = tpu.memref_slice %arg16[%dma_start3A_146, %mul3A_4] : memref<16x8192xf32, #tpu.memory_space<vmem_shared>> -> memref<1x512xf32, #tpu.memory_space<vmem_shared>>
    %dma_start3A_150 = tpu.memref_squeeze %dma_start3A_149 : memref<1x512xf32, #tpu.memory_space<vmem_shared>> -> memref<512xf32, #tpu.memory_space<vmem_shared>>
    %dma_start3A_151 = arith.constant 6656 : i32
    %dma_start3A_152 = tpu.memref_slice %arg15[%dma_start3A_151] : memref<8192xf32, #tpu.memory_space<vmem>> -> memref<512xf32, #tpu.memory_space<vmem>>
    %dma_start3A_153 = tpu.memref_slice %arg16[%dma_start3A_146, %mul3A_4] : memref<16x8192xf32, #tpu.memory_space<vmem_shared>> -> memref<1x512xf32, #tpu.memory_space<vmem_shared>>
    %dma_start3A_154 = tpu.memref_squeeze %dma_start3A_153 : memref<1x512xf32, #tpu.memory_space<vmem_shared>> -> memref<512xf32, #tpu.memory_space<vmem_shared>>
    tpu.enqueue_dma source(%dma_start3A_154 : memref<512xf32, #tpu.memory_space<vmem_shared>>) target(%dma_start3A_152 : memref<512xf32, #tpu.memory_space<vmem>>) target_semaphore(%arg17 : memref<!tpu.dma_semaphore, #tpu.memory_space<semaphore_mem>>)
    %dma_start3A_155 = arith.constant 14 : i32
    %dma_start3A_156 = arith.constant 7168 : i32
    %dma_start3A_157 = tpu.memref_slice %arg15[%dma_start3A_156] : memref<8192xf32, #tpu.memory_space<vmem>> -> memref<512xf32, #tpu.memory_space<vmem>>
    %dma_start3A_158 = tpu.memref_slice %arg16[%dma_start3A_155, %mul3A_4] : memref<16x8192xf32, #tpu.memory_space<vmem_shared>> -> memref<1x512xf32, #tpu.memory_space<vmem_shared>>
    %dma_start3A_159 = tpu.memref_squeeze %dma_start3A_158 : memref<1x512xf32, #tpu.memory_space<vmem_shared>> -> memref<512xf32, #tpu.memory_space<vmem_shared>>
    %dma_start3A_160 = arith.constant 7168 : i32
    %dma_start3A_161 = tpu.memref_slice %arg15[%dma_start3A_160] : memref<8192xf32, #tpu.memory_space<vmem>> -> memref<512xf32, #tpu.memory_space<vmem>>
    %dma_start3A_162 = tpu.memref_slice %arg16[%dma_start3A_155, %mul3A_4] : memref<16x8192xf32, #tpu.memory_space<vmem_shared>> -> memref<1x512xf32, #tpu.memory_space<vmem_shared>>
    %dma_start3A_163 = tpu.memref_squeeze %dma_start3A_162 : memref<1x512xf32, #tpu.memory_space<vmem_shared>> -> memref<512xf32, #tpu.memory_space<vmem_shared>>
    tpu.enqueue_dma source(%dma_start3A_163 : memref<512xf32, #tpu.memory_space<vmem_shared>>) target(%dma_start3A_161 : memref<512xf32, #tpu.memory_space<vmem>>) target_semaphore(%arg17 : memref<!tpu.dma_semaphore, #tpu.memory_space<semaphore_mem>>)
    %dma_start3A_164 = arith.constant 15 : i32
    %dma_start3A_165 = arith.constant 7680 : i32
    %dma_start3A_166 = tpu.memref_slice %arg15[%dma_start3A_165] : memref<8192xf32, #tpu.memory_space<vmem>> -> memref<512xf32, #tpu.memory_space<vmem>>
    %dma_start3A_167 = tpu.memref_slice %arg16[%dma_start3A_164, %mul3A_4] : memref<16x8192xf32, #tpu.memory_space<vmem_shared>> -> memref<1x512xf32, #tpu.memory_space<vmem_shared>>
    %dma_start3A_168 = tpu.memref_squeeze %dma_start3A_167 : memref<1x512xf32, #tpu.memory_space<vmem_shared>> -> memref<512xf32, #tpu.memory_space<vmem_shared>>
    %dma_start3A_169 = arith.constant 7680 : i32
    %dma_start3A_170 = tpu.memref_slice %arg15[%dma_start3A_169] : memref<8192xf32, #tpu.memory_space<vmem>> -> memref<512xf32, #tpu.memory_space<vmem>>
    %dma_start3A_171 = tpu.memref_slice %arg16[%dma_start3A_164, %mul3A_4] : memref<16x8192xf32, #tpu.memory_space<vmem_shared>> -> memref<1x512xf32, #tpu.memory_space<vmem_shared>>
    %dma_start3A_172 = tpu.memref_squeeze %dma_start3A_171 : memref<1x512xf32, #tpu.memory_space<vmem_shared>> -> memref<512xf32, #tpu.memory_space<vmem_shared>>
    tpu.enqueue_dma source(%dma_start3A_172 : memref<512xf32, #tpu.memory_space<vmem_shared>>) target(%dma_start3A_170 : memref<512xf32, #tpu.memory_space<vmem>>) target_semaphore(%arg17 : memref<!tpu.dma_semaphore, #tpu.memory_space<semaphore_mem>>)
    %dma_wait3A_173 = tpu.memref_slice %arg5[%mul3A_2] : memref<262144xf32, #tpu.memory_space<hbm>> -> memref<8192xf32, #tpu.memory_space<hbm>>
    %dma_wait3A_174 = tpu.memref_slice %arg5[%mul3A_2] : memref<262144xf32, #tpu.memory_space<hbm>> -> memref<8192xf32, #tpu.memory_space<hbm>>
    tpu.wait_dma2 semaphore(%arg17 : memref<!tpu.dma_semaphore, #tpu.memory_space<semaphore_mem>>) src(%arg12 : memref<8192xf32, #tpu.memory_space<vmem>>) dst(%dma_wait3A_174 : memref<8192xf32, #tpu.memory_space<hbm>>)
    %dma_wait3A_175 = arith.constant 0 : i32
    %dma_wait3A_176 = arith.constant 0 : i32
    %dma_wait3A_177 = tpu.memref_slice %arg15[%dma_wait3A_176] : memref<8192xf32, #tpu.memory_space<vmem>> -> memref<512xf32, #tpu.memory_space<vmem>>
    %dma_wait3A_178 = tpu.memref_slice %arg16[%dma_wait3A_175, %mul3A_4] : memref<16x8192xf32, #tpu.memory_space<vmem_shared>> -> memref<1x512xf32, #tpu.memory_space<vmem_shared>>
    %dma_wait3A_179 = tpu.memref_squeeze %dma_wait3A_178 : memref<1x512xf32, #tpu.memory_space<vmem_shared>> -> memref<512xf32, #tpu.memory_space<vmem_shared>>
    %dma_wait3A_180 = arith.constant 0 : i32
    %dma_wait3A_181 = tpu.memref_slice %arg15[%dma_wait3A_180] : memref<8192xf32, #tpu.memory_space<vmem>> -> memref<512xf32, #tpu.memory_space<vmem>>
    %dma_wait3A_182 = tpu.memref_slice %arg16[%dma_wait3A_175, %mul3A_4] : memref<16x8192xf32, #tpu.memory_space<vmem_shared>> -> memref<1x512xf32, #tpu.memory_space<vmem_shared>>
    %dma_wait3A_183 = tpu.memref_squeeze %dma_wait3A_182 : memref<1x512xf32, #tpu.memory_space<vmem_shared>> -> memref<512xf32, #tpu.memory_space<vmem_shared>>
    tpu.wait_dma2 semaphore(%arg17 : memref<!tpu.dma_semaphore, #tpu.memory_space<semaphore_mem>>) src(%dma_wait3A_183 : memref<512xf32, #tpu.memory_space<vmem_shared>>) dst(%dma_wait3A_181 : memref<512xf32, #tpu.memory_space<vmem>>)
    %dma_wait3A_184 = arith.constant 1 : i32
    %dma_wait3A_185 = arith.constant 512 : i32
    %dma_wait3A_186 = tpu.memref_slice %arg15[%dma_wait3A_185] : memref<8192xf32, #tpu.memory_space<vmem>> -> memref<512xf32, #tpu.memory_space<vmem>>
    %dma_wait3A_187 = tpu.memref_slice %arg16[%dma_wait3A_184, %mul3A_4] : memref<16x8192xf32, #tpu.memory_space<vmem_shared>> -> memref<1x512xf32, #tpu.memory_space<vmem_shared>>
    %dma_wait3A_188 = tpu.memref_squeeze %dma_wait3A_187 : memref<1x512xf32, #tpu.memory_space<vmem_shared>> -> memref<512xf32, #tpu.memory_space<vmem_shared>>
    %dma_wait3A_189 = arith.constant 512 : i32
    %dma_wait3A_190 = tpu.memref_slice %arg15[%dma_wait3A_189] : memref<8192xf32, #tpu.memory_space<vmem>> -> memref<512xf32, #tpu.memory_space<vmem>>
    %dma_wait3A_191 = tpu.memref_slice %arg16[%dma_wait3A_184, %mul3A_4] : memref<16x8192xf32, #tpu.memory_space<vmem_shared>> -> memref<1x512xf32, #tpu.memory_space<vmem_shared>>
    %dma_wait3A_192 = tpu.memref_squeeze %dma_wait3A_191 : memref<1x512xf32, #tpu.memory_space<vmem_shared>> -> memref<512xf32, #tpu.memory_space<vmem_shared>>
    tpu.wait_dma2 semaphore(%arg17 : memref<!tpu.dma_semaphore, #tpu.memory_space<semaphore_mem>>) src(%dma_wait3A_192 : memref<512xf32, #tpu.memory_space<vmem_shared>>) dst(%dma_wait3A_190 : memref<512xf32, #tpu.memory_space<vmem>>)
    %dma_wait3A_193 = arith.constant 2 : i32
    %dma_wait3A_194 = arith.constant 1024 : i32
    %dma_wait3A_195 = tpu.memref_slice %arg15[%dma_wait3A_194] : memref<8192xf32, #tpu.memory_space<vmem>> -> memref<512xf32, #tpu.memory_space<vmem>>
    %dma_wait3A_196 = tpu.memref_slice %arg16[%dma_wait3A_193, %mul3A_4] : memref<16x8192xf32, #tpu.memory_space<vmem_shared>> -> memref<1x512xf32, #tpu.memory_space<vmem_shared>>
    %dma_wait3A_197 = tpu.memref_squeeze %dma_wait3A_196 : memref<1x512xf32, #tpu.memory_space<vmem_shared>> -> memref<512xf32, #tpu.memory_space<vmem_shared>>
    %dma_wait3A_198 = arith.constant 1024 : i32
    %dma_wait3A_199 = tpu.memref_slice %arg15[%dma_wait3A_198] : memref<8192xf32, #tpu.memory_space<vmem>> -> memref<512xf32, #tpu.memory_space<vmem>>
    %dma_wait3A_200 = tpu.memref_slice %arg16[%dma_wait3A_193, %mul3A_4] : memref<16x8192xf32, #tpu.memory_space<vmem_shared>> -> memref<1x512xf32, #tpu.memory_space<vmem_shared>>
    %dma_wait3A_201 = tpu.memref_squeeze %dma_wait3A_200 : memref<1x512xf32, #tpu.memory_space<vmem_shared>> -> memref<512xf32, #tpu.memory_space<vmem_shared>>
    tpu.wait_dma2 semaphore(%arg17 : memref<!tpu.dma_semaphore, #tpu.memory_space<semaphore_mem>>) src(%dma_wait3A_201 : memref<512xf32, #tpu.memory_space<vmem_shared>>) dst(%dma_wait3A_199 : memref<512xf32, #tpu.memory_space<vmem>>)
    %dma_wait3A_202 = arith.constant 3 : i32
    %dma_wait3A_203 = arith.constant 1536 : i32
    %dma_wait3A_204 = tpu.memref_slice %arg15[%dma_wait3A_203] : memref<8192xf32, #tpu.memory_space<vmem>> -> memref<512xf32, #tpu.memory_space<vmem>>
    %dma_wait3A_205 = tpu.memref_slice %arg16[%dma_wait3A_202, %mul3A_4] : memref<16x8192xf32, #tpu.memory_space<vmem_shared>> -> memref<1x512xf32, #tpu.memory_space<vmem_shared>>
    %dma_wait3A_206 = tpu.memref_squeeze %dma_wait3A_205 : memref<1x512xf32, #tpu.memory_space<vmem_shared>> -> memref<512xf32, #tpu.memory_space<vmem_shared>>
    %dma_wait3A_207 = arith.constant 1536 : i32
    %dma_wait3A_208 = tpu.memref_slice %arg15[%dma_wait3A_207] : memref<8192xf32, #tpu.memory_space<vmem>> -> memref<512xf32, #tpu.memory_space<vmem>>
    %dma_wait3A_209 = tpu.memref_slice %arg16[%dma_wait3A_202, %mul3A_4] : memref<16x8192xf32, #tpu.memory_space<vmem_shared>> -> memref<1x512xf32, #tpu.memory_space<vmem_shared>>
    %dma_wait3A_210 = tpu.memref_squeeze %dma_wait3A_209 : memref<1x512xf32, #tpu.memory_space<vmem_shared>> -> memref<512xf32, #tpu.memory_space<vmem_shared>>
    tpu.wait_dma2 semaphore(%arg17 : memref<!tpu.dma_semaphore, #tpu.memory_space<semaphore_mem>>) src(%dma_wait3A_210 : memref<512xf32, #tpu.memory_space<vmem_shared>>) dst(%dma_wait3A_208 : memref<512xf32, #tpu.memory_space<vmem>>)
    %dma_wait3A_211 = arith.constant 4 : i32
    %dma_wait3A_212 = arith.constant 2048 : i32
    %dma_wait3A_213 = tpu.memref_slice %arg15[%dma_wait3A_212] : memref<8192xf32, #tpu.memory_space<vmem>> -> memref<512xf32, #tpu.memory_space<vmem>>
    %dma_wait3A_214 = tpu.memref_slice %arg16[%dma_wait3A_211, %mul3A_4] : memref<16x8192xf32, #tpu.memory_space<vmem_shared>> -> memref<1x512xf32, #tpu.memory_space<vmem_shared>>
    %dma_wait3A_215 = tpu.memref_squeeze %dma_wait3A_214 : memref<1x512xf32, #tpu.memory_space<vmem_shared>> -> memref<512xf32, #tpu.memory_space<vmem_shared>>
    %dma_wait3A_216 = arith.constant 2048 : i32
    %dma_wait3A_217 = tpu.memref_slice %arg15[%dma_wait3A_216] : memref<8192xf32, #tpu.memory_space<vmem>> -> memref<512xf32, #tpu.memory_space<vmem>>
    %dma_wait3A_218 = tpu.memref_slice %arg16[%dma_wait3A_211, %mul3A_4] : memref<16x8192xf32, #tpu.memory_space<vmem_shared>> -> memref<1x512xf32, #tpu.memory_space<vmem_shared>>
    %dma_wait3A_219 = tpu.memref_squeeze %dma_wait3A_218 : memref<1x512xf32, #tpu.memory_space<vmem_shared>> -> memref<512xf32, #tpu.memory_space<vmem_shared>>
    tpu.wait_dma2 semaphore(%arg17 : memref<!tpu.dma_semaphore, #tpu.memory_space<semaphore_mem>>) src(%dma_wait3A_219 : memref<512xf32, #tpu.memory_space<vmem_shared>>) dst(%dma_wait3A_217 : memref<512xf32, #tpu.memory_space<vmem>>)
    %dma_wait3A_220 = arith.constant 5 : i32
    %dma_wait3A_221 = arith.constant 2560 : i32
    %dma_wait3A_222 = tpu.memref_slice %arg15[%dma_wait3A_221] : memref<8192xf32, #tpu.memory_space<vmem>> -> memref<512xf32, #tpu.memory_space<vmem>>
    %dma_wait3A_223 = tpu.memref_slice %arg16[%dma_wait3A_220, %mul3A_4] : memref<16x8192xf32, #tpu.memory_space<vmem_shared>> -> memref<1x512xf32, #tpu.memory_space<vmem_shared>>
    %dma_wait3A_224 = tpu.memref_squeeze %dma_wait3A_223 : memref<1x512xf32, #tpu.memory_space<vmem_shared>> -> memref<512xf32, #tpu.memory_space<vmem_shared>>
    %dma_wait3A_225 = arith.constant 2560 : i32
    %dma_wait3A_226 = tpu.memref_slice %arg15[%dma_wait3A_225] : memref<8192xf32, #tpu.memory_space<vmem>> -> memref<512xf32, #tpu.memory_space<vmem>>
    %dma_wait3A_227 = tpu.memref_slice %arg16[%dma_wait3A_220, %mul3A_4] : memref<16x8192xf32, #tpu.memory_space<vmem_shared>> -> memref<1x512xf32, #tpu.memory_space<vmem_shared>>
    %dma_wait3A_228 = tpu.memref_squeeze %dma_wait3A_227 : memref<1x512xf32, #tpu.memory_space<vmem_shared>> -> memref<512xf32, #tpu.memory_space<vmem_shared>>
    tpu.wait_dma2 semaphore(%arg17 : memref<!tpu.dma_semaphore, #tpu.memory_space<semaphore_mem>>) src(%dma_wait3A_228 : memref<512xf32, #tpu.memory_space<vmem_shared>>) dst(%dma_wait3A_226 : memref<512xf32, #tpu.memory_space<vmem>>)
    %dma_wait3A_229 = arith.constant 6 : i32
    %dma_wait3A_230 = arith.constant 3072 : i32
    %dma_wait3A_231 = tpu.memref_slice %arg15[%dma_wait3A_230] : memref<8192xf32, #tpu.memory_space<vmem>> -> memref<512xf32, #tpu.memory_space<vmem>>
    %dma_wait3A_232 = tpu.memref_slice %arg16[%dma_wait3A_229, %mul3A_4] : memref<16x8192xf32, #tpu.memory_space<vmem_shared>> -> memref<1x512xf32, #tpu.memory_space<vmem_shared>>
    %dma_wait3A_233 = tpu.memref_squeeze %dma_wait3A_232 : memref<1x512xf32, #tpu.memory_space<vmem_shared>> -> memref<512xf32, #tpu.memory_space<vmem_shared>>
    %dma_wait3A_234 = arith.constant 3072 : i32
    %dma_wait3A_235 = tpu.memref_slice %arg15[%dma_wait3A_234] : memref<8192xf32, #tpu.memory_space<vmem>> -> memref<512xf32, #tpu.memory_space<vmem>>
    %dma_wait3A_236 = tpu.memref_slice %arg16[%dma_wait3A_229, %mul3A_4] : memref<16x8192xf32, #tpu.memory_space<vmem_shared>> -> memref<1x512xf32, #tpu.memory_space<vmem_shared>>
    %dma_wait3A_237 = tpu.memref_squeeze %dma_wait3A_236 : memref<1x512xf32, #tpu.memory_space<vmem_shared>> -> memref<512xf32, #tpu.memory_space<vmem_shared>>
    tpu.wait_dma2 semaphore(%arg17 : memref<!tpu.dma_semaphore, #tpu.memory_space<semaphore_mem>>) src(%dma_wait3A_237 : memref<512xf32, #tpu.memory_space<vmem_shared>>) dst(%dma_wait3A_235 : memref<512xf32, #tpu.memory_space<vmem>>)
    %dma_wait3A_238 = arith.constant 7 : i32
    %dma_wait3A_239 = arith.constant 3584 : i32
    %dma_wait3A_240 = tpu.memref_slice %arg15[%dma_wait3A_239] : memref<8192xf32, #tpu.memory_space<vmem>> -> memref<512xf32, #tpu.memory_space<vmem>>
    %dma_wait3A_241 = tpu.memref_slice %arg16[%dma_wait3A_238, %mul3A_4] : memref<16x8192xf32, #tpu.memory_space<vmem_shared>> -> memref<1x512xf32, #tpu.memory_space<vmem_shared>>
    %dma_wait3A_242 = tpu.memref_squeeze %dma_wait3A_241 : memref<1x512xf32, #tpu.memory_space<vmem_shared>> -> memref<512xf32, #tpu.memory_space<vmem_shared>>
    %dma_wait3A_243 = arith.constant 3584 : i32
    %dma_wait3A_244 = tpu.memref_slice %arg15[%dma_wait3A_243] : memref<8192xf32, #tpu.memory_space<vmem>> -> memref<512xf32, #tpu.memory_space<vmem>>
    %dma_wait3A_245 = tpu.memref_slice %arg16[%dma_wait3A_238, %mul3A_4] : memref<16x8192xf32, #tpu.memory_space<vmem_shared>> -> memref<1x512xf32, #tpu.memory_space<vmem_shared>>
    %dma_wait3A_246 = tpu.memref_squeeze %dma_wait3A_245 : memref<1x512xf32, #tpu.memory_space<vmem_shared>> -> memref<512xf32, #tpu.memory_space<vmem_shared>>
    tpu.wait_dma2 semaphore(%arg17 : memref<!tpu.dma_semaphore, #tpu.memory_space<semaphore_mem>>) src(%dma_wait3A_246 : memref<512xf32, #tpu.memory_space<vmem_shared>>) dst(%dma_wait3A_244 : memref<512xf32, #tpu.memory_space<vmem>>)
    %dma_wait3A_247 = arith.constant 8 : i32
    %dma_wait3A_248 = arith.constant 4096 : i32
    %dma_wait3A_249 = tpu.memref_slice %arg15[%dma_wait3A_248] : memref<8192xf32, #tpu.memory_space<vmem>> -> memref<512xf32, #tpu.memory_space<vmem>>
    %dma_wait3A_250 = tpu.memref_slice %arg16[%dma_wait3A_247, %mul3A_4] : memref<16x8192xf32, #tpu.memory_space<vmem_shared>> -> memref<1x512xf32, #tpu.memory_space<vmem_shared>>
    %dma_wait3A_251 = tpu.memref_squeeze %dma_wait3A_250 : memref<1x512xf32, #tpu.memory_space<vmem_shared>> -> memref<512xf32, #tpu.memory_space<vmem_shared>>
    %dma_wait3A_252 = arith.constant 4096 : i32
    %dma_wait3A_253 = tpu.memref_slice %arg15[%dma_wait3A_252] : memref<8192xf32, #tpu.memory_space<vmem>> -> memref<512xf32, #tpu.memory_space<vmem>>
    %dma_wait3A_254 = tpu.memref_slice %arg16[%dma_wait3A_247, %mul3A_4] : memref<16x8192xf32, #tpu.memory_space<vmem_shared>> -> memref<1x512xf32, #tpu.memory_space<vmem_shared>>
    %dma_wait3A_255 = tpu.memref_squeeze %dma_wait3A_254 : memref<1x512xf32, #tpu.memory_space<vmem_shared>> -> memref<512xf32, #tpu.memory_space<vmem_shared>>
    tpu.wait_dma2 semaphore(%arg17 : memref<!tpu.dma_semaphore, #tpu.memory_space<semaphore_mem>>) src(%dma_wait3A_255 : memref<512xf32, #tpu.memory_space<vmem_shared>>) dst(%dma_wait3A_253 : memref<512xf32, #tpu.memory_space<vmem>>)
    %dma_wait3A_256 = arith.constant 9 : i32
    %dma_wait3A_257 = arith.constant 4608 : i32
    %dma_wait3A_258 = tpu.memref_slice %arg15[%dma_wait3A_257] : memref<8192xf32, #tpu.memory_space<vmem>> -> memref<512xf32, #tpu.memory_space<vmem>>
    %dma_wait3A_259 = tpu.memref_slice %arg16[%dma_wait3A_256, %mul3A_4] : memref<16x8192xf32, #tpu.memory_space<vmem_shared>> -> memref<1x512xf32, #tpu.memory_space<vmem_shared>>
    %dma_wait3A_260 = tpu.memref_squeeze %dma_wait3A_259 : memref<1x512xf32, #tpu.memory_space<vmem_shared>> -> memref<512xf32, #tpu.memory_space<vmem_shared>>
    %dma_wait3A_261 = arith.constant 4608 : i32
    %dma_wait3A_262 = tpu.memref_slice %arg15[%dma_wait3A_261] : memref<8192xf32, #tpu.memory_space<vmem>> -> memref<512xf32, #tpu.memory_space<vmem>>
    %dma_wait3A_263 = tpu.memref_slice %arg16[%dma_wait3A_256, %mul3A_4] : memref<16x8192xf32, #tpu.memory_space<vmem_shared>> -> memref<1x512xf32, #tpu.memory_space<vmem_shared>>
    %dma_wait3A_264 = tpu.memref_squeeze %dma_wait3A_263 : memref<1x512xf32, #tpu.memory_space<vmem_shared>> -> memref<512xf32, #tpu.memory_space<vmem_shared>>
    tpu.wait_dma2 semaphore(%arg17 : memref<!tpu.dma_semaphore, #tpu.memory_space<semaphore_mem>>) src(%dma_wait3A_264 : memref<512xf32, #tpu.memory_space<vmem_shared>>) dst(%dma_wait3A_262 : memref<512xf32, #tpu.memory_space<vmem>>)
    %dma_wait3A_265 = arith.constant 10 : i32
    %dma_wait3A_266 = arith.constant 5120 : i32
    %dma_wait3A_267 = tpu.memref_slice %arg15[%dma_wait3A_266] : memref<8192xf32, #tpu.memory_space<vmem>> -> memref<512xf32, #tpu.memory_space<vmem>>
    %dma_wait3A_268 = tpu.memref_slice %arg16[%dma_wait3A_265, %mul3A_4] : memref<16x8192xf32, #tpu.memory_space<vmem_shared>> -> memref<1x512xf32, #tpu.memory_space<vmem_shared>>
    %dma_wait3A_269 = tpu.memref_squeeze %dma_wait3A_268 : memref<1x512xf32, #tpu.memory_space<vmem_shared>> -> memref<512xf32, #tpu.memory_space<vmem_shared>>
    %dma_wait3A_270 = arith.constant 5120 : i32
    %dma_wait3A_271 = tpu.memref_slice %arg15[%dma_wait3A_270] : memref<8192xf32, #tpu.memory_space<vmem>> -> memref<512xf32, #tpu.memory_space<vmem>>
    %dma_wait3A_272 = tpu.memref_slice %arg16[%dma_wait3A_265, %mul3A_4] : memref<16x8192xf32, #tpu.memory_space<vmem_shared>> -> memref<1x512xf32, #tpu.memory_space<vmem_shared>>
    %dma_wait3A_273 = tpu.memref_squeeze %dma_wait3A_272 : memref<1x512xf32, #tpu.memory_space<vmem_shared>> -> memref<512xf32, #tpu.memory_space<vmem_shared>>
    tpu.wait_dma2 semaphore(%arg17 : memref<!tpu.dma_semaphore, #tpu.memory_space<semaphore_mem>>) src(%dma_wait3A_273 : memref<512xf32, #tpu.memory_space<vmem_shared>>) dst(%dma_wait3A_271 : memref<512xf32, #tpu.memory_space<vmem>>)
    %dma_wait3A_274 = arith.constant 11 : i32
    %dma_wait3A_275 = arith.constant 5632 : i32
    %dma_wait3A_276 = tpu.memref_slice %arg15[%dma_wait3A_275] : memref<8192xf32, #tpu.memory_space<vmem>> -> memref<512xf32, #tpu.memory_space<vmem>>
    %dma_wait3A_277 = tpu.memref_slice %arg16[%dma_wait3A_274, %mul3A_4] : memref<16x8192xf32, #tpu.memory_space<vmem_shared>> -> memref<1x512xf32, #tpu.memory_space<vmem_shared>>
    %dma_wait3A_278 = tpu.memref_squeeze %dma_wait3A_277 : memref<1x512xf32, #tpu.memory_space<vmem_shared>> -> memref<512xf32, #tpu.memory_space<vmem_shared>>
    %dma_wait3A_279 = arith.constant 5632 : i32
    %dma_wait3A_280 = tpu.memref_slice %arg15[%dma_wait3A_279] : memref<8192xf32, #tpu.memory_space<vmem>> -> memref<512xf32, #tpu.memory_space<vmem>>
    %dma_wait3A_281 = tpu.memref_slice %arg16[%dma_wait3A_274, %mul3A_4] : memref<16x8192xf32, #tpu.memory_space<vmem_shared>> -> memref<1x512xf32, #tpu.memory_space<vmem_shared>>
    %dma_wait3A_282 = tpu.memref_squeeze %dma_wait3A_281 : memref<1x512xf32, #tpu.memory_space<vmem_shared>> -> memref<512xf32, #tpu.memory_space<vmem_shared>>
    tpu.wait_dma2 semaphore(%arg17 : memref<!tpu.dma_semaphore, #tpu.memory_space<semaphore_mem>>) src(%dma_wait3A_282 : memref<512xf32, #tpu.memory_space<vmem_shared>>) dst(%dma_wait3A_280 : memref<512xf32, #tpu.memory_space<vmem>>)
    %dma_wait3A_283 = arith.constant 12 : i32
    %dma_wait3A_284 = arith.constant 6144 : i32
    %dma_wait3A_285 = tpu.memref_slice %arg15[%dma_wait3A_284] : memref<8192xf32, #tpu.memory_space<vmem>> -> memref<512xf32, #tpu.memory_space<vmem>>
    %dma_wait3A_286 = tpu.memref_slice %arg16[%dma_wait3A_283, %mul3A_4] : memref<16x8192xf32, #tpu.memory_space<vmem_shared>> -> memref<1x512xf32, #tpu.memory_space<vmem_shared>>
    %dma_wait3A_287 = tpu.memref_squeeze %dma_wait3A_286 : memref<1x512xf32, #tpu.memory_space<vmem_shared>> -> memref<512xf32, #tpu.memory_space<vmem_shared>>
    %dma_wait3A_288 = arith.constant 6144 : i32
    %dma_wait3A_289 = tpu.memref_slice %arg15[%dma_wait3A_288] : memref<8192xf32, #tpu.memory_space<vmem>> -> memref<512xf32, #tpu.memory_space<vmem>>
    %dma_wait3A_290 = tpu.memref_slice %arg16[%dma_wait3A_283, %mul3A_4] : memref<16x8192xf32, #tpu.memory_space<vmem_shared>> -> memref<1x512xf32, #tpu.memory_space<vmem_shared>>
    %dma_wait3A_291 = tpu.memref_squeeze %dma_wait3A_290 : memref<1x512xf32, #tpu.memory_space<vmem_shared>> -> memref<512xf32, #tpu.memory_space<vmem_shared>>
    tpu.wait_dma2 semaphore(%arg17 : memref<!tpu.dma_semaphore, #tpu.memory_space<semaphore_mem>>) src(%dma_wait3A_291 : memref<512xf32, #tpu.memory_space<vmem_shared>>) dst(%dma_wait3A_289 : memref<512xf32, #tpu.memory_space<vmem>>)
    %dma_wait3A_292 = arith.constant 13 : i32
    %dma_wait3A_293 = arith.constant 6656 : i32
    %dma_wait3A_294 = tpu.memref_slice %arg15[%dma_wait3A_293] : memref<8192xf32, #tpu.memory_space<vmem>> -> memref<512xf32, #tpu.memory_space<vmem>>
    %dma_wait3A_295 = tpu.memref_slice %arg16[%dma_wait3A_292, %mul3A_4] : memref<16x8192xf32, #tpu.memory_space<vmem_shared>> -> memref<1x512xf32, #tpu.memory_space<vmem_shared>>
    %dma_wait3A_296 = tpu.memref_squeeze %dma_wait3A_295 : memref<1x512xf32, #tpu.memory_space<vmem_shared>> -> memref<512xf32, #tpu.memory_space<vmem_shared>>
    %dma_wait3A_297 = arith.constant 6656 : i32
    %dma_wait3A_298 = tpu.memref_slice %arg15[%dma_wait3A_297] : memref<8192xf32, #tpu.memory_space<vmem>> -> memref<512xf32, #tpu.memory_space<vmem>>
    %dma_wait3A_299 = tpu.memref_slice %arg16[%dma_wait3A_292, %mul3A_4] : memref<16x8192xf32, #tpu.memory_space<vmem_shared>> -> memref<1x512xf32, #tpu.memory_space<vmem_shared>>
    %dma_wait3A_300 = tpu.memref_squeeze %dma_wait3A_299 : memref<1x512xf32, #tpu.memory_space<vmem_shared>> -> memref<512xf32, #tpu.memory_space<vmem_shared>>
    tpu.wait_dma2 semaphore(%arg17 : memref<!tpu.dma_semaphore, #tpu.memory_space<semaphore_mem>>) src(%dma_wait3A_300 : memref<512xf32, #tpu.memory_space<vmem_shared>>) dst(%dma_wait3A_298 : memref<512xf32, #tpu.memory_space<vmem>>)
    %dma_wait3A_301 = arith.constant 14 : i32
    %dma_wait3A_302 = arith.constant 7168 : i32
    %dma_wait3A_303 = tpu.memref_slice %arg15[%dma_wait3A_302] : memref<8192xf32, #tpu.memory_space<vmem>> -> memref<512xf32, #tpu.memory_space<vmem>>
    %dma_wait3A_304 = tpu.memref_slice %arg16[%dma_wait3A_301, %mul3A_4] : memref<16x8192xf32, #tpu.memory_space<vmem_shared>> -> memref<1x512xf32, #tpu.memory_space<vmem_shared>>
    %dma_wait3A_305 = tpu.memref_squeeze %dma_wait3A_304 : memref<1x512xf32, #tpu.memory_space<vmem_shared>> -> memref<512xf32, #tpu.memory_space<vmem_shared>>
    %dma_wait3A_306 = arith.constant 7168 : i32
    %dma_wait3A_307 = tpu.memref_slice %arg15[%dma_wait3A_306] : memref<8192xf32, #tpu.memory_space<vmem>> -> memref<512xf32, #tpu.memory_space<vmem>>
    %dma_wait3A_308 = tpu.memref_slice %arg16[%dma_wait3A_301, %mul3A_4] : memref<16x8192xf32, #tpu.memory_space<vmem_shared>> -> memref<1x512xf32, #tpu.memory_space<vmem_shared>>
    %dma_wait3A_309 = tpu.memref_squeeze %dma_wait3A_308 : memref<1x512xf32, #tpu.memory_space<vmem_shared>> -> memref<512xf32, #tpu.memory_space<vmem_shared>>
    tpu.wait_dma2 semaphore(%arg17 : memref<!tpu.dma_semaphore, #tpu.memory_space<semaphore_mem>>) src(%dma_wait3A_309 : memref<512xf32, #tpu.memory_space<vmem_shared>>) dst(%dma_wait3A_307 : memref<512xf32, #tpu.memory_space<vmem>>)
    %dma_wait3A_310 = arith.constant 15 : i32
    %dma_wait3A_311 = arith.constant 7680 : i32
    %dma_wait3A_312 = tpu.memref_slice %arg15[%dma_wait3A_311] : memref<8192xf32, #tpu.memory_space<vmem>> -> memref<512xf32, #tpu.memory_space<vmem>>
    %dma_wait3A_313 = tpu.memref_slice %arg16[%dma_wait3A_310, %mul3A_4] : memref<16x8192xf32, #tpu.memory_space<vmem_shared>> -> memref<1x512xf32, #tpu.memory_space<vmem_shared>>
    %dma_wait3A_314 = tpu.memref_squeeze %dma_wait3A_313 : memref<1x512xf32, #tpu.memory_space<vmem_shared>> -> memref<512xf32, #tpu.memory_space<vmem_shared>>
    %dma_wait3A_315 = arith.constant 7680 : i32
    %dma_wait3A_316 = tpu.memref_slice %arg15[%dma_wait3A_315] : memref<8192xf32, #tpu.memory_space<vmem>> -> memref<512xf32, #tpu.memory_space<vmem>>
    %dma_wait3A_317 = tpu.memref_slice %arg16[%dma_wait3A_310, %mul3A_4] : memref<16x8192xf32, #tpu.memory_space<vmem_shared>> -> memref<1x512xf32, #tpu.memory_space<vmem_shared>>
    %dma_wait3A_318 = tpu.memref_squeeze %dma_wait3A_317 : memref<1x512xf32, #tpu.memory_space<vmem_shared>> -> memref<512xf32, #tpu.memory_space<vmem_shared>>
    tpu.wait_dma2 semaphore(%arg17 : memref<!tpu.dma_semaphore, #tpu.memory_space<semaphore_mem>>) src(%dma_wait3A_318 : memref<512xf32, #tpu.memory_space<vmem_shared>>) dst(%dma_wait3A_316 : memref<512xf32, #tpu.memory_space<vmem>>)
    %get3A = arith.constant 0 : index
    %get3A_319 = tpu.vector_load %arg15[%get3A] {strides = array<i32>} : memref<8192xf32, #tpu.memory_space<vmem>>, vector<16xf32>,
    %get3A_320 = arith.constant 512 : index
    %get3A_321 = tpu.vector_load %arg15[%get3A_320] {strides = array<i32>} : memref<8192xf32, #tpu.memory_space<vmem>>, vector<16xf32>,
    %add3A_322 = arith.addf %get3A_319, %get3A_321 : vector<16xf32>
    %get3A_323 = arith.constant 1024 : index
    %get3A_324 = tpu.vector_load %arg15[%get3A_323] {strides = array<i32>} : memref<8192xf32, #tpu.memory_space<vmem>>, vector<16xf32>,
    %add3A_325 = arith.addf %add3A_322, %get3A_324 : vector<16xf32>
    %get3A_326 = arith.constant 1536 : index
    %get3A_327 = tpu.vector_load %arg15[%get3A_326] {strides = array<i32>} : memref<8192xf32, #tpu.memory_space<vmem>>, vector<16xf32>,
    %add3A_328 = arith.addf %add3A_325, %get3A_327 : vector<16xf32>
    %get3A_329 = arith.constant 2048 : index
    %get3A_330 = tpu.vector_load %arg15[%get3A_329] {strides = array<i32>} : memref<8192xf32, #tpu.memory_space<vmem>>, vector<16xf32>,
    %add3A_331 = arith.addf %add3A_328, %get3A_330 : vector<16xf32>
    %get3A_332 = arith.constant 2560 : index
    %get3A_333 = tpu.vector_load %arg15[%get3A_332] {strides = array<i32>} : memref<8192xf32, #tpu.memory_space<vmem>>, vector<16xf32>,
    %add3A_334 = arith.addf %add3A_331, %get3A_333 : vector<16xf32>
    %get3A_335 = arith.constant 3072 : index
    %get3A_336 = tpu.vector_load %arg15[%get3A_335] {strides = array<i32>} : memref<8192xf32, #tpu.memory_space<vmem>>, vector<16xf32>,
    %add3A_337 = arith.addf %add3A_334, %get3A_336 : vector<16xf32>
    %get3A_338 = arith.constant 3584 : index
    %get3A_339 = tpu.vector_load %arg15[%get3A_338] {strides = array<i32>} : memref<8192xf32, #tpu.memory_space<vmem>>, vector<16xf32>,
    %add3A_340 = arith.addf %add3A_337, %get3A_339 : vector<16xf32>
    %get3A_341 = arith.constant 4096 : index
    %get3A_342 = tpu.vector_load %arg15[%get3A_341] {strides = array<i32>} : memref<8192xf32, #tpu.memory_space<vmem>>, vector<16xf32>,
    %add3A_343 = arith.addf %add3A_340, %get3A_342 : vector<16xf32>
    %get3A_344 = arith.constant 4608 : index
    %get3A_345 = tpu.vector_load %arg15[%get3A_344] {strides = array<i32>} : memref<8192xf32, #tpu.memory_space<vmem>>, vector<16xf32>,
    %add3A_346 = arith.addf %add3A_343, %get3A_345 : vector<16xf32>
    %get3A_347 = arith.constant 5120 : index
    %get3A_348 = tpu.vector_load %arg15[%get3A_347] {strides = array<i32>} : memref<8192xf32, #tpu.memory_space<vmem>>, vector<16xf32>,
    %add3A_349 = arith.addf %add3A_346, %get3A_348 : vector<16xf32>
    %get3A_350 = arith.constant 5632 : index
    %get3A_351 = tpu.vector_load %arg15[%get3A_350] {strides = array<i32>} : memref<8192xf32, #tpu.memory_space<vmem>>, vector<16xf32>,
    %add3A_352 = arith.addf %add3A_349, %get3A_351 : vector<16xf32>
    %get3A_353 = arith.constant 6144 : index
    %get3A_354 = tpu.vector_load %arg15[%get3A_353] {strides = array<i32>} : memref<8192xf32, #tpu.memory_space<vmem>>, vector<16xf32>,
    %add3A_355 = arith.addf %add3A_352, %get3A_354 : vector<16xf32>
    %get3A_356 = arith.constant 6656 : index
    %get3A_357 = tpu.vector_load %arg15[%get3A_356] {strides = array<i32>} : memref<8192xf32, #tpu.memory_space<vmem>>, vector<16xf32>,
    %add3A_358 = arith.addf %add3A_355, %get3A_357 : vector<16xf32>
    %get3A_359 = arith.constant 7168 : index
    %get3A_360 = tpu.vector_load %arg15[%get3A_359] {strides = array<i32>} : memref<8192xf32, #tpu.memory_space<vmem>>, vector<16xf32>,
    %add3A_361 = arith.addf %add3A_358, %get3A_360 : vector<16xf32>
    %get3A_362 = arith.constant 7680 : index
    %get3A_363 = tpu.vector_load %arg15[%get3A_362] {strides = array<i32>} : memref<8192xf32, #tpu.memory_space<vmem>>, vector<16xf32>,
    %add3A_364 = arith.addf %add3A_361, %get3A_363 : vector<16xf32>
    %swap3A = arith.constant 0 : index
    %swap3A_365 = tpu.vector_load %arg14[%swap3A] {strides = array<i32>} : memref<512xf32, #tpu.memory_space<vmem>>, vector<16xf32>,
    tpu.vector_store %arg14[%swap3A], %add3A_364 {strides = array<i32>} : memref<512xf32, #tpu.memory_space<vmem>>, vector<16xf32>,
    %get3A_366 = arith.constant 16 : index
    %get3A_367 = tpu.vector_load %arg15[%get3A_366] {strides = array<i32>} : memref<8192xf32, #tpu.memory_space<vmem>>, vector<16xf32>,
    %get3A_368 = arith.constant 528 : index
    %get3A_369 = tpu.vector_load %arg15[%get3A_368] {strides = array<i32>} : memref<8192xf32, #tpu.memory_space<vmem>>, vector<16xf32>,
    %add3A_370 = arith.addf %get3A_367, %get3A_369 : vector<16xf32>
    %get3A_371 = arith.constant 1040 : index
    %get3A_372 = tpu.vector_load %arg15[%get3A_371] {strides = array<i32>} : memref<8192xf32, #tpu.memory_space<vmem>>, vector<16xf32>,
    %add3A_373 = arith.addf %add3A_370, %get3A_372 : vector<16xf32>
    %get3A_374 = arith.constant 1552 : index
    %get3A_375 = tpu.vector_load %arg15[%get3A_374] {strides = array<i32>} : memref<8192xf32, #tpu.memory_space<vmem>>, vector<16xf32>,
    %add3A_376 = arith.addf %add3A_373, %get3A_375 : vector<16xf32>
    %get3A_377 = arith.constant 2064 : index
    %get3A_378 = tpu.vector_load %arg15[%get3A_377] {strides = array<i32>} : memref<8192xf32, #tpu.memory_space<vmem>>, vector<16xf32>,
    %add3A_379 = arith.addf %add3A_376, %get3A_378 : vector<16xf32>
    %get3A_380 = arith.constant 2576 : index
    %get3A_381 = tpu.vector_load %arg15[%get3A_380] {strides = array<i32>} : memref<8192xf32, #tpu.memory_space<vmem>>, vector<16xf32>,
    %add3A_382 = arith.addf %add3A_379, %get3A_381 : vector<16xf32>
    %get3A_383 = arith.constant 3088 : index
    %get3A_384 = tpu.vector_load %arg15[%get3A_383] {strides = array<i32>} : memref<8192xf32, #tpu.memory_space<vmem>>, vector<16xf32>,
    %add3A_385 = arith.addf %add3A_382, %get3A_384 : vector<16xf32>
    %get3A_386 = arith.constant 3600 : index
    %get3A_387 = tpu.vector_load %arg15[%get3A_386] {strides = array<i32>} : memref<8192xf32, #tpu.memory_space<vmem>>, vector<16xf32>,
    %add3A_388 = arith.addf %add3A_385, %get3A_387 : vector<16xf32>
    %get3A_389 = arith.constant 4112 : index
    %get3A_390 = tpu.vector_load %arg15[%get3A_389] {strides = array<i32>} : memref<8192xf32, #tpu.memory_space<vmem>>, vector<16xf32>,
    %add3A_391 = arith.addf %add3A_388, %get3A_390 : vector<16xf32>
    %get3A_392 = arith.constant 4624 : index
    %get3A_393 = tpu.vector_load %arg15[%get3A_392] {strides = array<i32>} : memref<8192xf32, #tpu.memory_space<vmem>>, vector<16xf32>,
    %add3A_394 = arith.addf %add3A_391, %get3A_393 : vector<16xf32>
    %get3A_395 = arith.constant 5136 : index
    %get3A_396 = tpu.vector_load %arg15[%get3A_395] {strides = array<i32>} : memref<8192xf32, #tpu.memory_space<vmem>>, vector<16xf32>,
    %add3A_397 = arith.addf %add3A_394, %get3A_396 : vector<16xf32>
    %get3A_398 = arith.constant 5648 : index
    %get3A_399 = tpu.vector_load %arg15[%get3A_398] {strides = array<i32>} : memref<8192xf32, #tpu.memory_space<vmem>>, vector<16xf32>,
    %add3A_400 = arith.addf %add3A_397, %get3A_399 : vector<16xf32>
    %get3A_401 = arith.constant 6160 : index
    %get3A_402 = tpu.vector_load %arg15[%get3A_401] {strides = array<i32>} : memref<8192xf32, #tpu.memory_space<vmem>>, vector<16xf32>,
    %add3A_403 = arith.addf %add3A_400, %get3A_402 : vector<16xf32>
    %get3A_404 = arith.constant 6672 : index
    %get3A_405 = tpu.vector_load %arg15[%get3A_404] {strides = array<i32>} : memref<8192xf32, #tpu.memory_space<vmem>>, vector<16xf32>,
    %add3A_406 = arith.addf %add3A_403, %get3A_405 : vector<16xf32>
    %get3A_407 = arith.constant 7184 : index
    %get3A_408 = tpu.vector_load %arg15[%get3A_407] {strides = array<i32>} : memref<8192xf32, #tpu.memory_space<vmem>>, vector<16xf32>,
    %add3A_409 = arith.addf %add3A_406, %get3A_408 : vector<16xf32>
    %get3A_410 = arith.constant 7696 : index
    %get3A_411 = tpu.vector_load %arg15[%get3A_410] {strides = array<i32>} : memref<8192xf32, #tpu.memory_space<vmem>>, vector<16xf32>,
    %add3A_412 = arith.addf %add3A_409, %get3A_411 : vector<16xf32>
    %swap3A_413 = arith.constant 16 : index
    %swap3A_414 = tpu.vector_load %arg14[%swap3A_413] {strides = array<i32>} : memref<512xf32, #tpu.memory_space<vmem>>, vector<16xf32>,
    tpu.vector_store %arg14[%swap3A_413], %add3A_412 {strides = array<i32>} : memref<512xf32, #tpu.memory_space<vmem>>, vector<16xf32>,
    %get3A_415 = arith.constant 32 : index
    %get3A_416 = tpu.vector_load %arg15[%get3A_415] {strides = array<i32>} : memref<8192xf32, #tpu.memory_space<vmem>>, vector<16xf32>,
    %get3A_417 = arith.constant 544 : index
    %get3A_418 = tpu.vector_load %arg15[%get3A_417] {strides = array<i32>} : memref<8192xf32, #tpu.memory_space<vmem>>, vector<16xf32>,
    %add3A_419 = arith.addf %get3A_416, %get3A_418 : vector<16xf32>
    %get3A_420 = arith.constant 1056 : index
    %get3A_421 = tpu.vector_load %arg15[%get3A_420] {strides = array<i32>} : memref<8192xf32, #tpu.memory_space<vmem>>, vector<16xf32>,
    %add3A_422 = arith.addf %add3A_419, %get3A_421 : vector<16xf32>
    %get3A_423 = arith.constant 1568 : index
    %get3A_424 = tpu.vector_load %arg15[%get3A_423] {strides = array<i32>} : memref<8192xf32, #tpu.memory_space<vmem>>, vector<16xf32>,
    %add3A_425 = arith.addf %add3A_422, %get3A_424 : vector<16xf32>
    %get3A_426 = arith.constant 2080 : index
    %get3A_427 = tpu.vector_load %arg15[%get3A_426] {strides = array<i32>} : memref<8192xf32, #tpu.memory_space<vmem>>, vector<16xf32>,
    %add3A_428 = arith.addf %add3A_425, %get3A_427 : vector<16xf32>
    %get3A_429 = arith.constant 2592 : index
    %get3A_430 = tpu.vector_load %arg15[%get3A_429] {strides = array<i32>} : memref<8192xf32, #tpu.memory_space<vmem>>, vector<16xf32>,
    %add3A_431 = arith.addf %add3A_428, %get3A_430 : vector<16xf32>
    %get3A_432 = arith.constant 3104 : index
    %get3A_433 = tpu.vector_load %arg15[%get3A_432] {strides = array<i32>} : memref<8192xf32, #tpu.memory_space<vmem>>, vector<16xf32>,
    %add3A_434 = arith.addf %add3A_431, %get3A_433 : vector<16xf32>
    %get3A_435 = arith.constant 3616 : index
    %get3A_436 = tpu.vector_load %arg15[%get3A_435] {strides = array<i32>} : memref<8192xf32, #tpu.memory_space<vmem>>, vector<16xf32>,
    %add3A_437 = arith.addf %add3A_434, %get3A_436 : vector<16xf32>
    %get3A_438 = arith.constant 4128 : index
    %get3A_439 = tpu.vector_load %arg15[%get3A_438] {strides = array<i32>} : memref<8192xf32, #tpu.memory_space<vmem>>, vector<16xf32>,
    %add3A_440 = arith.addf %add3A_437, %get3A_439 : vector<16xf32>
    %get3A_441 = arith.constant 4640 : index
    %get3A_442 = tpu.vector_load %arg15[%get3A_441] {strides = array<i32>} : memref<8192xf32, #tpu.memory_space<vmem>>, vector<16xf32>,
    %add3A_443 = arith.addf %add3A_440, %get3A_442 : vector<16xf32>
    %get3A_444 = arith.constant 5152 : index
    %get3A_445 = tpu.vector_load %arg15[%get3A_444] {strides = array<i32>} : memref<8192xf32, #tpu.memory_space<vmem>>, vector<16xf32>,
    %add3A_446 = arith.addf %add3A_443, %get3A_445 : vector<16xf32>
    %get3A_447 = arith.constant 5664 : index
    %get3A_448 = tpu.vector_load %arg15[%get3A_447] {strides = array<i32>} : memref<8192xf32, #tpu.memory_space<vmem>>, vector<16xf32>,
    %add3A_449 = arith.addf %add3A_446, %get3A_448 : vector<16xf32>
    %get3A_450 = arith.constant 6176 : index
    %get3A_451 = tpu.vector_load %arg15[%get3A_450] {strides = array<i32>} : memref<8192xf32, #tpu.memory_space<vmem>>, vector<16xf32>,
    %add3A_452 = arith.addf %add3A_449, %get3A_451 : vector<16xf32>
    %get3A_453 = arith.constant 6688 : index
    %get3A_454 = tpu.vector_load %arg15[%get3A_453] {strides = array<i32>} : memref<8192xf32, #tpu.memory_space<vmem>>, vector<16xf32>,
    %add3A_455 = arith.addf %add3A_452, %get3A_454 : vector<16xf32>
    %get3A_456 = arith.constant 7200 : index
    %get3A_457 = tpu.vector_load %arg15[%get3A_456] {strides = array<i32>} : memref<8192xf32, #tpu.memory_space<vmem>>, vector<16xf32>,
    %add3A_458 = arith.addf %add3A_455, %get3A_457 : vector<16xf32>
    %get3A_459 = arith.constant 7712 : index
    %get3A_460 = tpu.vector_load %arg15[%get3A_459] {strides = array<i32>} : memref<8192xf32, #tpu.memory_space<vmem>>, vector<16xf32>,
    %add3A_461 = arith.addf %add3A_458, %get3A_460 : vector<16xf32>
    %swap3A_462 = arith.constant 32 : index
    %swap3A_463 = tpu.vector_load %arg14[%swap3A_462] {strides = array<i32>} : memref<512xf32, #tpu.memory_space<vmem>>, vector<16xf32>,
    tpu.vector_store %arg14[%swap3A_462], %add3A_461 {strides = array<i32>} : memref<512xf32, #tpu.memory_space<vmem>>, vector<16xf32>,
    %get3A_464 = arith.constant 48 : index
    %get3A_465 = tpu.vector_load %arg15[%get3A_464] {strides = array<i32>} : memref<8192xf32, #tpu.memory_space<vmem>>, vector<16xf32>,
    %get3A_466 = arith.constant 560 : index
    %get3A_467 = tpu.vector_load %arg15[%get3A_466] {strides = array<i32>} : memref<8192xf32, #tpu.memory_space<vmem>>, vector<16xf32>,
    %add3A_468 = arith.addf %get3A_465, %get3A_467 : vector<16xf32>
    %get3A_469 = arith.constant 1072 : index
    %get3A_470 = tpu.vector_load %arg15[%get3A_469] {strides = array<i32>} : memref<8192xf32, #tpu.memory_space<vmem>>, vector<16xf32>,
    %add3A_471 = arith.addf %add3A_468, %get3A_470 : vector<16xf32>
    %get3A_472 = arith.constant 1584 : index
    %get3A_473 = tpu.vector_load %arg15[%get3A_472] {strides = array<i32>} : memref<8192xf32, #tpu.memory_space<vmem>>, vector<16xf32>,
    %add3A_474 = arith.addf %add3A_471, %get3A_473 : vector<16xf32>
    %get3A_475 = arith.constant 2096 : index
    %get3A_476 = tpu.vector_load %arg15[%get3A_475] {strides = array<i32>} : memref<8192xf32, #tpu.memory_space<vmem>>, vector<16xf32>,
    %add3A_477 = arith.addf %add3A_474, %get3A_476 : vector<16xf32>
    %get3A_478 = arith.constant 2608 : index
    %get3A_479 = tpu.vector_load %arg15[%get3A_478] {strides = array<i32>} : memref<8192xf32, #tpu.memory_space<vmem>>, vector<16xf32>,
    %add3A_480 = arith.addf %add3A_477, %get3A_479 : vector<16xf32>
    %get3A_481 = arith.constant 3120 : index
    %get3A_482 = tpu.vector_load %arg15[%get3A_481] {strides = array<i32>} : memref<8192xf32, #tpu.memory_space<vmem>>, vector<16xf32>,
    %add3A_483 = arith.addf %add3A_480, %get3A_482 : vector<16xf32>
    %get3A_484 = arith.constant 3632 : index
    %get3A_485 = tpu.vector_load %arg15[%get3A_484] {strides = array<i32>} : memref<8192xf32, #tpu.memory_space<vmem>>, vector<16xf32>,
    %add3A_486 = arith.addf %add3A_483, %get3A_485 : vector<16xf32>
    %get3A_487 = arith.constant 4144 : index
    %get3A_488 = tpu.vector_load %arg15[%get3A_487] {strides = array<i32>} : memref<8192xf32, #tpu.memory_space<vmem>>, vector<16xf32>,
    %add3A_489 = arith.addf %add3A_486, %get3A_488 : vector<16xf32>
    %get3A_490 = arith.constant 4656 : index
    %get3A_491 = tpu.vector_load %arg15[%get3A_490] {strides = array<i32>} : memref<8192xf32, #tpu.memory_space<vmem>>, vector<16xf32>,
    %add3A_492 = arith.addf %add3A_489, %get3A_491 : vector<16xf32>
    %get3A_493 = arith.constant 5168 : index
    %get3A_494 = tpu.vector_load %arg15[%get3A_493] {strides = array<i32>} : memref<8192xf32, #tpu.memory_space<vmem>>, vector<16xf32>,
    %add3A_495 = arith.addf %add3A_492, %get3A_494 : vector<16xf32>
    %get3A_496 = arith.constant 5680 : index
    %get3A_497 = tpu.vector_load %arg15[%get3A_496] {strides = array<i32>} : memref<8192xf32, #tpu.memory_space<vmem>>, vector<16xf32>,
    %add3A_498 = arith.addf %add3A_495, %get3A_497 : vector<16xf32>
    %get3A_499 = arith.constant 6192 : index
    %get3A_500 = tpu.vector_load %arg15[%get3A_499] {strides = array<i32>} : memref<8192xf32, #tpu.memory_space<vmem>>, vector<16xf32>,
    %add3A_501 = arith.addf %add3A_498, %get3A_500 : vector<16xf32>
    %get3A_502 = arith.constant 6704 : index
    %get3A_503 = tpu.vector_load %arg15[%get3A_502] {strides = array<i32>} : memref<8192xf32, #tpu.memory_space<vmem>>, vector<16xf32>,
    %add3A_504 = arith.addf %add3A_501, %get3A_503 : vector<16xf32>
    %get3A_505 = arith.constant 7216 : index
    %get3A_506 = tpu.vector_load %arg15[%get3A_505] {strides = array<i32>} : memref<8192xf32, #tpu.memory_space<vmem>>, vector<16xf32>,
    %add3A_507 = arith.addf %add3A_504, %get3A_506 : vector<16xf32>
    %get3A_508 = arith.constant 7728 : index
    %get3A_509 = tpu.vector_load %arg15[%get3A_508] {strides = array<i32>} : memref<8192xf32, #tpu.memory_space<vmem>>, vector<16xf32>,
    %add3A_510 = arith.addf %add3A_507, %get3A_509 : vector<16xf32>
    %swap3A_511 = arith.constant 48 : index
    %swap3A_512 = tpu.vector_load %arg14[%swap3A_511] {strides = array<i32>} : memref<512xf32, #tpu.memory_space<vmem>>, vector<16xf32>,
    tpu.vector_store %arg14[%swap3A_511], %add3A_510 {strides = array<i32>} : memref<512xf32, #tpu.memory_space<vmem>>, vector<16xf32>,
    %get3A_513 = arith.constant 64 : index
    %get3A_514 = tpu.vector_load %arg15[%get3A_513] {strides = array<i32>} : memref<8192xf32, #tpu.memory_space<vmem>>, vector<16xf32>,
    %get3A_515 = arith.constant 576 : index
    %get3A_516 = tpu.vector_load %arg15[%get3A_515] {strides = array<i32>} : memref<8192xf32, #tpu.memory_space<vmem>>, vector<16xf32>,
    %add3A_517 = arith.addf %get3A_514, %get3A_516 : vector<16xf32>
    %get3A_518 = arith.constant 1088 : index
    %get3A_519 = tpu.vector_load %arg15[%get3A_518] {strides = array<i32>} : memref<8192xf32, #tpu.memory_space<vmem>>, vector<16xf32>,
    %add3A_520 = arith.addf %add3A_517, %get3A_519 : vector<16xf32>
    %get3A_521 = arith.constant 1600 : index
    %get3A_522 = tpu.vector_load %arg15[%get3A_521] {strides = array<i32>} : memref<8192xf32, #tpu.memory_space<vmem>>, vector<16xf32>,
    %add3A_523 = arith.addf %add3A_520, %get3A_522 : vector<16xf32>
    %get3A_524 = arith.constant 2112 : index
    %get3A_525 = tpu.vector_load %arg15[%get3A_524] {strides = array<i32>} : memref<8192xf32, #tpu.memory_space<vmem>>, vector<16xf32>,
    %add3A_526 = arith.addf %add3A_523, %get3A_525 : vector<16xf32>
    %get3A_527 = arith.constant 2624 : index
    %get3A_528 = tpu.vector_load %arg15[%get3A_527] {strides = array<i32>} : memref<8192xf32, #tpu.memory_space<vmem>>, vector<16xf32>,
    %add3A_529 = arith.addf %add3A_526, %get3A_528 : vector<16xf32>
    %get3A_530 = arith.constant 3136 : index
    %get3A_531 = tpu.vector_load %arg15[%get3A_530] {strides = array<i32>} : memref<8192xf32, #tpu.memory_space<vmem>>, vector<16xf32>,
    %add3A_532 = arith.addf %add3A_529, %get3A_531 : vector<16xf32>
    %get3A_533 = arith.constant 3648 : index
    %get3A_534 = tpu.vector_load %arg15[%get3A_533] {strides = array<i32>} : memref<8192xf32, #tpu.memory_space<vmem>>, vector<16xf32>,
    %add3A_535 = arith.addf %add3A_532, %get3A_534 : vector<16xf32>
    %get3A_536 = arith.constant 4160 : index
    %get3A_537 = tpu.vector_load %arg15[%get3A_536] {strides = array<i32>} : memref<8192xf32, #tpu.memory_space<vmem>>, vector<16xf32>,
    %add3A_538 = arith.addf %add3A_535, %get3A_537 : vector<16xf32>
    %get3A_539 = arith.constant 4672 : index
    %get3A_540 = tpu.vector_load %arg15[%get3A_539] {strides = array<i32>} : memref<8192xf32, #tpu.memory_space<vmem>>, vector<16xf32>,
    %add3A_541 = arith.addf %add3A_538, %get3A_540 : vector<16xf32>
    %get3A_542 = arith.constant 5184 : index
    %get3A_543 = tpu.vector_load %arg15[%get3A_542] {strides = array<i32>} : memref<8192xf32, #tpu.memory_space<vmem>>, vector<16xf32>,
    %add3A_544 = arith.addf %add3A_541, %get3A_543 : vector<16xf32>
    %get3A_545 = arith.constant 5696 : index
    %get3A_546 = tpu.vector_load %arg15[%get3A_545] {strides = array<i32>} : memref<8192xf32, #tpu.memory_space<vmem>>, vector<16xf32>,
    %add3A_547 = arith.addf %add3A_544, %get3A_546 : vector<16xf32>
    %get3A_548 = arith.constant 6208 : index
    %get3A_549 = tpu.vector_load %arg15[%get3A_548] {strides = array<i32>} : memref<8192xf32, #tpu.memory_space<vmem>>, vector<16xf32>,
    %add3A_550 = arith.addf %add3A_547, %get3A_549 : vector<16xf32>
    %get3A_551 = arith.constant 6720 : index
    %get3A_552 = tpu.vector_load %arg15[%get3A_551] {strides = array<i32>} : memref<8192xf32, #tpu.memory_space<vmem>>, vector<16xf32>,
    %add3A_553 = arith.addf %add3A_550, %get3A_552 : vector<16xf32>
    %get3A_554 = arith.constant 7232 : index
    %get3A_555 = tpu.vector_load %arg15[%get3A_554] {strides = array<i32>} : memref<8192xf32, #tpu.memory_space<vmem>>, vector<16xf32>,
    %add3A_556 = arith.addf %add3A_553, %get3A_555 : vector<16xf32>
    %get3A_557 = arith.constant 7744 : index
    %get3A_558 = tpu.vector_load %arg15[%get3A_557] {strides = array<i32>} : memref<8192xf32, #tpu.memory_space<vmem>>, vector<16xf32>,
    %add3A_559 = arith.addf %add3A_556, %get3A_558 : vector<16xf32>
    %swap3A_560 = arith.constant 64 : index
    %swap3A_561 = tpu.vector_load %arg14[%swap3A_560] {strides = array<i32>} : memref<512xf32, #tpu.memory_space<vmem>>, vector<16xf32>,
    tpu.vector_store %arg14[%swap3A_560], %add3A_559 {strides = array<i32>} : memref<512xf32, #tpu.memory_space<vmem>>, vector<16xf32>,
    %get3A_562 = arith.constant 80 : index
    %get3A_563 = tpu.vector_load %arg15[%get3A_562] {strides = array<i32>} : memref<8192xf32, #tpu.memory_space<vmem>>, vector<16xf32>,
    %get3A_564 = arith.constant 592 : index
    %get3A_565 = tpu.vector_load %arg15[%get3A_564] {strides = array<i32>} : memref<8192xf32, #tpu.memory_space<vmem>>, vector<16xf32>,
    %add3A_566 = arith.addf %get3A_563, %get3A_565 : vector<16xf32>
    %get3A_567 = arith.constant 1104 : index
    %get3A_568 = tpu.vector_load %arg15[%get3A_567] {strides = array<i32>} : memref<8192xf32, #tpu.memory_space<vmem>>, vector<16xf32>,
    %add3A_569 = arith.addf %add3A_566, %get3A_568 : vector<16xf32>
    %get3A_570 = arith.constant 1616 : index
    %get3A_571 = tpu.vector_load %arg15[%get3A_570] {strides = array<i32>} : memref<8192xf32, #tpu.memory_space<vmem>>, vector<16xf32>,
    %add3A_572 = arith.addf %add3A_569, %get3A_571 : vector<16xf32>
    %get3A_573 = arith.constant 2128 : index
    %get3A_574 = tpu.vector_load %arg15[%get3A_573] {strides = array<i32>} : memref<8192xf32, #tpu.memory_space<vmem>>, vector<16xf32>,
    %add3A_575 = arith.addf %add3A_572, %get3A_574 : vector<16xf32>
    %get3A_576 = arith.constant 2640 : index
    %get3A_577 = tpu.vector_load %arg15[%get3A_576] {strides = array<i32>} : memref<8192xf32, #tpu.memory_space<vmem>>, vector<16xf32>,
    %add3A_578 = arith.addf %add3A_575, %get3A_577 : vector<16xf32>
    %get3A_579 = arith.constant 3152 : index
    %get3A_580 = tpu.vector_load %arg15[%get3A_579] {strides = array<i32>} : memref<8192xf32, #tpu.memory_space<vmem>>, vector<16xf32>,
    %add3A_581 = arith.addf %add3A_578, %get3A_580 : vector<16xf32>
    %get3A_582 = arith.constant 3664 : index
    %get3A_583 = tpu.vector_load %arg15[%get3A_582] {strides = array<i32>} : memref<8192xf32, #tpu.memory_space<vmem>>, vector<16xf32>,
    %add3A_584 = arith.addf %add3A_581, %get3A_583 : vector<16xf32>
    %get3A_585 = arith.constant 4176 : index
    %get3A_586 = tpu.vector_load %arg15[%get3A_585] {strides = array<i32>} : memref<8192xf32, #tpu.memory_space<vmem>>, vector<16xf32>,
    %add3A_587 = arith.addf %add3A_584, %get3A_586 : vector<16xf32>
    %get3A_588 = arith.constant 4688 : index
    %get3A_589 = tpu.vector_load %arg15[%get3A_588] {strides = array<i32>} : memref<8192xf32, #tpu.memory_space<vmem>>, vector<16xf32>,
    %add3A_590 = arith.addf %add3A_587, %get3A_589 : vector<16xf32>
    %get3A_591 = arith.constant 5200 : index
    %get3A_592 = tpu.vector_load %arg15[%get3A_591] {strides = array<i32>} : memref<8192xf32, #tpu.memory_space<vmem>>, vector<16xf32>,
    %add3A_593 = arith.addf %add3A_590, %get3A_592 : vector<16xf32>
    %get3A_594 = arith.constant 5712 : index
    %get3A_595 = tpu.vector_load %arg15[%get3A_594] {strides = array<i32>} : memref<8192xf32, #tpu.memory_space<vmem>>, vector<16xf32>,
    %add3A_596 = arith.addf %add3A_593, %get3A_595 : vector<16xf32>
    %get3A_597 = arith.constant 6224 : index
    %get3A_598 = tpu.vector_load %arg15[%get3A_597] {strides = array<i32>} : memref<8192xf32, #tpu.memory_space<vmem>>, vector<16xf32>,
    %add3A_599 = arith.addf %add3A_596, %get3A_598 : vector<16xf32>
    %get3A_600 = arith.constant 6736 : index
    %get3A_601 = tpu.vector_load %arg15[%get3A_600] {strides = array<i32>} : memref<8192xf32, #tpu.memory_space<vmem>>, vector<16xf32>,
    %add3A_602 = arith.addf %add3A_599, %get3A_601 : vector<16xf32>
    %get3A_603 = arith.constant 7248 : index
    %get3A_604 = tpu.vector_load %arg15[%get3A_603] {strides = array<i32>} : memref<8192xf32, #tpu.memory_space<vmem>>, vector<16xf32>,
    %add3A_605 = arith.addf %add3A_602, %get3A_604 : vector<16xf32>
    %get3A_606 = arith.constant 7760 : index
    %get3A_607 = tpu.vector_load %arg15[%get3A_606] {strides = array<i32>} : memref<8192xf32, #tpu.memory_space<vmem>>, vector<16xf32>,
    %add3A_608 = arith.addf %add3A_605, %get3A_607 : vector<16xf32>
    %swap3A_609 = arith.constant 80 : index
    %swap3A_610 = tpu.vector_load %arg14[%swap3A_609] {strides = array<i32>} : memref<512xf32, #tpu.memory_space<vmem>>, vector<16xf32>,
    tpu.vector_store %arg14[%swap3A_609], %add3A_608 {strides = array<i32>} : memref<512xf32, #tpu.memory_space<vmem>>, vector<16xf32>,
    %get3A_611 = arith.constant 96 : index
    %get3A_612 = tpu.vector_load %arg15[%get3A_611] {strides = array<i32>} : memref<8192xf32, #tpu.memory_space<vmem>>, vector<16xf32>,
    %get3A_613 = arith.constant 608 : index
    %get3A_614 = tpu.vector_load %arg15[%get3A_613] {strides = array<i32>} : memref<8192xf32, #tpu.memory_space<vmem>>, vector<16xf32>,
    %add3A_615 = arith.addf %get3A_612, %get3A_614 : vector<16xf32>
    %get3A_616 = arith.constant 1120 : index
    %get3A_617 = tpu.vector_load %arg15[%get3A_616] {strides = array<i32>} : memref<8192xf32, #tpu.memory_space<vmem>>, vector<16xf32>,
    %add3A_618 = arith.addf %add3A_615, %get3A_617 : vector<16xf32>
    %get3A_619 = arith.constant 1632 : index
    %get3A_620 = tpu.vector_load %arg15[%get3A_619] {strides = array<i32>} : memref<8192xf32, #tpu.memory_space<vmem>>, vector<16xf32>,
    %add3A_621 = arith.addf %add3A_618, %get3A_620 : vector<16xf32>
    %get3A_622 = arith.constant 2144 : index
    %get3A_623 = tpu.vector_load %arg15[%get3A_622] {strides = array<i32>} : memref<8192xf32, #tpu.memory_space<vmem>>, vector<16xf32>,
    %add3A_624 = arith.addf %add3A_621, %get3A_623 : vector<16xf32>
    %get3A_625 = arith.constant 2656 : index
    %get3A_626 = tpu.vector_load %arg15[%get3A_625] {strides = array<i32>} : memref<8192xf32, #tpu.memory_space<vmem>>, vector<16xf32>,
    %add3A_627 = arith.addf %add3A_624, %get3A_626 : vector<16xf32>
    %get3A_628 = arith.constant 3168 : index
    %get3A_629 = tpu.vector_load %arg15[%get3A_628] {strides = array<i32>} : memref<8192xf32, #tpu.memory_space<vmem>>, vector<16xf32>,
    %add3A_630 = arith.addf %add3A_627, %get3A_629 : vector<16xf32>
    %get3A_631 = arith.constant 3680 : index
    %get3A_632 = tpu.vector_load %arg15[%get3A_631] {strides = array<i32>} : memref<8192xf32, #tpu.memory_space<vmem>>, vector<16xf32>,
    %add3A_633 = arith.addf %add3A_630, %get3A_632 : vector<16xf32>
    %get3A_634 = arith.constant 4192 : index
    %get3A_635 = tpu.vector_load %arg15[%get3A_634] {strides = array<i32>} : memref<8192xf32, #tpu.memory_space<vmem>>, vector<16xf32>,
    %add3A_636 = arith.addf %add3A_633, %get3A_635 : vector<16xf32>
    %get3A_637 = arith.constant 4704 : index
    %get3A_638 = tpu.vector_load %arg15[%get3A_637] {strides = array<i32>} : memref<8192xf32, #tpu.memory_space<vmem>>, vector<16xf32>,
    %add3A_639 = arith.addf %add3A_636, %get3A_638 : vector<16xf32>
    %get3A_640 = arith.constant 5216 : index
    %get3A_641 = tpu.vector_load %arg15[%get3A_640] {strides = array<i32>} : memref<8192xf32, #tpu.memory_space<vmem>>, vector<16xf32>,
    %add3A_642 = arith.addf %add3A_639, %get3A_641 : vector<16xf32>
    %get3A_643 = arith.constant 5728 : index
    %get3A_644 = tpu.vector_load %arg15[%get3A_643] {strides = array<i32>} : memref<8192xf32, #tpu.memory_space<vmem>>, vector<16xf32>,
    %add3A_645 = arith.addf %add3A_642, %get3A_644 : vector<16xf32>
    %get3A_646 = arith.constant 6240 : index
    %get3A_647 = tpu.vector_load %arg15[%get3A_646] {strides = array<i32>} : memref<8192xf32, #tpu.memory_space<vmem>>, vector<16xf32>,
    %add3A_648 = arith.addf %add3A_645, %get3A_647 : vector<16xf32>
    %get3A_649 = arith.constant 6752 : index
    %get3A_650 = tpu.vector_load %arg15[%get3A_649] {strides = array<i32>} : memref<8192xf32, #tpu.memory_space<vmem>>, vector<16xf32>,
    %add3A_651 = arith.addf %add3A_648, %get3A_650 : vector<16xf32>
    %get3A_652 = arith.constant 7264 : index
    %get3A_653 = tpu.vector_load %arg15[%get3A_652] {strides = array<i32>} : memref<8192xf32, #tpu.memory_space<vmem>>, vector<16xf32>,
    %add3A_654 = arith.addf %add3A_651, %get3A_653 : vector<16xf32>
    %get3A_655 = arith.constant 7776 : index
    %get3A_656 = tpu.vector_load %arg15[%get3A_655] {strides = array<i32>} : memref<8192xf32, #tpu.memory_space<vmem>>, vector<16xf32>,
    %add3A_657 = arith.addf %add3A_654, %get3A_656 : vector<16xf32>
    %swap3A_658 = arith.constant 96 : index
    %swap3A_659 = tpu.vector_load %arg14[%swap3A_658] {strides = array<i32>} : memref<512xf32, #tpu.memory_space<vmem>>, vector<16xf32>,
    tpu.vector_store %arg14[%swap3A_658], %add3A_657 {strides = array<i32>} : memref<512xf32, #tpu.memory_space<vmem>>, vector<16xf32>,
    %get3A_660 = arith.constant 112 : index
    %get3A_661 = tpu.vector_load %arg15[%get3A_660] {strides = array<i32>} : memref<8192xf32, #tpu.memory_space<vmem>>, vector<16xf32>,
    %get3A_662 = arith.constant 624 : index
    %get3A_663 = tpu.vector_load %arg15[%get3A_662] {strides = array<i32>} : memref<8192xf32, #tpu.memory_space<vmem>>, vector<16xf32>,
    %add3A_664 = arith.addf %get3A_661, %get3A_663 : vector<16xf32>
    %get3A_665 = arith.constant 1136 : index
    %get3A_666 = tpu.vector_load %arg15[%get3A_665] {strides = array<i32>} : memref<8192xf32, #tpu.memory_space<vmem>>, vector<16xf32>,
    %add3A_667 = arith.addf %add3A_664, %get3A_666 : vector<16xf32>
    %get3A_668 = arith.constant 1648 : index
    %get3A_669 = tpu.vector_load %arg15[%get3A_668] {strides = array<i32>} : memref<8192xf32, #tpu.memory_space<vmem>>, vector<16xf32>,
    %add3A_670 = arith.addf %add3A_667, %get3A_669 : vector<16xf32>
    %get3A_671 = arith.constant 2160 : index
    %get3A_672 = tpu.vector_load %arg15[%get3A_671] {strides = array<i32>} : memref<8192xf32, #tpu.memory_space<vmem>>, vector<16xf32>,
    %add3A_673 = arith.addf %add3A_670, %get3A_672 : vector<16xf32>
    %get3A_674 = arith.constant 2672 : index
    %get3A_675 = tpu.vector_load %arg15[%get3A_674] {strides = array<i32>} : memref<8192xf32, #tpu.memory_space<vmem>>, vector<16xf32>,
    %add3A_676 = arith.addf %add3A_673, %get3A_675 : vector<16xf32>
    %get3A_677 = arith.constant 3184 : index
    %get3A_678 = tpu.vector_load %arg15[%get3A_677] {strides = array<i32>} : memref<8192xf32, #tpu.memory_space<vmem>>, vector<16xf32>,
    %add3A_679 = arith.addf %add3A_676, %get3A_678 : vector<16xf32>
    %get3A_680 = arith.constant 3696 : index
    %get3A_681 = tpu.vector_load %arg15[%get3A_680] {strides = array<i32>} : memref<8192xf32, #tpu.memory_space<vmem>>, vector<16xf32>,
    %add3A_682 = arith.addf %add3A_679, %get3A_681 : vector<16xf32>
    %get3A_683 = arith.constant 4208 : index
    %get3A_684 = tpu.vector_load %arg15[%get3A_683] {strides = array<i32>} : memref<8192xf32, #tpu.memory_space<vmem>>, vector<16xf32>,
    %add3A_685 = arith.addf %add3A_682, %get3A_684 : vector<16xf32>
    %get3A_686 = arith.constant 4720 : index
    %get3A_687 = tpu.vector_load %arg15[%get3A_686] {strides = array<i32>} : memref<8192xf32, #tpu.memory_space<vmem>>, vector<16xf32>,
    %add3A_688 = arith.addf %add3A_685, %get3A_687 : vector<16xf32>
    %get3A_689 = arith.constant 5232 : index
    %get3A_690 = tpu.vector_load %arg15[%get3A_689] {strides = array<i32>} : memref<8192xf32, #tpu.memory_space<vmem>>, vector<16xf32>,
    %add3A_691 = arith.addf %add3A_688, %get3A_690 : vector<16xf32>
    %get3A_692 = arith.constant 5744 : index
    %get3A_693 = tpu.vector_load %arg15[%get3A_692] {strides = array<i32>} : memref<8192xf32, #tpu.memory_space<vmem>>, vector<16xf32>,
    %add3A_694 = arith.addf %add3A_691, %get3A_693 : vector<16xf32>
    %get3A_695 = arith.constant 6256 : index
    %get3A_696 = tpu.vector_load %arg15[%get3A_695] {strides = array<i32>} : memref<8192xf32, #tpu.memory_space<vmem>>, vector<16xf32>,
    %add3A_697 = arith.addf %add3A_694, %get3A_696 : vector<16xf32>
    %get3A_698 = arith.constant 6768 : index
    %get3A_699 = tpu.vector_load %arg15[%get3A_698] {strides = array<i32>} : memref<8192xf32, #tpu.memory_space<vmem>>, vector<16xf32>,
    %add3A_700 = arith.addf %add3A_697, %get3A_699 : vector<16xf32>
    %get3A_701 = arith.constant 7280 : index
    %get3A_702 = tpu.vector_load %arg15[%get3A_701] {strides = array<i32>} : memref<8192xf32, #tpu.memory_space<vmem>>, vector<16xf32>,
    %add3A_703 = arith.addf %add3A_700, %get3A_702 : vector<16xf32>
    %get3A_704 = arith.constant 7792 : index
    %get3A_705 = tpu.vector_load %arg15[%get3A_704] {strides = array<i32>} : memref<8192xf32, #tpu.memory_space<vmem>>, vector<16xf32>,
    %add3A_706 = arith.addf %add3A_703, %get3A_705 : vector<16xf32>
    %swap3A_707 = arith.constant 112 : index
    %swap3A_708 = tpu.vector_load %arg14[%swap3A_707] {strides = array<i32>} : memref<512xf32, #tpu.memory_space<vmem>>, vector<16xf32>,
    tpu.vector_store %arg14[%swap3A_707], %add3A_706 {strides = array<i32>} : memref<512xf32, #tpu.memory_space<vmem>>, vector<16xf32>,
    %get3A_709 = arith.constant 128 : index
    %get3A_710 = tpu.vector_load %arg15[%get3A_709] {strides = array<i32>} : memref<8192xf32, #tpu.memory_space<vmem>>, vector<16xf32>,
    %get3A_711 = arith.constant 640 : index
    %get3A_712 = tpu.vector_load %arg15[%get3A_711] {strides = array<i32>} : memref<8192xf32, #tpu.memory_space<vmem>>, vector<16xf32>,
    %add3A_713 = arith.addf %get3A_710, %get3A_712 : vector<16xf32>
    %get3A_714 = arith.constant 1152 : index
    %get3A_715 = tpu.vector_load %arg15[%get3A_714] {strides = array<i32>} : memref<8192xf32, #tpu.memory_space<vmem>>, vector<16xf32>,
    %add3A_716 = arith.addf %add3A_713, %get3A_715 : vector<16xf32>
    %get3A_717 = arith.constant 1664 : index
    %get3A_718 = tpu.vector_load %arg15[%get3A_717] {strides = array<i32>} : memref<8192xf32, #tpu.memory_space<vmem>>, vector<16xf32>,
    %add3A_719 = arith.addf %add3A_716, %get3A_718 : vector<16xf32>
    %get3A_720 = arith.constant 2176 : index
    %get3A_721 = tpu.vector_load %arg15[%get3A_720] {strides = array<i32>} : memref<8192xf32, #tpu.memory_space<vmem>>, vector<16xf32>,
    %add3A_722 = arith.addf %add3A_719, %get3A_721 : vector<16xf32>
    %get3A_723 = arith.constant 2688 : index
    %get3A_724 = tpu.vector_load %arg15[%get3A_723] {strides = array<i32>} : memref<8192xf32, #tpu.memory_space<vmem>>, vector<16xf32>,
    %add3A_725 = arith.addf %add3A_722, %get3A_724 : vector<16xf32>
    %get3A_726 = arith.constant 3200 : index
    %get3A_727 = tpu.vector_load %arg15[%get3A_726] {strides = array<i32>} : memref<8192xf32, #tpu.memory_space<vmem>>, vector<16xf32>,
    %add3A_728 = arith.addf %add3A_725, %get3A_727 : vector<16xf32>
    %get3A_729 = arith.constant 3712 : index
    %get3A_730 = tpu.vector_load %arg15[%get3A_729] {strides = array<i32>} : memref<8192xf32, #tpu.memory_space<vmem>>, vector<16xf32>,
    %add3A_731 = arith.addf %add3A_728, %get3A_730 : vector<16xf32>
    %get3A_732 = arith.constant 4224 : index
    %get3A_733 = tpu.vector_load %arg15[%get3A_732] {strides = array<i32>} : memref<8192xf32, #tpu.memory_space<vmem>>, vector<16xf32>,
    %add3A_734 = arith.addf %add3A_731, %get3A_733 : vector<16xf32>
    %get3A_735 = arith.constant 4736 : index
    %get3A_736 = tpu.vector_load %arg15[%get3A_735] {strides = array<i32>} : memref<8192xf32, #tpu.memory_space<vmem>>, vector<16xf32>,
    %add3A_737 = arith.addf %add3A_734, %get3A_736 : vector<16xf32>
    %get3A_738 = arith.constant 5248 : index
    %get3A_739 = tpu.vector_load %arg15[%get3A_738] {strides = array<i32>} : memref<8192xf32, #tpu.memory_space<vmem>>, vector<16xf32>,
    %add3A_740 = arith.addf %add3A_737, %get3A_739 : vector<16xf32>
    %get3A_741 = arith.constant 5760 : index
    %get3A_742 = tpu.vector_load %arg15[%get3A_741] {strides = array<i32>} : memref<8192xf32, #tpu.memory_space<vmem>>, vector<16xf32>,
    %add3A_743 = arith.addf %add3A_740, %get3A_742 : vector<16xf32>
    %get3A_744 = arith.constant 6272 : index
    %get3A_745 = tpu.vector_load %arg15[%get3A_744] {strides = array<i32>} : memref<8192xf32, #tpu.memory_space<vmem>>, vector<16xf32>,
    %add3A_746 = arith.addf %add3A_743, %get3A_745 : vector<16xf32>
    %get3A_747 = arith.constant 6784 : index
    %get3A_748 = tpu.vector_load %arg15[%get3A_747] {strides = array<i32>} : memref<8192xf32, #tpu.memory_space<vmem>>, vector<16xf32>,
    %add3A_749 = arith.addf %add3A_746, %get3A_748 : vector<16xf32>
    %get3A_750 = arith.constant 7296 : index
    %get3A_751 = tpu.vector_load %arg15[%get3A_750] {strides = array<i32>} : memref<8192xf32, #tpu.memory_space<vmem>>, vector<16xf32>,
    %add3A_752 = arith.addf %add3A_749, %get3A_751 : vector<16xf32>
    %get3A_753 = arith.constant 7808 : index
    %get3A_754 = tpu.vector_load %arg15[%get3A_753] {strides = array<i32>} : memref<8192xf32, #tpu.memory_space<vmem>>, vector<16xf32>,
    %add3A_755 = arith.addf %add3A_752, %get3A_754 : vector<16xf32>
    %swap3A_756 = arith.constant 128 : index
    %swap3A_757 = tpu.vector_load %arg14[%swap3A_756] {strides = array<i32>} : memref<512xf32, #tpu.memory_space<vmem>>, vector<16xf32>,
    tpu.vector_store %arg14[%swap3A_756], %add3A_755 {strides = array<i32>} : memref<512xf32, #tpu.memory_space<vmem>>, vector<16xf32>,
    %get3A_758 = arith.constant 144 : index
    %get3A_759 = tpu.vector_load %arg15[%get3A_758] {strides = array<i32>} : memref<8192xf32, #tpu.memory_space<vmem>>, vector<16xf32>,
    %get3A_760 = arith.constant 656 : index
    %get3A_761 = tpu.vector_load %arg15[%get3A_760] {strides = array<i32>} : memref<8192xf32, #tpu.memory_space<vmem>>, vector<16xf32>,
    %add3A_762 = arith.addf %get3A_759, %get3A_761 : vector<16xf32>
    %get3A_763 = arith.constant 1168 : index
    %get3A_764 = tpu.vector_load %arg15[%get3A_763] {strides = array<i32>} : memref<8192xf32, #tpu.memory_space<vmem>>, vector<16xf32>,
    %add3A_765 = arith.addf %add3A_762, %get3A_764 : vector<16xf32>
    %get3A_766 = arith.constant 1680 : index
    %get3A_767 = tpu.vector_load %arg15[%get3A_766] {strides = array<i32>} : memref<8192xf32, #tpu.memory_space<vmem>>, vector<16xf32>,
    %add3A_768 = arith.addf %add3A_765, %get3A_767 : vector<16xf32>
    %get3A_769 = arith.constant 2192 : index
    %get3A_770 = tpu.vector_load %arg15[%get3A_769] {strides = array<i32>} : memref<8192xf32, #tpu.memory_space<vmem>>, vector<16xf32>,
    %add3A_771 = arith.addf %add3A_768, %get3A_770 : vector<16xf32>
    %get3A_772 = arith.constant 2704 : index
    %get3A_773 = tpu.vector_load %arg15[%get3A_772] {strides = array<i32>} : memref<8192xf32, #tpu.memory_space<vmem>>, vector<16xf32>,
    %add3A_774 = arith.addf %add3A_771, %get3A_773 : vector<16xf32>
    %get3A_775 = arith.constant 3216 : index
    %get3A_776 = tpu.vector_load %arg15[%get3A_775] {strides = array<i32>} : memref<8192xf32, #tpu.memory_space<vmem>>, vector<16xf32>,
    %add3A_777 = arith.addf %add3A_774, %get3A_776 : vector<16xf32>
    %get3A_778 = arith.constant 3728 : index
    %get3A_779 = tpu.vector_load %arg15[%get3A_778] {strides = array<i32>} : memref<8192xf32, #tpu.memory_space<vmem>>, vector<16xf32>,
    %add3A_780 = arith.addf %add3A_777, %get3A_779 : vector<16xf32>
    %get3A_781 = arith.constant 4240 : index
    %get3A_782 = tpu.vector_load %arg15[%get3A_781] {strides = array<i32>} : memref<8192xf32, #tpu.memory_space<vmem>>, vector<16xf32>,
    %add3A_783 = arith.addf %add3A_780, %get3A_782 : vector<16xf32>
    %get3A_784 = arith.constant 4752 : index
    %get3A_785 = tpu.vector_load %arg15[%get3A_784] {strides = array<i32>} : memref<8192xf32, #tpu.memory_space<vmem>>, vector<16xf32>,
    %add3A_786 = arith.addf %add3A_783, %get3A_785 : vector<16xf32>
    %get3A_787 = arith.constant 5264 : index
    %get3A_788 = tpu.vector_load %arg15[%get3A_787] {strides = array<i32>} : memref<8192xf32, #tpu.memory_space<vmem>>, vector<16xf32>,
    %add3A_789 = arith.addf %add3A_786, %get3A_788 : vector<16xf32>
    %get3A_790 = arith.constant 5776 : index
    %get3A_791 = tpu.vector_load %arg15[%get3A_790] {strides = array<i32>} : memref<8192xf32, #tpu.memory_space<vmem>>, vector<16xf32>,
    %add3A_792 = arith.addf %add3A_789, %get3A_791 : vector<16xf32>
    %get3A_793 = arith.constant 6288 : index
    %get3A_794 = tpu.vector_load %arg15[%get3A_793] {strides = array<i32>} : memref<8192xf32, #tpu.memory_space<vmem>>, vector<16xf32>,
    %add3A_795 = arith.addf %add3A_792, %get3A_794 : vector<16xf32>
    %get3A_796 = arith.constant 6800 : index
    %get3A_797 = tpu.vector_load %arg15[%get3A_796] {strides = array<i32>} : memref<8192xf32, #tpu.memory_space<vmem>>, vector<16xf32>,
    %add3A_798 = arith.addf %add3A_795, %get3A_797 : vector<16xf32>
    %get3A_799 = arith.constant 7312 : index
    %get3A_800 = tpu.vector_load %arg15[%get3A_799] {strides = array<i32>} : memref<8192xf32, #tpu.memory_space<vmem>>, vector<16xf32>,
    %add3A_801 = arith.addf %add3A_798, %get3A_800 : vector<16xf32>
    %get3A_802 = arith.constant 7824 : index
    %get3A_803 = tpu.vector_load %arg15[%get3A_802] {strides = array<i32>} : memref<8192xf32, #tpu.memory_space<vmem>>, vector<16xf32>,
    %add3A_804 = arith.addf %add3A_801, %get3A_803 : vector<16xf32>
    %swap3A_805 = arith.constant 144 : index
    %swap3A_806 = tpu.vector_load %arg14[%swap3A_805] {strides = array<i32>} : memref<512xf32, #tpu.memory_space<vmem>>, vector<16xf32>,
    tpu.vector_store %arg14[%swap3A_805], %add3A_804 {strides = array<i32>} : memref<512xf32, #tpu.memory_space<vmem>>, vector<16xf32>,
    %get3A_807 = arith.constant 160 : index
    %get3A_808 = tpu.vector_load %arg15[%get3A_807] {strides = array<i32>} : memref<8192xf32, #tpu.memory_space<vmem>>, vector<16xf32>,
    %get3A_809 = arith.constant 672 : index
    %get3A_810 = tpu.vector_load %arg15[%get3A_809] {strides = array<i32>} : memref<8192xf32, #tpu.memory_space<vmem>>, vector<16xf32>,
    %add3A_811 = arith.addf %get3A_808, %get3A_810 : vector<16xf32>
    %get3A_812 = arith.constant 1184 : index
    %get3A_813 = tpu.vector_load %arg15[%get3A_812] {strides = array<i32>} : memref<8192xf32, #tpu.memory_space<vmem>>, vector<16xf32>,
    %add3A_814 = arith.addf %add3A_811, %get3A_813 : vector<16xf32>
    %get3A_815 = arith.constant 1696 : index
    %get3A_816 = tpu.vector_load %arg15[%get3A_815] {strides = array<i32>} : memref<8192xf32, #tpu.memory_space<vmem>>, vector<16xf32>,
    %add3A_817 = arith.addf %add3A_814, %get3A_816 : vector<16xf32>
    %get3A_818 = arith.constant 2208 : index
    %get3A_819 = tpu.vector_load %arg15[%get3A_818] {strides = array<i32>} : memref<8192xf32, #tpu.memory_space<vmem>>, vector<16xf32>,
    %add3A_820 = arith.addf %add3A_817, %get3A_819 : vector<16xf32>
    %get3A_821 = arith.constant 2720 : index
    %get3A_822 = tpu.vector_load %arg15[%get3A_821] {strides = array<i32>} : memref<8192xf32, #tpu.memory_space<vmem>>, vector<16xf32>,
    %add3A_823 = arith.addf %add3A_820, %get3A_822 : vector<16xf32>
    %get3A_824 = arith.constant 3232 : index
    %get3A_825 = tpu.vector_load %arg15[%get3A_824] {strides = array<i32>} : memref<8192xf32, #tpu.memory_space<vmem>>, vector<16xf32>,
    %add3A_826 = arith.addf %add3A_823, %get3A_825 : vector<16xf32>
    %get3A_827 = arith.constant 3744 : index
    %get3A_828 = tpu.vector_load %arg15[%get3A_827] {strides = array<i32>} : memref<8192xf32, #tpu.memory_space<vmem>>, vector<16xf32>,
    %add3A_829 = arith.addf %add3A_826, %get3A_828 : vector<16xf32>
    %get3A_830 = arith.constant 4256 : index
    %get3A_831 = tpu.vector_load %arg15[%get3A_830] {strides = array<i32>} : memref<8192xf32, #tpu.memory_space<vmem>>, vector<16xf32>,
    %add3A_832 = arith.addf %add3A_829, %get3A_831 : vector<16xf32>
    %get3A_833 = arith.constant 4768 : index
    %get3A_834 = tpu.vector_load %arg15[%get3A_833] {strides = array<i32>} : memref<8192xf32, #tpu.memory_space<vmem>>, vector<16xf32>,
    %add3A_835 = arith.addf %add3A_832, %get3A_834 : vector<16xf32>
    %get3A_836 = arith.constant 5280 : index
    %get3A_837 = tpu.vector_load %arg15[%get3A_836] {strides = array<i32>} : memref<8192xf32, #tpu.memory_space<vmem>>, vector<16xf32>,
    %add3A_838 = arith.addf %add3A_835, %get3A_837 : vector<16xf32>
    %get3A_839 = arith.constant 5792 : index
    %get3A_840 = tpu.vector_load %arg15[%get3A_839] {strides = array<i32>} : memref<8192xf32, #tpu.memory_space<vmem>>, vector<16xf32>,
    %add3A_841 = arith.addf %add3A_838, %get3A_840 : vector<16xf32>
    %get3A_842 = arith.constant 6304 : index
    %get3A_843 = tpu.vector_load %arg15[%get3A_842] {strides = array<i32>} : memref<8192xf32, #tpu.memory_space<vmem>>, vector<16xf32>,
    %add3A_844 = arith.addf %add3A_841, %get3A_843 : vector<16xf32>
    %get3A_845 = arith.constant 6816 : index
    %get3A_846 = tpu.vector_load %arg15[%get3A_845] {strides = array<i32>} : memref<8192xf32, #tpu.memory_space<vmem>>, vector<16xf32>,
    %add3A_847 = arith.addf %add3A_844, %get3A_846 : vector<16xf32>
    %get3A_848 = arith.constant 7328 : index
    %get3A_849 = tpu.vector_load %arg15[%get3A_848] {strides = array<i32>} : memref<8192xf32, #tpu.memory_space<vmem>>, vector<16xf32>,
    %add3A_850 = arith.addf %add3A_847, %get3A_849 : vector<16xf32>
    %get3A_851 = arith.constant 7840 : index
    %get3A_852 = tpu.vector_load %arg15[%get3A_851] {strides = array<i32>} : memref<8192xf32, #tpu.memory_space<vmem>>, vector<16xf32>,
    %add3A_853 = arith.addf %add3A_850, %get3A_852 : vector<16xf32>
    %swap3A_854 = arith.constant 160 : index
    %swap3A_855 = tpu.vector_load %arg14[%swap3A_854] {strides = array<i32>} : memref<512xf32, #tpu.memory_space<vmem>>, vector<16xf32>,
    tpu.vector_store %arg14[%swap3A_854], %add3A_853 {strides = array<i32>} : memref<512xf32, #tpu.memory_space<vmem>>, vector<16xf32>,
    %get3A_856 = arith.constant 176 : index
    %get3A_857 = tpu.vector_load %arg15[%get3A_856] {strides = array<i32>} : memref<8192xf32, #tpu.memory_space<vmem>>, vector<16xf32>,
    %get3A_858 = arith.constant 688 : index
    %get3A_859 = tpu.vector_load %arg15[%get3A_858] {strides = array<i32>} : memref<8192xf32, #tpu.memory_space<vmem>>, vector<16xf32>,
    %add3A_860 = arith.addf %get3A_857, %get3A_859 : vector<16xf32>
    %get3A_861 = arith.constant 1200 : index
    %get3A_862 = tpu.vector_load %arg15[%get3A_861] {strides = array<i32>} : memref<8192xf32, #tpu.memory_space<vmem>>, vector<16xf32>,
    %add3A_863 = arith.addf %add3A_860, %get3A_862 : vector<16xf32>
    %get3A_864 = arith.constant 1712 : index
    %get3A_865 = tpu.vector_load %arg15[%get3A_864] {strides = array<i32>} : memref<8192xf32, #tpu.memory_space<vmem>>, vector<16xf32>,
    %add3A_866 = arith.addf %add3A_863, %get3A_865 : vector<16xf32>
    %get3A_867 = arith.constant 2224 : index
    %get3A_868 = tpu.vector_load %arg15[%get3A_867] {strides = array<i32>} : memref<8192xf32, #tpu.memory_space<vmem>>, vector<16xf32>,
    %add3A_869 = arith.addf %add3A_866, %get3A_868 : vector<16xf32>
    %get3A_870 = arith.constant 2736 : index
    %get3A_871 = tpu.vector_load %arg15[%get3A_870] {strides = array<i32>} : memref<8192xf32, #tpu.memory_space<vmem>>, vector<16xf32>,
    %add3A_872 = arith.addf %add3A_869, %get3A_871 : vector<16xf32>
    %get3A_873 = arith.constant 3248 : index
    %get3A_874 = tpu.vector_load %arg15[%get3A_873] {strides = array<i32>} : memref<8192xf32, #tpu.memory_space<vmem>>, vector<16xf32>,
    %add3A_875 = arith.addf %add3A_872, %get3A_874 : vector<16xf32>
    %get3A_876 = arith.constant 3760 : index
    %get3A_877 = tpu.vector_load %arg15[%get3A_876] {strides = array<i32>} : memref<8192xf32, #tpu.memory_space<vmem>>, vector<16xf32>,
    %add3A_878 = arith.addf %add3A_875, %get3A_877 : vector<16xf32>
    %get3A_879 = arith.constant 4272 : index
    %get3A_880 = tpu.vector_load %arg15[%get3A_879] {strides = array<i32>} : memref<8192xf32, #tpu.memory_space<vmem>>, vector<16xf32>,
    %add3A_881 = arith.addf %add3A_878, %get3A_880 : vector<16xf32>
    %get3A_882 = arith.constant 4784 : index
    %get3A_883 = tpu.vector_load %arg15[%get3A_882] {strides = array<i32>} : memref<8192xf32, #tpu.memory_space<vmem>>, vector<16xf32>,
    %add3A_884 = arith.addf %add3A_881, %get3A_883 : vector<16xf32>
    %get3A_885 = arith.constant 5296 : index
    %get3A_886 = tpu.vector_load %arg15[%get3A_885] {strides = array<i32>} : memref<8192xf32, #tpu.memory_space<vmem>>, vector<16xf32>,
    %add3A_887 = arith.addf %add3A_884, %get3A_886 : vector<16xf32>
    %get3A_888 = arith.constant 5808 : index
    %get3A_889 = tpu.vector_load %arg15[%get3A_888] {strides = array<i32>} : memref<8192xf32, #tpu.memory_space<vmem>>, vector<16xf32>,
    %add3A_890 = arith.addf %add3A_887, %get3A_889 : vector<16xf32>
    %get3A_891 = arith.constant 6320 : index
    %get3A_892 = tpu.vector_load %arg15[%get3A_891] {strides = array<i32>} : memref<8192xf32, #tpu.memory_space<vmem>>, vector<16xf32>,
    %add3A_893 = arith.addf %add3A_890, %get3A_892 : vector<16xf32>
    %get3A_894 = arith.constant 6832 : index
    %get3A_895 = tpu.vector_load %arg15[%get3A_894] {strides = array<i32>} : memref<8192xf32, #tpu.memory_space<vmem>>, vector<16xf32>,
    %add3A_896 = arith.addf %add3A_893, %get3A_895 : vector<16xf32>
    %get3A_897 = arith.constant 7344 : index
    %get3A_898 = tpu.vector_load %arg15[%get3A_897] {strides = array<i32>} : memref<8192xf32, #tpu.memory_space<vmem>>, vector<16xf32>,
    %add3A_899 = arith.addf %add3A_896, %get3A_898 : vector<16xf32>
    %get3A_900 = arith.constant 7856 : index
    %get3A_901 = tpu.vector_load %arg15[%get3A_900] {strides = array<i32>} : memref<8192xf32, #tpu.memory_space<vmem>>, vector<16xf32>,
    %add3A_902 = arith.addf %add3A_899, %get3A_901 : vector<16xf32>
    %swap3A_903 = arith.constant 176 : index
    %swap3A_904 = tpu.vector_load %arg14[%swap3A_903] {strides = array<i32>} : memref<512xf32, #tpu.memory_space<vmem>>, vector<16xf32>,
    tpu.vector_store %arg14[%swap3A_903], %add3A_902 {strides = array<i32>} : memref<512xf32, #tpu.memory_space<vmem>>, vector<16xf32>,
    %get3A_905 = arith.constant 192 : index
    %get3A_906 = tpu.vector_load %arg15[%get3A_905] {strides = array<i32>} : memref<8192xf32, #tpu.memory_space<vmem>>, vector<16xf32>,
    %get3A_907 = arith.constant 704 : index
    %get3A_908 = tpu.vector_load %arg15[%get3A_907] {strides = array<i32>} : memref<8192xf32, #tpu.memory_space<vmem>>, vector<16xf32>,
    %add3A_909 = arith.addf %get3A_906, %get3A_908 : vector<16xf32>
    %get3A_910 = arith.constant 1216 : index
    %get3A_911 = tpu.vector_load %arg15[%get3A_910] {strides = array<i32>} : memref<8192xf32, #tpu.memory_space<vmem>>, vector<16xf32>,
    %add3A_912 = arith.addf %add3A_909, %get3A_911 : vector<16xf32>
    %get3A_913 = arith.constant 1728 : index
    %get3A_914 = tpu.vector_load %arg15[%get3A_913] {strides = array<i32>} : memref<8192xf32, #tpu.memory_space<vmem>>, vector<16xf32>,
    %add3A_915 = arith.addf %add3A_912, %get3A_914 : vector<16xf32>
    %get3A_916 = arith.constant 2240 : index
    %get3A_917 = tpu.vector_load %arg15[%get3A_916] {strides = array<i32>} : memref<8192xf32, #tpu.memory_space<vmem>>, vector<16xf32>,
    %add3A_918 = arith.addf %add3A_915, %get3A_917 : vector<16xf32>
    %get3A_919 = arith.constant 2752 : index
    %get3A_920 = tpu.vector_load %arg15[%get3A_919] {strides = array<i32>} : memref<8192xf32, #tpu.memory_space<vmem>>, vector<16xf32>,
    %add3A_921 = arith.addf %add3A_918, %get3A_920 : vector<16xf32>
    %get3A_922 = arith.constant 3264 : index
    %get3A_923 = tpu.vector_load %arg15[%get3A_922] {strides = array<i32>} : memref<8192xf32, #tpu.memory_space<vmem>>, vector<16xf32>,
    %add3A_924 = arith.addf %add3A_921, %get3A_923 : vector<16xf32>
    %get3A_925 = arith.constant 3776 : index
    %get3A_926 = tpu.vector_load %arg15[%get3A_925] {strides = array<i32>} : memref<8192xf32, #tpu.memory_space<vmem>>, vector<16xf32>,
    %add3A_927 = arith.addf %add3A_924, %get3A_926 : vector<16xf32>
    %get3A_928 = arith.constant 4288 : index
    %get3A_929 = tpu.vector_load %arg15[%get3A_928] {strides = array<i32>} : memref<8192xf32, #tpu.memory_space<vmem>>, vector<16xf32>,
    %add3A_930 = arith.addf %add3A_927, %get3A_929 : vector<16xf32>
    %get3A_931 = arith.constant 4800 : index
    %get3A_932 = tpu.vector_load %arg15[%get3A_931] {strides = array<i32>} : memref<8192xf32, #tpu.memory_space<vmem>>, vector<16xf32>,
    %add3A_933 = arith.addf %add3A_930, %get3A_932 : vector<16xf32>
    %get3A_934 = arith.constant 5312 : index
    %get3A_935 = tpu.vector_load %arg15[%get3A_934] {strides = array<i32>} : memref<8192xf32, #tpu.memory_space<vmem>>, vector<16xf32>,
    %add3A_936 = arith.addf %add3A_933, %get3A_935 : vector<16xf32>
    %get3A_937 = arith.constant 5824 : index
    %get3A_938 = tpu.vector_load %arg15[%get3A_937] {strides = array<i32>} : memref<8192xf32, #tpu.memory_space<vmem>>, vector<16xf32>,
    %add3A_939 = arith.addf %add3A_936, %get3A_938 : vector<16xf32>
    %get3A_940 = arith.constant 6336 : index
    %get3A_941 = tpu.vector_load %arg15[%get3A_940] {strides = array<i32>} : memref<8192xf32, #tpu.memory_space<vmem>>, vector<16xf32>,
    %add3A_942 = arith.addf %add3A_939, %get3A_941 : vector<16xf32>
    %get3A_943 = arith.constant 6848 : index
    %get3A_944 = tpu.vector_load %arg15[%get3A_943] {strides = array<i32>} : memref<8192xf32, #tpu.memory_space<vmem>>, vector<16xf32>,
    %add3A_945 = arith.addf %add3A_942, %get3A_944 : vector<16xf32>
    %get3A_946 = arith.constant 7360 : index
    %get3A_947 = tpu.vector_load %arg15[%get3A_946] {strides = array<i32>} : memref<8192xf32, #tpu.memory_space<vmem>>, vector<16xf32>,
    %add3A_948 = arith.addf %add3A_945, %get3A_947 : vector<16xf32>
    %get3A_949 = arith.constant 7872 : index
    %get3A_950 = tpu.vector_load %arg15[%get3A_949] {strides = array<i32>} : memref<8192xf32, #tpu.memory_space<vmem>>, vector<16xf32>,
    %add3A_951 = arith.addf %add3A_948, %get3A_950 : vector<16xf32>
    %swap3A_952 = arith.constant 192 : index
    %swap3A_953 = tpu.vector_load %arg14[%swap3A_952] {strides = array<i32>} : memref<512xf32, #tpu.memory_space<vmem>>, vector<16xf32>,
    tpu.vector_store %arg14[%swap3A_952], %add3A_951 {strides = array<i32>} : memref<512xf32, #tpu.memory_space<vmem>>, vector<16xf32>,
    %get3A_954 = arith.constant 208 : index
    %get3A_955 = tpu.vector_load %arg15[%get3A_954] {strides = array<i32>} : memref<8192xf32, #tpu.memory_space<vmem>>, vector<16xf32>,
    %get3A_956 = arith.constant 720 : index
    %get3A_957 = tpu.vector_load %arg15[%get3A_956] {strides = array<i32>} : memref<8192xf32, #tpu.memory_space<vmem>>, vector<16xf32>,
    %add3A_958 = arith.addf %get3A_955, %get3A_957 : vector<16xf32>
    %get3A_959 = arith.constant 1232 : index
    %get3A_960 = tpu.vector_load %arg15[%get3A_959] {strides = array<i32>} : memref<8192xf32, #tpu.memory_space<vmem>>, vector<16xf32>,
    %add3A_961 = arith.addf %add3A_958, %get3A_960 : vector<16xf32>
    %get3A_962 = arith.constant 1744 : index
    %get3A_963 = tpu.vector_load %arg15[%get3A_962] {strides = array<i32>} : memref<8192xf32, #tpu.memory_space<vmem>>, vector<16xf32>,
    %add3A_964 = arith.addf %add3A_961, %get3A_963 : vector<16xf32>
    %get3A_965 = arith.constant 2256 : index
    %get3A_966 = tpu.vector_load %arg15[%get3A_965] {strides = array<i32>} : memref<8192xf32, #tpu.memory_space<vmem>>, vector<16xf32>,
    %add3A_967 = arith.addf %add3A_964, %get3A_966 : vector<16xf32>
    %get3A_968 = arith.constant 2768 : index
    %get3A_969 = tpu.vector_load %arg15[%get3A_968] {strides = array<i32>} : memref<8192xf32, #tpu.memory_space<vmem>>, vector<16xf32>,
    %add3A_970 = arith.addf %add3A_967, %get3A_969 : vector<16xf32>
    %get3A_971 = arith.constant 3280 : index
    %get3A_972 = tpu.vector_load %arg15[%get3A_971] {strides = array<i32>} : memref<8192xf32, #tpu.memory_space<vmem>>, vector<16xf32>,
    %add3A_973 = arith.addf %add3A_970, %get3A_972 : vector<16xf32>
    %get3A_974 = arith.constant 3792 : index
    %get3A_975 = tpu.vector_load %arg15[%get3A_974] {strides = array<i32>} : memref<8192xf32, #tpu.memory_space<vmem>>, vector<16xf32>,
    %add3A_976 = arith.addf %add3A_973, %get3A_975 : vector<16xf32>
    %get3A_977 = arith.constant 4304 : index
    %get3A_978 = tpu.vector_load %arg15[%get3A_977] {strides = array<i32>} : memref<8192xf32, #tpu.memory_space<vmem>>, vector<16xf32>,
    %add3A_979 = arith.addf %add3A_976, %get3A_978 : vector<16xf32>
    %get3A_980 = arith.constant 4816 : index
    %get3A_981 = tpu.vector_load %arg15[%get3A_980] {strides = array<i32>} : memref<8192xf32, #tpu.memory_space<vmem>>, vector<16xf32>,
    %add3A_982 = arith.addf %add3A_979, %get3A_981 : vector<16xf32>
    %get3A_983 = arith.constant 5328 : index
    %get3A_984 = tpu.vector_load %arg15[%get3A_983] {strides = array<i32>} : memref<8192xf32, #tpu.memory_space<vmem>>, vector<16xf32>,
    %add3A_985 = arith.addf %add3A_982, %get3A_984 : vector<16xf32>
    %get3A_986 = arith.constant 5840 : index
    %get3A_987 = tpu.vector_load %arg15[%get3A_986] {strides = array<i32>} : memref<8192xf32, #tpu.memory_space<vmem>>, vector<16xf32>,
    %add3A_988 = arith.addf %add3A_985, %get3A_987 : vector<16xf32>
    %get3A_989 = arith.constant 6352 : index
    %get3A_990 = tpu.vector_load %arg15[%get3A_989] {strides = array<i32>} : memref<8192xf32, #tpu.memory_space<vmem>>, vector<16xf32>,
    %add3A_991 = arith.addf %add3A_988, %get3A_990 : vector<16xf32>
    %get3A_992 = arith.constant 6864 : index
    %get3A_993 = tpu.vector_load %arg15[%get3A_992] {strides = array<i32>} : memref<8192xf32, #tpu.memory_space<vmem>>, vector<16xf32>,
    %add3A_994 = arith.addf %add3A_991, %get3A_993 : vector<16xf32>
    %get3A_995 = arith.constant 7376 : index
    %get3A_996 = tpu.vector_load %arg15[%get3A_995] {strides = array<i32>} : memref<8192xf32, #tpu.memory_space<vmem>>, vector<16xf32>,
    %add3A_997 = arith.addf %add3A_994, %get3A_996 : vector<16xf32>
    %get3A_998 = arith.constant 7888 : index
    %get3A_999 = tpu.vector_load %arg15[%get3A_998] {strides = array<i32>} : memref<8192xf32, #tpu.memory_space<vmem>>, vector<16xf32>,
    %add3A_1000 = arith.addf %add3A_997, %get3A_999 : vector<16xf32>
    %swap3A_1001 = arith.constant 208 : index
    %swap3A_1002 = tpu.vector_load %arg14[%swap3A_1001] {strides = array<i32>} : memref<512xf32, #tpu.memory_space<vmem>>, vector<16xf32>,
    tpu.vector_store %arg14[%swap3A_1001], %add3A_1000 {strides = array<i32>} : memref<512xf32, #tpu.memory_space<vmem>>, vector<16xf32>,
    %get3A_1003 = arith.constant 224 : index
    %get3A_1004 = tpu.vector_load %arg15[%get3A_1003] {strides = array<i32>} : memref<8192xf32, #tpu.memory_space<vmem>>, vector<16xf32>,
    %get3A_1005 = arith.constant 736 : index
    %get3A_1006 = tpu.vector_load %arg15[%get3A_1005] {strides = array<i32>} : memref<8192xf32, #tpu.memory_space<vmem>>, vector<16xf32>,
    %add3A_1007 = arith.addf %get3A_1004, %get3A_1006 : vector<16xf32>
    %get3A_1008 = arith.constant 1248 : index
    %get3A_1009 = tpu.vector_load %arg15[%get3A_1008] {strides = array<i32>} : memref<8192xf32, #tpu.memory_space<vmem>>, vector<16xf32>,
    %add3A_1010 = arith.addf %add3A_1007, %get3A_1009 : vector<16xf32>
    %get3A_1011 = arith.constant 1760 : index
    %get3A_1012 = tpu.vector_load %arg15[%get3A_1011] {strides = array<i32>} : memref<8192xf32, #tpu.memory_space<vmem>>, vector<16xf32>,
    %add3A_1013 = arith.addf %add3A_1010, %get3A_1012 : vector<16xf32>
    %get3A_1014 = arith.constant 2272 : index
    %get3A_1015 = tpu.vector_load %arg15[%get3A_1014] {strides = array<i32>} : memref<8192xf32, #tpu.memory_space<vmem>>, vector<16xf32>,
    %add3A_1016 = arith.addf %add3A_1013, %get3A_1015 : vector<16xf32>
    %get3A_1017 = arith.constant 2784 : index
    %get3A_1018 = tpu.vector_load %arg15[%get3A_1017] {strides = array<i32>} : memref<8192xf32, #tpu.memory_space<vmem>>, vector<16xf32>,
    %add3A_1019 = arith.addf %add3A_1016, %get3A_1018 : vector<16xf32>
    %get3A_1020 = arith.constant 3296 : index
    %get3A_1021 = tpu.vector_load %arg15[%get3A_1020] {strides = array<i32>} : memref<8192xf32, #tpu.memory_space<vmem>>, vector<16xf32>,
    %add3A_1022 = arith.addf %add3A_1019, %get3A_1021 : vector<16xf32>
    %get3A_1023 = arith.constant 3808 : index
    %get3A_1024 = tpu.vector_load %arg15[%get3A_1023] {strides = array<i32>} : memref<8192xf32, #tpu.memory_space<vmem>>, vector<16xf32>,
    %add3A_1025 = arith.addf %add3A_1022, %get3A_1024 : vector<16xf32>
    %get3A_1026 = arith.constant 4320 : index
    %get3A_1027 = tpu.vector_load %arg15[%get3A_1026] {strides = array<i32>} : memref<8192xf32, #tpu.memory_space<vmem>>, vector<16xf32>,
    %add3A_1028 = arith.addf %add3A_1025, %get3A_1027 : vector<16xf32>
    %get3A_1029 = arith.constant 4832 : index
    %get3A_1030 = tpu.vector_load %arg15[%get3A_1029] {strides = array<i32>} : memref<8192xf32, #tpu.memory_space<vmem>>, vector<16xf32>,
    %add3A_1031 = arith.addf %add3A_1028, %get3A_1030 : vector<16xf32>
    %get3A_1032 = arith.constant 5344 : index
    %get3A_1033 = tpu.vector_load %arg15[%get3A_1032] {strides = array<i32>} : memref<8192xf32, #tpu.memory_space<vmem>>, vector<16xf32>,
    %add3A_1034 = arith.addf %add3A_1031, %get3A_1033 : vector<16xf32>
    %get3A_1035 = arith.constant 5856 : index
    %get3A_1036 = tpu.vector_load %arg15[%get3A_1035] {strides = array<i32>} : memref<8192xf32, #tpu.memory_space<vmem>>, vector<16xf32>,
    %add3A_1037 = arith.addf %add3A_1034, %get3A_1036 : vector<16xf32>
    %get3A_1038 = arith.constant 6368 : index
    %get3A_1039 = tpu.vector_load %arg15[%get3A_1038] {strides = array<i32>} : memref<8192xf32, #tpu.memory_space<vmem>>, vector<16xf32>,
    %add3A_1040 = arith.addf %add3A_1037, %get3A_1039 : vector<16xf32>
    %get3A_1041 = arith.constant 6880 : index
    %get3A_1042 = tpu.vector_load %arg15[%get3A_1041] {strides = array<i32>} : memref<8192xf32, #tpu.memory_space<vmem>>, vector<16xf32>,
    %add3A_1043 = arith.addf %add3A_1040, %get3A_1042 : vector<16xf32>
    %get3A_1044 = arith.constant 7392 : index
    %get3A_1045 = tpu.vector_load %arg15[%get3A_1044] {strides = array<i32>} : memref<8192xf32, #tpu.memory_space<vmem>>, vector<16xf32>,
    %add3A_1046 = arith.addf %add3A_1043, %get3A_1045 : vector<16xf32>
    %get3A_1047 = arith.constant 7904 : index
    %get3A_1048 = tpu.vector_load %arg15[%get3A_1047] {strides = array<i32>} : memref<8192xf32, #tpu.memory_space<vmem>>, vector<16xf32>,
    %add3A_1049 = arith.addf %add3A_1046, %get3A_1048 : vector<16xf32>
    %swap3A_1050 = arith.constant 224 : index
    %swap3A_1051 = tpu.vector_load %arg14[%swap3A_1050] {strides = array<i32>} : memref<512xf32, #tpu.memory_space<vmem>>, vector<16xf32>,
    tpu.vector_store %arg14[%swap3A_1050], %add3A_1049 {strides = array<i32>} : memref<512xf32, #tpu.memory_space<vmem>>, vector<16xf32>,
    %get3A_1052 = arith.constant 240 : index
    %get3A_1053 = tpu.vector_load %arg15[%get3A_1052] {strides = array<i32>} : memref<8192xf32, #tpu.memory_space<vmem>>, vector<16xf32>,
    %get3A_1054 = arith.constant 752 : index
    %get3A_1055 = tpu.vector_load %arg15[%get3A_1054] {strides = array<i32>} : memref<8192xf32, #tpu.memory_space<vmem>>, vector<16xf32>,
    %add3A_1056 = arith.addf %get3A_1053, %get3A_1055 : vector<16xf32>
    %get3A_1057 = arith.constant 1264 : index
    %get3A_1058 = tpu.vector_load %arg15[%get3A_1057] {strides = array<i32>} : memref<8192xf32, #tpu.memory_space<vmem>>, vector<16xf32>,
    %add3A_1059 = arith.addf %add3A_1056, %get3A_1058 : vector<16xf32>
    %get3A_1060 = arith.constant 1776 : index
    %get3A_1061 = tpu.vector_load %arg15[%get3A_1060] {strides = array<i32>} : memref<8192xf32, #tpu.memory_space<vmem>>, vector<16xf32>,
    %add3A_1062 = arith.addf %add3A_1059, %get3A_1061 : vector<16xf32>
    %get3A_1063 = arith.constant 2288 : index
    %get3A_1064 = tpu.vector_load %arg15[%get3A_1063] {strides = array<i32>} : memref<8192xf32, #tpu.memory_space<vmem>>, vector<16xf32>,
    %add3A_1065 = arith.addf %add3A_1062, %get3A_1064 : vector<16xf32>
    %get3A_1066 = arith.constant 2800 : index
    %get3A_1067 = tpu.vector_load %arg15[%get3A_1066] {strides = array<i32>} : memref<8192xf32, #tpu.memory_space<vmem>>, vector<16xf32>,
    %add3A_1068 = arith.addf %add3A_1065, %get3A_1067 : vector<16xf32>
    %get3A_1069 = arith.constant 3312 : index
    %get3A_1070 = tpu.vector_load %arg15[%get3A_1069] {strides = array<i32>} : memref<8192xf32, #tpu.memory_space<vmem>>, vector<16xf32>,
    %add3A_1071 = arith.addf %add3A_1068, %get3A_1070 : vector<16xf32>
    %get3A_1072 = arith.constant 3824 : index
    %get3A_1073 = tpu.vector_load %arg15[%get3A_1072] {strides = array<i32>} : memref<8192xf32, #tpu.memory_space<vmem>>, vector<16xf32>,
    %add3A_1074 = arith.addf %add3A_1071, %get3A_1073 : vector<16xf32>
    %get3A_1075 = arith.constant 4336 : index
    %get3A_1076 = tpu.vector_load %arg15[%get3A_1075] {strides = array<i32>} : memref<8192xf32, #tpu.memory_space<vmem>>, vector<16xf32>,
    %add3A_1077 = arith.addf %add3A_1074, %get3A_1076 : vector<16xf32>
    %get3A_1078 = arith.constant 4848 : index
    %get3A_1079 = tpu.vector_load %arg15[%get3A_1078] {strides = array<i32>} : memref<8192xf32, #tpu.memory_space<vmem>>, vector<16xf32>,
    %add3A_1080 = arith.addf %add3A_1077, %get3A_1079 : vector<16xf32>
    %get3A_1081 = arith.constant 5360 : index
    %get3A_1082 = tpu.vector_load %arg15[%get3A_1081] {strides = array<i32>} : memref<8192xf32, #tpu.memory_space<vmem>>, vector<16xf32>,
    %add3A_1083 = arith.addf %add3A_1080, %get3A_1082 : vector<16xf32>
    %get3A_1084 = arith.constant 5872 : index
    %get3A_1085 = tpu.vector_load %arg15[%get3A_1084] {strides = array<i32>} : memref<8192xf32, #tpu.memory_space<vmem>>, vector<16xf32>,
    %add3A_1086 = arith.addf %add3A_1083, %get3A_1085 : vector<16xf32>
    %get3A_1087 = arith.constant 6384 : index
    %get3A_1088 = tpu.vector_load %arg15[%get3A_1087] {strides = array<i32>} : memref<8192xf32, #tpu.memory_space<vmem>>, vector<16xf32>,
    %add3A_1089 = arith.addf %add3A_1086, %get3A_1088 : vector<16xf32>
    %get3A_1090 = arith.constant 6896 : index
    %get3A_1091 = tpu.vector_load %arg15[%get3A_1090] {strides = array<i32>} : memref<8192xf32, #tpu.memory_space<vmem>>, vector<16xf32>,
    %add3A_1092 = arith.addf %add3A_1089, %get3A_1091 : vector<16xf32>
    %get3A_1093 = arith.constant 7408 : index
    %get3A_1094 = tpu.vector_load %arg15[%get3A_1093] {strides = array<i32>} : memref<8192xf32, #tpu.memory_space<vmem>>, vector<16xf32>,
    %add3A_1095 = arith.addf %add3A_1092, %get3A_1094 : vector<16xf32>
    %get3A_1096 = arith.constant 7920 : index
    %get3A_1097 = tpu.vector_load %arg15[%get3A_1096] {strides = array<i32>} : memref<8192xf32, #tpu.memory_space<vmem>>, vector<16xf32>,
    %add3A_1098 = arith.addf %add3A_1095, %get3A_1097 : vector<16xf32>
    %swap3A_1099 = arith.constant 240 : index
    %swap3A_1100 = tpu.vector_load %arg14[%swap3A_1099] {strides = array<i32>} : memref<512xf32, #tpu.memory_space<vmem>>, vector<16xf32>,
    tpu.vector_store %arg14[%swap3A_1099], %add3A_1098 {strides = array<i32>} : memref<512xf32, #tpu.memory_space<vmem>>, vector<16xf32>,
    %get3A_1101 = arith.constant 256 : index
    %get3A_1102 = tpu.vector_load %arg15[%get3A_1101] {strides = array<i32>} : memref<8192xf32, #tpu.memory_space<vmem>>, vector<16xf32>,
    %get3A_1103 = arith.constant 768 : index
    %get3A_1104 = tpu.vector_load %arg15[%get3A_1103] {strides = array<i32>} : memref<8192xf32, #tpu.memory_space<vmem>>, vector<16xf32>,
    %add3A_1105 = arith.addf %get3A_1102, %get3A_1104 : vector<16xf32>
    %get3A_1106 = arith.constant 1280 : index
    %get3A_1107 = tpu.vector_load %arg15[%get3A_1106] {strides = array<i32>} : memref<8192xf32, #tpu.memory_space<vmem>>, vector<16xf32>,
    %add3A_1108 = arith.addf %add3A_1105, %get3A_1107 : vector<16xf32>
    %get3A_1109 = arith.constant 1792 : index
    %get3A_1110 = tpu.vector_load %arg15[%get3A_1109] {strides = array<i32>} : memref<8192xf32, #tpu.memory_space<vmem>>, vector<16xf32>,
    %add3A_1111 = arith.addf %add3A_1108, %get3A_1110 : vector<16xf32>
    %get3A_1112 = arith.constant 2304 : index
    %get3A_1113 = tpu.vector_load %arg15[%get3A_1112] {strides = array<i32>} : memref<8192xf32, #tpu.memory_space<vmem>>, vector<16xf32>,
    %add3A_1114 = arith.addf %add3A_1111, %get3A_1113 : vector<16xf32>
    %get3A_1115 = arith.constant 2816 : index
    %get3A_1116 = tpu.vector_load %arg15[%get3A_1115] {strides = array<i32>} : memref<8192xf32, #tpu.memory_space<vmem>>, vector<16xf32>,
    %add3A_1117 = arith.addf %add3A_1114, %get3A_1116 : vector<16xf32>
    %get3A_1118 = arith.constant 3328 : index
    %get3A_1119 = tpu.vector_load %arg15[%get3A_1118] {strides = array<i32>} : memref<8192xf32, #tpu.memory_space<vmem>>, vector<16xf32>,
    %add3A_1120 = arith.addf %add3A_1117, %get3A_1119 : vector<16xf32>
    %get3A_1121 = arith.constant 3840 : index
    %get3A_1122 = tpu.vector_load %arg15[%get3A_1121] {strides = array<i32>} : memref<8192xf32, #tpu.memory_space<vmem>>, vector<16xf32>,
    %add3A_1123 = arith.addf %add3A_1120, %get3A_1122 : vector<16xf32>
    %get3A_1124 = arith.constant 4352 : index
    %get3A_1125 = tpu.vector_load %arg15[%get3A_1124] {strides = array<i32>} : memref<8192xf32, #tpu.memory_space<vmem>>, vector<16xf32>,
    %add3A_1126 = arith.addf %add3A_1123, %get3A_1125 : vector<16xf32>
    %get3A_1127 = arith.constant 4864 : index
    %get3A_1128 = tpu.vector_load %arg15[%get3A_1127] {strides = array<i32>} : memref<8192xf32, #tpu.memory_space<vmem>>, vector<16xf32>,
    %add3A_1129 = arith.addf %add3A_1126, %get3A_1128 : vector<16xf32>
    %get3A_1130 = arith.constant 5376 : index
    %get3A_1131 = tpu.vector_load %arg15[%get3A_1130] {strides = array<i32>} : memref<8192xf32, #tpu.memory_space<vmem>>, vector<16xf32>,
    %add3A_1132 = arith.addf %add3A_1129, %get3A_1131 : vector<16xf32>
    %get3A_1133 = arith.constant 5888 : index
    %get3A_1134 = tpu.vector_load %arg15[%get3A_1133] {strides = array<i32>} : memref<8192xf32, #tpu.memory_space<vmem>>, vector<16xf32>,
    %add3A_1135 = arith.addf %add3A_1132, %get3A_1134 : vector<16xf32>
    %get3A_1136 = arith.constant 6400 : index
    %get3A_1137 = tpu.vector_load %arg15[%get3A_1136] {strides = array<i32>} : memref<8192xf32, #tpu.memory_space<vmem>>, vector<16xf32>,
    %add3A_1138 = arith.addf %add3A_1135, %get3A_1137 : vector<16xf32>
    %get3A_1139 = arith.constant 6912 : index
    %get3A_1140 = tpu.vector_load %arg15[%get3A_1139] {strides = array<i32>} : memref<8192xf32, #tpu.memory_space<vmem>>, vector<16xf32>,
    %add3A_1141 = arith.addf %add3A_1138, %get3A_1140 : vector<16xf32>
    %get3A_1142 = arith.constant 7424 : index
    %get3A_1143 = tpu.vector_load %arg15[%get3A_1142] {strides = array<i32>} : memref<8192xf32, #tpu.memory_space<vmem>>, vector<16xf32>,
    %add3A_1144 = arith.addf %add3A_1141, %get3A_1143 : vector<16xf32>
    %get3A_1145 = arith.constant 7936 : index
    %get3A_1146 = tpu.vector_load %arg15[%get3A_1145] {strides = array<i32>} : memref<8192xf32, #tpu.memory_space<vmem>>, vector<16xf32>,
    %add3A_1147 = arith.addf %add3A_1144, %get3A_1146 : vector<16xf32>
    %swap3A_1148 = arith.constant 256 : index
    %swap3A_1149 = tpu.vector_load %arg14[%swap3A_1148] {strides = array<i32>} : memref<512xf32, #tpu.memory_space<vmem>>, vector<16xf32>,
    tpu.vector_store %arg14[%swap3A_1148], %add3A_1147 {strides = array<i32>} : memref<512xf32, #tpu.memory_space<vmem>>, vector<16xf32>,
    %get3A_1150 = arith.constant 272 : index
    %get3A_1151 = tpu.vector_load %arg15[%get3A_1150] {strides = array<i32>} : memref<8192xf32, #tpu.memory_space<vmem>>, vector<16xf32>,
    %get3A_1152 = arith.constant 784 : index
    %get3A_1153 = tpu.vector_load %arg15[%get3A_1152] {strides = array<i32>} : memref<8192xf32, #tpu.memory_space<vmem>>, vector<16xf32>,
    %add3A_1154 = arith.addf %get3A_1151, %get3A_1153 : vector<16xf32>
    %get3A_1155 = arith.constant 1296 : index
    %get3A_1156 = tpu.vector_load %arg15[%get3A_1155] {strides = array<i32>} : memref<8192xf32, #tpu.memory_space<vmem>>, vector<16xf32>,
    %add3A_1157 = arith.addf %add3A_1154, %get3A_1156 : vector<16xf32>
    %get3A_1158 = arith.constant 1808 : index
    %get3A_1159 = tpu.vector_load %arg15[%get3A_1158] {strides = array<i32>} : memref<8192xf32, #tpu.memory_space<vmem>>, vector<16xf32>,
    %add3A_1160 = arith.addf %add3A_1157, %get3A_1159 : vector<16xf32>
    %get3A_1161 = arith.constant 2320 : index
    %get3A_1162 = tpu.vector_load %arg15[%get3A_1161] {strides = array<i32>} : memref<8192xf32, #tpu.memory_space<vmem>>, vector<16xf32>,
    %add3A_1163 = arith.addf %add3A_1160, %get3A_1162 : vector<16xf32>
    %get3A_1164 = arith.constant 2832 : index
    %get3A_1165 = tpu.vector_load %arg15[%get3A_1164] {strides = array<i32>} : memref<8192xf32, #tpu.memory_space<vmem>>, vector<16xf32>,
    %add3A_1166 = arith.addf %add3A_1163, %get3A_1165 : vector<16xf32>
    %get3A_1167 = arith.constant 3344 : index
    %get3A_1168 = tpu.vector_load %arg15[%get3A_1167] {strides = array<i32>} : memref<8192xf32, #tpu.memory_space<vmem>>, vector<16xf32>,
    %add3A_1169 = arith.addf %add3A_1166, %get3A_1168 : vector<16xf32>
    %get3A_1170 = arith.constant 3856 : index
    %get3A_1171 = tpu.vector_load %arg15[%get3A_1170] {strides = array<i32>} : memref<8192xf32, #tpu.memory_space<vmem>>, vector<16xf32>,
    %add3A_1172 = arith.addf %add3A_1169, %get3A_1171 : vector<16xf32>
    %get3A_1173 = arith.constant 4368 : index
    %get3A_1174 = tpu.vector_load %arg15[%get3A_1173] {strides = array<i32>} : memref<8192xf32, #tpu.memory_space<vmem>>, vector<16xf32>,
    %add3A_1175 = arith.addf %add3A_1172, %get3A_1174 : vector<16xf32>
    %get3A_1176 = arith.constant 4880 : index
    %get3A_1177 = tpu.vector_load %arg15[%get3A_1176] {strides = array<i32>} : memref<8192xf32, #tpu.memory_space<vmem>>, vector<16xf32>,
    %add3A_1178 = arith.addf %add3A_1175, %get3A_1177 : vector<16xf32>
    %get3A_1179 = arith.constant 5392 : index
    %get3A_1180 = tpu.vector_load %arg15[%get3A_1179] {strides = array<i32>} : memref<8192xf32, #tpu.memory_space<vmem>>, vector<16xf32>,
    %add3A_1181 = arith.addf %add3A_1178, %get3A_1180 : vector<16xf32>
    %get3A_1182 = arith.constant 5904 : index
    %get3A_1183 = tpu.vector_load %arg15[%get3A_1182] {strides = array<i32>} : memref<8192xf32, #tpu.memory_space<vmem>>, vector<16xf32>,
    %add3A_1184 = arith.addf %add3A_1181, %get3A_1183 : vector<16xf32>
    %get3A_1185 = arith.constant 6416 : index
    %get3A_1186 = tpu.vector_load %arg15[%get3A_1185] {strides = array<i32>} : memref<8192xf32, #tpu.memory_space<vmem>>, vector<16xf32>,
    %add3A_1187 = arith.addf %add3A_1184, %get3A_1186 : vector<16xf32>
    %get3A_1188 = arith.constant 6928 : index
    %get3A_1189 = tpu.vector_load %arg15[%get3A_1188] {strides = array<i32>} : memref<8192xf32, #tpu.memory_space<vmem>>, vector<16xf32>,
    %add3A_1190 = arith.addf %add3A_1187, %get3A_1189 : vector<16xf32>
    %get3A_1191 = arith.constant 7440 : index
    %get3A_1192 = tpu.vector_load %arg15[%get3A_1191] {strides = array<i32>} : memref<8192xf32, #tpu.memory_space<vmem>>, vector<16xf32>,
    %add3A_1193 = arith.addf %add3A_1190, %get3A_1192 : vector<16xf32>
    %get3A_1194 = arith.constant 7952 : index
    %get3A_1195 = tpu.vector_load %arg15[%get3A_1194] {strides = array<i32>} : memref<8192xf32, #tpu.memory_space<vmem>>, vector<16xf32>,
    %add3A_1196 = arith.addf %add3A_1193, %get3A_1195 : vector<16xf32>
    %swap3A_1197 = arith.constant 272 : index
    %swap3A_1198 = tpu.vector_load %arg14[%swap3A_1197] {strides = array<i32>} : memref<512xf32, #tpu.memory_space<vmem>>, vector<16xf32>,
    tpu.vector_store %arg14[%swap3A_1197], %add3A_1196 {strides = array<i32>} : memref<512xf32, #tpu.memory_space<vmem>>, vector<16xf32>,
    %get3A_1199 = arith.constant 288 : index
    %get3A_1200 = tpu.vector_load %arg15[%get3A_1199] {strides = array<i32>} : memref<8192xf32, #tpu.memory_space<vmem>>, vector<16xf32>,
    %get3A_1201 = arith.constant 800 : index
    %get3A_1202 = tpu.vector_load %arg15[%get3A_1201] {strides = array<i32>} : memref<8192xf32, #tpu.memory_space<vmem>>, vector<16xf32>,
    %add3A_1203 = arith.addf %get3A_1200, %get3A_1202 : vector<16xf32>
    %get3A_1204 = arith.constant 1312 : index
    %get3A_1205 = tpu.vector_load %arg15[%get3A_1204] {strides = array<i32>} : memref<8192xf32, #tpu.memory_space<vmem>>, vector<16xf32>,
    %add3A_1206 = arith.addf %add3A_1203, %get3A_1205 : vector<16xf32>
    %get3A_1207 = arith.constant 1824 : index
    %get3A_1208 = tpu.vector_load %arg15[%get3A_1207] {strides = array<i32>} : memref<8192xf32, #tpu.memory_space<vmem>>, vector<16xf32>,
    %add3A_1209 = arith.addf %add3A_1206, %get3A_1208 : vector<16xf32>
    %get3A_1210 = arith.constant 2336 : index
    %get3A_1211 = tpu.vector_load %arg15[%get3A_1210] {strides = array<i32>} : memref<8192xf32, #tpu.memory_space<vmem>>, vector<16xf32>,
    %add3A_1212 = arith.addf %add3A_1209, %get3A_1211 : vector<16xf32>
    %get3A_1213 = arith.constant 2848 : index
    %get3A_1214 = tpu.vector_load %arg15[%get3A_1213] {strides = array<i32>} : memref<8192xf32, #tpu.memory_space<vmem>>, vector<16xf32>,
    %add3A_1215 = arith.addf %add3A_1212, %get3A_1214 : vector<16xf32>
    %get3A_1216 = arith.constant 3360 : index
    %get3A_1217 = tpu.vector_load %arg15[%get3A_1216] {strides = array<i32>} : memref<8192xf32, #tpu.memory_space<vmem>>, vector<16xf32>,
    %add3A_1218 = arith.addf %add3A_1215, %get3A_1217 : vector<16xf32>
    %get3A_1219 = arith.constant 3872 : index
    %get3A_1220 = tpu.vector_load %arg15[%get3A_1219] {strides = array<i32>} : memref<8192xf32, #tpu.memory_space<vmem>>, vector<16xf32>,
    %add3A_1221 = arith.addf %add3A_1218, %get3A_1220 : vector<16xf32>
    %get3A_1222 = arith.constant 4384 : index
    %get3A_1223 = tpu.vector_load %arg15[%get3A_1222] {strides = array<i32>} : memref<8192xf32, #tpu.memory_space<vmem>>, vector<16xf32>,
    %add3A_1224 = arith.addf %add3A_1221, %get3A_1223 : vector<16xf32>
    %get3A_1225 = arith.constant 4896 : index
    %get3A_1226 = tpu.vector_load %arg15[%get3A_1225] {strides = array<i32>} : memref<8192xf32, #tpu.memory_space<vmem>>, vector<16xf32>,
    %add3A_1227 = arith.addf %add3A_1224, %get3A_1226 : vector<16xf32>
    %get3A_1228 = arith.constant 5408 : index
    %get3A_1229 = tpu.vector_load %arg15[%get3A_1228] {strides = array<i32>} : memref<8192xf32, #tpu.memory_space<vmem>>, vector<16xf32>,
    %add3A_1230 = arith.addf %add3A_1227, %get3A_1229 : vector<16xf32>
    %get3A_1231 = arith.constant 5920 : index
    %get3A_1232 = tpu.vector_load %arg15[%get3A_1231] {strides = array<i32>} : memref<8192xf32, #tpu.memory_space<vmem>>, vector<16xf32>,
    %add3A_1233 = arith.addf %add3A_1230, %get3A_1232 : vector<16xf32>
    %get3A_1234 = arith.constant 6432 : index
    %get3A_1235 = tpu.vector_load %arg15[%get3A_1234] {strides = array<i32>} : memref<8192xf32, #tpu.memory_space<vmem>>, vector<16xf32>,
    %add3A_1236 = arith.addf %add3A_1233, %get3A_1235 : vector<16xf32>
    %get3A_1237 = arith.constant 6944 : index
    %get3A_1238 = tpu.vector_load %arg15[%get3A_1237] {strides = array<i32>} : memref<8192xf32, #tpu.memory_space<vmem>>, vector<16xf32>,
    %add3A_1239 = arith.addf %add3A_1236, %get3A_1238 : vector<16xf32>
    %get3A_1240 = arith.constant 7456 : index
    %get3A_1241 = tpu.vector_load %arg15[%get3A_1240] {strides = array<i32>} : memref<8192xf32, #tpu.memory_space<vmem>>, vector<16xf32>,
    %add3A_1242 = arith.addf %add3A_1239, %get3A_1241 : vector<16xf32>
    %get3A_1243 = arith.constant 7968 : index
    %get3A_1244 = tpu.vector_load %arg15[%get3A_1243] {strides = array<i32>} : memref<8192xf32, #tpu.memory_space<vmem>>, vector<16xf32>,
    %add3A_1245 = arith.addf %add3A_1242, %get3A_1244 : vector<16xf32>
    %swap3A_1246 = arith.constant 288 : index
    %swap3A_1247 = tpu.vector_load %arg14[%swap3A_1246] {strides = array<i32>} : memref<512xf32, #tpu.memory_space<vmem>>, vector<16xf32>,
    tpu.vector_store %arg14[%swap3A_1246], %add3A_1245 {strides = array<i32>} : memref<512xf32, #tpu.memory_space<vmem>>, vector<16xf32>,
    %get3A_1248 = arith.constant 304 : index
    %get3A_1249 = tpu.vector_load %arg15[%get3A_1248] {strides = array<i32>} : memref<8192xf32, #tpu.memory_space<vmem>>, vector<16xf32>,
    %get3A_1250 = arith.constant 816 : index
    %get3A_1251 = tpu.vector_load %arg15[%get3A_1250] {strides = array<i32>} : memref<8192xf32, #tpu.memory_space<vmem>>, vector<16xf32>,
    %add3A_1252 = arith.addf %get3A_1249, %get3A_1251 : vector<16xf32>
    %get3A_1253 = arith.constant 1328 : index
    %get3A_1254 = tpu.vector_load %arg15[%get3A_1253] {strides = array<i32>} : memref<8192xf32, #tpu.memory_space<vmem>>, vector<16xf32>,
    %add3A_1255 = arith.addf %add3A_1252, %get3A_1254 : vector<16xf32>
    %get3A_1256 = arith.constant 1840 : index
    %get3A_1257 = tpu.vector_load %arg15[%get3A_1256] {strides = array<i32>} : memref<8192xf32, #tpu.memory_space<vmem>>, vector<16xf32>,
    %add3A_1258 = arith.addf %add3A_1255, %get3A_1257 : vector<16xf32>
    %get3A_1259 = arith.constant 2352 : index
    %get3A_1260 = tpu.vector_load %arg15[%get3A_1259] {strides = array<i32>} : memref<8192xf32, #tpu.memory_space<vmem>>, vector<16xf32>,
    %add3A_1261 = arith.addf %add3A_1258, %get3A_1260 : vector<16xf32>
    %get3A_1262 = arith.constant 2864 : index
    %get3A_1263 = tpu.vector_load %arg15[%get3A_1262] {strides = array<i32>} : memref<8192xf32, #tpu.memory_space<vmem>>, vector<16xf32>,
    %add3A_1264 = arith.addf %add3A_1261, %get3A_1263 : vector<16xf32>
    %get3A_1265 = arith.constant 3376 : index
    %get3A_1266 = tpu.vector_load %arg15[%get3A_1265] {strides = array<i32>} : memref<8192xf32, #tpu.memory_space<vmem>>, vector<16xf32>,
    %add3A_1267 = arith.addf %add3A_1264, %get3A_1266 : vector<16xf32>
    %get3A_1268 = arith.constant 3888 : index
    %get3A_1269 = tpu.vector_load %arg15[%get3A_1268] {strides = array<i32>} : memref<8192xf32, #tpu.memory_space<vmem>>, vector<16xf32>,
    %add3A_1270 = arith.addf %add3A_1267, %get3A_1269 : vector<16xf32>
    %get3A_1271 = arith.constant 4400 : index
    %get3A_1272 = tpu.vector_load %arg15[%get3A_1271] {strides = array<i32>} : memref<8192xf32, #tpu.memory_space<vmem>>, vector<16xf32>,
    %add3A_1273 = arith.addf %add3A_1270, %get3A_1272 : vector<16xf32>
    %get3A_1274 = arith.constant 4912 : index
    %get3A_1275 = tpu.vector_load %arg15[%get3A_1274] {strides = array<i32>} : memref<8192xf32, #tpu.memory_space<vmem>>, vector<16xf32>,
    %add3A_1276 = arith.addf %add3A_1273, %get3A_1275 : vector<16xf32>
    %get3A_1277 = arith.constant 5424 : index
    %get3A_1278 = tpu.vector_load %arg15[%get3A_1277] {strides = array<i32>} : memref<8192xf32, #tpu.memory_space<vmem>>, vector<16xf32>,
    %add3A_1279 = arith.addf %add3A_1276, %get3A_1278 : vector<16xf32>
    %get3A_1280 = arith.constant 5936 : index
    %get3A_1281 = tpu.vector_load %arg15[%get3A_1280] {strides = array<i32>} : memref<8192xf32, #tpu.memory_space<vmem>>, vector<16xf32>,
    %add3A_1282 = arith.addf %add3A_1279, %get3A_1281 : vector<16xf32>
    %get3A_1283 = arith.constant 6448 : index
    %get3A_1284 = tpu.vector_load %arg15[%get3A_1283] {strides = array<i32>} : memref<8192xf32, #tpu.memory_space<vmem>>, vector<16xf32>,
    %add3A_1285 = arith.addf %add3A_1282, %get3A_1284 : vector<16xf32>
    %get3A_1286 = arith.constant 6960 : index
    %get3A_1287 = tpu.vector_load %arg15[%get3A_1286] {strides = array<i32>} : memref<8192xf32, #tpu.memory_space<vmem>>, vector<16xf32>,
    %add3A_1288 = arith.addf %add3A_1285, %get3A_1287 : vector<16xf32>
    %get3A_1289 = arith.constant 7472 : index
    %get3A_1290 = tpu.vector_load %arg15[%get3A_1289] {strides = array<i32>} : memref<8192xf32, #tpu.memory_space<vmem>>, vector<16xf32>,
    %add3A_1291 = arith.addf %add3A_1288, %get3A_1290 : vector<16xf32>
    %get3A_1292 = arith.constant 7984 : index
    %get3A_1293 = tpu.vector_load %arg15[%get3A_1292] {strides = array<i32>} : memref<8192xf32, #tpu.memory_space<vmem>>, vector<16xf32>,
    %add3A_1294 = arith.addf %add3A_1291, %get3A_1293 : vector<16xf32>
    %swap3A_1295 = arith.constant 304 : index
    %swap3A_1296 = tpu.vector_load %arg14[%swap3A_1295] {strides = array<i32>} : memref<512xf32, #tpu.memory_space<vmem>>, vector<16xf32>,
    tpu.vector_store %arg14[%swap3A_1295], %add3A_1294 {strides = array<i32>} : memref<512xf32, #tpu.memory_space<vmem>>, vector<16xf32>,
    %get3A_1297 = arith.constant 320 : index
    %get3A_1298 = tpu.vector_load %arg15[%get3A_1297] {strides = array<i32>} : memref<8192xf32, #tpu.memory_space<vmem>>, vector<16xf32>,
    %get3A_1299 = arith.constant 832 : index
    %get3A_1300 = tpu.vector_load %arg15[%get3A_1299] {strides = array<i32>} : memref<8192xf32, #tpu.memory_space<vmem>>, vector<16xf32>,
    %add3A_1301 = arith.addf %get3A_1298, %get3A_1300 : vector<16xf32>
    %get3A_1302 = arith.constant 1344 : index
    %get3A_1303 = tpu.vector_load %arg15[%get3A_1302] {strides = array<i32>} : memref<8192xf32, #tpu.memory_space<vmem>>, vector<16xf32>,
    %add3A_1304 = arith.addf %add3A_1301, %get3A_1303 : vector<16xf32>
    %get3A_1305 = arith.constant 1856 : index
    %get3A_1306 = tpu.vector_load %arg15[%get3A_1305] {strides = array<i32>} : memref<8192xf32, #tpu.memory_space<vmem>>, vector<16xf32>,
    %add3A_1307 = arith.addf %add3A_1304, %get3A_1306 : vector<16xf32>
    %get3A_1308 = arith.constant 2368 : index
    %get3A_1309 = tpu.vector_load %arg15[%get3A_1308] {strides = array<i32>} : memref<8192xf32, #tpu.memory_space<vmem>>, vector<16xf32>,
    %add3A_1310 = arith.addf %add3A_1307, %get3A_1309 : vector<16xf32>
    %get3A_1311 = arith.constant 2880 : index
    %get3A_1312 = tpu.vector_load %arg15[%get3A_1311] {strides = array<i32>} : memref<8192xf32, #tpu.memory_space<vmem>>, vector<16xf32>,
    %add3A_1313 = arith.addf %add3A_1310, %get3A_1312 : vector<16xf32>
    %get3A_1314 = arith.constant 3392 : index
    %get3A_1315 = tpu.vector_load %arg15[%get3A_1314] {strides = array<i32>} : memref<8192xf32, #tpu.memory_space<vmem>>, vector<16xf32>,
    %add3A_1316 = arith.addf %add3A_1313, %get3A_1315 : vector<16xf32>
    %get3A_1317 = arith.constant 3904 : index
    %get3A_1318 = tpu.vector_load %arg15[%get3A_1317] {strides = array<i32>} : memref<8192xf32, #tpu.memory_space<vmem>>, vector<16xf32>,
    %add3A_1319 = arith.addf %add3A_1316, %get3A_1318 : vector<16xf32>
    %get3A_1320 = arith.constant 4416 : index
    %get3A_1321 = tpu.vector_load %arg15[%get3A_1320] {strides = array<i32>} : memref<8192xf32, #tpu.memory_space<vmem>>, vector<16xf32>,
    %add3A_1322 = arith.addf %add3A_1319, %get3A_1321 : vector<16xf32>
    %get3A_1323 = arith.constant 4928 : index
    %get3A_1324 = tpu.vector_load %arg15[%get3A_1323] {strides = array<i32>} : memref<8192xf32, #tpu.memory_space<vmem>>, vector<16xf32>,
    %add3A_1325 = arith.addf %add3A_1322, %get3A_1324 : vector<16xf32>
    %get3A_1326 = arith.constant 5440 : index
    %get3A_1327 = tpu.vector_load %arg15[%get3A_1326] {strides = array<i32>} : memref<8192xf32, #tpu.memory_space<vmem>>, vector<16xf32>,
    %add3A_1328 = arith.addf %add3A_1325, %get3A_1327 : vector<16xf32>
    %get3A_1329 = arith.constant 5952 : index
    %get3A_1330 = tpu.vector_load %arg15[%get3A_1329] {strides = array<i32>} : memref<8192xf32, #tpu.memory_space<vmem>>, vector<16xf32>,
    %add3A_1331 = arith.addf %add3A_1328, %get3A_1330 : vector<16xf32>
    %get3A_1332 = arith.constant 6464 : index
    %get3A_1333 = tpu.vector_load %arg15[%get3A_1332] {strides = array<i32>} : memref<8192xf32, #tpu.memory_space<vmem>>, vector<16xf32>,
    %add3A_1334 = arith.addf %add3A_1331, %get3A_1333 : vector<16xf32>
    %get3A_1335 = arith.constant 6976 : index
    %get3A_1336 = tpu.vector_load %arg15[%get3A_1335] {strides = array<i32>} : memref<8192xf32, #tpu.memory_space<vmem>>, vector<16xf32>,
    %add3A_1337 = arith.addf %add3A_1334, %get3A_1336 : vector<16xf32>
    %get3A_1338 = arith.constant 7488 : index
    %get3A_1339 = tpu.vector_load %arg15[%get3A_1338] {strides = array<i32>} : memref<8192xf32, #tpu.memory_space<vmem>>, vector<16xf32>,
    %add3A_1340 = arith.addf %add3A_1337, %get3A_1339 : vector<16xf32>
    %get3A_1341 = arith.constant 8000 : index
    %get3A_1342 = tpu.vector_load %arg15[%get3A_1341] {strides = array<i32>} : memref<8192xf32, #tpu.memory_space<vmem>>, vector<16xf32>,
    %add3A_1343 = arith.addf %add3A_1340, %get3A_1342 : vector<16xf32>
    %swap3A_1344 = arith.constant 320 : index
    %swap3A_1345 = tpu.vector_load %arg14[%swap3A_1344] {strides = array<i32>} : memref<512xf32, #tpu.memory_space<vmem>>, vector<16xf32>,
    tpu.vector_store %arg14[%swap3A_1344], %add3A_1343 {strides = array<i32>} : memref<512xf32, #tpu.memory_space<vmem>>, vector<16xf32>,
    %get3A_1346 = arith.constant 336 : index
    %get3A_1347 = tpu.vector_load %arg15[%get3A_1346] {strides = array<i32>} : memref<8192xf32, #tpu.memory_space<vmem>>, vector<16xf32>,
    %get3A_1348 = arith.constant 848 : index
    %get3A_1349 = tpu.vector_load %arg15[%get3A_1348] {strides = array<i32>} : memref<8192xf32, #tpu.memory_space<vmem>>, vector<16xf32>,
    %add3A_1350 = arith.addf %get3A_1347, %get3A_1349 : vector<16xf32>
    %get3A_1351 = arith.constant 1360 : index
    %get3A_1352 = tpu.vector_load %arg15[%get3A_1351] {strides = array<i32>} : memref<8192xf32, #tpu.memory_space<vmem>>, vector<16xf32>,
    %add3A_1353 = arith.addf %add3A_1350, %get3A_1352 : vector<16xf32>
    %get3A_1354 = arith.constant 1872 : index
    %get3A_1355 = tpu.vector_load %arg15[%get3A_1354] {strides = array<i32>} : memref<8192xf32, #tpu.memory_space<vmem>>, vector<16xf32>,
    %add3A_1356 = arith.addf %add3A_1353, %get3A_1355 : vector<16xf32>
    %get3A_1357 = arith.constant 2384 : index
    %get3A_1358 = tpu.vector_load %arg15[%get3A_1357] {strides = array<i32>} : memref<8192xf32, #tpu.memory_space<vmem>>, vector<16xf32>,
    %add3A_1359 = arith.addf %add3A_1356, %get3A_1358 : vector<16xf32>
    %get3A_1360 = arith.constant 2896 : index
    %get3A_1361 = tpu.vector_load %arg15[%get3A_1360] {strides = array<i32>} : memref<8192xf32, #tpu.memory_space<vmem>>, vector<16xf32>,
    %add3A_1362 = arith.addf %add3A_1359, %get3A_1361 : vector<16xf32>
    %get3A_1363 = arith.constant 3408 : index
    %get3A_1364 = tpu.vector_load %arg15[%get3A_1363] {strides = array<i32>} : memref<8192xf32, #tpu.memory_space<vmem>>, vector<16xf32>,
    %add3A_1365 = arith.addf %add3A_1362, %get3A_1364 : vector<16xf32>
    %get3A_1366 = arith.constant 3920 : index
    %get3A_1367 = tpu.vector_load %arg15[%get3A_1366] {strides = array<i32>} : memref<8192xf32, #tpu.memory_space<vmem>>, vector<16xf32>,
    %add3A_1368 = arith.addf %add3A_1365, %get3A_1367 : vector<16xf32>
    %get3A_1369 = arith.constant 4432 : index
    %get3A_1370 = tpu.vector_load %arg15[%get3A_1369] {strides = array<i32>} : memref<8192xf32, #tpu.memory_space<vmem>>, vector<16xf32>,
    %add3A_1371 = arith.addf %add3A_1368, %get3A_1370 : vector<16xf32>
    %get3A_1372 = arith.constant 4944 : index
    %get3A_1373 = tpu.vector_load %arg15[%get3A_1372] {strides = array<i32>} : memref<8192xf32, #tpu.memory_space<vmem>>, vector<16xf32>,
    %add3A_1374 = arith.addf %add3A_1371, %get3A_1373 : vector<16xf32>
    %get3A_1375 = arith.constant 5456 : index
    %get3A_1376 = tpu.vector_load %arg15[%get3A_1375] {strides = array<i32>} : memref<8192xf32, #tpu.memory_space<vmem>>, vector<16xf32>,
    %add3A_1377 = arith.addf %add3A_1374, %get3A_1376 : vector<16xf32>
    %get3A_1378 = arith.constant 5968 : index
    %get3A_1379 = tpu.vector_load %arg15[%get3A_1378] {strides = array<i32>} : memref<8192xf32, #tpu.memory_space<vmem>>, vector<16xf32>,
    %add3A_1380 = arith.addf %add3A_1377, %get3A_1379 : vector<16xf32>
    %get3A_1381 = arith.constant 6480 : index
    %get3A_1382 = tpu.vector_load %arg15[%get3A_1381] {strides = array<i32>} : memref<8192xf32, #tpu.memory_space<vmem>>, vector<16xf32>,
    %add3A_1383 = arith.addf %add3A_1380, %get3A_1382 : vector<16xf32>
    %get3A_1384 = arith.constant 6992 : index
    %get3A_1385 = tpu.vector_load %arg15[%get3A_1384] {strides = array<i32>} : memref<8192xf32, #tpu.memory_space<vmem>>, vector<16xf32>,
    %add3A_1386 = arith.addf %add3A_1383, %get3A_1385 : vector<16xf32>
    %get3A_1387 = arith.constant 7504 : index
    %get3A_1388 = tpu.vector_load %arg15[%get3A_1387] {strides = array<i32>} : memref<8192xf32, #tpu.memory_space<vmem>>, vector<16xf32>,
    %add3A_1389 = arith.addf %add3A_1386, %get3A_1388 : vector<16xf32>
    %get3A_1390 = arith.constant 8016 : index
    %get3A_1391 = tpu.vector_load %arg15[%get3A_1390] {strides = array<i32>} : memref<8192xf32, #tpu.memory_space<vmem>>, vector<16xf32>,
    %add3A_1392 = arith.addf %add3A_1389, %get3A_1391 : vector<16xf32>
    %swap3A_1393 = arith.constant 336 : index
    %swap3A_1394 = tpu.vector_load %arg14[%swap3A_1393] {strides = array<i32>} : memref<512xf32, #tpu.memory_space<vmem>>, vector<16xf32>,
    tpu.vector_store %arg14[%swap3A_1393], %add3A_1392 {strides = array<i32>} : memref<512xf32, #tpu.memory_space<vmem>>, vector<16xf32>,
    %get3A_1395 = arith.constant 352 : index
    %get3A_1396 = tpu.vector_load %arg15[%get3A_1395] {strides = array<i32>} : memref<8192xf32, #tpu.memory_space<vmem>>, vector<16xf32>,
    %get3A_1397 = arith.constant 864 : index
    %get3A_1398 = tpu.vector_load %arg15[%get3A_1397] {strides = array<i32>} : memref<8192xf32, #tpu.memory_space<vmem>>, vector<16xf32>,
    %add3A_1399 = arith.addf %get3A_1396, %get3A_1398 : vector<16xf32>
    %get3A_1400 = arith.constant 1376 : index
    %get3A_1401 = tpu.vector_load %arg15[%get3A_1400] {strides = array<i32>} : memref<8192xf32, #tpu.memory_space<vmem>>, vector<16xf32>,
    %add3A_1402 = arith.addf %add3A_1399, %get3A_1401 : vector<16xf32>
    %get3A_1403 = arith.constant 1888 : index
    %get3A_1404 = tpu.vector_load %arg15[%get3A_1403] {strides = array<i32>} : memref<8192xf32, #tpu.memory_space<vmem>>, vector<16xf32>,
    %add3A_1405 = arith.addf %add3A_1402, %get3A_1404 : vector<16xf32>
    %get3A_1406 = arith.constant 2400 : index
    %get3A_1407 = tpu.vector_load %arg15[%get3A_1406] {strides = array<i32>} : memref<8192xf32, #tpu.memory_space<vmem>>, vector<16xf32>,
    %add3A_1408 = arith.addf %add3A_1405, %get3A_1407 : vector<16xf32>
    %get3A_1409 = arith.constant 2912 : index
    %get3A_1410 = tpu.vector_load %arg15[%get3A_1409] {strides = array<i32>} : memref<8192xf32, #tpu.memory_space<vmem>>, vector<16xf32>,
    %add3A_1411 = arith.addf %add3A_1408, %get3A_1410 : vector<16xf32>
    %get3A_1412 = arith.constant 3424 : index
    %get3A_1413 = tpu.vector_load %arg15[%get3A_1412] {strides = array<i32>} : memref<8192xf32, #tpu.memory_space<vmem>>, vector<16xf32>,
    %add3A_1414 = arith.addf %add3A_1411, %get3A_1413 : vector<16xf32>
    %get3A_1415 = arith.constant 3936 : index
    %get3A_1416 = tpu.vector_load %arg15[%get3A_1415] {strides = array<i32>} : memref<8192xf32, #tpu.memory_space<vmem>>, vector<16xf32>,
    %add3A_1417 = arith.addf %add3A_1414, %get3A_1416 : vector<16xf32>
    %get3A_1418 = arith.constant 4448 : index
    %get3A_1419 = tpu.vector_load %arg15[%get3A_1418] {strides = array<i32>} : memref<8192xf32, #tpu.memory_space<vmem>>, vector<16xf32>,
    %add3A_1420 = arith.addf %add3A_1417, %get3A_1419 : vector<16xf32>
    %get3A_1421 = arith.constant 4960 : index
    %get3A_1422 = tpu.vector_load %arg15[%get3A_1421] {strides = array<i32>} : memref<8192xf32, #tpu.memory_space<vmem>>, vector<16xf32>,
    %add3A_1423 = arith.addf %add3A_1420, %get3A_1422 : vector<16xf32>
    %get3A_1424 = arith.constant 5472 : index
    %get3A_1425 = tpu.vector_load %arg15[%get3A_1424] {strides = array<i32>} : memref<8192xf32, #tpu.memory_space<vmem>>, vector<16xf32>,
    %add3A_1426 = arith.addf %add3A_1423, %get3A_1425 : vector<16xf32>
    %get3A_1427 = arith.constant 5984 : index
    %get3A_1428 = tpu.vector_load %arg15[%get3A_1427] {strides = array<i32>} : memref<8192xf32, #tpu.memory_space<vmem>>, vector<16xf32>,
    %add3A_1429 = arith.addf %add3A_1426, %get3A_1428 : vector<16xf32>
    %get3A_1430 = arith.constant 6496 : index
    %get3A_1431 = tpu.vector_load %arg15[%get3A_1430] {strides = array<i32>} : memref<8192xf32, #tpu.memory_space<vmem>>, vector<16xf32>,
    %add3A_1432 = arith.addf %add3A_1429, %get3A_1431 : vector<16xf32>
    %get3A_1433 = arith.constant 7008 : index
    %get3A_1434 = tpu.vector_load %arg15[%get3A_1433] {strides = array<i32>} : memref<8192xf32, #tpu.memory_space<vmem>>, vector<16xf32>,
    %add3A_1435 = arith.addf %add3A_1432, %get3A_1434 : vector<16xf32>
    %get3A_1436 = arith.constant 7520 : index
    %get3A_1437 = tpu.vector_load %arg15[%get3A_1436] {strides = array<i32>} : memref<8192xf32, #tpu.memory_space<vmem>>, vector<16xf32>,
    %add3A_1438 = arith.addf %add3A_1435, %get3A_1437 : vector<16xf32>
    %get3A_1439 = arith.constant 8032 : index
    %get3A_1440 = tpu.vector_load %arg15[%get3A_1439] {strides = array<i32>} : memref<8192xf32, #tpu.memory_space<vmem>>, vector<16xf32>,
    %add3A_1441 = arith.addf %add3A_1438, %get3A_1440 : vector<16xf32>
    %swap3A_1442 = arith.constant 352 : index
    %swap3A_1443 = tpu.vector_load %arg14[%swap3A_1442] {strides = array<i32>} : memref<512xf32, #tpu.memory_space<vmem>>, vector<16xf32>,
    tpu.vector_store %arg14[%swap3A_1442], %add3A_1441 {strides = array<i32>} : memref<512xf32, #tpu.memory_space<vmem>>, vector<16xf32>,
    %get3A_1444 = arith.constant 368 : index
    %get3A_1445 = tpu.vector_load %arg15[%get3A_1444] {strides = array<i32>} : memref<8192xf32, #tpu.memory_space<vmem>>, vector<16xf32>,
    %get3A_1446 = arith.constant 880 : index
    %get3A_1447 = tpu.vector_load %arg15[%get3A_1446] {strides = array<i32>} : memref<8192xf32, #tpu.memory_space<vmem>>, vector<16xf32>,
    %add3A_1448 = arith.addf %get3A_1445, %get3A_1447 : vector<16xf32>
    %get3A_1449 = arith.constant 1392 : index
    %get3A_1450 = tpu.vector_load %arg15[%get3A_1449] {strides = array<i32>} : memref<8192xf32, #tpu.memory_space<vmem>>, vector<16xf32>,
    %add3A_1451 = arith.addf %add3A_1448, %get3A_1450 : vector<16xf32>
    %get3A_1452 = arith.constant 1904 : index
    %get3A_1453 = tpu.vector_load %arg15[%get3A_1452] {strides = array<i32>} : memref<8192xf32, #tpu.memory_space<vmem>>, vector<16xf32>,
    %add3A_1454 = arith.addf %add3A_1451, %get3A_1453 : vector<16xf32>
    %get3A_1455 = arith.constant 2416 : index
    %get3A_1456 = tpu.vector_load %arg15[%get3A_1455] {strides = array<i32>} : memref<8192xf32, #tpu.memory_space<vmem>>, vector<16xf32>,
    %add3A_1457 = arith.addf %add3A_1454, %get3A_1456 : vector<16xf32>
    %get3A_1458 = arith.constant 2928 : index
    %get3A_1459 = tpu.vector_load %arg15[%get3A_1458] {strides = array<i32>} : memref<8192xf32, #tpu.memory_space<vmem>>, vector<16xf32>,
    %add3A_1460 = arith.addf %add3A_1457, %get3A_1459 : vector<16xf32>
    %get3A_1461 = arith.constant 3440 : index
    %get3A_1462 = tpu.vector_load %arg15[%get3A_1461] {strides = array<i32>} : memref<8192xf32, #tpu.memory_space<vmem>>, vector<16xf32>,
    %add3A_1463 = arith.addf %add3A_1460, %get3A_1462 : vector<16xf32>
    %get3A_1464 = arith.constant 3952 : index
    %get3A_1465 = tpu.vector_load %arg15[%get3A_1464] {strides = array<i32>} : memref<8192xf32, #tpu.memory_space<vmem>>, vector<16xf32>,
    %add3A_1466 = arith.addf %add3A_1463, %get3A_1465 : vector<16xf32>
    %get3A_1467 = arith.constant 4464 : index
    %get3A_1468 = tpu.vector_load %arg15[%get3A_1467] {strides = array<i32>} : memref<8192xf32, #tpu.memory_space<vmem>>, vector<16xf32>,
    %add3A_1469 = arith.addf %add3A_1466, %get3A_1468 : vector<16xf32>
    %get3A_1470 = arith.constant 4976 : index
    %get3A_1471 = tpu.vector_load %arg15[%get3A_1470] {strides = array<i32>} : memref<8192xf32, #tpu.memory_space<vmem>>, vector<16xf32>,
    %add3A_1472 = arith.addf %add3A_1469, %get3A_1471 : vector<16xf32>
    %get3A_1473 = arith.constant 5488 : index
    %get3A_1474 = tpu.vector_load %arg15[%get3A_1473] {strides = array<i32>} : memref<8192xf32, #tpu.memory_space<vmem>>, vector<16xf32>,
    %add3A_1475 = arith.addf %add3A_1472, %get3A_1474 : vector<16xf32>
    %get3A_1476 = arith.constant 6000 : index
    %get3A_1477 = tpu.vector_load %arg15[%get3A_1476] {strides = array<i32>} : memref<8192xf32, #tpu.memory_space<vmem>>, vector<16xf32>,
    %add3A_1478 = arith.addf %add3A_1475, %get3A_1477 : vector<16xf32>
    %get3A_1479 = arith.constant 6512 : index
    %get3A_1480 = tpu.vector_load %arg15[%get3A_1479] {strides = array<i32>} : memref<8192xf32, #tpu.memory_space<vmem>>, vector<16xf32>,
    %add3A_1481 = arith.addf %add3A_1478, %get3A_1480 : vector<16xf32>
    %get3A_1482 = arith.constant 7024 : index
    %get3A_1483 = tpu.vector_load %arg15[%get3A_1482] {strides = array<i32>} : memref<8192xf32, #tpu.memory_space<vmem>>, vector<16xf32>,
    %add3A_1484 = arith.addf %add3A_1481, %get3A_1483 : vector<16xf32>
    %get3A_1485 = arith.constant 7536 : index
    %get3A_1486 = tpu.vector_load %arg15[%get3A_1485] {strides = array<i32>} : memref<8192xf32, #tpu.memory_space<vmem>>, vector<16xf32>,
    %add3A_1487 = arith.addf %add3A_1484, %get3A_1486 : vector<16xf32>
    %get3A_1488 = arith.constant 8048 : index
    %get3A_1489 = tpu.vector_load %arg15[%get3A_1488] {strides = array<i32>} : memref<8192xf32, #tpu.memory_space<vmem>>, vector<16xf32>,
    %add3A_1490 = arith.addf %add3A_1487, %get3A_1489 : vector<16xf32>
    %swap3A_1491 = arith.constant 368 : index
    %swap3A_1492 = tpu.vector_load %arg14[%swap3A_1491] {strides = array<i32>} : memref<512xf32, #tpu.memory_space<vmem>>, vector<16xf32>,
    tpu.vector_store %arg14[%swap3A_1491], %add3A_1490 {strides = array<i32>} : memref<512xf32, #tpu.memory_space<vmem>>, vector<16xf32>,
    %get3A_1493 = arith.constant 384 : index
    %get3A_1494 = tpu.vector_load %arg15[%get3A_1493] {strides = array<i32>} : memref<8192xf32, #tpu.memory_space<vmem>>, vector<16xf32>,
    %get3A_1495 = arith.constant 896 : index
    %get3A_1496 = tpu.vector_load %arg15[%get3A_1495] {strides = array<i32>} : memref<8192xf32, #tpu.memory_space<vmem>>, vector<16xf32>,
    %add3A_1497 = arith.addf %get3A_1494, %get3A_1496 : vector<16xf32>
    %get3A_1498 = arith.constant 1408 : index
    %get3A_1499 = tpu.vector_load %arg15[%get3A_1498] {strides = array<i32>} : memref<8192xf32, #tpu.memory_space<vmem>>, vector<16xf32>,
    %add3A_1500 = arith.addf %add3A_1497, %get3A_1499 : vector<16xf32>
    %get3A_1501 = arith.constant 1920 : index
    %get3A_1502 = tpu.vector_load %arg15[%get3A_1501] {strides = array<i32>} : memref<8192xf32, #tpu.memory_space<vmem>>, vector<16xf32>,
    %add3A_1503 = arith.addf %add3A_1500, %get3A_1502 : vector<16xf32>
    %get3A_1504 = arith.constant 2432 : index
    %get3A_1505 = tpu.vector_load %arg15[%get3A_1504] {strides = array<i32>} : memref<8192xf32, #tpu.memory_space<vmem>>, vector<16xf32>,
    %add3A_1506 = arith.addf %add3A_1503, %get3A_1505 : vector<16xf32>
    %get3A_1507 = arith.constant 2944 : index
    %get3A_1508 = tpu.vector_load %arg15[%get3A_1507] {strides = array<i32>} : memref<8192xf32, #tpu.memory_space<vmem>>, vector<16xf32>,
    %add3A_1509 = arith.addf %add3A_1506, %get3A_1508 : vector<16xf32>
    %get3A_1510 = arith.constant 3456 : index
    %get3A_1511 = tpu.vector_load %arg15[%get3A_1510] {strides = array<i32>} : memref<8192xf32, #tpu.memory_space<vmem>>, vector<16xf32>,
    %add3A_1512 = arith.addf %add3A_1509, %get3A_1511 : vector<16xf32>
    %get3A_1513 = arith.constant 3968 : index
    %get3A_1514 = tpu.vector_load %arg15[%get3A_1513] {strides = array<i32>} : memref<8192xf32, #tpu.memory_space<vmem>>, vector<16xf32>,
    %add3A_1515 = arith.addf %add3A_1512, %get3A_1514 : vector<16xf32>
    %get3A_1516 = arith.constant 4480 : index
    %get3A_1517 = tpu.vector_load %arg15[%get3A_1516] {strides = array<i32>} : memref<8192xf32, #tpu.memory_space<vmem>>, vector<16xf32>,
    %add3A_1518 = arith.addf %add3A_1515, %get3A_1517 : vector<16xf32>
    %get3A_1519 = arith.constant 4992 : index
    %get3A_1520 = tpu.vector_load %arg15[%get3A_1519] {strides = array<i32>} : memref<8192xf32, #tpu.memory_space<vmem>>, vector<16xf32>,
    %add3A_1521 = arith.addf %add3A_1518, %get3A_1520 : vector<16xf32>
    %get3A_1522 = arith.constant 5504 : index
    %get3A_1523 = tpu.vector_load %arg15[%get3A_1522] {strides = array<i32>} : memref<8192xf32, #tpu.memory_space<vmem>>, vector<16xf32>,
    %add3A_1524 = arith.addf %add3A_1521, %get3A_1523 : vector<16xf32>
    %get3A_1525 = arith.constant 6016 : index
    %get3A_1526 = tpu.vector_load %arg15[%get3A_1525] {strides = array<i32>} : memref<8192xf32, #tpu.memory_space<vmem>>, vector<16xf32>,
    %add3A_1527 = arith.addf %add3A_1524, %get3A_1526 : vector<16xf32>
    %get3A_1528 = arith.constant 6528 : index
    %get3A_1529 = tpu.vector_load %arg15[%get3A_1528] {strides = array<i32>} : memref<8192xf32, #tpu.memory_space<vmem>>, vector<16xf32>,
    %add3A_1530 = arith.addf %add3A_1527, %get3A_1529 : vector<16xf32>
    %get3A_1531 = arith.constant 7040 : index
    %get3A_1532 = tpu.vector_load %arg15[%get3A_1531] {strides = array<i32>} : memref<8192xf32, #tpu.memory_space<vmem>>, vector<16xf32>,
    %add3A_1533 = arith.addf %add3A_1530, %get3A_1532 : vector<16xf32>
    %get3A_1534 = arith.constant 7552 : index
    %get3A_1535 = tpu.vector_load %arg15[%get3A_1534] {strides = array<i32>} : memref<8192xf32, #tpu.memory_space<vmem>>, vector<16xf32>,
    %add3A_1536 = arith.addf %add3A_1533, %get3A_1535 : vector<16xf32>
    %get3A_1537 = arith.constant 8064 : index
    %get3A_1538 = tpu.vector_load %arg15[%get3A_1537] {strides = array<i32>} : memref<8192xf32, #tpu.memory_space<vmem>>, vector<16xf32>,
    %add3A_1539 = arith.addf %add3A_1536, %get3A_1538 : vector<16xf32>
    %swap3A_1540 = arith.constant 384 : index
    %swap3A_1541 = tpu.vector_load %arg14[%swap3A_1540] {strides = array<i32>} : memref<512xf32, #tpu.memory_space<vmem>>, vector<16xf32>,
    tpu.vector_store %arg14[%swap3A_1540], %add3A_1539 {strides = array<i32>} : memref<512xf32, #tpu.memory_space<vmem>>, vector<16xf32>,
    %get3A_1542 = arith.constant 400 : index
    %get3A_1543 = tpu.vector_load %arg15[%get3A_1542] {strides = array<i32>} : memref<8192xf32, #tpu.memory_space<vmem>>, vector<16xf32>,
    %get3A_1544 = arith.constant 912 : index
    %get3A_1545 = tpu.vector_load %arg15[%get3A_1544] {strides = array<i32>} : memref<8192xf32, #tpu.memory_space<vmem>>, vector<16xf32>,
    %add3A_1546 = arith.addf %get3A_1543, %get3A_1545 : vector<16xf32>
    %get3A_1547 = arith.constant 1424 : index
    %get3A_1548 = tpu.vector_load %arg15[%get3A_1547] {strides = array<i32>} : memref<8192xf32, #tpu.memory_space<vmem>>, vector<16xf32>,
    %add3A_1549 = arith.addf %add3A_1546, %get3A_1548 : vector<16xf32>
    %get3A_1550 = arith.constant 1936 : index
    %get3A_1551 = tpu.vector_load %arg15[%get3A_1550] {strides = array<i32>} : memref<8192xf32, #tpu.memory_space<vmem>>, vector<16xf32>,
    %add3A_1552 = arith.addf %add3A_1549, %get3A_1551 : vector<16xf32>
    %get3A_1553 = arith.constant 2448 : index
    %get3A_1554 = tpu.vector_load %arg15[%get3A_1553] {strides = array<i32>} : memref<8192xf32, #tpu.memory_space<vmem>>, vector<16xf32>,
    %add3A_1555 = arith.addf %add3A_1552, %get3A_1554 : vector<16xf32>
    %get3A_1556 = arith.constant 2960 : index
    %get3A_1557 = tpu.vector_load %arg15[%get3A_1556] {strides = array<i32>} : memref<8192xf32, #tpu.memory_space<vmem>>, vector<16xf32>,
    %add3A_1558 = arith.addf %add3A_1555, %get3A_1557 : vector<16xf32>
    %get3A_1559 = arith.constant 3472 : index
    %get3A_1560 = tpu.vector_load %arg15[%get3A_1559] {strides = array<i32>} : memref<8192xf32, #tpu.memory_space<vmem>>, vector<16xf32>,
    %add3A_1561 = arith.addf %add3A_1558, %get3A_1560 : vector<16xf32>
    %get3A_1562 = arith.constant 3984 : index
    %get3A_1563 = tpu.vector_load %arg15[%get3A_1562] {strides = array<i32>} : memref<8192xf32, #tpu.memory_space<vmem>>, vector<16xf32>,
    %add3A_1564 = arith.addf %add3A_1561, %get3A_1563 : vector<16xf32>
    %get3A_1565 = arith.constant 4496 : index
    %get3A_1566 = tpu.vector_load %arg15[%get3A_1565] {strides = array<i32>} : memref<8192xf32, #tpu.memory_space<vmem>>, vector<16xf32>,
    %add3A_1567 = arith.addf %add3A_1564, %get3A_1566 : vector<16xf32>
    %get3A_1568 = arith.constant 5008 : index
    %get3A_1569 = tpu.vector_load %arg15[%get3A_1568] {strides = array<i32>} : memref<8192xf32, #tpu.memory_space<vmem>>, vector<16xf32>,
    %add3A_1570 = arith.addf %add3A_1567, %get3A_1569 : vector<16xf32>
    %get3A_1571 = arith.constant 5520 : index
    %get3A_1572 = tpu.vector_load %arg15[%get3A_1571] {strides = array<i32>} : memref<8192xf32, #tpu.memory_space<vmem>>, vector<16xf32>,
    %add3A_1573 = arith.addf %add3A_1570, %get3A_1572 : vector<16xf32>
    %get3A_1574 = arith.constant 6032 : index
    %get3A_1575 = tpu.vector_load %arg15[%get3A_1574] {strides = array<i32>} : memref<8192xf32, #tpu.memory_space<vmem>>, vector<16xf32>,
    %add3A_1576 = arith.addf %add3A_1573, %get3A_1575 : vector<16xf32>
    %get3A_1577 = arith.constant 6544 : index
    %get3A_1578 = tpu.vector_load %arg15[%get3A_1577] {strides = array<i32>} : memref<8192xf32, #tpu.memory_space<vmem>>, vector<16xf32>,
    %add3A_1579 = arith.addf %add3A_1576, %get3A_1578 : vector<16xf32>
    %get3A_1580 = arith.constant 7056 : index
    %get3A_1581 = tpu.vector_load %arg15[%get3A_1580] {strides = array<i32>} : memref<8192xf32, #tpu.memory_space<vmem>>, vector<16xf32>,
    %add3A_1582 = arith.addf %add3A_1579, %get3A_1581 : vector<16xf32>
    %get3A_1583 = arith.constant 7568 : index
    %get3A_1584 = tpu.vector_load %arg15[%get3A_1583] {strides = array<i32>} : memref<8192xf32, #tpu.memory_space<vmem>>, vector<16xf32>,
    %add3A_1585 = arith.addf %add3A_1582, %get3A_1584 : vector<16xf32>
    %get3A_1586 = arith.constant 8080 : index
    %get3A_1587 = tpu.vector_load %arg15[%get3A_1586] {strides = array<i32>} : memref<8192xf32, #tpu.memory_space<vmem>>, vector<16xf32>,
    %add3A_1588 = arith.addf %add3A_1585, %get3A_1587 : vector<16xf32>
    %swap3A_1589 = arith.constant 400 : index
    %swap3A_1590 = tpu.vector_load %arg14[%swap3A_1589] {strides = array<i32>} : memref<512xf32, #tpu.memory_space<vmem>>, vector<16xf32>,
    tpu.vector_store %arg14[%swap3A_1589], %add3A_1588 {strides = array<i32>} : memref<512xf32, #tpu.memory_space<vmem>>, vector<16xf32>,
    %get3A_1591 = arith.constant 416 : index
    %get3A_1592 = tpu.vector_load %arg15[%get3A_1591] {strides = array<i32>} : memref<8192xf32, #tpu.memory_space<vmem>>, vector<16xf32>,
    %get3A_1593 = arith.constant 928 : index
    %get3A_1594 = tpu.vector_load %arg15[%get3A_1593] {strides = array<i32>} : memref<8192xf32, #tpu.memory_space<vmem>>, vector<16xf32>,
    %add3A_1595 = arith.addf %get3A_1592, %get3A_1594 : vector<16xf32>
    %get3A_1596 = arith.constant 1440 : index
    %get3A_1597 = tpu.vector_load %arg15[%get3A_1596] {strides = array<i32>} : memref<8192xf32, #tpu.memory_space<vmem>>, vector<16xf32>,
    %add3A_1598 = arith.addf %add3A_1595, %get3A_1597 : vector<16xf32>
    %get3A_1599 = arith.constant 1952 : index
    %get3A_1600 = tpu.vector_load %arg15[%get3A_1599] {strides = array<i32>} : memref<8192xf32, #tpu.memory_space<vmem>>, vector<16xf32>,
    %add3A_1601 = arith.addf %add3A_1598, %get3A_1600 : vector<16xf32>
    %get3A_1602 = arith.constant 2464 : index
    %get3A_1603 = tpu.vector_load %arg15[%get3A_1602] {strides = array<i32>} : memref<8192xf32, #tpu.memory_space<vmem>>, vector<16xf32>,
    %add3A_1604 = arith.addf %add3A_1601, %get3A_1603 : vector<16xf32>
    %get3A_1605 = arith.constant 2976 : index
    %get3A_1606 = tpu.vector_load %arg15[%get3A_1605] {strides = array<i32>} : memref<8192xf32, #tpu.memory_space<vmem>>, vector<16xf32>,
    %add3A_1607 = arith.addf %add3A_1604, %get3A_1606 : vector<16xf32>
    %get3A_1608 = arith.constant 3488 : index
    %get3A_1609 = tpu.vector_load %arg15[%get3A_1608] {strides = array<i32>} : memref<8192xf32, #tpu.memory_space<vmem>>, vector<16xf32>,
    %add3A_1610 = arith.addf %add3A_1607, %get3A_1609 : vector<16xf32>
    %get3A_1611 = arith.constant 4000 : index
    %get3A_1612 = tpu.vector_load %arg15[%get3A_1611] {strides = array<i32>} : memref<8192xf32, #tpu.memory_space<vmem>>, vector<16xf32>,
    %add3A_1613 = arith.addf %add3A_1610, %get3A_1612 : vector<16xf32>
    %get3A_1614 = arith.constant 4512 : index
    %get3A_1615 = tpu.vector_load %arg15[%get3A_1614] {strides = array<i32>} : memref<8192xf32, #tpu.memory_space<vmem>>, vector<16xf32>,
    %add3A_1616 = arith.addf %add3A_1613, %get3A_1615 : vector<16xf32>
    %get3A_1617 = arith.constant 5024 : index
    %get3A_1618 = tpu.vector_load %arg15[%get3A_1617] {strides = array<i32>} : memref<8192xf32, #tpu.memory_space<vmem>>, vector<16xf32>,
    %add3A_1619 = arith.addf %add3A_1616, %get3A_1618 : vector<16xf32>
    %get3A_1620 = arith.constant 5536 : index
    %get3A_1621 = tpu.vector_load %arg15[%get3A_1620] {strides = array<i32>} : memref<8192xf32, #tpu.memory_space<vmem>>, vector<16xf32>,
    %add3A_1622 = arith.addf %add3A_1619, %get3A_1621 : vector<16xf32>
    %get3A_1623 = arith.constant 6048 : index
    %get3A_1624 = tpu.vector_load %arg15[%get3A_1623] {strides = array<i32>} : memref<8192xf32, #tpu.memory_space<vmem>>, vector<16xf32>,
    %add3A_1625 = arith.addf %add3A_1622, %get3A_1624 : vector<16xf32>
    %get3A_1626 = arith.constant 6560 : index
    %get3A_1627 = tpu.vector_load %arg15[%get3A_1626] {strides = array<i32>} : memref<8192xf32, #tpu.memory_space<vmem>>, vector<16xf32>,
    %add3A_1628 = arith.addf %add3A_1625, %get3A_1627 : vector<16xf32>
    %get3A_1629 = arith.constant 7072 : index
    %get3A_1630 = tpu.vector_load %arg15[%get3A_1629] {strides = array<i32>} : memref<8192xf32, #tpu.memory_space<vmem>>, vector<16xf32>,
    %add3A_1631 = arith.addf %add3A_1628, %get3A_1630 : vector<16xf32>
    %get3A_1632 = arith.constant 7584 : index
    %get3A_1633 = tpu.vector_load %arg15[%get3A_1632] {strides = array<i32>} : memref<8192xf32, #tpu.memory_space<vmem>>, vector<16xf32>,
    %add3A_1634 = arith.addf %add3A_1631, %get3A_1633 : vector<16xf32>
    %get3A_1635 = arith.constant 8096 : index
    %get3A_1636 = tpu.vector_load %arg15[%get3A_1635] {strides = array<i32>} : memref<8192xf32, #tpu.memory_space<vmem>>, vector<16xf32>,
    %add3A_1637 = arith.addf %add3A_1634, %get3A_1636 : vector<16xf32>
    %swap3A_1638 = arith.constant 416 : index
    %swap3A_1639 = tpu.vector_load %arg14[%swap3A_1638] {strides = array<i32>} : memref<512xf32, #tpu.memory_space<vmem>>, vector<16xf32>,
    tpu.vector_store %arg14[%swap3A_1638], %add3A_1637 {strides = array<i32>} : memref<512xf32, #tpu.memory_space<vmem>>, vector<16xf32>,
    %get3A_1640 = arith.constant 432 : index
    %get3A_1641 = tpu.vector_load %arg15[%get3A_1640] {strides = array<i32>} : memref<8192xf32, #tpu.memory_space<vmem>>, vector<16xf32>,
    %get3A_1642 = arith.constant 944 : index
    %get3A_1643 = tpu.vector_load %arg15[%get3A_1642] {strides = array<i32>} : memref<8192xf32, #tpu.memory_space<vmem>>, vector<16xf32>,
    %add3A_1644 = arith.addf %get3A_1641, %get3A_1643 : vector<16xf32>
    %get3A_1645 = arith.constant 1456 : index
    %get3A_1646 = tpu.vector_load %arg15[%get3A_1645] {strides = array<i32>} : memref<8192xf32, #tpu.memory_space<vmem>>, vector<16xf32>,
    %add3A_1647 = arith.addf %add3A_1644, %get3A_1646 : vector<16xf32>
    %get3A_1648 = arith.constant 1968 : index
    %get3A_1649 = tpu.vector_load %arg15[%get3A_1648] {strides = array<i32>} : memref<8192xf32, #tpu.memory_space<vmem>>, vector<16xf32>,
    %add3A_1650 = arith.addf %add3A_1647, %get3A_1649 : vector<16xf32>
    %get3A_1651 = arith.constant 2480 : index
    %get3A_1652 = tpu.vector_load %arg15[%get3A_1651] {strides = array<i32>} : memref<8192xf32, #tpu.memory_space<vmem>>, vector<16xf32>,
    %add3A_1653 = arith.addf %add3A_1650, %get3A_1652 : vector<16xf32>
    %get3A_1654 = arith.constant 2992 : index
    %get3A_1655 = tpu.vector_load %arg15[%get3A_1654] {strides = array<i32>} : memref<8192xf32, #tpu.memory_space<vmem>>, vector<16xf32>,
    %add3A_1656 = arith.addf %add3A_1653, %get3A_1655 : vector<16xf32>
    %get3A_1657 = arith.constant 3504 : index
    %get3A_1658 = tpu.vector_load %arg15[%get3A_1657] {strides = array<i32>} : memref<8192xf32, #tpu.memory_space<vmem>>, vector<16xf32>,
    %add3A_1659 = arith.addf %add3A_1656, %get3A_1658 : vector<16xf32>
    %get3A_1660 = arith.constant 4016 : index
    %get3A_1661 = tpu.vector_load %arg15[%get3A_1660] {strides = array<i32>} : memref<8192xf32, #tpu.memory_space<vmem>>, vector<16xf32>,
    %add3A_1662 = arith.addf %add3A_1659, %get3A_1661 : vector<16xf32>
    %get3A_1663 = arith.constant 4528 : index
    %get3A_1664 = tpu.vector_load %arg15[%get3A_1663] {strides = array<i32>} : memref<8192xf32, #tpu.memory_space<vmem>>, vector<16xf32>,
    %add3A_1665 = arith.addf %add3A_1662, %get3A_1664 : vector<16xf32>
    %get3A_1666 = arith.constant 5040 : index
    %get3A_1667 = tpu.vector_load %arg15[%get3A_1666] {strides = array<i32>} : memref<8192xf32, #tpu.memory_space<vmem>>, vector<16xf32>,
    %add3A_1668 = arith.addf %add3A_1665, %get3A_1667 : vector<16xf32>
    %get3A_1669 = arith.constant 5552 : index
    %get3A_1670 = tpu.vector_load %arg15[%get3A_1669] {strides = array<i32>} : memref<8192xf32, #tpu.memory_space<vmem>>, vector<16xf32>,
    %add3A_1671 = arith.addf %add3A_1668, %get3A_1670 : vector<16xf32>
    %get3A_1672 = arith.constant 6064 : index
    %get3A_1673 = tpu.vector_load %arg15[%get3A_1672] {strides = array<i32>} : memref<8192xf32, #tpu.memory_space<vmem>>, vector<16xf32>,
    %add3A_1674 = arith.addf %add3A_1671, %get3A_1673 : vector<16xf32>
    %get3A_1675 = arith.constant 6576 : index
    %get3A_1676 = tpu.vector_load %arg15[%get3A_1675] {strides = array<i32>} : memref<8192xf32, #tpu.memory_space<vmem>>, vector<16xf32>,
    %add3A_1677 = arith.addf %add3A_1674, %get3A_1676 : vector<16xf32>
    %get3A_1678 = arith.constant 7088 : index
    %get3A_1679 = tpu.vector_load %arg15[%get3A_1678] {strides = array<i32>} : memref<8192xf32, #tpu.memory_space<vmem>>, vector<16xf32>,
    %add3A_1680 = arith.addf %add3A_1677, %get3A_1679 : vector<16xf32>
    %get3A_1681 = arith.constant 7600 : index
    %get3A_1682 = tpu.vector_load %arg15[%get3A_1681] {strides = array<i32>} : memref<8192xf32, #tpu.memory_space<vmem>>, vector<16xf32>,
    %add3A_1683 = arith.addf %add3A_1680, %get3A_1682 : vector<16xf32>
    %get3A_1684 = arith.constant 8112 : index
    %get3A_1685 = tpu.vector_load %arg15[%get3A_1684] {strides = array<i32>} : memref<8192xf32, #tpu.memory_space<vmem>>, vector<16xf32>,
    %add3A_1686 = arith.addf %add3A_1683, %get3A_1685 : vector<16xf32>
    %swap3A_1687 = arith.constant 432 : index
    %swap3A_1688 = tpu.vector_load %arg14[%swap3A_1687] {strides = array<i32>} : memref<512xf32, #tpu.memory_space<vmem>>, vector<16xf32>,
    tpu.vector_store %arg14[%swap3A_1687], %add3A_1686 {strides = array<i32>} : memref<512xf32, #tpu.memory_space<vmem>>, vector<16xf32>,
    %get3A_1689 = arith.constant 448 : index
    %get3A_1690 = tpu.vector_load %arg15[%get3A_1689] {strides = array<i32>} : memref<8192xf32, #tpu.memory_space<vmem>>, vector<16xf32>,
    %get3A_1691 = arith.constant 960 : index
    %get3A_1692 = tpu.vector_load %arg15[%get3A_1691] {strides = array<i32>} : memref<8192xf32, #tpu.memory_space<vmem>>, vector<16xf32>,
    %add3A_1693 = arith.addf %get3A_1690, %get3A_1692 : vector<16xf32>
    %get3A_1694 = arith.constant 1472 : index
    %get3A_1695 = tpu.vector_load %arg15[%get3A_1694] {strides = array<i32>} : memref<8192xf32, #tpu.memory_space<vmem>>, vector<16xf32>,
    %add3A_1696 = arith.addf %add3A_1693, %get3A_1695 : vector<16xf32>
    %get3A_1697 = arith.constant 1984 : index
    %get3A_1698 = tpu.vector_load %arg15[%get3A_1697] {strides = array<i32>} : memref<8192xf32, #tpu.memory_space<vmem>>, vector<16xf32>,
    %add3A_1699 = arith.addf %add3A_1696, %get3A_1698 : vector<16xf32>
    %get3A_1700 = arith.constant 2496 : index
    %get3A_1701 = tpu.vector_load %arg15[%get3A_1700] {strides = array<i32>} : memref<8192xf32, #tpu.memory_space<vmem>>, vector<16xf32>,
    %add3A_1702 = arith.addf %add3A_1699, %get3A_1701 : vector<16xf32>
    %get3A_1703 = arith.constant 3008 : index
    %get3A_1704 = tpu.vector_load %arg15[%get3A_1703] {strides = array<i32>} : memref<8192xf32, #tpu.memory_space<vmem>>, vector<16xf32>,
    %add3A_1705 = arith.addf %add3A_1702, %get3A_1704 : vector<16xf32>
    %get3A_1706 = arith.constant 3520 : index
    %get3A_1707 = tpu.vector_load %arg15[%get3A_1706] {strides = array<i32>} : memref<8192xf32, #tpu.memory_space<vmem>>, vector<16xf32>,
    %add3A_1708 = arith.addf %add3A_1705, %get3A_1707 : vector<16xf32>
    %get3A_1709 = arith.constant 4032 : index
    %get3A_1710 = tpu.vector_load %arg15[%get3A_1709] {strides = array<i32>} : memref<8192xf32, #tpu.memory_space<vmem>>, vector<16xf32>,
    %add3A_1711 = arith.addf %add3A_1708, %get3A_1710 : vector<16xf32>
    %get3A_1712 = arith.constant 4544 : index
    %get3A_1713 = tpu.vector_load %arg15[%get3A_1712] {strides = array<i32>} : memref<8192xf32, #tpu.memory_space<vmem>>, vector<16xf32>,
    %add3A_1714 = arith.addf %add3A_1711, %get3A_1713 : vector<16xf32>
    %get3A_1715 = arith.constant 5056 : index
    %get3A_1716 = tpu.vector_load %arg15[%get3A_1715] {strides = array<i32>} : memref<8192xf32, #tpu.memory_space<vmem>>, vector<16xf32>,
    %add3A_1717 = arith.addf %add3A_1714, %get3A_1716 : vector<16xf32>
    %get3A_1718 = arith.constant 5568 : index
    %get3A_1719 = tpu.vector_load %arg15[%get3A_1718] {strides = array<i32>} : memref<8192xf32, #tpu.memory_space<vmem>>, vector<16xf32>,
    %add3A_1720 = arith.addf %add3A_1717, %get3A_1719 : vector<16xf32>
    %get3A_1721 = arith.constant 6080 : index
    %get3A_1722 = tpu.vector_load %arg15[%get3A_1721] {strides = array<i32>} : memref<8192xf32, #tpu.memory_space<vmem>>, vector<16xf32>,
    %add3A_1723 = arith.addf %add3A_1720, %get3A_1722 : vector<16xf32>
    %get3A_1724 = arith.constant 6592 : index
    %get3A_1725 = tpu.vector_load %arg15[%get3A_1724] {strides = array<i32>} : memref<8192xf32, #tpu.memory_space<vmem>>, vector<16xf32>,
    %add3A_1726 = arith.addf %add3A_1723, %get3A_1725 : vector<16xf32>
    %get3A_1727 = arith.constant 7104 : index
    %get3A_1728 = tpu.vector_load %arg15[%get3A_1727] {strides = array<i32>} : memref<8192xf32, #tpu.memory_space<vmem>>, vector<16xf32>,
    %add3A_1729 = arith.addf %add3A_1726, %get3A_1728 : vector<16xf32>
    %get3A_1730 = arith.constant 7616 : index
    %get3A_1731 = tpu.vector_load %arg15[%get3A_1730] {strides = array<i32>} : memref<8192xf32, #tpu.memory_space<vmem>>, vector<16xf32>,
    %add3A_1732 = arith.addf %add3A_1729, %get3A_1731 : vector<16xf32>
    %get3A_1733 = arith.constant 8128 : index
    %get3A_1734 = tpu.vector_load %arg15[%get3A_1733] {strides = array<i32>} : memref<8192xf32, #tpu.memory_space<vmem>>, vector<16xf32>,
    %add3A_1735 = arith.addf %add3A_1732, %get3A_1734 : vector<16xf32>
    %swap3A_1736 = arith.constant 448 : index
    %swap3A_1737 = tpu.vector_load %arg14[%swap3A_1736] {strides = array<i32>} : memref<512xf32, #tpu.memory_space<vmem>>, vector<16xf32>,
    tpu.vector_store %arg14[%swap3A_1736], %add3A_1735 {strides = array<i32>} : memref<512xf32, #tpu.memory_space<vmem>>, vector<16xf32>,
    %get3A_1738 = arith.constant 464 : index
    %get3A_1739 = tpu.vector_load %arg15[%get3A_1738] {strides = array<i32>} : memref<8192xf32, #tpu.memory_space<vmem>>, vector<16xf32>,
    %get3A_1740 = arith.constant 976 : index
    %get3A_1741 = tpu.vector_load %arg15[%get3A_1740] {strides = array<i32>} : memref<8192xf32, #tpu.memory_space<vmem>>, vector<16xf32>,
    %add3A_1742 = arith.addf %get3A_1739, %get3A_1741 : vector<16xf32>
    %get3A_1743 = arith.constant 1488 : index
    %get3A_1744 = tpu.vector_load %arg15[%get3A_1743] {strides = array<i32>} : memref<8192xf32, #tpu.memory_space<vmem>>, vector<16xf32>,
    %add3A_1745 = arith.addf %add3A_1742, %get3A_1744 : vector<16xf32>
    %get3A_1746 = arith.constant 2000 : index
    %get3A_1747 = tpu.vector_load %arg15[%get3A_1746] {strides = array<i32>} : memref<8192xf32, #tpu.memory_space<vmem>>, vector<16xf32>,
    %add3A_1748 = arith.addf %add3A_1745, %get3A_1747 : vector<16xf32>
    %get3A_1749 = arith.constant 2512 : index
    %get3A_1750 = tpu.vector_load %arg15[%get3A_1749] {strides = array<i32>} : memref<8192xf32, #tpu.memory_space<vmem>>, vector<16xf32>,
    %add3A_1751 = arith.addf %add3A_1748, %get3A_1750 : vector<16xf32>
    %get3A_1752 = arith.constant 3024 : index
    %get3A_1753 = tpu.vector_load %arg15[%get3A_1752] {strides = array<i32>} : memref<8192xf32, #tpu.memory_space<vmem>>, vector<16xf32>,
    %add3A_1754 = arith.addf %add3A_1751, %get3A_1753 : vector<16xf32>
    %get3A_1755 = arith.constant 3536 : index
    %get3A_1756 = tpu.vector_load %arg15[%get3A_1755] {strides = array<i32>} : memref<8192xf32, #tpu.memory_space<vmem>>, vector<16xf32>,
    %add3A_1757 = arith.addf %add3A_1754, %get3A_1756 : vector<16xf32>
    %get3A_1758 = arith.constant 4048 : index
    %get3A_1759 = tpu.vector_load %arg15[%get3A_1758] {strides = array<i32>} : memref<8192xf32, #tpu.memory_space<vmem>>, vector<16xf32>,
    %add3A_1760 = arith.addf %add3A_1757, %get3A_1759 : vector<16xf32>
    %get3A_1761 = arith.constant 4560 : index
    %get3A_1762 = tpu.vector_load %arg15[%get3A_1761] {strides = array<i32>} : memref<8192xf32, #tpu.memory_space<vmem>>, vector<16xf32>,
    %add3A_1763 = arith.addf %add3A_1760, %get3A_1762 : vector<16xf32>
    %get3A_1764 = arith.constant 5072 : index
    %get3A_1765 = tpu.vector_load %arg15[%get3A_1764] {strides = array<i32>} : memref<8192xf32, #tpu.memory_space<vmem>>, vector<16xf32>,
    %add3A_1766 = arith.addf %add3A_1763, %get3A_1765 : vector<16xf32>
    %get3A_1767 = arith.constant 5584 : index
    %get3A_1768 = tpu.vector_load %arg15[%get3A_1767] {strides = array<i32>} : memref<8192xf32, #tpu.memory_space<vmem>>, vector<16xf32>,
    %add3A_1769 = arith.addf %add3A_1766, %get3A_1768 : vector<16xf32>
    %get3A_1770 = arith.constant 6096 : index
    %get3A_1771 = tpu.vector_load %arg15[%get3A_1770] {strides = array<i32>} : memref<8192xf32, #tpu.memory_space<vmem>>, vector<16xf32>,
    %add3A_1772 = arith.addf %add3A_1769, %get3A_1771 : vector<16xf32>
    %get3A_1773 = arith.constant 6608 : index
    %get3A_1774 = tpu.vector_load %arg15[%get3A_1773] {strides = array<i32>} : memref<8192xf32, #tpu.memory_space<vmem>>, vector<16xf32>,
    %add3A_1775 = arith.addf %add3A_1772, %get3A_1774 : vector<16xf32>
    %get3A_1776 = arith.constant 7120 : index
    %get3A_1777 = tpu.vector_load %arg15[%get3A_1776] {strides = array<i32>} : memref<8192xf32, #tpu.memory_space<vmem>>, vector<16xf32>,
    %add3A_1778 = arith.addf %add3A_1775, %get3A_1777 : vector<16xf32>
    %get3A_1779 = arith.constant 7632 : index
    %get3A_1780 = tpu.vector_load %arg15[%get3A_1779] {strides = array<i32>} : memref<8192xf32, #tpu.memory_space<vmem>>, vector<16xf32>,
    %add3A_1781 = arith.addf %add3A_1778, %get3A_1780 : vector<16xf32>
    %get3A_1782 = arith.constant 8144 : index
    %get3A_1783 = tpu.vector_load %arg15[%get3A_1782] {strides = array<i32>} : memref<8192xf32, #tpu.memory_space<vmem>>, vector<16xf32>,
    %add3A_1784 = arith.addf %add3A_1781, %get3A_1783 : vector<16xf32>
    %swap3A_1785 = arith.constant 464 : index
    %swap3A_1786 = tpu.vector_load %arg14[%swap3A_1785] {strides = array<i32>} : memref<512xf32, #tpu.memory_space<vmem>>, vector<16xf32>,
    tpu.vector_store %arg14[%swap3A_1785], %add3A_1784 {strides = array<i32>} : memref<512xf32, #tpu.memory_space<vmem>>, vector<16xf32>,
    %get3A_1787 = arith.constant 480 : index
    %get3A_1788 = tpu.vector_load %arg15[%get3A_1787] {strides = array<i32>} : memref<8192xf32, #tpu.memory_space<vmem>>, vector<16xf32>,
    %get3A_1789 = arith.constant 992 : index
    %get3A_1790 = tpu.vector_load %arg15[%get3A_1789] {strides = array<i32>} : memref<8192xf32, #tpu.memory_space<vmem>>, vector<16xf32>,
    %add3A_1791 = arith.addf %get3A_1788, %get3A_1790 : vector<16xf32>
    %get3A_1792 = arith.constant 1504 : index
    %get3A_1793 = tpu.vector_load %arg15[%get3A_1792] {strides = array<i32>} : memref<8192xf32, #tpu.memory_space<vmem>>, vector<16xf32>,
    %add3A_1794 = arith.addf %add3A_1791, %get3A_1793 : vector<16xf32>
    %get3A_1795 = arith.constant 2016 : index
    %get3A_1796 = tpu.vector_load %arg15[%get3A_1795] {strides = array<i32>} : memref<8192xf32, #tpu.memory_space<vmem>>, vector<16xf32>,
    %add3A_1797 = arith.addf %add3A_1794, %get3A_1796 : vector<16xf32>
    %get3A_1798 = arith.constant 2528 : index
    %get3A_1799 = tpu.vector_load %arg15[%get3A_1798] {strides = array<i32>} : memref<8192xf32, #tpu.memory_space<vmem>>, vector<16xf32>,
    %add3A_1800 = arith.addf %add3A_1797, %get3A_1799 : vector<16xf32>
    %get3A_1801 = arith.constant 3040 : index
    %get3A_1802 = tpu.vector_load %arg15[%get3A_1801] {strides = array<i32>} : memref<8192xf32, #tpu.memory_space<vmem>>, vector<16xf32>,
    %add3A_1803 = arith.addf %add3A_1800, %get3A_1802 : vector<16xf32>
    %get3A_1804 = arith.constant 3552 : index
    %get3A_1805 = tpu.vector_load %arg15[%get3A_1804] {strides = array<i32>} : memref<8192xf32, #tpu.memory_space<vmem>>, vector<16xf32>,
    %add3A_1806 = arith.addf %add3A_1803, %get3A_1805 : vector<16xf32>
    %get3A_1807 = arith.constant 4064 : index
    %get3A_1808 = tpu.vector_load %arg15[%get3A_1807] {strides = array<i32>} : memref<8192xf32, #tpu.memory_space<vmem>>, vector<16xf32>,
    %add3A_1809 = arith.addf %add3A_1806, %get3A_1808 : vector<16xf32>
    %get3A_1810 = arith.constant 4576 : index
    %get3A_1811 = tpu.vector_load %arg15[%get3A_1810] {strides = array<i32>} : memref<8192xf32, #tpu.memory_space<vmem>>, vector<16xf32>,
    %add3A_1812 = arith.addf %add3A_1809, %get3A_1811 : vector<16xf32>
    %get3A_1813 = arith.constant 5088 : index
    %get3A_1814 = tpu.vector_load %arg15[%get3A_1813] {strides = array<i32>} : memref<8192xf32, #tpu.memory_space<vmem>>, vector<16xf32>,
    %add3A_1815 = arith.addf %add3A_1812, %get3A_1814 : vector<16xf32>
    %get3A_1816 = arith.constant 5600 : index
    %get3A_1817 = tpu.vector_load %arg15[%get3A_1816] {strides = array<i32>} : memref<8192xf32, #tpu.memory_space<vmem>>, vector<16xf32>,
    %add3A_1818 = arith.addf %add3A_1815, %get3A_1817 : vector<16xf32>
    %get3A_1819 = arith.constant 6112 : index
    %get3A_1820 = tpu.vector_load %arg15[%get3A_1819] {strides = array<i32>} : memref<8192xf32, #tpu.memory_space<vmem>>, vector<16xf32>,
    %add3A_1821 = arith.addf %add3A_1818, %get3A_1820 : vector<16xf32>
    %get3A_1822 = arith.constant 6624 : index
    %get3A_1823 = tpu.vector_load %arg15[%get3A_1822] {strides = array<i32>} : memref<8192xf32, #tpu.memory_space<vmem>>, vector<16xf32>,
    %add3A_1824 = arith.addf %add3A_1821, %get3A_1823 : vector<16xf32>
    %get3A_1825 = arith.constant 7136 : index
    %get3A_1826 = tpu.vector_load %arg15[%get3A_1825] {strides = array<i32>} : memref<8192xf32, #tpu.memory_space<vmem>>, vector<16xf32>,
    %add3A_1827 = arith.addf %add3A_1824, %get3A_1826 : vector<16xf32>
    %get3A_1828 = arith.constant 7648 : index
    %get3A_1829 = tpu.vector_load %arg15[%get3A_1828] {strides = array<i32>} : memref<8192xf32, #tpu.memory_space<vmem>>, vector<16xf32>,
    %add3A_1830 = arith.addf %add3A_1827, %get3A_1829 : vector<16xf32>
    %get3A_1831 = arith.constant 8160 : index
    %get3A_1832 = tpu.vector_load %arg15[%get3A_1831] {strides = array<i32>} : memref<8192xf32, #tpu.memory_space<vmem>>, vector<16xf32>,
    %add3A_1833 = arith.addf %add3A_1830, %get3A_1832 : vector<16xf32>
    %swap3A_1834 = arith.constant 480 : index
    %swap3A_1835 = tpu.vector_load %arg14[%swap3A_1834] {strides = array<i32>} : memref<512xf32, #tpu.memory_space<vmem>>, vector<16xf32>,
    tpu.vector_store %arg14[%swap3A_1834], %add3A_1833 {strides = array<i32>} : memref<512xf32, #tpu.memory_space<vmem>>, vector<16xf32>,
    %get3A_1836 = arith.constant 496 : index
    %get3A_1837 = tpu.vector_load %arg15[%get3A_1836] {strides = array<i32>} : memref<8192xf32, #tpu.memory_space<vmem>>, vector<16xf32>,
    %get3A_1838 = arith.constant 1008 : index
    %get3A_1839 = tpu.vector_load %arg15[%get3A_1838] {strides = array<i32>} : memref<8192xf32, #tpu.memory_space<vmem>>, vector<16xf32>,
    %add3A_1840 = arith.addf %get3A_1837, %get3A_1839 : vector<16xf32>
    %get3A_1841 = arith.constant 1520 : index
    %get3A_1842 = tpu.vector_load %arg15[%get3A_1841] {strides = array<i32>} : memref<8192xf32, #tpu.memory_space<vmem>>, vector<16xf32>,
    %add3A_1843 = arith.addf %add3A_1840, %get3A_1842 : vector<16xf32>
    %get3A_1844 = arith.constant 2032 : index
    %get3A_1845 = tpu.vector_load %arg15[%get3A_1844] {strides = array<i32>} : memref<8192xf32, #tpu.memory_space<vmem>>, vector<16xf32>,
    %add3A_1846 = arith.addf %add3A_1843, %get3A_1845 : vector<16xf32>
    %get3A_1847 = arith.constant 2544 : index
    %get3A_1848 = tpu.vector_load %arg15[%get3A_1847] {strides = array<i32>} : memref<8192xf32, #tpu.memory_space<vmem>>, vector<16xf32>,
    %add3A_1849 = arith.addf %add3A_1846, %get3A_1848 : vector<16xf32>
    %get3A_1850 = arith.constant 3056 : index
    %get3A_1851 = tpu.vector_load %arg15[%get3A_1850] {strides = array<i32>} : memref<8192xf32, #tpu.memory_space<vmem>>, vector<16xf32>,
    %add3A_1852 = arith.addf %add3A_1849, %get3A_1851 : vector<16xf32>
    %get3A_1853 = arith.constant 3568 : index
    %get3A_1854 = tpu.vector_load %arg15[%get3A_1853] {strides = array<i32>} : memref<8192xf32, #tpu.memory_space<vmem>>, vector<16xf32>,
    %add3A_1855 = arith.addf %add3A_1852, %get3A_1854 : vector<16xf32>
    %get3A_1856 = arith.constant 4080 : index
    %get3A_1857 = tpu.vector_load %arg15[%get3A_1856] {strides = array<i32>} : memref<8192xf32, #tpu.memory_space<vmem>>, vector<16xf32>,
    %add3A_1858 = arith.addf %add3A_1855, %get3A_1857 : vector<16xf32>
    %get3A_1859 = arith.constant 4592 : index
    %get3A_1860 = tpu.vector_load %arg15[%get3A_1859] {strides = array<i32>} : memref<8192xf32, #tpu.memory_space<vmem>>, vector<16xf32>,
    %add3A_1861 = arith.addf %add3A_1858, %get3A_1860 : vector<16xf32>
    %get3A_1862 = arith.constant 5104 : index
    %get3A_1863 = tpu.vector_load %arg15[%get3A_1862] {strides = array<i32>} : memref<8192xf32, #tpu.memory_space<vmem>>, vector<16xf32>,
    %add3A_1864 = arith.addf %add3A_1861, %get3A_1863 : vector<16xf32>
    %get3A_1865 = arith.constant 5616 : index
    %get3A_1866 = tpu.vector_load %arg15[%get3A_1865] {strides = array<i32>} : memref<8192xf32, #tpu.memory_space<vmem>>, vector<16xf32>,
    %add3A_1867 = arith.addf %add3A_1864, %get3A_1866 : vector<16xf32>
    %get3A_1868 = arith.constant 6128 : index
    %get3A_1869 = tpu.vector_load %arg15[%get3A_1868] {strides = array<i32>} : memref<8192xf32, #tpu.memory_space<vmem>>, vector<16xf32>,
    %add3A_1870 = arith.addf %add3A_1867, %get3A_1869 : vector<16xf32>
    %get3A_1871 = arith.constant 6640 : index
    %get3A_1872 = tpu.vector_load %arg15[%get3A_1871] {strides = array<i32>} : memref<8192xf32, #tpu.memory_space<vmem>>, vector<16xf32>,
    %add3A_1873 = arith.addf %add3A_1870, %get3A_1872 : vector<16xf32>
    %get3A_1874 = arith.constant 7152 : index
    %get3A_1875 = tpu.vector_load %arg15[%get3A_1874] {strides = array<i32>} : memref<8192xf32, #tpu.memory_space<vmem>>, vector<16xf32>,
    %add3A_1876 = arith.addf %add3A_1873, %get3A_1875 : vector<16xf32>
    %get3A_1877 = arith.constant 7664 : index
    %get3A_1878 = tpu.vector_load %arg15[%get3A_1877] {strides = array<i32>} : memref<8192xf32, #tpu.memory_space<vmem>>, vector<16xf32>,
    %add3A_1879 = arith.addf %add3A_1876, %get3A_1878 : vector<16xf32>
    %get3A_1880 = arith.constant 8176 : index
    %get3A_1881 = tpu.vector_load %arg15[%get3A_1880] {strides = array<i32>} : memref<8192xf32, #tpu.memory_space<vmem>>, vector<16xf32>,
    %add3A_1882 = arith.addf %add3A_1879, %get3A_1881 : vector<16xf32>
    %swap3A_1883 = arith.constant 496 : index
    %swap3A_1884 = tpu.vector_load %arg14[%swap3A_1883] {strides = array<i32>} : memref<512xf32, #tpu.memory_space<vmem>>, vector<16xf32>,
    tpu.vector_store %arg14[%swap3A_1883], %add3A_1882 {strides = array<i32>} : memref<512xf32, #tpu.memory_space<vmem>>, vector<16xf32>,
    "tpu.region"() ({
      %run_scoped3A = tpu.sem_alloc : memref<!tpu.dma_semaphore, #tpu.memory_space<semaphore_mem>>
      %dma_start3A_1885 = tpu.memref_slice %arg6[%arg0, %mul3A_4] : memref<2x8192xf32, #tpu.memory_space<hbm>> -> memref<1x512xf32, #tpu.memory_space<hbm>>
      %dma_start3A_1886 = tpu.memref_squeeze %dma_start3A_1885 : memref<1x512xf32, #tpu.memory_space<hbm>> -> memref<512xf32, #tpu.memory_space<hbm>>
      %dma_start3A_1887 = tpu.memref_slice %arg6[%arg0, %mul3A_4] : memref<2x8192xf32, #tpu.memory_space<hbm>> -> memref<1x512xf32, #tpu.memory_space<hbm>>
      %dma_start3A_1888 = tpu.memref_squeeze %dma_start3A_1887 : memref<1x512xf32, #tpu.memory_space<hbm>> -> memref<512xf32, #tpu.memory_space<hbm>>
      tpu.enqueue_dma source(%arg14 : memref<512xf32, #tpu.memory_space<vmem>>) target(%dma_start3A_1888 : memref<512xf32, #tpu.memory_space<hbm>>) target_semaphore(%run_scoped3A : memref<!tpu.dma_semaphore, #tpu.memory_space<semaphore_mem>>)
      %dma_wait3A_1889 = tpu.memref_slice %arg6[%arg0, %mul3A_4] : memref<2x8192xf32, #tpu.memory_space<hbm>> -> memref<1x512xf32, #tpu.memory_space<hbm>>
      %dma_wait3A_1890 = tpu.memref_squeeze %dma_wait3A_1889 : memref<1x512xf32, #tpu.memory_space<hbm>> -> memref<512xf32, #tpu.memory_space<hbm>>
      %dma_wait3A_1891 = tpu.memref_slice %arg6[%arg0, %mul3A_4] : memref<2x8192xf32, #tpu.memory_space<hbm>> -> memref<1x512xf32, #tpu.memory_space<hbm>>
      %dma_wait3A_1892 = tpu.memref_squeeze %dma_wait3A_1891 : memref<1x512xf32, #tpu.memory_space<hbm>> -> memref<512xf32, #tpu.memory_space<hbm>>
      tpu.wait_dma2 semaphore(%run_scoped3A : memref<!tpu.dma_semaphore, #tpu.memory_space<semaphore_mem>>) src(%arg14 : memref<512xf32, #tpu.memory_space<vmem>>) dst(%dma_wait3A_1892 : memref<512xf32, #tpu.memory_space<hbm>>)
      tpu.yield
    }) : () -> ()
    return
  }
}

#map = affine_map<(d0, d1) -> (0, 0)>
#map1 = affine_map<(d0, d1) -> (0)>
module attributes {stable_mosaic.version = 14 : i64} {
  func.func @_sc_normalize(%arg0: i32, %arg1: i32, %arg2: memref<2x8192xf32, #tpu.memory_space<hbm>>, %arg3: memref<786432xi32, #tpu.memory_space<hbm>>, %arg4: memref<262144xf32, #tpu.memory_space<hbm>>, %arg5: memref<262144xf32, #tpu.memory_space<hbm>>, %arg6: memref<512xf32, #tpu.memory_space<vmem>>, %arg7: memref<512xf32, #tpu.memory_space<vmem>>, %arg8: memref<512xf32, #tpu.memory_space<vmem>>, %arg9: memref<8192xf32, #tpu.memory_space<vmem>>, %arg10: memref<8192xi32, #tpu.memory_space<vmem>>, %arg11: memref<8192xi32, #tpu.memory_space<vmem>>, %arg12: memref<8192xf32, #tpu.memory_space<vmem>>, %arg13: memref<8192xf32, #tpu.memory_space<vmem>>, %arg14: memref<8192xf32, #tpu.memory_space<vmem_shared>>, %arg15: memref<!tpu.dma_semaphore, #tpu.memory_space<semaphore_mem>>) attributes {dimension_semantics = [#tpu.dimension_semantics<core_parallel>, #tpu.dimension_semantics<subcore_parallel>], iteration_bounds = array<i64: 2, 16>, scalar_prefetch = 0 : i64, scratch_operands = 10 : i64, tpu.core_type = #tpu.core_type<sc_vector_subcore>, window_params = [{transform_indices = #map}, {transform_indices = #map1}, {transform_indices = #map1}, {transform_indices = #map1}]} {
    %mul3A = arith.constant 16 : i32
    %mul3A_0 = arith.muli %arg0, %mul3A : i32
    %add3A = arith.addi %mul3A_0, %arg1 : i32
    %mul3A_1 = arith.constant 8192 : i32
    %mul3A_2 = arith.muli %add3A, %mul3A_1 : i32
    %mul3A_3 = arith.constant 512 : i32
    %mul3A_4 = arith.muli %arg1, %mul3A_3 : i32
    %dma_start3A = tpu.memref_slice %arg3[%mul3A_2] : memref<786432xi32, #tpu.memory_space<hbm>> -> memref<8192xi32, #tpu.memory_space<hbm>>
    %dma_start3A_5 = tpu.memref_slice %arg3[%mul3A_2] : memref<786432xi32, #tpu.memory_space<hbm>> -> memref<8192xi32, #tpu.memory_space<hbm>>
    tpu.enqueue_dma source(%dma_start3A_5 : memref<8192xi32, #tpu.memory_space<hbm>>) target(%arg10 : memref<8192xi32, #tpu.memory_space<vmem>>) target_semaphore(%arg15 : memref<!tpu.dma_semaphore, #tpu.memory_space<semaphore_mem>>)
    %add3A_6 = arith.constant 262144 : i32
    %add3A_7 = arith.addi %add3A_6, %mul3A_2 : i32
    %dma_start3A_8 = tpu.memref_slice %arg3[%add3A_7] : memref<786432xi32, #tpu.memory_space<hbm>> -> memref<8192xi32, #tpu.memory_space<hbm>>
    %dma_start3A_9 = tpu.memref_slice %arg3[%add3A_7] : memref<786432xi32, #tpu.memory_space<hbm>> -> memref<8192xi32, #tpu.memory_space<hbm>>
    tpu.enqueue_dma source(%dma_start3A_9 : memref<8192xi32, #tpu.memory_space<hbm>>) target(%arg11 : memref<8192xi32, #tpu.memory_space<vmem>>) target_semaphore(%arg15 : memref<!tpu.dma_semaphore, #tpu.memory_space<semaphore_mem>>)
    %dma_start3A_10 = tpu.memref_slice %arg4[%mul3A_2] : memref<262144xf32, #tpu.memory_space<hbm>> -> memref<8192xf32, #tpu.memory_space<hbm>>
    %dma_start3A_11 = tpu.memref_slice %arg4[%mul3A_2] : memref<262144xf32, #tpu.memory_space<hbm>> -> memref<8192xf32, #tpu.memory_space<hbm>>
    tpu.enqueue_dma source(%dma_start3A_11 : memref<8192xf32, #tpu.memory_space<hbm>>) target(%arg12 : memref<8192xf32, #tpu.memory_space<vmem>>) target_semaphore(%arg15 : memref<!tpu.dma_semaphore, #tpu.memory_space<semaphore_mem>>)
    %run_scoped3A = arith.constant 0 : i32
    "tpu.region"() ({
      %run_scoped3A_274 = tpu.sem_alloc : memref<!tpu.dma_semaphore, #tpu.memory_space<semaphore_mem>>
      %dma_start3A_275 = tpu.memref_slice %arg2[%run_scoped3A, %mul3A_4] : memref<2x8192xf32, #tpu.memory_space<hbm>> -> memref<1x512xf32, #tpu.memory_space<hbm>>
      %dma_start3A_276 = tpu.memref_squeeze %dma_start3A_275 : memref<1x512xf32, #tpu.memory_space<hbm>> -> memref<512xf32, #tpu.memory_space<hbm>>
      %dma_start3A_277 = tpu.memref_slice %arg2[%run_scoped3A, %mul3A_4] : memref<2x8192xf32, #tpu.memory_space<hbm>> -> memref<1x512xf32, #tpu.memory_space<hbm>>
      %dma_start3A_278 = tpu.memref_squeeze %dma_start3A_277 : memref<1x512xf32, #tpu.memory_space<hbm>> -> memref<512xf32, #tpu.memory_space<hbm>>
      tpu.enqueue_dma source(%dma_start3A_278 : memref<512xf32, #tpu.memory_space<hbm>>) target(%arg6 : memref<512xf32, #tpu.memory_space<vmem>>) target_semaphore(%run_scoped3A_274 : memref<!tpu.dma_semaphore, #tpu.memory_space<semaphore_mem>>)
      %dma_wait3A_279 = tpu.memref_slice %arg2[%run_scoped3A, %mul3A_4] : memref<2x8192xf32, #tpu.memory_space<hbm>> -> memref<1x512xf32, #tpu.memory_space<hbm>>
      %dma_wait3A_280 = tpu.memref_squeeze %dma_wait3A_279 : memref<1x512xf32, #tpu.memory_space<hbm>> -> memref<512xf32, #tpu.memory_space<hbm>>
      %dma_wait3A_281 = tpu.memref_slice %arg2[%run_scoped3A, %mul3A_4] : memref<2x8192xf32, #tpu.memory_space<hbm>> -> memref<1x512xf32, #tpu.memory_space<hbm>>
      %dma_wait3A_282 = tpu.memref_squeeze %dma_wait3A_281 : memref<1x512xf32, #tpu.memory_space<hbm>> -> memref<512xf32, #tpu.memory_space<hbm>>
      tpu.wait_dma2 semaphore(%run_scoped3A_274 : memref<!tpu.dma_semaphore, #tpu.memory_space<semaphore_mem>>) src(%dma_wait3A_282 : memref<512xf32, #tpu.memory_space<hbm>>) dst(%arg6 : memref<512xf32, #tpu.memory_space<vmem>>)
      tpu.yield
    }) : () -> ()
    %run_scoped3A_12 = arith.constant 1 : i32
    "tpu.region"() ({
      %run_scoped3A_274 = tpu.sem_alloc : memref<!tpu.dma_semaphore, #tpu.memory_space<semaphore_mem>>
      %dma_start3A_275 = tpu.memref_slice %arg2[%run_scoped3A_12, %mul3A_4] : memref<2x8192xf32, #tpu.memory_space<hbm>> -> memref<1x512xf32, #tpu.memory_space<hbm>>
      %dma_start3A_276 = tpu.memref_squeeze %dma_start3A_275 : memref<1x512xf32, #tpu.memory_space<hbm>> -> memref<512xf32, #tpu.memory_space<hbm>>
      %dma_start3A_277 = tpu.memref_slice %arg2[%run_scoped3A_12, %mul3A_4] : memref<2x8192xf32, #tpu.memory_space<hbm>> -> memref<1x512xf32, #tpu.memory_space<hbm>>
      %dma_start3A_278 = tpu.memref_squeeze %dma_start3A_277 : memref<1x512xf32, #tpu.memory_space<hbm>> -> memref<512xf32, #tpu.memory_space<hbm>>
      tpu.enqueue_dma source(%dma_start3A_278 : memref<512xf32, #tpu.memory_space<hbm>>) target(%arg7 : memref<512xf32, #tpu.memory_space<vmem>>) target_semaphore(%run_scoped3A_274 : memref<!tpu.dma_semaphore, #tpu.memory_space<semaphore_mem>>)
      %dma_wait3A_279 = tpu.memref_slice %arg2[%run_scoped3A_12, %mul3A_4] : memref<2x8192xf32, #tpu.memory_space<hbm>> -> memref<1x512xf32, #tpu.memory_space<hbm>>
      %dma_wait3A_280 = tpu.memref_squeeze %dma_wait3A_279 : memref<1x512xf32, #tpu.memory_space<hbm>> -> memref<512xf32, #tpu.memory_space<hbm>>
      %dma_wait3A_281 = tpu.memref_slice %arg2[%run_scoped3A_12, %mul3A_4] : memref<2x8192xf32, #tpu.memory_space<hbm>> -> memref<1x512xf32, #tpu.memory_space<hbm>>
      %dma_wait3A_282 = tpu.memref_squeeze %dma_wait3A_281 : memref<1x512xf32, #tpu.memory_space<hbm>> -> memref<512xf32, #tpu.memory_space<hbm>>
      tpu.wait_dma2 semaphore(%run_scoped3A_274 : memref<!tpu.dma_semaphore, #tpu.memory_space<semaphore_mem>>) src(%dma_wait3A_282 : memref<512xf32, #tpu.memory_space<hbm>>) dst(%arg7 : memref<512xf32, #tpu.memory_space<vmem>>)
      tpu.yield
    }) : () -> ()
    %broadcast_in_dim3A = arith.constant 1.000000e+00 : f32
    %broadcast_in_dim3A_13 = vector.broadcast %broadcast_in_dim3A : f32 to vector<16xf32>
    %get3A = arith.constant 0 : index
    %get3A_14 = tpu.vector_load %arg6[%get3A] {strides = array<i32>} : memref<512xf32, #tpu.memory_space<vmem>>, vector<16xf32>,
    %get3A_15 = arith.constant 0 : index
    %get3A_16 = tpu.vector_load %arg7[%get3A_15] {strides = array<i32>} : memref<512xf32, #tpu.memory_space<vmem>>, vector<16xf32>,
    %add3A_17 = arith.addf %get3A_14, %get3A_16 : vector<16xf32>
    %div3A = arith.divf %broadcast_in_dim3A_13, %add3A_17 : vector<16xf32>
    %swap3A = arith.constant 0 : index
    %swap3A_18 = tpu.vector_load %arg8[%swap3A] {strides = array<i32>} : memref<512xf32, #tpu.memory_space<vmem>>, vector<16xf32>,
    tpu.vector_store %arg8[%swap3A], %div3A {strides = array<i32>} : memref<512xf32, #tpu.memory_space<vmem>>, vector<16xf32>,
    %get3A_19 = arith.constant 16 : index
    %get3A_20 = tpu.vector_load %arg6[%get3A_19] {strides = array<i32>} : memref<512xf32, #tpu.memory_space<vmem>>, vector<16xf32>,
    %get3A_21 = arith.constant 16 : index
    %get3A_22 = tpu.vector_load %arg7[%get3A_21] {strides = array<i32>} : memref<512xf32, #tpu.memory_space<vmem>>, vector<16xf32>,
    %add3A_23 = arith.addf %get3A_20, %get3A_22 : vector<16xf32>
    %div3A_24 = arith.divf %broadcast_in_dim3A_13, %add3A_23 : vector<16xf32>
    %swap3A_25 = arith.constant 16 : index
    %swap3A_26 = tpu.vector_load %arg8[%swap3A_25] {strides = array<i32>} : memref<512xf32, #tpu.memory_space<vmem>>, vector<16xf32>,
    tpu.vector_store %arg8[%swap3A_25], %div3A_24 {strides = array<i32>} : memref<512xf32, #tpu.memory_space<vmem>>, vector<16xf32>,
    %get3A_27 = arith.constant 32 : index
    %get3A_28 = tpu.vector_load %arg6[%get3A_27] {strides = array<i32>} : memref<512xf32, #tpu.memory_space<vmem>>, vector<16xf32>,
    %get3A_29 = arith.constant 32 : index
    %get3A_30 = tpu.vector_load %arg7[%get3A_29] {strides = array<i32>} : memref<512xf32, #tpu.memory_space<vmem>>, vector<16xf32>,
    %add3A_31 = arith.addf %get3A_28, %get3A_30 : vector<16xf32>
    %div3A_32 = arith.divf %broadcast_in_dim3A_13, %add3A_31 : vector<16xf32>
    %swap3A_33 = arith.constant 32 : index
    %swap3A_34 = tpu.vector_load %arg8[%swap3A_33] {strides = array<i32>} : memref<512xf32, #tpu.memory_space<vmem>>, vector<16xf32>,
    tpu.vector_store %arg8[%swap3A_33], %div3A_32 {strides = array<i32>} : memref<512xf32, #tpu.memory_space<vmem>>, vector<16xf32>,
    %get3A_35 = arith.constant 48 : index
    %get3A_36 = tpu.vector_load %arg6[%get3A_35] {strides = array<i32>} : memref<512xf32, #tpu.memory_space<vmem>>, vector<16xf32>,
    %get3A_37 = arith.constant 48 : index
    %get3A_38 = tpu.vector_load %arg7[%get3A_37] {strides = array<i32>} : memref<512xf32, #tpu.memory_space<vmem>>, vector<16xf32>,
    %add3A_39 = arith.addf %get3A_36, %get3A_38 : vector<16xf32>
    %div3A_40 = arith.divf %broadcast_in_dim3A_13, %add3A_39 : vector<16xf32>
    %swap3A_41 = arith.constant 48 : index
    %swap3A_42 = tpu.vector_load %arg8[%swap3A_41] {strides = array<i32>} : memref<512xf32, #tpu.memory_space<vmem>>, vector<16xf32>,
    tpu.vector_store %arg8[%swap3A_41], %div3A_40 {strides = array<i32>} : memref<512xf32, #tpu.memory_space<vmem>>, vector<16xf32>,
    %get3A_43 = arith.constant 64 : index
    %get3A_44 = tpu.vector_load %arg6[%get3A_43] {strides = array<i32>} : memref<512xf32, #tpu.memory_space<vmem>>, vector<16xf32>,
    %get3A_45 = arith.constant 64 : index
    %get3A_46 = tpu.vector_load %arg7[%get3A_45] {strides = array<i32>} : memref<512xf32, #tpu.memory_space<vmem>>, vector<16xf32>,
    %add3A_47 = arith.addf %get3A_44, %get3A_46 : vector<16xf32>
    %div3A_48 = arith.divf %broadcast_in_dim3A_13, %add3A_47 : vector<16xf32>
    %swap3A_49 = arith.constant 64 : index
    %swap3A_50 = tpu.vector_load %arg8[%swap3A_49] {strides = array<i32>} : memref<512xf32, #tpu.memory_space<vmem>>, vector<16xf32>,
    tpu.vector_store %arg8[%swap3A_49], %div3A_48 {strides = array<i32>} : memref<512xf32, #tpu.memory_space<vmem>>, vector<16xf32>,
    %get3A_51 = arith.constant 80 : index
    %get3A_52 = tpu.vector_load %arg6[%get3A_51] {strides = array<i32>} : memref<512xf32, #tpu.memory_space<vmem>>, vector<16xf32>,
    %get3A_53 = arith.constant 80 : index
    %get3A_54 = tpu.vector_load %arg7[%get3A_53] {strides = array<i32>} : memref<512xf32, #tpu.memory_space<vmem>>, vector<16xf32>,
    %add3A_55 = arith.addf %get3A_52, %get3A_54 : vector<16xf32>
    %div3A_56 = arith.divf %broadcast_in_dim3A_13, %add3A_55 : vector<16xf32>
    %swap3A_57 = arith.constant 80 : index
    %swap3A_58 = tpu.vector_load %arg8[%swap3A_57] {strides = array<i32>} : memref<512xf32, #tpu.memory_space<vmem>>, vector<16xf32>,
    tpu.vector_store %arg8[%swap3A_57], %div3A_56 {strides = array<i32>} : memref<512xf32, #tpu.memory_space<vmem>>, vector<16xf32>,
    %get3A_59 = arith.constant 96 : index
    %get3A_60 = tpu.vector_load %arg6[%get3A_59] {strides = array<i32>} : memref<512xf32, #tpu.memory_space<vmem>>, vector<16xf32>,
    %get3A_61 = arith.constant 96 : index
    %get3A_62 = tpu.vector_load %arg7[%get3A_61] {strides = array<i32>} : memref<512xf32, #tpu.memory_space<vmem>>, vector<16xf32>,
    %add3A_63 = arith.addf %get3A_60, %get3A_62 : vector<16xf32>
    %div3A_64 = arith.divf %broadcast_in_dim3A_13, %add3A_63 : vector<16xf32>
    %swap3A_65 = arith.constant 96 : index
    %swap3A_66 = tpu.vector_load %arg8[%swap3A_65] {strides = array<i32>} : memref<512xf32, #tpu.memory_space<vmem>>, vector<16xf32>,
    tpu.vector_store %arg8[%swap3A_65], %div3A_64 {strides = array<i32>} : memref<512xf32, #tpu.memory_space<vmem>>, vector<16xf32>,
    %get3A_67 = arith.constant 112 : index
    %get3A_68 = tpu.vector_load %arg6[%get3A_67] {strides = array<i32>} : memref<512xf32, #tpu.memory_space<vmem>>, vector<16xf32>,
    %get3A_69 = arith.constant 112 : index
    %get3A_70 = tpu.vector_load %arg7[%get3A_69] {strides = array<i32>} : memref<512xf32, #tpu.memory_space<vmem>>, vector<16xf32>,
    %add3A_71 = arith.addf %get3A_68, %get3A_70 : vector<16xf32>
    %div3A_72 = arith.divf %broadcast_in_dim3A_13, %add3A_71 : vector<16xf32>
    %swap3A_73 = arith.constant 112 : index
    %swap3A_74 = tpu.vector_load %arg8[%swap3A_73] {strides = array<i32>} : memref<512xf32, #tpu.memory_space<vmem>>, vector<16xf32>,
    tpu.vector_store %arg8[%swap3A_73], %div3A_72 {strides = array<i32>} : memref<512xf32, #tpu.memory_space<vmem>>, vector<16xf32>,
    %get3A_75 = arith.constant 128 : index
    %get3A_76 = tpu.vector_load %arg6[%get3A_75] {strides = array<i32>} : memref<512xf32, #tpu.memory_space<vmem>>, vector<16xf32>,
    %get3A_77 = arith.constant 128 : index
    %get3A_78 = tpu.vector_load %arg7[%get3A_77] {strides = array<i32>} : memref<512xf32, #tpu.memory_space<vmem>>, vector<16xf32>,
    %add3A_79 = arith.addf %get3A_76, %get3A_78 : vector<16xf32>
    %div3A_80 = arith.divf %broadcast_in_dim3A_13, %add3A_79 : vector<16xf32>
    %swap3A_81 = arith.constant 128 : index
    %swap3A_82 = tpu.vector_load %arg8[%swap3A_81] {strides = array<i32>} : memref<512xf32, #tpu.memory_space<vmem>>, vector<16xf32>,
    tpu.vector_store %arg8[%swap3A_81], %div3A_80 {strides = array<i32>} : memref<512xf32, #tpu.memory_space<vmem>>, vector<16xf32>,
    %get3A_83 = arith.constant 144 : index
    %get3A_84 = tpu.vector_load %arg6[%get3A_83] {strides = array<i32>} : memref<512xf32, #tpu.memory_space<vmem>>, vector<16xf32>,
    %get3A_85 = arith.constant 144 : index
    %get3A_86 = tpu.vector_load %arg7[%get3A_85] {strides = array<i32>} : memref<512xf32, #tpu.memory_space<vmem>>, vector<16xf32>,
    %add3A_87 = arith.addf %get3A_84, %get3A_86 : vector<16xf32>
    %div3A_88 = arith.divf %broadcast_in_dim3A_13, %add3A_87 : vector<16xf32>
    %swap3A_89 = arith.constant 144 : index
    %swap3A_90 = tpu.vector_load %arg8[%swap3A_89] {strides = array<i32>} : memref<512xf32, #tpu.memory_space<vmem>>, vector<16xf32>,
    tpu.vector_store %arg8[%swap3A_89], %div3A_88 {strides = array<i32>} : memref<512xf32, #tpu.memory_space<vmem>>, vector<16xf32>,
    %get3A_91 = arith.constant 160 : index
    %get3A_92 = tpu.vector_load %arg6[%get3A_91] {strides = array<i32>} : memref<512xf32, #tpu.memory_space<vmem>>, vector<16xf32>,
    %get3A_93 = arith.constant 160 : index
    %get3A_94 = tpu.vector_load %arg7[%get3A_93] {strides = array<i32>} : memref<512xf32, #tpu.memory_space<vmem>>, vector<16xf32>,
    %add3A_95 = arith.addf %get3A_92, %get3A_94 : vector<16xf32>
    %div3A_96 = arith.divf %broadcast_in_dim3A_13, %add3A_95 : vector<16xf32>
    %swap3A_97 = arith.constant 160 : index
    %swap3A_98 = tpu.vector_load %arg8[%swap3A_97] {strides = array<i32>} : memref<512xf32, #tpu.memory_space<vmem>>, vector<16xf32>,
    tpu.vector_store %arg8[%swap3A_97], %div3A_96 {strides = array<i32>} : memref<512xf32, #tpu.memory_space<vmem>>, vector<16xf32>,
    %get3A_99 = arith.constant 176 : index
    %get3A_100 = tpu.vector_load %arg6[%get3A_99] {strides = array<i32>} : memref<512xf32, #tpu.memory_space<vmem>>, vector<16xf32>,
    %get3A_101 = arith.constant 176 : index
    %get3A_102 = tpu.vector_load %arg7[%get3A_101] {strides = array<i32>} : memref<512xf32, #tpu.memory_space<vmem>>, vector<16xf32>,
    %add3A_103 = arith.addf %get3A_100, %get3A_102 : vector<16xf32>
    %div3A_104 = arith.divf %broadcast_in_dim3A_13, %add3A_103 : vector<16xf32>
    %swap3A_105 = arith.constant 176 : index
    %swap3A_106 = tpu.vector_load %arg8[%swap3A_105] {strides = array<i32>} : memref<512xf32, #tpu.memory_space<vmem>>, vector<16xf32>,
    tpu.vector_store %arg8[%swap3A_105], %div3A_104 {strides = array<i32>} : memref<512xf32, #tpu.memory_space<vmem>>, vector<16xf32>,
    %get3A_107 = arith.constant 192 : index
    %get3A_108 = tpu.vector_load %arg6[%get3A_107] {strides = array<i32>} : memref<512xf32, #tpu.memory_space<vmem>>, vector<16xf32>,
    %get3A_109 = arith.constant 192 : index
    %get3A_110 = tpu.vector_load %arg7[%get3A_109] {strides = array<i32>} : memref<512xf32, #tpu.memory_space<vmem>>, vector<16xf32>,
    %add3A_111 = arith.addf %get3A_108, %get3A_110 : vector<16xf32>
    %div3A_112 = arith.divf %broadcast_in_dim3A_13, %add3A_111 : vector<16xf32>
    %swap3A_113 = arith.constant 192 : index
    %swap3A_114 = tpu.vector_load %arg8[%swap3A_113] {strides = array<i32>} : memref<512xf32, #tpu.memory_space<vmem>>, vector<16xf32>,
    tpu.vector_store %arg8[%swap3A_113], %div3A_112 {strides = array<i32>} : memref<512xf32, #tpu.memory_space<vmem>>, vector<16xf32>,
    %get3A_115 = arith.constant 208 : index
    %get3A_116 = tpu.vector_load %arg6[%get3A_115] {strides = array<i32>} : memref<512xf32, #tpu.memory_space<vmem>>, vector<16xf32>,
    %get3A_117 = arith.constant 208 : index
    %get3A_118 = tpu.vector_load %arg7[%get3A_117] {strides = array<i32>} : memref<512xf32, #tpu.memory_space<vmem>>, vector<16xf32>,
    %add3A_119 = arith.addf %get3A_116, %get3A_118 : vector<16xf32>
    %div3A_120 = arith.divf %broadcast_in_dim3A_13, %add3A_119 : vector<16xf32>
    %swap3A_121 = arith.constant 208 : index
    %swap3A_122 = tpu.vector_load %arg8[%swap3A_121] {strides = array<i32>} : memref<512xf32, #tpu.memory_space<vmem>>, vector<16xf32>,
    tpu.vector_store %arg8[%swap3A_121], %div3A_120 {strides = array<i32>} : memref<512xf32, #tpu.memory_space<vmem>>, vector<16xf32>,
    %get3A_123 = arith.constant 224 : index
    %get3A_124 = tpu.vector_load %arg6[%get3A_123] {strides = array<i32>} : memref<512xf32, #tpu.memory_space<vmem>>, vector<16xf32>,
    %get3A_125 = arith.constant 224 : index
    %get3A_126 = tpu.vector_load %arg7[%get3A_125] {strides = array<i32>} : memref<512xf32, #tpu.memory_space<vmem>>, vector<16xf32>,
    %add3A_127 = arith.addf %get3A_124, %get3A_126 : vector<16xf32>
    %div3A_128 = arith.divf %broadcast_in_dim3A_13, %add3A_127 : vector<16xf32>
    %swap3A_129 = arith.constant 224 : index
    %swap3A_130 = tpu.vector_load %arg8[%swap3A_129] {strides = array<i32>} : memref<512xf32, #tpu.memory_space<vmem>>, vector<16xf32>,
    tpu.vector_store %arg8[%swap3A_129], %div3A_128 {strides = array<i32>} : memref<512xf32, #tpu.memory_space<vmem>>, vector<16xf32>,
    %get3A_131 = arith.constant 240 : index
    %get3A_132 = tpu.vector_load %arg6[%get3A_131] {strides = array<i32>} : memref<512xf32, #tpu.memory_space<vmem>>, vector<16xf32>,
    %get3A_133 = arith.constant 240 : index
    %get3A_134 = tpu.vector_load %arg7[%get3A_133] {strides = array<i32>} : memref<512xf32, #tpu.memory_space<vmem>>, vector<16xf32>,
    %add3A_135 = arith.addf %get3A_132, %get3A_134 : vector<16xf32>
    %div3A_136 = arith.divf %broadcast_in_dim3A_13, %add3A_135 : vector<16xf32>
    %swap3A_137 = arith.constant 240 : index
    %swap3A_138 = tpu.vector_load %arg8[%swap3A_137] {strides = array<i32>} : memref<512xf32, #tpu.memory_space<vmem>>, vector<16xf32>,
    tpu.vector_store %arg8[%swap3A_137], %div3A_136 {strides = array<i32>} : memref<512xf32, #tpu.memory_space<vmem>>, vector<16xf32>,
    %get3A_139 = arith.constant 256 : index
    %get3A_140 = tpu.vector_load %arg6[%get3A_139] {strides = array<i32>} : memref<512xf32, #tpu.memory_space<vmem>>, vector<16xf32>,
    %get3A_141 = arith.constant 256 : index
    %get3A_142 = tpu.vector_load %arg7[%get3A_141] {strides = array<i32>} : memref<512xf32, #tpu.memory_space<vmem>>, vector<16xf32>,
    %add3A_143 = arith.addf %get3A_140, %get3A_142 : vector<16xf32>
    %div3A_144 = arith.divf %broadcast_in_dim3A_13, %add3A_143 : vector<16xf32>
    %swap3A_145 = arith.constant 256 : index
    %swap3A_146 = tpu.vector_load %arg8[%swap3A_145] {strides = array<i32>} : memref<512xf32, #tpu.memory_space<vmem>>, vector<16xf32>,
    tpu.vector_store %arg8[%swap3A_145], %div3A_144 {strides = array<i32>} : memref<512xf32, #tpu.memory_space<vmem>>, vector<16xf32>,
    %get3A_147 = arith.constant 272 : index
    %get3A_148 = tpu.vector_load %arg6[%get3A_147] {strides = array<i32>} : memref<512xf32, #tpu.memory_space<vmem>>, vector<16xf32>,
    %get3A_149 = arith.constant 272 : index
    %get3A_150 = tpu.vector_load %arg7[%get3A_149] {strides = array<i32>} : memref<512xf32, #tpu.memory_space<vmem>>, vector<16xf32>,
    %add3A_151 = arith.addf %get3A_148, %get3A_150 : vector<16xf32>
    %div3A_152 = arith.divf %broadcast_in_dim3A_13, %add3A_151 : vector<16xf32>
    %swap3A_153 = arith.constant 272 : index
    %swap3A_154 = tpu.vector_load %arg8[%swap3A_153] {strides = array<i32>} : memref<512xf32, #tpu.memory_space<vmem>>, vector<16xf32>,
    tpu.vector_store %arg8[%swap3A_153], %div3A_152 {strides = array<i32>} : memref<512xf32, #tpu.memory_space<vmem>>, vector<16xf32>,
    %get3A_155 = arith.constant 288 : index
    %get3A_156 = tpu.vector_load %arg6[%get3A_155] {strides = array<i32>} : memref<512xf32, #tpu.memory_space<vmem>>, vector<16xf32>,
    %get3A_157 = arith.constant 288 : index
    %get3A_158 = tpu.vector_load %arg7[%get3A_157] {strides = array<i32>} : memref<512xf32, #tpu.memory_space<vmem>>, vector<16xf32>,
    %add3A_159 = arith.addf %get3A_156, %get3A_158 : vector<16xf32>
    %div3A_160 = arith.divf %broadcast_in_dim3A_13, %add3A_159 : vector<16xf32>
    %swap3A_161 = arith.constant 288 : index
    %swap3A_162 = tpu.vector_load %arg8[%swap3A_161] {strides = array<i32>} : memref<512xf32, #tpu.memory_space<vmem>>, vector<16xf32>,
    tpu.vector_store %arg8[%swap3A_161], %div3A_160 {strides = array<i32>} : memref<512xf32, #tpu.memory_space<vmem>>, vector<16xf32>,
    %get3A_163 = arith.constant 304 : index
    %get3A_164 = tpu.vector_load %arg6[%get3A_163] {strides = array<i32>} : memref<512xf32, #tpu.memory_space<vmem>>, vector<16xf32>,
    %get3A_165 = arith.constant 304 : index
    %get3A_166 = tpu.vector_load %arg7[%get3A_165] {strides = array<i32>} : memref<512xf32, #tpu.memory_space<vmem>>, vector<16xf32>,
    %add3A_167 = arith.addf %get3A_164, %get3A_166 : vector<16xf32>
    %div3A_168 = arith.divf %broadcast_in_dim3A_13, %add3A_167 : vector<16xf32>
    %swap3A_169 = arith.constant 304 : index
    %swap3A_170 = tpu.vector_load %arg8[%swap3A_169] {strides = array<i32>} : memref<512xf32, #tpu.memory_space<vmem>>, vector<16xf32>,
    tpu.vector_store %arg8[%swap3A_169], %div3A_168 {strides = array<i32>} : memref<512xf32, #tpu.memory_space<vmem>>, vector<16xf32>,
    %get3A_171 = arith.constant 320 : index
    %get3A_172 = tpu.vector_load %arg6[%get3A_171] {strides = array<i32>} : memref<512xf32, #tpu.memory_space<vmem>>, vector<16xf32>,
    %get3A_173 = arith.constant 320 : index
    %get3A_174 = tpu.vector_load %arg7[%get3A_173] {strides = array<i32>} : memref<512xf32, #tpu.memory_space<vmem>>, vector<16xf32>,
    %add3A_175 = arith.addf %get3A_172, %get3A_174 : vector<16xf32>
    %div3A_176 = arith.divf %broadcast_in_dim3A_13, %add3A_175 : vector<16xf32>
    %swap3A_177 = arith.constant 320 : index
    %swap3A_178 = tpu.vector_load %arg8[%swap3A_177] {strides = array<i32>} : memref<512xf32, #tpu.memory_space<vmem>>, vector<16xf32>,
    tpu.vector_store %arg8[%swap3A_177], %div3A_176 {strides = array<i32>} : memref<512xf32, #tpu.memory_space<vmem>>, vector<16xf32>,
    %get3A_179 = arith.constant 336 : index
    %get3A_180 = tpu.vector_load %arg6[%get3A_179] {strides = array<i32>} : memref<512xf32, #tpu.memory_space<vmem>>, vector<16xf32>,
    %get3A_181 = arith.constant 336 : index
    %get3A_182 = tpu.vector_load %arg7[%get3A_181] {strides = array<i32>} : memref<512xf32, #tpu.memory_space<vmem>>, vector<16xf32>,
    %add3A_183 = arith.addf %get3A_180, %get3A_182 : vector<16xf32>
    %div3A_184 = arith.divf %broadcast_in_dim3A_13, %add3A_183 : vector<16xf32>
    %swap3A_185 = arith.constant 336 : index
    %swap3A_186 = tpu.vector_load %arg8[%swap3A_185] {strides = array<i32>} : memref<512xf32, #tpu.memory_space<vmem>>, vector<16xf32>,
    tpu.vector_store %arg8[%swap3A_185], %div3A_184 {strides = array<i32>} : memref<512xf32, #tpu.memory_space<vmem>>, vector<16xf32>,
    %get3A_187 = arith.constant 352 : index
    %get3A_188 = tpu.vector_load %arg6[%get3A_187] {strides = array<i32>} : memref<512xf32, #tpu.memory_space<vmem>>, vector<16xf32>,
    %get3A_189 = arith.constant 352 : index
    %get3A_190 = tpu.vector_load %arg7[%get3A_189] {strides = array<i32>} : memref<512xf32, #tpu.memory_space<vmem>>, vector<16xf32>,
    %add3A_191 = arith.addf %get3A_188, %get3A_190 : vector<16xf32>
    %div3A_192 = arith.divf %broadcast_in_dim3A_13, %add3A_191 : vector<16xf32>
    %swap3A_193 = arith.constant 352 : index
    %swap3A_194 = tpu.vector_load %arg8[%swap3A_193] {strides = array<i32>} : memref<512xf32, #tpu.memory_space<vmem>>, vector<16xf32>,
    tpu.vector_store %arg8[%swap3A_193], %div3A_192 {strides = array<i32>} : memref<512xf32, #tpu.memory_space<vmem>>, vector<16xf32>,
    %get3A_195 = arith.constant 368 : index
    %get3A_196 = tpu.vector_load %arg6[%get3A_195] {strides = array<i32>} : memref<512xf32, #tpu.memory_space<vmem>>, vector<16xf32>,
    %get3A_197 = arith.constant 368 : index
    %get3A_198 = tpu.vector_load %arg7[%get3A_197] {strides = array<i32>} : memref<512xf32, #tpu.memory_space<vmem>>, vector<16xf32>,
    %add3A_199 = arith.addf %get3A_196, %get3A_198 : vector<16xf32>
    %div3A_200 = arith.divf %broadcast_in_dim3A_13, %add3A_199 : vector<16xf32>
    %swap3A_201 = arith.constant 368 : index
    %swap3A_202 = tpu.vector_load %arg8[%swap3A_201] {strides = array<i32>} : memref<512xf32, #tpu.memory_space<vmem>>, vector<16xf32>,
    tpu.vector_store %arg8[%swap3A_201], %div3A_200 {strides = array<i32>} : memref<512xf32, #tpu.memory_space<vmem>>, vector<16xf32>,
    %get3A_203 = arith.constant 384 : index
    %get3A_204 = tpu.vector_load %arg6[%get3A_203] {strides = array<i32>} : memref<512xf32, #tpu.memory_space<vmem>>, vector<16xf32>,
    %get3A_205 = arith.constant 384 : index
    %get3A_206 = tpu.vector_load %arg7[%get3A_205] {strides = array<i32>} : memref<512xf32, #tpu.memory_space<vmem>>, vector<16xf32>,
    %add3A_207 = arith.addf %get3A_204, %get3A_206 : vector<16xf32>
    %div3A_208 = arith.divf %broadcast_in_dim3A_13, %add3A_207 : vector<16xf32>
    %swap3A_209 = arith.constant 384 : index
    %swap3A_210 = tpu.vector_load %arg8[%swap3A_209] {strides = array<i32>} : memref<512xf32, #tpu.memory_space<vmem>>, vector<16xf32>,
    tpu.vector_store %arg8[%swap3A_209], %div3A_208 {strides = array<i32>} : memref<512xf32, #tpu.memory_space<vmem>>, vector<16xf32>,
    %get3A_211 = arith.constant 400 : index
    %get3A_212 = tpu.vector_load %arg6[%get3A_211] {strides = array<i32>} : memref<512xf32, #tpu.memory_space<vmem>>, vector<16xf32>,
    %get3A_213 = arith.constant 400 : index
    %get3A_214 = tpu.vector_load %arg7[%get3A_213] {strides = array<i32>} : memref<512xf32, #tpu.memory_space<vmem>>, vector<16xf32>,
    %add3A_215 = arith.addf %get3A_212, %get3A_214 : vector<16xf32>
    %div3A_216 = arith.divf %broadcast_in_dim3A_13, %add3A_215 : vector<16xf32>
    %swap3A_217 = arith.constant 400 : index
    %swap3A_218 = tpu.vector_load %arg8[%swap3A_217] {strides = array<i32>} : memref<512xf32, #tpu.memory_space<vmem>>, vector<16xf32>,
    tpu.vector_store %arg8[%swap3A_217], %div3A_216 {strides = array<i32>} : memref<512xf32, #tpu.memory_space<vmem>>, vector<16xf32>,
    %get3A_219 = arith.constant 416 : index
    %get3A_220 = tpu.vector_load %arg6[%get3A_219] {strides = array<i32>} : memref<512xf32, #tpu.memory_space<vmem>>, vector<16xf32>,
    %get3A_221 = arith.constant 416 : index
    %get3A_222 = tpu.vector_load %arg7[%get3A_221] {strides = array<i32>} : memref<512xf32, #tpu.memory_space<vmem>>, vector<16xf32>,
    %add3A_223 = arith.addf %get3A_220, %get3A_222 : vector<16xf32>
    %div3A_224 = arith.divf %broadcast_in_dim3A_13, %add3A_223 : vector<16xf32>
    %swap3A_225 = arith.constant 416 : index
    %swap3A_226 = tpu.vector_load %arg8[%swap3A_225] {strides = array<i32>} : memref<512xf32, #tpu.memory_space<vmem>>, vector<16xf32>,
    tpu.vector_store %arg8[%swap3A_225], %div3A_224 {strides = array<i32>} : memref<512xf32, #tpu.memory_space<vmem>>, vector<16xf32>,
    %get3A_227 = arith.constant 432 : index
    %get3A_228 = tpu.vector_load %arg6[%get3A_227] {strides = array<i32>} : memref<512xf32, #tpu.memory_space<vmem>>, vector<16xf32>,
    %get3A_229 = arith.constant 432 : index
    %get3A_230 = tpu.vector_load %arg7[%get3A_229] {strides = array<i32>} : memref<512xf32, #tpu.memory_space<vmem>>, vector<16xf32>,
    %add3A_231 = arith.addf %get3A_228, %get3A_230 : vector<16xf32>
    %div3A_232 = arith.divf %broadcast_in_dim3A_13, %add3A_231 : vector<16xf32>
    %swap3A_233 = arith.constant 432 : index
    %swap3A_234 = tpu.vector_load %arg8[%swap3A_233] {strides = array<i32>} : memref<512xf32, #tpu.memory_space<vmem>>, vector<16xf32>,
    tpu.vector_store %arg8[%swap3A_233], %div3A_232 {strides = array<i32>} : memref<512xf32, #tpu.memory_space<vmem>>, vector<16xf32>,
    %get3A_235 = arith.constant 448 : index
    %get3A_236 = tpu.vector_load %arg6[%get3A_235] {strides = array<i32>} : memref<512xf32, #tpu.memory_space<vmem>>, vector<16xf32>,
    %get3A_237 = arith.constant 448 : index
    %get3A_238 = tpu.vector_load %arg7[%get3A_237] {strides = array<i32>} : memref<512xf32, #tpu.memory_space<vmem>>, vector<16xf32>,
    %add3A_239 = arith.addf %get3A_236, %get3A_238 : vector<16xf32>
    %div3A_240 = arith.divf %broadcast_in_dim3A_13, %add3A_239 : vector<16xf32>
    %swap3A_241 = arith.constant 448 : index
    %swap3A_242 = tpu.vector_load %arg8[%swap3A_241] {strides = array<i32>} : memref<512xf32, #tpu.memory_space<vmem>>, vector<16xf32>,
    tpu.vector_store %arg8[%swap3A_241], %div3A_240 {strides = array<i32>} : memref<512xf32, #tpu.memory_space<vmem>>, vector<16xf32>,
    %get3A_243 = arith.constant 464 : index
    %get3A_244 = tpu.vector_load %arg6[%get3A_243] {strides = array<i32>} : memref<512xf32, #tpu.memory_space<vmem>>, vector<16xf32>,
    %get3A_245 = arith.constant 464 : index
    %get3A_246 = tpu.vector_load %arg7[%get3A_245] {strides = array<i32>} : memref<512xf32, #tpu.memory_space<vmem>>, vector<16xf32>,
    %add3A_247 = arith.addf %get3A_244, %get3A_246 : vector<16xf32>
    %div3A_248 = arith.divf %broadcast_in_dim3A_13, %add3A_247 : vector<16xf32>
    %swap3A_249 = arith.constant 464 : index
    %swap3A_250 = tpu.vector_load %arg8[%swap3A_249] {strides = array<i32>} : memref<512xf32, #tpu.memory_space<vmem>>, vector<16xf32>,
    tpu.vector_store %arg8[%swap3A_249], %div3A_248 {strides = array<i32>} : memref<512xf32, #tpu.memory_space<vmem>>, vector<16xf32>,
    %get3A_251 = arith.constant 480 : index
    %get3A_252 = tpu.vector_load %arg6[%get3A_251] {strides = array<i32>} : memref<512xf32, #tpu.memory_space<vmem>>, vector<16xf32>,
    %get3A_253 = arith.constant 480 : index
    %get3A_254 = tpu.vector_load %arg7[%get3A_253] {strides = array<i32>} : memref<512xf32, #tpu.memory_space<vmem>>, vector<16xf32>,
    %add3A_255 = arith.addf %get3A_252, %get3A_254 : vector<16xf32>
    %div3A_256 = arith.divf %broadcast_in_dim3A_13, %add3A_255 : vector<16xf32>
    %swap3A_257 = arith.constant 480 : index
    %swap3A_258 = tpu.vector_load %arg8[%swap3A_257] {strides = array<i32>} : memref<512xf32, #tpu.memory_space<vmem>>, vector<16xf32>,
    tpu.vector_store %arg8[%swap3A_257], %div3A_256 {strides = array<i32>} : memref<512xf32, #tpu.memory_space<vmem>>, vector<16xf32>,
    %get3A_259 = arith.constant 496 : index
    %get3A_260 = tpu.vector_load %arg6[%get3A_259] {strides = array<i32>} : memref<512xf32, #tpu.memory_space<vmem>>, vector<16xf32>,
    %get3A_261 = arith.constant 496 : index
    %get3A_262 = tpu.vector_load %arg7[%get3A_261] {strides = array<i32>} : memref<512xf32, #tpu.memory_space<vmem>>, vector<16xf32>,
    %add3A_263 = arith.addf %get3A_260, %get3A_262 : vector<16xf32>
    %div3A_264 = arith.divf %broadcast_in_dim3A_13, %add3A_263 : vector<16xf32>
    %swap3A_265 = arith.constant 496 : index
    %swap3A_266 = tpu.vector_load %arg8[%swap3A_265] {strides = array<i32>} : memref<512xf32, #tpu.memory_space<vmem>>, vector<16xf32>,
    tpu.vector_store %arg8[%swap3A_265], %div3A_264 {strides = array<i32>} : memref<512xf32, #tpu.memory_space<vmem>>, vector<16xf32>,
    "tpu.region"() ({
      %run_scoped3A_274 = tpu.sem_alloc : memref<!tpu.dma_semaphore, #tpu.memory_space<semaphore_mem>>
      %dma_start3A_275 = tpu.memref_slice %arg14[%mul3A_4] : memref<8192xf32, #tpu.memory_space<vmem_shared>> -> memref<512xf32, #tpu.memory_space<vmem_shared>>
      %dma_start3A_276 = tpu.memref_slice %arg14[%mul3A_4] : memref<8192xf32, #tpu.memory_space<vmem_shared>> -> memref<512xf32, #tpu.memory_space<vmem_shared>>
      tpu.enqueue_dma source(%arg8 : memref<512xf32, #tpu.memory_space<vmem>>) target(%dma_start3A_276 : memref<512xf32, #tpu.memory_space<vmem_shared>>) target_semaphore(%run_scoped3A_274 : memref<!tpu.dma_semaphore, #tpu.memory_space<semaphore_mem>>)
      %dma_wait3A_277 = tpu.memref_slice %arg14[%mul3A_4] : memref<8192xf32, #tpu.memory_space<vmem_shared>> -> memref<512xf32, #tpu.memory_space<vmem_shared>>
      %dma_wait3A_278 = tpu.memref_slice %arg14[%mul3A_4] : memref<8192xf32, #tpu.memory_space<vmem_shared>> -> memref<512xf32, #tpu.memory_space<vmem_shared>>
      tpu.wait_dma2 semaphore(%run_scoped3A_274 : memref<!tpu.dma_semaphore, #tpu.memory_space<semaphore_mem>>) src(%arg8 : memref<512xf32, #tpu.memory_space<vmem>>) dst(%dma_wait3A_278 : memref<512xf32, #tpu.memory_space<vmem_shared>>)
      tpu.yield
    }) : () -> ()
    %barrier3A = arith.constant 0 : index
    tpu.barrier barrier_id(%barrier3A)
    "tpu.region"() ({
      %run_scoped3A_274 = tpu.sem_alloc : memref<!tpu.dma_semaphore, #tpu.memory_space<semaphore_mem>>
      tpu.enqueue_dma source(%arg14 : memref<8192xf32, #tpu.memory_space<vmem_shared>>) target(%arg9 : memref<8192xf32, #tpu.memory_space<vmem>>) target_semaphore(%run_scoped3A_274 : memref<!tpu.dma_semaphore, #tpu.memory_space<semaphore_mem>>)
      tpu.wait_dma2 semaphore(%run_scoped3A_274 : memref<!tpu.dma_semaphore, #tpu.memory_space<semaphore_mem>>) src(%arg14 : memref<8192xf32, #tpu.memory_space<vmem_shared>>) dst(%arg9 : memref<8192xf32, #tpu.memory_space<vmem>>)
      tpu.yield
    }) : () -> ()
    %dma_wait3A = tpu.memref_slice %arg3[%mul3A_2] : memref<786432xi32, #tpu.memory_space<hbm>> -> memref<8192xi32, #tpu.memory_space<hbm>>
    %dma_wait3A_267 = tpu.memref_slice %arg3[%mul3A_2] : memref<786432xi32, #tpu.memory_space<hbm>> -> memref<8192xi32, #tpu.memory_space<hbm>>
    tpu.wait_dma2 semaphore(%arg15 : memref<!tpu.dma_semaphore, #tpu.memory_space<semaphore_mem>>) src(%dma_wait3A_267 : memref<8192xi32, #tpu.memory_space<hbm>>) dst(%arg10 : memref<8192xi32, #tpu.memory_space<vmem>>)
    %dma_wait3A_268 = tpu.memref_slice %arg3[%add3A_7] : memref<786432xi32, #tpu.memory_space<hbm>> -> memref<8192xi32, #tpu.memory_space<hbm>>
    %dma_wait3A_269 = tpu.memref_slice %arg3[%add3A_7] : memref<786432xi32, #tpu.memory_space<hbm>> -> memref<8192xi32, #tpu.memory_space<hbm>>
    tpu.wait_dma2 semaphore(%arg15 : memref<!tpu.dma_semaphore, #tpu.memory_space<semaphore_mem>>) src(%dma_wait3A_269 : memref<8192xi32, #tpu.memory_space<hbm>>) dst(%arg11 : memref<8192xi32, #tpu.memory_space<vmem>>)
    %dma_wait3A_270 = tpu.memref_slice %arg4[%mul3A_2] : memref<262144xf32, #tpu.memory_space<hbm>> -> memref<8192xf32, #tpu.memory_space<hbm>>
    %dma_wait3A_271 = tpu.memref_slice %arg4[%mul3A_2] : memref<262144xf32, #tpu.memory_space<hbm>> -> memref<8192xf32, #tpu.memory_space<hbm>>
    tpu.wait_dma2 semaphore(%arg15 : memref<!tpu.dma_semaphore, #tpu.memory_space<semaphore_mem>>) src(%dma_wait3A_271 : memref<8192xf32, #tpu.memory_space<hbm>>) dst(%arg12 : memref<8192xf32, #tpu.memory_space<vmem>>)
    %parallel_loop3A = arith.constant 0 : i32
    %parallel_loop3A_272 = arith.constant 512 : i32
    %parallel_loop3A_273 = arith.constant 1 : i32
    scf.for %parallel_loop3A_274 = %parallel_loop3A to %parallel_loop3A_272 step %parallel_loop3A_273  : i32 {
      %parallel_loop3A_275 = arith.constant 16 : i32
      %parallel_loop3A_276 = arith.muli %parallel_loop3A_274, %parallel_loop3A_275 : i32
      %parallel_loop3A_277 = arith.index_cast %parallel_loop3A_276 : i32 to index
      %parallel_loop3A_278 = tpu.vector_load %arg10[%parallel_loop3A_277] {strides = array<i32>} : memref<8192xi32, #tpu.memory_space<vmem>>, vector<16xi32>,
      %parallel_loop3A_279 = arith.constant 2048 : i32
      %parallel_loop3A_280 = vector.broadcast %parallel_loop3A_279 : i32 to vector<16xi32>
      %parallel_loop3A_281 = arith.muli %parallel_loop3A_278, %parallel_loop3A_280 : vector<16xi32>
      %parallel_loop3A_282 = arith.index_cast %parallel_loop3A_276 : i32 to index
      %parallel_loop3A_283 = tpu.vector_load %arg11[%parallel_loop3A_282] {strides = array<i32>} : memref<8192xi32, #tpu.memory_space<vmem>>, vector<16xi32>,
      %parallel_loop3A_284 = arith.addi %parallel_loop3A_281, %parallel_loop3A_283 : vector<16xi32>
      %parallel_loop3A_285 = tpu.vector_load_idx %arg9[%parallel_loop3A_284] : memref<8192xf32, #tpu.memory_space<vmem>>[vector<16xi32>], vector<16xf32>,
      %parallel_loop3A_286 = arith.index_cast %parallel_loop3A_276 : i32 to index
      %parallel_loop3A_287 = tpu.vector_load %arg12[%parallel_loop3A_286] {strides = array<i32>} : memref<8192xf32, #tpu.memory_space<vmem>>, vector<16xf32>,
      %parallel_loop3A_288 = arith.mulf %parallel_loop3A_287, %parallel_loop3A_285 : vector<16xf32>
      %parallel_loop3A_289 = arith.index_cast %parallel_loop3A_276 : i32 to index
      %parallel_loop3A_290 = tpu.vector_load %arg13[%parallel_loop3A_289] {strides = array<i32>} : memref<8192xf32, #tpu.memory_space<vmem>>, vector<16xf32>,
      tpu.vector_store %arg13[%parallel_loop3A_289], %parallel_loop3A_288 {strides = array<i32>} : memref<8192xf32, #tpu.memory_space<vmem>>, vector<16xf32>,
    } {sc.loop_unroll_factor = 4 : i64, sc.parallel_access}
    "tpu.region"() ({
      %run_scoped3A_274 = tpu.sem_alloc : memref<!tpu.dma_semaphore, #tpu.memory_space<semaphore_mem>>
      %dma_start3A_275 = tpu.memref_slice %arg5[%mul3A_2] : memref<262144xf32, #tpu.memory_space<hbm>> -> memref<8192xf32, #tpu.memory_space<hbm>>
      %dma_start3A_276 = tpu.memref_slice %arg5[%mul3A_2] : memref<262144xf32, #tpu.memory_space<hbm>> -> memref<8192xf32, #tpu.memory_space<hbm>>
      tpu.enqueue_dma source(%arg13 : memref<8192xf32, #tpu.memory_space<vmem>>) target(%dma_start3A_276 : memref<8192xf32, #tpu.memory_space<hbm>>) target_semaphore(%run_scoped3A_274 : memref<!tpu.dma_semaphore, #tpu.memory_space<semaphore_mem>>)
      %dma_wait3A_277 = tpu.memref_slice %arg5[%mul3A_2] : memref<262144xf32, #tpu.memory_space<hbm>> -> memref<8192xf32, #tpu.memory_space<hbm>>
      %dma_wait3A_278 = tpu.memref_slice %arg5[%mul3A_2] : memref<262144xf32, #tpu.memory_space<hbm>> -> memref<8192xf32, #tpu.memory_space<hbm>>
      tpu.wait_dma2 semaphore(%run_scoped3A_274 : memref<!tpu.dma_semaphore, #tpu.memory_space<semaphore_mem>>) src(%arg13 : memref<8192xf32, #tpu.memory_space<vmem>>) dst(%dma_wait3A_278 : memref<8192xf32, #tpu.memory_space<hbm>>)
      tpu.yield
    }) : () -> ()
    return
  }
}

module attributes {stable_mosaic.version = 14 : i64} {
  func.func @_mv_body(%arg0: i32, %arg1: memref<4096x256xf32, #tpu.memory_space<vmem>>, %arg2: memref<4096x256xf32, #tpu.memory_space<vmem>>, %arg3: memref<256x256xf32, #tpu.memory_space<vmem>>, %arg4: memref<256x256xf32, #tpu.memory_space<vmem>>, %arg5: memref<1x256xf32, #tpu.memory_space<vmem>>, %arg6: memref<4096x1xf32, #tpu.memory_space<vmem>>, %arg7: memref<4096x1xf32, #tpu.memory_space<vmem>>) attributes {dimension_semantics = [#tpu.dimension_semantics<arbitrary>], iteration_bounds = array<i64: 2>, scalar_prefetch = 0 : i64, scratch_operands = 0 : i64, tpu.core_type = #tpu.core_type<tc>, window_params = [{transform_indices = @transform_0, window_bounds = array<i64: 4096, 256>}, {transform_indices = @transform_1, window_bounds = array<i64: 4096, 256>}, {pipeline_mode = #tpu.pipeline_mode<synchronous>, transform_indices = @transform_2, window_bounds = array<i64: 256, 256>}, {pipeline_mode = #tpu.pipeline_mode<synchronous>, transform_indices = @transform_3, window_bounds = array<i64: 256, 256>}, {pipeline_mode = #tpu.pipeline_mode<synchronous>, transform_indices = @transform_4, window_bounds = array<i64: 1, 256>}, {transform_indices = @transform_5, window_bounds = array<i64: 4096, 1>}, {transform_indices = @transform_6, window_bounds = array<i64: 4096, 1>}]} {
    %get3A = arith.constant 0 : index
    %get3A_0 = arith.constant 0 : index
    %get3A_1 = vector.load %arg5[%get3A, %get3A_0] : memref<1x256xf32, #tpu.memory_space<vmem>>, vector<1x256xf32>
    %get3A_2 = arith.constant 0 : index
    %get3A_3 = arith.constant 0 : index
    %get3A_4 = vector.load %arg3[%get3A_2, %get3A_3] : memref<256x256xf32, #tpu.memory_space<vmem>>, vector<256x256xf32>
    %dot_general3A = arith.constant dense<0.000000e+00> : vector<1x256xf32>
    %dot_general3A_5 = tpu.matmul %get3A_1, %get3A_4, %dot_general3A {dimension_numbers = #tpu.dot_dimension_numbers<[1], [0], [0], [1], [0, 0, 1, 1], [], []>, transpose_lhs_hint = false} : vector<1x256xf32>, vector<256x256xf32>, vector<1x256xf32> -> vector<1x256xf32>
    %get3A_6 = arith.constant 0 : index
    %get3A_7 = arith.constant 0 : index
    %get3A_8 = vector.load %arg5[%get3A_6, %get3A_7] : memref<1x256xf32, #tpu.memory_space<vmem>>, vector<1x256xf32>
    %get3A_9 = arith.constant 0 : index
    %get3A_10 = arith.constant 0 : index
    %get3A_11 = vector.load %arg4[%get3A_9, %get3A_10] : memref<256x256xf32, #tpu.memory_space<vmem>>, vector<256x256xf32>
    %dot_general3A_12 = arith.constant dense<0.000000e+00> : vector<1x256xf32>
    %dot_general3A_13 = tpu.matmul %get3A_8, %get3A_11, %dot_general3A_12 {dimension_numbers = #tpu.dot_dimension_numbers<[1], [0], [0], [1], [0, 0, 1, 1], [], []>, transpose_lhs_hint = false} : vector<1x256xf32>, vector<256x256xf32>, vector<1x256xf32> -> vector<1x256xf32>
    %get3A_14 = arith.constant 0 : index
    %get3A_15 = arith.constant 0 : index
    %get3A_16 = vector.load %arg1[%get3A_14, %get3A_15] : memref<4096x256xf32, #tpu.memory_space<vmem>>, vector<4096x256xf32>
    %mul3A = vector.broadcast %dot_general3A_5 : vector<1x256xf32> to vector<4096x256xf32>
    %mul3A_17 = arith.mulf %get3A_16, %mul3A : vector<4096x256xf32>
    %reduce_sum3A = arith.constant dense<0.000000e+00> : vector<4096xf32>
    %reduce_sum3A_18 = vector.multi_reduction <add>, %mul3A_17, %reduce_sum3A [1] : vector<4096x256xf32> to vector<4096xf32>
    %broadcast_in_dim3A = vector.shape_cast %reduce_sum3A_18 : vector<4096xf32> to vector<4096x1xf32>
    %swap3A = arith.constant 0 : index
    %swap3A_19 = arith.constant 0 : index
    %swap3A_20 = vector.load %arg6[%swap3A, %swap3A_19] : memref<4096x1xf32, #tpu.memory_space<vmem>>, vector<4096x1xf32>
    tpu.vector_store %arg6[%swap3A, %swap3A_19], %broadcast_in_dim3A {strides = array<i32>} : memref<4096x1xf32, #tpu.memory_space<vmem>>, vector<4096x1xf32>,
    %get3A_21 = arith.constant 0 : index
    %get3A_22 = arith.constant 0 : index
    %get3A_23 = vector.load %arg2[%get3A_21, %get3A_22] : memref<4096x256xf32, #tpu.memory_space<vmem>>, vector<4096x256xf32>
    %mul3A_24 = vector.broadcast %dot_general3A_13 : vector<1x256xf32> to vector<4096x256xf32>
    %mul3A_25 = arith.mulf %get3A_23, %mul3A_24 : vector<4096x256xf32>
    %reduce_sum3A_26 = arith.constant dense<0.000000e+00> : vector<4096xf32>
    %reduce_sum3A_27 = vector.multi_reduction <add>, %mul3A_25, %reduce_sum3A_26 [1] : vector<4096x256xf32> to vector<4096xf32>
    %broadcast_in_dim3A_28 = vector.shape_cast %reduce_sum3A_27 : vector<4096xf32> to vector<4096x1xf32>
    %swap3A_29 = arith.constant 0 : index
    %swap3A_30 = arith.constant 0 : index
    %swap3A_31 = vector.load %arg7[%swap3A_29, %swap3A_30] : memref<4096x1xf32, #tpu.memory_space<vmem>>, vector<4096x1xf32>
    tpu.vector_store %arg7[%swap3A_29, %swap3A_30], %broadcast_in_dim3A_28 {strides = array<i32>} : memref<4096x1xf32, #tpu.memory_space<vmem>>, vector<4096x1xf32>,
    return
  }
  func.func @transform_0(%arg0: i32) -> (i32, i32) {
    %c0_i32 = arith.constant 0 : i32
    %c0_i32_0 = arith.constant 0 : i32
    return %arg0, %c0_i32 : i32, i32
  }
  func.func @transform_1(%arg0: i32) -> (i32, i32) {
    %c0_i32 = arith.constant 0 : i32
    %c0_i32_0 = arith.constant 0 : i32
    return %arg0, %c0_i32 : i32, i32
  }
  func.func @transform_2(%arg0: i32) -> (i32, i32) {
    %c0_i32 = arith.constant 0 : i32
    %c0_i32_0 = arith.constant 0 : i32
    %c0_i32_1 = arith.constant 0 : i32
    return %c0_i32, %c0_i32_0 : i32, i32
  }
  func.func @transform_3(%arg0: i32) -> (i32, i32) {
    %c0_i32 = arith.constant 0 : i32
    %c0_i32_0 = arith.constant 0 : i32
    %c0_i32_1 = arith.constant 0 : i32
    return %c0_i32, %c0_i32_0 : i32, i32
  }
  func.func @transform_4(%arg0: i32) -> (i32, i32) {
    %c0_i32 = arith.constant 0 : i32
    %c0_i32_0 = arith.constant 0 : i32
    %c0_i32_1 = arith.constant 0 : i32
    return %c0_i32, %c0_i32_0 : i32, i32
  }
  func.func @transform_5(%arg0: i32) -> (i32, i32) {
    %c0_i32 = arith.constant 0 : i32
    %c0_i32_0 = arith.constant 0 : i32
    return %arg0, %c0_i32 : i32, i32
  }
  func.func @transform_6(%arg0: i32) -> (i32, i32) {
    %c0_i32 = arith.constant 0 : i32
    %c0_i32_0 = arith.constant 0 : i32
    return %arg0, %c0_i32 : i32, i32
  }
}

</mosaic_0001>

<sc_bundles>
// kernel: kernel.5.cloned.1.call-start
scs
__scs_entry_jumppad:
0x0: {  	(pc) =	sbr.rel $0x88, $3  }
0x1: {  	(tag) =	ssettag $0x0;
	lr =	simm.s32 $0x1  }
0x2: {  	[smem:$0x3F9B] =	sst lr;
	_ =	strace $0xD0000000  }
0x3: {  	_ = 	snop  }
0x4: {  	_ = 	snop  }
0x5: {  	_ = 	snop  }
0x6: {  	_ = 	snop  }
0x7: {  	_ = 	snop  }
__scs_overlays_trampoline_lowered:
0x8: {  	[smem:$0x3FAA] =	sst s0  }
0x9: {  	[smem:$0x3FAB] =	sst s1  }
0xa: {  	[smem:$0x3FAC] =	sst s2  }
0xb: {  	[smem:$0x3FAD] =	sst s3  }
0xc: {  	[smem:$0x3FAE] =	sst s4  }
0xd: {  	[smem:$0x3FAF] =	sst s5  }
0xe: {  	[smem:$0x3FB0] =	sst s6  }
0xf: {  	[smem:$0x3FB1] =	sst s7  }
0x10: {  	[smem:$0x3FB2] =	sst s8  }
0x11: {  	[smem:$0x3FB3] =	sst s9;
	s0 =	simm.s32 @!p0 $0x0  }
0x12: {  	s1 =	sld [smem:$0x3F99];
	s0 =	simm.s32 @p0 $0x1  }
0x13: {  	[smem:$0x3FB4] =	sst s0;
	s0 =	simm.s32 @!p1 $0x0  }
0x14: {  	s2 =	sld [smem:$0x3F98];
	s0 =	simm.s32 @p1 $0x1  }
0x15: {  	[smem:$0x3FB5] =	sst s0;
	s0 =	simm.s32 @!p2 $0x0  }
0x16: {  	s3 =	sld [smem:$0x3FDB];
	s0 =	simm.s32 @p2 $0x1  }
0x17: {  	s4 =	simm.s32 $0x1BF5;
	[smem:$0x3FB7] =	sst s0  }
0x18: {  	s0 =	sld [smem:$0x3F9A];
	_ =	swait.ge [sflag:s4], $0x0  }
0x19: {  	s7 =	sld [smem:$0x3F9B]  }
0x1a: {  	s8 =	sadd.s32 $0xFFFFE003, lr  }
0x1b: {  	s9 =	sadd.s32 $0xFFFFFEF7, lr;
	s5 =	simm.s32 $0xFFFFFFFF;
	p2 =	slt.u32 s8, $0xFFFFF086  }
0x1c: {  	p1 =	slt.u32 s9, $0xF7A;
	s5 =	simm.s32 @!p2 $0x0  }
0x1d: {  	s5 =	simm.s32 @p1 $0x1;
	p0 =	seq.s32 s7, s2  }
0x1e: {  	s7 =	smul.u32 @!p0 $0xF7A, s2;
	p2 =	seq.s32 @!p0 s5, $0x0  }
0x1f: {  	s9 =	smul.u32 $0xF7A, s1;
	s8 =	simm.s32 @!p0 $0x1BF5;
	p2 =	por !p2, p0  }
0x20: {  	[sflag:s8] =	ssyncset.s32 @!p0 $0xFFFFF086;
	s6 =	sadd.s32 @!p0 s3, s7;
	s7 =	simm.s32 @!p0 $0x108  }
0x21: {  	s3 =	sadd.s32 s3, s9;
	s6 =	sadd.s32 @!p0 $0x88, s6;
	s7 =	simm.s32 @p2 $0x1082  }
0x22: {  	[simem:s7], [sflag:s8] =	dma.local @!p0 [hbm:s6], $0xF7A  }
0x23: {  	s9 =	sor.u32 $0xD0000000, s2;
	s6 =	simm.s32 $0x108;
	_ =	swait.ge @!p0 [sflag:s8], $0x0  }
0x24: {  	s3 =	sadd.s32 $0x88, s3;
	s6 =	simm.s32 @!p1 $0x1082;
	[sflag:s4] =	ssyncset.s32 $0xFFFFF086  }
0x25: {  	[simem:s6], [sflag:s4] =	dma.local [hbm:s3], $0xF7A  }
0x26: {  	[smem:$0x3F9B] =	sst s1;
	(tag) =	ssettag s2;
	_ =	strace s9  }
0x27: {  	s1 =	sld [smem:$0x3FAB]  }
0x28: {  	s2 =	sld [smem:$0x3FAC]  }
0x29: {  	s4 =	sld [smem:$0x3FAE]  }
0x2a: {  	p0 =	seq.s32 s5, $0x0;
	s5 =	sld [smem:$0x3FAF]  }
0x2b: {  	s6 =	sld [smem:$0x3FB0]  }
0x2c: {  	s7 =	sld [smem:$0x3FB1]  }
0x2d: {  	s3 =	simm.s32 $0x108;
	s8 =	sld [smem:$0x3FB2]  }
0x2e: {  	s3 =	simm.s32 @!p0 $0x1082;
	s9 =	sld [smem:$0x3FB3]  }
0x2f: {  	lr =	sadd.s32 s0, s3;
	s0 =	sld [smem:$0x3FAA]  }
0x30: {  	s3 =	sld [smem:$0x3FAD]  }
0x31: {  	[smem:$0x3FB6] =	sst s10  }
0x32: {  	s10 =	sld [smem:$0x3FB4];
	_ =	sdelay $0x3  }
0x33: {  	p0 =	seq.s32 s10, $0x1;
	s10 =	sld [smem:$0x3FB6];
	_ =	sdelay $0x3  }
0x34: {  	[smem:$0x3FB6] =	sst s10  }
0x35: {  	s10 =	sld [smem:$0x3FB5];
	_ =	sdelay $0x3  }
0x36: {  	p1 =	seq.s32 s10, $0x1;
	s10 =	sld [smem:$0x3FB6];
	_ =	sdelay $0x3  }
0x37: {  	[smem:$0x3FB6] =	sst s10  }
0x38: {  	s10 =	sld [smem:$0x3FB7]  }
0x39: {  	_ = 	snop;
	(pc) =	sbr.ind lr, $3  }
0x3a: {  	_ = 	snop  }
0x3b: {  	_ = 	snop  }
0x3c: {  	p2 =	seq.s32 s10, $0x1;
	s10 =	sld [smem:$0x3FB6]  }
0x3d: {  	_ =	shalt  }
0x3e: {  	_ =	shalt  }
0x3f: {  	_ =	shalt  }
0x40: {  	_ =	shalt  }
0x41: {  	_ =	shalt  }
0x42: {  	_ =	shalt  }
0x43: {  	_ =	shalt  }
0x44: {  	_ =	shalt  }
0x45: {  	_ =	shalt  }
0x46: {  	_ =	shalt  }
0x47: {  	_ =	shalt  }
0x48: {  	_ =	shalt  }
0x49: {  	_ =	shalt  }
0x4a: {  	_ =	shalt  }
0x4b: {  	_ =	shalt  }
0x4c: {  	_ =	shalt  }
0x4d: {  	_ =	shalt  }
0x4e: {  	_ =	shalt  }
0x4f: {  	_ =	shalt  }
0x50: {  	_ =	shalt  }
0x51: {  	_ =	shalt  }
0x52: {  	_ =	shalt  }
0x53: {  	_ =	shalt  }
0x54: {  	_ =	shalt  }
0x55: {  	_ =	shalt  }
0x56: {  	_ =	shalt  }
0x57: {  	_ =	shalt  }
0x58: {  	_ =	shalt  }
0x59: {  	_ =	shalt  }
0x5a: {  	_ =	shalt  }
0x5b: {  	_ =	shalt  }
0x5c: {  	_ =	shalt  }
0x5d: {  	_ =	shalt  }
0x5e: {  	_ =	shalt  }
0x5f: {  	_ =	shalt  }
0x60: {  	_ =	shalt  }
0x61: {  	_ =	shalt  }
0x62: {  	_ =	shalt  }
0x63: {  	_ =	shalt  }
0x64: {  	_ =	shalt  }
0x65: {  	_ =	shalt  }
0x66: {  	_ =	shalt  }
0x67: {  	_ =	shalt  }
0x68: {  	_ =	shalt  }
0x69: {  	_ =	shalt  }
0x6a: {  	_ =	shalt  }
0x6b: {  	_ =	shalt  }
0x6c: {  	_ =	shalt  }
0x6d: {  	_ =	shalt  }
0x6e: {  	_ =	shalt  }
0x6f: {  	_ =	shalt  }
0x70: {  	_ =	shalt  }
0x71: {  	_ =	shalt  }
0x72: {  	_ =	shalt  }
0x73: {  	_ =	shalt  }
0x74: {  	_ =	shalt  }
0x75: {  	_ =	shalt  }
0x76: {  	_ =	shalt  }
0x77: {  	_ =	shalt  }
0x78: {  	_ =	shalt  }
0x79: {  	_ =	shalt  }
0x7a: {  	_ =	shalt  }
0x7b: {  	_ =	shalt  }
0x7c: {  	_ =	shalt  }
0x7d: {  	_ =	shalt  }
0x7e: {  	_ =	shalt  }
0x7f: {  	_ =	shalt  }
0x80: {  	_ =	shalt  }
0x81: {  	_ =	shalt  }
0x82: {  	_ =	shalt  }
0x83: {  	_ =	shalt  }
0x84: {  	_ =	shalt  }
0x85: {  	_ =	shalt  }
0x86: {  	_ =	shalt  }
0x87: {  	_ =	shalt  }
.Lfunc_end0:
.L_simem_size_0:
called_computation_lowered:
.L_overlay_start_0:
0x88: {  	s2 =	sld [smem:$0x3FD9]  }
0x89: {  	s3 =	sld [smem:$0x3FFE];
	_ =	sdelay $0x1  }
0x8a: {  	s1 =	srdreg.scid  }
0x8b: {  	s0 =	sand.u32 $0x1, s1  }
0x8c: {  	s17 =	sshll.u32 s0, $0xA;
	s2 =	sadd.s32 s3, s2  }
0x8d: {  	s2 =	sadd.s32 s2, s17  }
0x8e: {  	[smem:$0x3FC2] =	sst s2  }
0x8f: {  	_ = 	snop  }
0x90: {  	s2 =	sld [smem:$0x3FD0];
	(tm) =	ssettm $0x1  }
0x91: {  	s18 =	sld [smem:$0x3FFB];
	_ =	sdelay $0x3  }
0x92: {  	_ =	strace s18  }
0x93: {  	s3 =	sld [smem:$0x3FFC];
	_ =	sdelay $0x3  }
0x94: {  	_ =	strace s3  }
0x95: {  	s3 =	sld [smem:$0x3FFD];
	_ =	sdelay $0x3  }
0x96: {  	_ =	strace s3  }
0x97: {  	_ =	strace $0x8FFFFFFF  }
0x98: {  	s19 =	sld [smem:$0x3FDB];
	_ =	sdelay $0x1  }
0x99: {  	s4 =	simm.s32 $_scs_section_size  }
0x9a: {  	s5 =	simm.s32 $_size__tile_overlayer_lowered;
	s6 =	simm.s32 $_tile_overlayer_lowered  }
0x9b: {  	s22 =	simm.s32 $0x1BFF;
	s21 =	sshll.u32 s6, $0x1;
	s3 =	sadd.s32 s4, s19  }
0x9c: {  	s7 =	simm.s32 $0x0;
	s20 =	sshll.u32 s5, $0x1;
	s5 =	sadd.s32 s21, s3  }
0x9d: {  	[timem:s7], [sflag:s22] =	dma.local [hbm:s5], s20  }
0x9e: {  	_ =	swait.ge [sflag:s22], s20  }
0x9f: {  	s4 =	ssub.s32 $0x0, s20;
	[sflag:s22] =	ssyncset.done $0x0  }
0xa0: {  	[sflag:s22] =	ssyncadd.s32 s4;
	_ =	sdelay $0x1  }
0xa1: {  	s23 =	simm.s32 $0x1B8B  }
0xa2: {  	_ =	swait.ge [sflag:s23], $0x1  }
0xa3: {  	[sflag:s23] =	ssyncset.done $0x0  }
0xa4: {  	s25 =	simm.s32 $0x1B8E;
	s24 =	sld [smem:$0x3FFE];
	[sflag:s23] =	ssyncadd.s32 $0xFFFFFFFF  }
0xa5: {  	s26 =	simm.s32 $execute0_lowered;
	[smem:$0x3FD2] =	sst s25  }
0xa6: {  	s5 =	sshll.u32 s26, $0x1;
	_ =	strace $0x80000046;
	[dreg:$0x1] =	wrdreg $0xFFFFFFFF  }
0xa7: {  	s28 =	simm.s32 $_size_execute0_lowered;
	s3 =	sadd.s32 s3, s5;
	[dreg:$0x0] =	wrdreg $0x0  }
0xa8: {  	s5 =	sshll.u32 s28, $0x1;
	[dreg:$0x2] =	wrdreg s3  }
0xa9: {  	[dreg:$0x3] =	wrdreg s5  }
0xaa: {  	[dreg:$0x4] =	wrdreg $0xC0  }
0xab: {  	_ =	task [dreg:s7], $0x5FFFF  }
0xac: {  	[dreg:$0x1] =	wrdreg $0xFFFFFFFF  }
0xad: {  	[dreg:$0x0] =	wrdreg $0x60  }
0xae: {  	[dreg:$0x2] =	wrdreg s2  }
0xaf: {  	[dreg:$0x3] =	wrdreg s24  }
0xb0: {  	[dreg:$0x4] =	wrdreg $0x102000  }
0xb1: {  	[dreg:$0x5] =	wrdreg $0x9  }
0xb2: {  	_ =	task.clear_ibuf [dreg:s7], $0x6FFFF;
	_ =	strace $0x90000046  }
0xb3: {  	s29 =	simm.s32 $0x9;
	_ =	strace $0x80000048  }
0xb4: {  	_ =	swait.ge [sflag:s29], $0x1  }
0xb5: {  	[sflag:s29] =	ssyncadd.s32 $0xFFFFFFFF  }
0xb6: {  	_ =	strace $0x90000048  }
0xb7: {  	_ =	sfence  }
0xb8: {  	s30 =	sld [smem:$0x0];
	_ =	sdelay $0x2  }
0xb9: {  	s31 =	sshll.u32 s1, $0xD;
	s1 =	sshrl.u32 s1, $0x2  }
0xba: {  	s3 =	sand.u32 $0x4000, s31;
	s1 =	sadd.s32 s1, s30  }
0xbb: {  	s0 =	sor.u32 s3, s0;
	s1 =	sshll.u32 s1, $0x11  }
0xbc: {  	s0 =	sor.u32 s1, s0  }
0xbd: {  	s0 =	sadd.s32 $0x8F2B, s0  }
0xbe: {  	[sflag:s0] =	ssyncadd.remote.s32 $0x1  }
0xbf: {  	_ =	sfence.sel $0xFFFF  }
0xc0: {  	[dreg:$0x0] =	wrdreg $0xFFFFFFFF;
	(pc) =	sbr.abs _section_cstart, $3  }
0xc1: {  	[dreg:$0x1] =	wrdreg $0xFFFFFFFF  }
0xc2: {  	_ =	task.clear_ibuf [dreg:s7], $0x2FFFF;
	_ =	strace $0x9FFFFFFF  }
0xc3: {  	(tm) =	ssettm $0x7FFFFFFF  }
tec
execute0_lowered:
.L_overlay_start_1:
0x0: {  	(tag) =	ssettag $0x1  }
0x1: {  	s0 =	rddreg [dreg:$0x1]  }
0x2: {  	s1 =	rddreg [dreg:$0x2]  }
0x3: {  	s2 =	srdreg.scid;
	s3 =	simm.s32 $0x0;
	s8 =	stileid.u32  }
0x4: {  	s29 =	simm.s32 $0x2000;
	s31 =	simm.s32 $0x80;
	s30 =	simm.s32 $0x2  }
0x5: {  	s2 =	sand.u32 $0x1, s2;
	[smem:$0x7FF] =	sst s3;
	s5 =	sshll.u32 s8, $0xD  }
0x6: {  	s6 =	sadd.s32 $0xE00, s0;
	s11 =	sshll.u32 s8, $0x7;
	s4 =	sshll.u32 s2, $0x11  }
0x7: {  	s23 =	sshll.u32 s8, $0xC;
	_ =	strace $0x80000047;
	s4 =	sor.u32 s5, s4  }
0x8: {  	[dreg:$0x4] =	wrdreg s6;
	s25 =	ssub.s32 $0x2, s2;
	s4 =	sshrl.u32 s4, $0x3  }
0x9: {  	s2 =	sshll.u32 s2, $0x4;
	s10 =	sand.u32 $0x10000, s5;
	s4 =	sadd.s32 s4, s0  }
0xa: {  	s7 =	sshrl.u32 s25, $0x1;
	s0 =	sadd.s32 s2, s0;
	s26 =	sadd.s32 $0x1200, s4  }
0xb: {  	s2 =	ssub.s32 s25, s7;
	s7 =	sadd.s32 $0x9200, s4;
	[dreg:$0x5] =	wrdreg s26  }
0xc: {  	s24 =	sand.u32 $0x380, s11;
	s9 =	sadd.s32 $0x11200, s4;
	[dreg:$0x6] =	wrdreg s7  }
0xd: {  	s4 =	sadd.s32 $0x19200, s4;
	s0 =	sadd.s32 s11, s0;
	[dreg:$0x7] =	wrdreg s9  }
0xe: {  	[dreg:$0x8] =	wrdreg s4;
	s4 =	sadd.s32 s10, s1;
	s9 =	sadd.s32 s23, s1  }
0xf: {  	s1 =	simm.s32 $0xC000;
	s25 =	sadd.s32 s24, s4;
	s26 =	sadd.s32 $0x80, s9  }
0x10: {  	s12 =	sadd.s32 $0x100, s9;
	s13 =	sadd.s32 $0x180, s9;
	s14 =	sadd.s32 $0x200, s9  }
0x11: {  	s15 =	sadd.s32 $0x280, s9;
	s16 =	sadd.s32 $0x300, s9;
	s17 =	sadd.s32 $0x380, s9  }
0x12: {  	s18 =	sadd.s32 $0x10000, s9;
	s19 =	sadd.s32 $0x10080, s9;
	s20 =	sadd.s32 $0x10100, s9  }
0x13: {  	s21 =	sadd.s32 $0x10180, s9;
	s22 =	sadd.s32 $0x10200, s9;
	s23 =	sadd.s32 $0x10280, s9  }
0x14: {  	s24 =	sadd.s32 $0x21200, s0;
	s28 =	sadd.s32 $0x10380, s9;
	[dreg:$0x9] =	wrdreg s25  }
0x15: {  	s0 =	simm.s32 $0x400;
	s4 =	simm.s32 $0x0;
	[dreg:$0xa] =	wrdreg s26  }
0x16: {  	v0 =	vimm.f32 $0.0e+00;
	s25 =	smax.u32 s2, $0x1;
	s26 =	sadd.s32 $0x10300, s9;
	s2 =	simm.s32 $0x1  }
.LBB2_1:
0x17: {  	s5 =	rddreg [dreg:$0x0]  }
0x18: {  	[tilespmem:s3], [sflag:$0x1] =	stream.linear.gather [hbm4b:s5+s3], $0x2000, $0x38;
	[tilespmem:$0x12200] =	vst v63  }
0x19: {  	s10 =	rddreg [dreg:$0x4]  }
0x1a: {  	[tilespmem:s29], [sflag:$0x1] =	stream.linear.gather [hbm4b:s10+s3], $0x2000, $0x38;
	[tilespmem:$0x12200] =	vst v63  }
0x1b: {  	s11 =	rddreg [dreg:$0x5];
	s6 =	simm.s32 $0x4000  }
0x1c: {  	[tilespmem:s6], [sflag:$0x1] =	stream.linear.gather [hbm4b:s11+s3], $0x2000, $0x38;
	[tilespmem:$0x12200] =	vst v63  }
0x1d: {  	s7 =	rddreg [dreg:$0x6];
	s8 =	simm.s32 $0x6000;
	s5 =	simm.s32 $0x0  }
0x1e: {  	[tilespmem:s8], [sflag:$0x1] =	stream.linear.gather [hbm4b:s7+s3], $0x2000, $0x38;
	[tilespmem:$0x12200] =	vst v63  }
0x1f: {  	s10 =	rddreg [dreg:$0x7];
	s11 =	simm.s32 $0x8000;
	s6 =	simm.s32 $0x100  }
0x20: {  	[tilespmem:s11], [sflag:$0x1] =	stream.linear.gather [hbm4b:s10+s3], $0x2000, $0x38;
	[tilespmem:$0x12200] =	vst v63  }
.LBB2_2:
0x21: {  	p0 =	sne.s32 s6, $0x7F00;
	[tilespmem:s5+$0xC030] =	vst v0;
	s7 =	smov.u32 s6;
	s6 =	sadd.s32 $0x100, s6  }
.Ltmp0:
0x22: {  	[tilespmem:s5+$0xC020] =	vst v0;
	(pc) =	sbr.rel @p0 .LBB2_2-.Ltmp0, $3  }
0x23: {  	[tilespmem:s5+$0xC000] =	vst v0  }
0x24: {  	[tilespmem:s5+$0xC010] =	vst v0;
	_ =	sdelay $0x1  }
0x25: {  	s5 =	sshra.s32 s7, $0x2  }
0x26: {  	[tilespmem:s5+$0xC030] =	vst v0  }
0x27: {  	[tilespmem:s5+$0xC020] =	vst v0  }
0x28: {  	[tilespmem:s5+$0xC000] =	vst v0  }
0x29: {  	[tilespmem:s5+$0xC010] =	vst v0  }
0x2a: {  	_ =	swait.ge [sflag:s2], $0x2000  }
0x2b: {  	[sflag:s2] =	ssyncset.done $0x0  }
0x2c: {  	[sflag:s2] =	ssyncadd.s32 $0xFFFFE000  }
0x2d: {  	_ =	swait.ge [sflag:s2], $0x2000  }
0x2e: {  	[sflag:s2] =	ssyncset.done $0x0  }
0x2f: {  	[sflag:s2] =	ssyncadd.s32 $0xFFFFE000  }
0x30: {  	_ =	swait.ge [sflag:s2], $0x2000  }
0x31: {  	[sflag:s2] =	ssyncset.done $0x0  }
0x32: {  	[sflag:s2] =	ssyncadd.s32 $0xFFFFE000  }
0x33: {  	_ =	swait.ge [sflag:s2], $0x2000  }
0x34: {  	[sflag:s2] =	ssyncset.done $0x0  }
0x35: {  	[sflag:s2] =	ssyncadd.s32 $0xFFFFE000  }
0x36: {  	_ =	swait.ge [sflag:s2], $0x2000  }
0x37: {  	[sflag:s2] =	ssyncset.done $0x0  }
0x38: {  	s10 =	simm.s32 $0x4020;
	[sflag:s2] =	ssyncadd.s32 $0xFFFFE000  }
0x39: {  	s6 =	simm.s32 $0x6020;
	v1 =	vld [tilespmem:s10+$0x10]  }
0x3a: {  	s7 =	simm.s32 $0x8020;
	v2 =	vld [tilespmem:s6+$0x10]  }
0x3b: {  	v3 =	vld [tilespmem:s7+$0x10];
	_ =	sdelay $0x2  }
0x3c: {  	v4 =	vld [tilespmem:s10+$0xFFFFFFF0];
	v1 =	vshll.u32 v1, $0xB  }
0x3d: {  	v5 =	vld [tilespmem:s10+$0x0];
	v7 =	vadd.s32 v2, v1  }
0x3e: {  	v6 =	vld [tilespmem:s10+$0xFFFFFFE0];
	v1 =	vadd.s32 v1, v3  }
0x3f: {  	v8 =	vld [tilespmem:s6+$0xFFFFFFF0]  }
0x40: {  	v2 =	vld [tilespmem:s6+$0xFFFFFFE0]  }
0x41: {  	v3 =	vld [tilespmem:s7+$0xFFFFFFE0]  }
0x42: {  	v10 =	vld.idx.msk [tilespmem:v7+s3+$0x0], $0xffff  }
0x43: {  	v11 =	vld.idx.msk [tilespmem:v1+s29+$0x0], $0xffff  }
0x44: {  	v1 =	vshll.u32 v6, $0xB;
	v6 =	vld [tilespmem:s6+$0x0]  }
0x45: {  	v9 =	vld [tilespmem:s7+$0xFFFFFFF0];
	_ =	sdelay $0x1  }
0x46: {  	v12 =	vadd.s32 v2, v1  }
0x47: {  	s11 =	simm.s32 $0x4060;
	v2 =	vshll.u32 v4, $0xB;
	v3 =	vadd.s32 v1, v3;
	v4 =	vshll.u32 v5, $0xB  }
0x48: {  	v15 =	vld [tilespmem:s11+$0xFFFFFFF0];
	v13 =	vadd.s32 v8, v2;
	v1 =	vadd.s32 v6, v4;
	v6 =	vadd.f32 v11, v10  }
0x49: {  	s6 =	simm.s32 $0x6060;
	v2 =	vadd.s32 v2, v9;
	v10 =	vld [tilespmem:s11+$0x10]  }
0x4a: {  	v11 =	vld [tilespmem:s6+$0x10];
	v6 =	vmul.f32 $1.442695020e+00, v6  }
0x4b: {  	v8 =	vld.idx.msk [tilespmem:v12+s3+$0x0], $0xffff  }
0x4c: {  	v3 =	vld.idx.msk [tilespmem:v3+s29+$0x0], $0xffff;
	(erf) = vpow2.f32 v6  }
0x4d: {  	v9 =	vld.idx.msk [tilespmem:v13+s3+$0x0], $0xffff  }
0x4e: {  	v2 =	vld.idx.msk [tilespmem:v2+s29+$0x0], $0xffff  }
0x4f: {  	v5 =	vld [tilespmem:s7+$0x0];
	s7 =	simm.s32 $0x8060  }
0x50: {  	v14 =	vld [tilespmem:s7+$0x10]  }
0x51: {  	v16 =	vld [tilespmem:s11+$0xFFFFFFE0];
	v3 =	vadd.f32 v3, v8  }
0x52: {  	v17 =	vld [tilespmem:s6+$0xFFFFFFE0];
	v10 =	vshll.u32 v10, $0xB  }
0x53: {  	v9 =	vadd.f32 v2, v9;
	v2 =	vadd.s32 v11, v10;
	v11 =	vld [tilespmem:s7+$0xFFFFFFE0];
	v3 =	vmul.f32 $1.442695020e+00, v3  }
0x54: {  	v57 =	vld [tilespmem:s6+$0x0]  }
0x55: {  	s5 =	simm.s32 $0xA020;
	v8 =	vld [tilespmem:s11+$0x0];
	v18 =	vpop (erf);
	(erf) = vpow2.f32 v3;
	v3 =	vmul.f32 $1.442695020e+00, v9;
	v9 =	vadd.s32 v10, v14  }
0x56: {  	v10 =	vld [tilespmem:s6+$0xFFFFFFF0];
	[tilespmem:s5+$0x10] =	vst v18  }
0x57: {  	v5 =	vadd.s32 v4, v5;
	v4 =	vshll.u32 v16, $0xB;
	[tilespmem:v7+s1+$0x0] =	vst.idx.add.f32.msk $0xffff, v18  }
0x58: {  	v11 =	vadd.s32 v4, v11;
	v7 =	vld [tilespmem:s7+$0xFFFFFFF0]  }
0x59: {  	v56 =	vld.idx.msk [tilespmem:v2+s3+$0x0], $0xffff;
	(erf) = vpow2.f32 v3  }
0x5a: {  	v15 =	vshll.u32 v15, $0xB;
	v3 =	vadd.s32 v17, v4;
	v9 =	vld.idx.msk [tilespmem:v9+s29+$0x0], $0xffff  }
0x5b: {  	v6 =	vld.idx.msk [tilespmem:v1+s3+$0x0], $0xffff;
	v4 =	vadd.s32 v10, v15  }
0x5c: {  	v58 =	vld.idx.msk [tilespmem:v5+s29+$0x0], $0xffff  }
0x5d: {  	v59 =	vshll.u32 v8, $0xB;
	v11 =	vld.idx.msk [tilespmem:v11+s29+$0x0], $0xffff;
	v7 =	vadd.s32 v15, v7  }
0x5e: {  	v5 =	vadd.s32 v57, v59;
	v10 =	vld [tilespmem:s7+$0x0]  }
0x5f: {  	v60 =	vld.idx.msk [tilespmem:v3+s3+$0x0], $0xffff;
	v19 =	vpop (erf);
	v14 =	vadd.f32 v9, v56  }
0x60: {  	[tilespmem:s5+$0xFFFFFFE0] =	vst v19;
	v8 =	vld.idx.msk [tilespmem:v4+s3+$0x0], $0xffff  }
0x61: {  	[tilespmem:v12+s1+$0x0] =	vst.idx.add.f32.msk $0xffff, v19;
	v62 =	vmul.f32 $1.442695020e+00, v14  }
0x62: {  	v63 =	vadd.f32 v58, v6;
	v61 =	vpop (erf);
	v9 =	vld.idx.msk [tilespmem:v7+s29+$0x0], $0xffff  }
0x63: {  	v6 =	vld.idx.msk [tilespmem:v5+s3+$0x0], $0xffff;
	[tilespmem:s5+$0xFFFFFFF0] =	vst v61;
	(erf) = vpow2.f32 v62  }
0x64: {  	s8 =	simm.s32 $0xA020;
	s10 =	simm.s32 $0x4;
	s11 =	simm.s32 $0x40A0;
	v7 =	vadd.s32 v59, v10;
	v10 =	vadd.f32 v11, v60;
	v11 =	vmul.f32 $1.442695020e+00, v63;
	[tilespmem:v13+s1+$0x0] =	vst.idx.add.f32.msk $0xffff, v61  }
.LBB2_4:
0x65: {  	v12 =	vld [tilespmem:s11+$0x10];
	s6 =	sadd.s32 $0x40, s6  }
0x66: {  	s7 =	sadd.s32 $0x40, s7;
	v13 =	vld [tilespmem:s6+$0x10];
	v10 =	vmul.f32 $1.442695020e+00, v10;
	(erf) = vpow2.f32 v11  }
0x67: {  	s10 =	sadd.s32 $0x4, s10;
	v8 =	vadd.f32 v9, v8;
	v11 =	vld [tilespmem:s7+$0x10]  }
0x68: {  	p0 =	slt.u32 s10, $0x1FC;
	v9 =	vld [tilespmem:s11+$0xFFFFFFF0];
	(erf) = vpow2.f32 v10  }
0x69: {  	v8 =	vmul.f32 $1.442695020e+00, v8;
	v10 =	vld [tilespmem:s11+$0x0]  }
0x6a: {  	v14 =	vld [tilespmem:s11+$0xFFFFFFE0];
	v16 =	vshll.u32 v12, $0xB  }
0x6b: {  	v15 =	vld [tilespmem:s6+$0xFFFFFFE0];
	v13 =	vadd.s32 v13, v16;
	(erf) = vpow2.f32 v8  }
0x6c: {  	s5 =	sadd.s32 $0x40, s5;
	v8 =	vld [tilespmem:s7+$0xFFFFFFE0];
	v11 =	vadd.s32 v16, v11;
	v12 =	vpop (erf)  }
0x6d: {  	v9 =	vshll.u32 v9, $0xB;
	v16 =	vld [tilespmem:s6+$0xFFFFFFF0];
	[tilespmem:s5+$0x10] =	vst v12  }
0x6e: {  	v10 =	vshll.u32 v10, $0xB;
	[tilespmem:v2+s1+$0x0] =	vst.idx.add.f32.msk $0xffff, v12;
	v2 =	vmov v13  }
0x6f: {  	v18 =	vshll.u32 v14, $0xB;
	v14 =	vld [tilespmem:s7+$0xFFFFFFF0];
	v17 =	vpop (erf)  }
0x70: {  	v15 =	vadd.s32 v15, v18;
	v13 =	vld.idx.msk [tilespmem:v13+s3+$0x0], $0xffff;
	[tilespmem:s8+$0x0] =	vst v17;
	s8 =	smov.u32 s5  }
0x71: {  	v8 =	vadd.s32 v18, v8;
	v11 =	vld.idx.msk [tilespmem:v11+s29+$0x0], $0xffff;
	v12 =	vpop (erf)  }
0x72: {  	v16 =	vadd.s32 v16, v9;
	v18 =	vld [tilespmem:s6+$0x0];
	[tilespmem:s5+$0xFFFFFFE0] =	vst v12  }
0x73: {  	v19 =	vld [tilespmem:s7+$0x0]  }
0x74: {  	v9 =	vadd.s32 v9, v14;
	v14 =	vld.idx.msk [tilespmem:v7+s29+$0x0], $0xffff;
	v20 =	vpop (erf)  }
0x75: {  	v21 =	vld.idx.msk [tilespmem:v15+s3+$0x0], $0xffff;
	[tilespmem:s5+$0xFFFFFFF0] =	vst v20  }
0x76: {  	v22 =	vld.idx.msk [tilespmem:v8+s29+$0x0], $0xffff  }
0x77: {  	v11 =	vadd.f32 v11, v13;
	v8 =	vld.idx.msk [tilespmem:v16+s3+$0x0], $0xffff;
	v18 =	vadd.s32 v18, v10  }
.Ltmp1:
0x78: {  	v7 =	vadd.s32 v10, v19;
	[tilespmem:v3+s1+$0x0] =	vst.idx.add.f32.msk $0xffff, v12;
	v3 =	vmov v15;
	(pc) =	sbr.rel @p0 .LBB2_4-.Ltmp1, $4  }
0x79: {  	v10 =	vmul.f32 $1.442695020e+00, v11;
	v9 =	vld.idx.msk [tilespmem:v9+s29+$0x0], $0xffff  }
0x7a: {  	v11 =	vadd.f32 v14, v6;
	[tilespmem:v4+s1+$0x0] =	vst.idx.add.f32.msk $0xffff, v20;
	v4 =	vmov v16  }
0x7b: {  	(erf) = vpow2.f32 v10;
	[tilespmem:v1+s1+$0x0] =	vst.idx.add.f32.msk $0xffff, v17;
	v1 =	vmov v5;
	v5 =	vmov v18  }
0x7c: {  	s11 =	sadd.s32 $0x40, s11;
	v10 =	vadd.f32 v22, v21;
	v11 =	vmul.f32 $1.442695020e+00, v11;
	v6 =	vld.idx.msk [tilespmem:v18+s3+$0x0], $0xffff  }
0x7d: {  	_ =	sdelay $0x3  }
0x7e: {  	v7 =	vld.idx.msk [tilespmem:v7+s29+$0x0], $0xffff;
	_ =	sdelay $0x2  }
0x7f: {  	v8 =	vadd.f32 v9, v8;
	v39 =	vmul.f32 $1.442695020e+00, v10;
	(erf) = vpow2.f32 v11;
	_ =	sdelay $0x1  }
0x80: {  	v40 =	vmul.f32 $1.442695020e+00, v8;
	(erf) = vpow2.f32 v39;
	v6 =	vadd.f32 v7, v6;
	_ =	sdelay $0x1  }
0x81: {  	(erf) = vpow2.f32 v40;
	v6 =	vmul.f32 $1.442695020e+00, v6;
	_ =	sdelay $0x1  }
0x82: {  	(erf) = vpow2.f32 v6  }
0x83: {  	s5 =	sadd.s32 $0x40, s5;
	v41 =	vpop (erf)  }
0x84: {  	[tilespmem:s5+$0x10] =	vst v41  }
0x85: {  	[tilespmem:v2+s1+$0x0] =	vst.idx.add.f32.msk $0xffff, v41;
	v42 =	vpop (erf)  }
0x86: {  	[tilespmem:s8+$0x0] =	vst v42  }
0x87: {  	v43 =	vpop (erf);
	[tilespmem:v1+s1+$0x0] =	vst.idx.add.f32.msk $0xffff, v42  }
0x88: {  	[tilespmem:s5+$0xFFFFFFE0] =	vst v43  }
0x89: {  	v44 =	vpop (erf);
	[tilespmem:v3+s1+$0x0] =	vst.idx.add.f32.msk $0xffff, v43  }
0x8a: {  	[tilespmem:s5+$0xFFFFFFF0] =	vst v44  }
0x8b: {  	[tilespmem:v4+s1+$0x0] =	vst.idx.add.f32.msk $0xffff, v44;
	v45 =	vpop (erf)  }
0x8c: {  	[tilespmem:s5+$0x0] =	vst v45  }
0x8d: {  	[tilespmem:v5+s1+$0x0] =	vst.idx.add.f32.msk $0xffff, v45  }
0x8e: {  	s6 =	simm.s32 $0xA000;
	s5 =	rddreg [dreg:$0x8]  }
0x8f: {  	[hbm4b:s5+s3] =	stream.linear.scatter [tilespmem:s6], [sflag:$0x1], $0x2000, $0x38;
	[tilespmem:$0x12200] =	vst v63  }
0x90: {  	s6 =	rddreg [dreg:$0x9]  }
0x91: {  	[spmem:s6] =	stream.strided.scatter [tilespmem:s1], [sflag:$0x2], $0x2000, s0, s31, $0x38;
	[tilespmem:$0x12200] =	vst v63  }
0x92: {  	_ =	swait.ge [sflag:s30], $0x2000  }
0x93: {  	[sflag:s30] =	ssyncset.done $0x0  }
0x94: {  	[sflag:s30] =	ssyncadd.s32 $0xFFFFE000  }
0x95: {  	s7 =	simm.s32 $0xE200;
	[bflag:$0x0] =	sbarrier.arrive $0xFFFF  }
0x96: {  	[tilespmem:s7], [sflag:$0x1] =	stream.strided.gather [spmem:s9], $0x200, s0, s31, $0x38;
	[tilespmem:$0x12200] =	vst v63  }
0x97: {  	s10 =	simm.s32 $0xE400;
	s8 =	rddreg [dreg:$0xa]  }
0x98: {  	[tilespmem:s10], [sflag:$0x1] =	stream.strided.gather [spmem:s8], $0x200, s0, s31, $0x38;
	[tilespmem:$0x12200] =	vst v63  }
0x99: {  	s11 =	simm.s32 $0xE600  }
0x9a: {  	[tilespmem:s11], [sflag:$0x1] =	stream.strided.gather [spmem:s12], $0x200, s0, s31, $0x38;
	[tilespmem:$0x12200] =	vst v63  }
0x9b: {  	s6 =	simm.s32 $0xE800  }
0x9c: {  	[tilespmem:s6], [sflag:$0x1] =	stream.strided.gather [spmem:s13], $0x200, s0, s31, $0x38;
	[tilespmem:$0x12200] =	vst v63  }
0x9d: {  	s7 =	simm.s32 $0xEA00  }
0x9e: {  	[tilespmem:s7], [sflag:$0x1] =	stream.strided.gather [spmem:s14], $0x200, s0, s31, $0x38;
	[tilespmem:$0x12200] =	vst v63  }
0x9f: {  	s8 =	simm.s32 $0xEC00  }
0xa0: {  	[tilespmem:s8], [sflag:$0x1] =	stream.strided.gather [spmem:s15], $0x200, s0, s31, $0x38;
	[tilespmem:$0x12200] =	vst v63  }
0xa1: {  	s10 =	simm.s32 $0xEE00  }
0xa2: {  	[tilespmem:s10], [sflag:$0x1] =	stream.strided.gather [spmem:s16], $0x200, s0, s31, $0x38;
	[tilespmem:$0x12200] =	vst v63  }
0xa3: {  	s11 =	simm.s32 $0xF000  }
0xa4: {  	[tilespmem:s11], [sflag:$0x1] =	stream.strided.gather [spmem:s17], $0x200, s0, s31, $0x38;
	[tilespmem:$0x12200] =	vst v63  }
0xa5: {  	s6 =	simm.s32 $0xF200  }
0xa6: {  	[tilespmem:s6], [sflag:$0x1] =	stream.strided.gather [spmem:s18], $0x200, s0, s31, $0x38;
	[tilespmem:$0x12200] =	vst v63  }
0xa7: {  	s7 =	simm.s32 $0xF400  }
0xa8: {  	[tilespmem:s7], [sflag:$0x1] =	stream.strided.gather [spmem:s19], $0x200, s0, s31, $0x38;
	[tilespmem:$0x12200] =	vst v63  }
0xa9: {  	s8 =	simm.s32 $0xF600  }
0xaa: {  	[tilespmem:s8], [sflag:$0x1] =	stream.strided.gather [spmem:s20], $0x200, s0, s31, $0x38;
	[tilespmem:$0x12200] =	vst v63  }
0xab: {  	s10 =	simm.s32 $0xF800  }
0xac: {  	[tilespmem:s10], [sflag:$0x1] =	stream.strided.gather [spmem:s21], $0x200, s0, s31, $0x38;
	[tilespmem:$0x12200] =	vst v63  }
0xad: {  	s11 =	simm.s32 $0xFA00  }
0xae: {  	[tilespmem:s11], [sflag:$0x1] =	stream.strided.gather [spmem:s22], $0x200, s0, s31, $0x38;
	[tilespmem:$0x12200] =	vst v63  }
0xaf: {  	s6 =	simm.s32 $0xFC00  }
0xb0: {  	[tilespmem:s6], [sflag:$0x1] =	stream.strided.gather [spmem:s23], $0x200, s0, s31, $0x38;
	[tilespmem:$0x12200] =	vst v63  }
0xb1: {  	s7 =	simm.s32 $0xFE00  }
0xb2: {  	[tilespmem:s7], [sflag:$0x1] =	stream.strided.gather [spmem:s26], $0x200, s0, s31, $0x38;
	[tilespmem:$0x12200] =	vst v63  }
0xb3: {  	s8 =	simm.s32 $0x10000  }
0xb4: {  	[tilespmem:s8], [sflag:$0x1] =	stream.strided.gather [spmem:s28], $0x200, s0, s31, $0x38;
	[tilespmem:$0x12200] =	vst v63  }
0xb5: {  	_ =	swait.ge [sflag:s2], $0x2000  }
0xb6: {  	[sflag:s2] =	ssyncset.done $0x0  }
0xb7: {  	[sflag:s2] =	ssyncadd.s32 $0xFFFFE000  }
0xb8: {  	_ =	swait.ge [sflag:s2], $0x200  }
0xb9: {  	[sflag:s2] =	ssyncset.done $0x0  }
0xba: {  	[sflag:s2] =	ssyncadd.s32 $0xFFFFFE00  }
0xbb: {  	_ =	swait.ge [sflag:s2], $0x200  }
0xbc: {  	[sflag:s2] =	ssyncset.done $0x0  }
0xbd: {  	[sflag:s2] =	ssyncadd.s32 $0xFFFFFE00  }
0xbe: {  	_ =	swait.ge [sflag:s2], $0x200  }
0xbf: {  	[sflag:s2] =	ssyncset.done $0x0  }
0xc0: {  	[sflag:s2] =	ssyncadd.s32 $0xFFFFFE00  }
0xc1: {  	_ =	swait.ge [sflag:s2], $0x200  }
0xc2: {  	[sflag:s2] =	ssyncset.done $0x0  }
0xc3: {  	[sflag:s2] =	ssyncadd.s32 $0xFFFFFE00  }
0xc4: {  	_ =	swait.ge [sflag:s2], $0x200  }
0xc5: {  	[sflag:s2] =	ssyncset.done $0x0  }
0xc6: {  	[sflag:s2] =	ssyncadd.s32 $0xFFFFFE00  }
0xc7: {  	_ =	swait.ge [sflag:s2], $0x200  }
0xc8: {  	[sflag:s2] =	ssyncset.done $0x0  }
0xc9: {  	[sflag:s2] =	ssyncadd.s32 $0xFFFFFE00  }
0xca: {  	_ =	swait.ge [sflag:s2], $0x200  }
0xcb: {  	[sflag:s2] =	ssyncset.done $0x0  }
0xcc: {  	[sflag:s2] =	ssyncadd.s32 $0xFFFFFE00  }
0xcd: {  	_ =	swait.ge [sflag:s2], $0x200  }
0xce: {  	[sflag:s2] =	ssyncset.done $0x0  }
0xcf: {  	[sflag:s2] =	ssyncadd.s32 $0xFFFFFE00  }
0xd0: {  	_ =	swait.ge [sflag:s2], $0x200  }
0xd1: {  	[sflag:s2] =	ssyncset.done $0x0  }
0xd2: {  	[sflag:s2] =	ssyncadd.s32 $0xFFFFFE00  }
0xd3: {  	_ =	swait.ge [sflag:s2], $0x200  }
0xd4: {  	[sflag:s2] =	ssyncset.done $0x0  }
0xd5: {  	[sflag:s2] =	ssyncadd.s32 $0xFFFFFE00  }
0xd6: {  	_ =	swait.ge [sflag:s2], $0x200  }
0xd7: {  	[sflag:s2] =	ssyncset.done $0x0  }
0xd8: {  	[sflag:s2] =	ssyncadd.s32 $0xFFFFFE00  }
0xd9: {  	_ =	swait.ge [sflag:s2], $0x200  }
0xda: {  	[sflag:s2] =	ssyncset.done $0x0  }
0xdb: {  	[sflag:s2] =	ssyncadd.s32 $0xFFFFFE00  }
0xdc: {  	_ =	swait.ge [sflag:s2], $0x200  }
0xdd: {  	[sflag:s2] =	ssyncset.done $0x0  }
0xde: {  	[sflag:s2] =	ssyncadd.s32 $0xFFFFFE00  }
0xdf: {  	_ =	swait.ge [sflag:s2], $0x200  }
0xe0: {  	[sflag:s2] =	ssyncset.done $0x0  }
0xe1: {  	[sflag:s2] =	ssyncadd.s32 $0xFFFFFE00  }
0xe2: {  	_ =	swait.ge [sflag:s2], $0x200  }
0xe3: {  	[sflag:s2] =	ssyncset.done $0x0  }
0xe4: {  	[sflag:s2] =	ssyncadd.s32 $0xFFFFFE00  }
0xe5: {  	_ =	swait.ge [sflag:s2], $0x200  }
0xe6: {  	[sflag:s2] =	ssyncset.done $0x0  }
0xe7: {  	[sflag:s2] =	ssyncadd.s32 $0xFFFFFE00  }
0xe8: {  	v1 =	vld [tilespmem:$0xE200]  }
0xe9: {  	v2 =	vld [tilespmem:$0xE400]  }
0xea: {  	v51 =	vld [tilespmem:$0xE210]  }
0xeb: {  	v52 =	vld [tilespmem:$0xE410]  }
0xec: {  	v3 =	vld [tilespmem:$0xE600]  }
0xed: {  	v12 =	vld [tilespmem:$0xE610];
	_ =	sdelay $0x1  }
0xee: {  	v1 =	vadd.f32 v2, v1;
	v2 =	vld [tilespmem:$0xE810]  }
0xef: {  	v9 =	vadd.f32 v52, v51  }
0xf0: {  	v1 =	vadd.f32 v3, v1;
	v3 =	vld [tilespmem:$0xEA10]  }
0xf1: {  	v9 =	vadd.f32 v12, v9  }
0xf2: {  	v55 =	vld [tilespmem:$0xEC10]  }
0xf3: {  	v2 =	vadd.f32 v2, v9  }
0xf4: {  	v57 =	vld [tilespmem:$0xEE10]  }
0xf5: {  	v2 =	vadd.f32 v3, v2  }
0xf6: {  	v3 =	vld [tilespmem:$0xF010]  }
0xf7: {  	v2 =	vadd.f32 v55, v2  }
0xf8: {  	v60 =	vld [tilespmem:$0xF210]  }
0xf9: {  	v2 =	vadd.f32 v57, v2  }
0xfa: {  	v62 =	vld [tilespmem:$0xF410]  }
0xfb: {  	v2 =	vadd.f32 v3, v2  }
0xfc: {  	v3 =	vld [tilespmem:$0xF610]  }
0xfd: {  	v2 =	vadd.f32 v60, v2  }
0xfe: {  	v63 =	vld [tilespmem:$0xF810]  }
0xff: {  	v2 =	vadd.f32 v62, v2  }
0x100: {  	v16 =	vld [tilespmem:$0xFA10]  }
0x101: {  	v2 =	vadd.f32 v3, v2  }
0x102: {  	v17 =	vld [tilespmem:$0xFC10]  }
0x103: {  	v2 =	vadd.f32 v63, v2  }
0x104: {  	v18 =	vld [tilespmem:$0xFE10]  }
0x105: {  	v2 =	vadd.f32 v16, v2  }
0x106: {  	v19 =	vld [tilespmem:$0x10010]  }
0x107: {  	v2 =	vadd.f32 v17, v2;
	_ =	sdelay $0x1  }
0x108: {  	v2 =	vadd.f32 v18, v2;
	_ =	sdelay $0x1  }
0x109: {  	v2 =	vadd.f32 v19, v2;
	_ =	sdelay $0x1  }
0x10a: {  	[tilespmem:$0xE010] =	vst v2;
	v2 =	vld [tilespmem:$0xE840];
	_ =	sdelay $0x4  }
0x10b: {  	[tilespmem:$0x1EF10] =	vst v2;
	v2 =	vld [tilespmem:$0xEA40];
	_ =	sdelay $0x1  }
0x10c: {  	v46 =	vld [tilespmem:$0xE800]  }
0x10d: {  	v47 =	vld [tilespmem:$0xEA00]  }
0x10e: {  	v48 =	vld [tilespmem:$0xEC00]  }
0x10f: {  	[tilespmem:$0x1EF20] =	vst v2;
	v2 =	vld [tilespmem:$0xEC40]  }
0x110: {  	v49 =	vld [tilespmem:$0xEE00]  }
0x111: {  	v50 =	vld [tilespmem:$0xF000]  }
0x112: {  	v53 =	vld [tilespmem:$0xF200];
	v1 =	vadd.f32 v46, v1  }
0x113: {  	v13 =	vld [tilespmem:$0xF400]  }
0x114: {  	v1 =	vadd.f32 v47, v1;
	[tilespmem:$0x1EF30] =	vst v2;
	v2 =	vld [tilespmem:$0xEE40]  }
0x115: {  	v14 =	vld [tilespmem:$0xF600]  }
0x116: {  	v54 =	vld [tilespmem:$0xF800];
	v1 =	vadd.f32 v48, v1  }
0x117: {  	v56 =	vld [tilespmem:$0xFA00]  }
0x118: {  	v58 =	vld [tilespmem:$0xFC00];
	v1 =	vadd.f32 v49, v1  }
0x119: {  	[tilespmem:$0x1EF40] =	vst v2;
	v2 =	vld [tilespmem:$0xF040]  }
0x11a: {  	v59 =	vld [tilespmem:$0xFE00];
	v1 =	vadd.f32 v50, v1  }
0x11b: {  	v61 =	vld [tilespmem:$0x10000]  }
0x11c: {  	v26 =	vld [tilespmem:$0xE220];
	v1 =	vadd.f32 v53, v1  }
0x11d: {  	v21 =	vld [tilespmem:$0xE420]  }
0x11e: {  	v1 =	vadd.f32 v13, v1;
	[tilespmem:$0x1EF60] =	vst v2;
	v2 =	vld [tilespmem:$0xF240]  }
0x11f: {  	v27 =	vld [tilespmem:$0xE620]  }
0x120: {  	v31 =	vld [tilespmem:$0xE820];
	v1 =	vadd.f32 v14, v1  }
0x121: {  	v35 =	vld [tilespmem:$0xEA20]  }
0x122: {  	v37 =	vld [tilespmem:$0xEC20];
	v1 =	vadd.f32 v54, v1  }
0x123: {  	[tilespmem:$0x1EF80] =	vst v2;
	v2 =	vld [tilespmem:$0xF440]  }
0x124: {  	v40 =	vld [tilespmem:$0xEE20];
	v1 =	vadd.f32 v56, v1  }
0x125: {  	v45 =	vld [tilespmem:$0xF020]  }
0x126: {  	v5 =	vld [tilespmem:$0xE630];
	v1 =	vadd.f32 v58, v1  }
0x127: {  	v7 =	vld [tilespmem:$0xE830]  }
0x128: {  	v1 =	vadd.f32 v59, v1;
	[tilespmem:$0x1EFA0] =	vst v2;
	v2 =	vld [tilespmem:$0xF640]  }
0x129: {  	v8 =	vld [tilespmem:$0xEA30]  }
0x12a: {  	v10 =	vld [tilespmem:$0xEC30];
	v1 =	vadd.f32 v61, v1  }
0x12b: {  	v15 =	vld [tilespmem:$0xF030]  }
0x12c: {  	[tilespmem:$0xE000] =	vst v1;
	v1 =	vld [tilespmem:$0xF820]  }
0x12d: {  	[tilespmem:$0x1EFD0] =	vst v2;
	v2 =	vld [tilespmem:$0xF840]  }
0x12e: {  	v20 =	vld [tilespmem:$0xF430]  }
0x12f: {  	v28 =	vld [tilespmem:$0xF630]  }
0x130: {  	v34 =	vld [tilespmem:$0xF830]  }
0x131: {  	[tilespmem:$0x1EEC0] =	vst v1;
	v1 =	vld [tilespmem:$0xFA20]  }
0x132: {  	[tilespmem:$0x1F000] =	vst v2;
	v2 =	vld [tilespmem:$0xFA40]  }
0x133: {  	v38 =	vld [tilespmem:$0xFA30]  }
0x134: {  	v44 =	vld [tilespmem:$0xFC30]  }
0x135: {  	v47 =	vld [tilespmem:$0xFE30]  }
0x136: {  	[tilespmem:$0x1EED0] =	vst v1;
	v1 =	vld [tilespmem:$0xFC20]  }
0x137: {  	[tilespmem:$0x1F040] =	vst v2;
	v2 =	vld [tilespmem:$0xFC40]  }
0x138: {  	v49 =	vld [tilespmem:$0xF220]  }
0x139: {  	v57 =	vld [tilespmem:$0x10030]  }
0x13a: {  	v50 =	vld [tilespmem:$0xE440]  }
0x13b: {  	[tilespmem:$0x1EEE0] =	vst v1;
	v1 =	vld [tilespmem:$0xFE20]  }
0x13c: {  	[tilespmem:$0x1F080] =	vst v2;
	v2 =	vld [tilespmem:$0xFE40]  }
0x13d: {  	v53 =	vld [tilespmem:$0xE240]  }
0x13e: {  	v60 =	vld [tilespmem:$0xF620]  }
0x13f: {  	v13 =	vld [tilespmem:$0xEE30]  }
0x140: {  	[tilespmem:$0x1EEF0] =	vst v1;
	v1 =	vld [tilespmem:$0x10020]  }
0x141: {  	[tilespmem:$0x1F0C0] =	vst v2;
	v2 =	vld [tilespmem:$0x10040]  }
0x142: {  	v3 =	vld [tilespmem:$0xE230]  }
0x143: {  	v56 =	vld [tilespmem:$0xF420]  }
0x144: {  	v59 =	vld [tilespmem:$0xE640]  }
0x145: {  	v18 =	vld [tilespmem:$0xF230];
	[tilespmem:$0x1EF00] =	vst v1  }
0x146: {  	v1 =	vld [tilespmem:$0xE430];
	[tilespmem:$0x1F100] =	vst v2  }
0x147: {  	v62 =	vld [tilespmem:$0x10070];
	_ =	sdelay $0x4  }
0x148: {  	[tilespmem:$0x1F170] =	vst v62;
	v62 =	vld [tilespmem:$0xEE80];
	_ =	sdelay $0x4  }
0x149: {  	[tilespmem:$0x1F240] =	vst v62;
	v62 =	vld [tilespmem:$0xFC80];
	_ =	sdelay $0x4  }
0x14a: {  	[tilespmem:$0x1F400] =	vst v62;
	v62 =	vld [tilespmem:$0xEA90];
	_ =	sdelay $0x4  }
0x14b: {  	[tilespmem:$0x1F200] =	vst v62;
	v62 =	vld [tilespmem:$0xF890];
	_ =	sdelay $0x4  }
0x14c: {  	[tilespmem:$0x1F3A0] =	vst v62;
	v62 =	vld [tilespmem:$0xEAA0];
	_ =	sdelay $0x4  }
0x14d: {  	[tilespmem:$0x1F220] =	vst v62;
	v62 =	vld [tilespmem:$0xF2A0];
	_ =	sdelay $0x4  }
0x14e: {  	[tilespmem:$0x1F310] =	vst v62;
	v62 =	vld [tilespmem:$0xFAA0];
	_ =	sdelay $0x4  }
0x14f: {  	[tilespmem:$0x1F410] =	vst v62;
	v62 =	vld [tilespmem:$0xECB0];
	_ =	sdelay $0x4  }
0x150: {  	[tilespmem:$0x1F270] =	vst v62;
	v62 =	vld [tilespmem:$0xEEB0];
	_ =	sdelay $0x4  }
0x151: {  	[tilespmem:$0x1F2B0] =	vst v62;
	v62 =	vld [tilespmem:$0xF0B0];
	_ =	sdelay $0x4  }
0x152: {  	[tilespmem:$0x1F2F0] =	vst v62;
	v62 =	vld [tilespmem:$0xF2B0];
	_ =	sdelay $0x4  }
0x153: {  	[tilespmem:$0x1F330] =	vst v62;
	v62 =	vld [tilespmem:$0xF4B0];
	_ =	sdelay $0x4  }
0x154: {  	[tilespmem:$0x1F370] =	vst v62;
	v62 =	vld [tilespmem:$0xF6B0];
	_ =	sdelay $0x4  }
0x155: {  	[tilespmem:$0x1F3B0] =	vst v62;
	v62 =	vld [tilespmem:$0xF8B0];
	_ =	sdelay $0x4  }
0x156: {  	[tilespmem:$0x1F3F0] =	vst v62;
	v62 =	vld [tilespmem:$0xFAB0];
	_ =	sdelay $0x4  }
0x157: {  	[tilespmem:$0x1F430] =	vst v62;
	v62 =	vld [tilespmem:$0xFCB0];
	_ =	sdelay $0x4  }
0x158: {  	[tilespmem:$0x1F470] =	vst v62;
	v62 =	vld [tilespmem:$0xFEB0];
	_ =	sdelay $0x4  }
0x159: {  	[tilespmem:$0x1F4B0] =	vst v62;
	v62 =	vld [tilespmem:$0x100B0];
	_ =	sdelay $0x4  }
0x15a: {  	[tilespmem:$0x1F4F0] =	vst v62;
	v62 =	vld [tilespmem:$0xE2C0];
	_ =	sdelay $0x4  }
0x15b: {  	[tilespmem:$0x1F4D0] =	vst v62;
	v62 =	vld [tilespmem:$0xE4C0];
	_ =	sdelay $0x4  }
0x15c: {  	[tilespmem:$0x1F4E0] =	vst v62;
	v62 =	vld [tilespmem:$0xE6C0];
	_ =	sdelay $0x4  }
0x15d: {  	[tilespmem:$0x1F520] =	vst v62;
	v62 =	vld [tilespmem:$0xE8C0];
	_ =	sdelay $0x4  }
0x15e: {  	[tilespmem:$0x1F580] =	vst v62;
	v62 =	vld [tilespmem:$0xEAC0];
	_ =	sdelay $0x4  }
0x15f: {  	[tilespmem:$0x1F5C0] =	vst v62;
	v62 =	vld [tilespmem:$0xECC0];
	_ =	sdelay $0x4  }
0x160: {  	[tilespmem:$0x1F600] =	vst v62;
	v62 =	vld [tilespmem:$0xEEC0];
	_ =	sdelay $0x4  }
0x161: {  	[tilespmem:$0x1F640] =	vst v62;
	v62 =	vld [tilespmem:$0xF0C0];
	_ =	sdelay $0x4  }
0x162: {  	[tilespmem:$0x1F680] =	vst v62;
	v62 =	vld [tilespmem:$0xF2C0];
	_ =	sdelay $0x4  }
0x163: {  	[tilespmem:$0x1F6C0] =	vst v62;
	v62 =	vld [tilespmem:$0xF4C0];
	_ =	sdelay $0x4  }
0x164: {  	[tilespmem:$0x1F700] =	vst v62;
	v62 =	vld [tilespmem:$0xF6C0];
	_ =	sdelay $0x4  }
0x165: {  	[tilespmem:$0x1F740] =	vst v62;
	v62 =	vld [tilespmem:$0xF8C0];
	_ =	sdelay $0x4  }
0x166: {  	[tilespmem:$0x1F780] =	vst v62;
	v62 =	vld [tilespmem:$0xFAC0];
	_ =	sdelay $0x4  }
0x167: {  	[tilespmem:$0x1F7C0] =	vst v62;
	v62 =	vld [tilespmem:$0xFCC0];
	_ =	sdelay $0x4  }
0x168: {  	[tilespmem:$0x1F800] =	vst v62;
	v62 =	vld [tilespmem:$0xFEC0];
	_ =	sdelay $0x4  }
0x169: {  	[tilespmem:$0x1F840] =	vst v62;
	v62 =	vld [tilespmem:$0x100C0];
	_ =	sdelay $0x4  }
0x16a: {  	[tilespmem:$0x1F880] =	vst v62;
	v62 =	vld [tilespmem:$0xE2D0];
	_ =	sdelay $0x4  }
0x16b: {  	[tilespmem:$0x1F500] =	vst v62;
	v62 =	vld [tilespmem:$0xE4D0];
	_ =	sdelay $0x4  }
0x16c: {  	[tilespmem:$0x1F510] =	vst v62;
	v62 =	vld [tilespmem:$0xE6D0];
	_ =	sdelay $0x4  }
0x16d: {  	[tilespmem:$0x1F550] =	vst v62;
	v62 =	vld [tilespmem:$0xE8D0];
	_ =	sdelay $0x4  }
0x16e: {  	[tilespmem:$0x1F5A0] =	vst v62;
	v62 =	vld [tilespmem:$0xEAD0];
	_ =	sdelay $0x4  }
0x16f: {  	[tilespmem:$0x1F5E0] =	vst v62;
	v62 =	vld [tilespmem:$0xECD0];
	_ =	sdelay $0x4  }
0x170: {  	[tilespmem:$0x1F620] =	vst v62;
	v62 =	vld [tilespmem:$0xEED0];
	_ =	sdelay $0x4  }
0x171: {  	[tilespmem:$0x1F660] =	vst v62;
	v62 =	vld [tilespmem:$0xF0D0];
	_ =	sdelay $0x4  }
0x172: {  	[tilespmem:$0x1F6A0] =	vst v62;
	v62 =	vld [tilespmem:$0xF2D0];
	_ =	sdelay $0x4  }
0x173: {  	[tilespmem:$0x1F6E0] =	vst v62;
	v62 =	vld [tilespmem:$0xF4D0];
	_ =	sdelay $0x4  }
0x174: {  	[tilespmem:$0x1F720] =	vst v62;
	v62 =	vld [tilespmem:$0xF6D0];
	_ =	sdelay $0x4  }
0x175: {  	[tilespmem:$0x1F760] =	vst v62;
	v62 =	vld [tilespmem:$0xF8D0];
	_ =	sdelay $0x4  }
0x176: {  	[tilespmem:$0x1F7A0] =	vst v62;
	v62 =	vld [tilespmem:$0xFAD0];
	_ =	sdelay $0x4  }
0x177: {  	[tilespmem:$0x1F7E0] =	vst v62;
	v62 =	vld [tilespmem:$0xFCD0];
	_ =	sdelay $0x4  }
0x178: {  	[tilespmem:$0x1F820] =	vst v62;
	v62 =	vld [tilespmem:$0xFED0];
	_ =	sdelay $0x4  }
0x179: {  	[tilespmem:$0x1F860] =	vst v62;
	v62 =	vld [tilespmem:$0x100D0];
	_ =	sdelay $0x4  }
0x17a: {  	[tilespmem:$0x1F8A0] =	vst v62;
	v62 =	vld [tilespmem:$0xE2E0];
	_ =	sdelay $0x4  }
0x17b: {  	[tilespmem:$0x1F530] =	vst v62;
	v62 =	vld [tilespmem:$0xE4E0];
	_ =	sdelay $0x4  }
0x17c: {  	[tilespmem:$0x1F540] =	vst v62;
	v62 =	vld [tilespmem:$0xE6E0];
	_ =	sdelay $0x4  }
0x17d: {  	[tilespmem:$0x1F590] =	vst v62;
	v62 =	vld [tilespmem:$0xE8E0];
	_ =	sdelay $0x4  }
0x17e: {  	[tilespmem:$0x1F5D0] =	vst v62;
	v62 =	vld [tilespmem:$0xEAE0];
	_ =	sdelay $0x4  }
0x17f: {  	[tilespmem:$0x1F610] =	vst v62;
	v62 =	vld [tilespmem:$0xECE0];
	_ =	sdelay $0x4  }
0x180: {  	[tilespmem:$0x1F650] =	vst v62;
	v62 =	vld [tilespmem:$0xEEE0];
	_ =	sdelay $0x4  }
0x181: {  	[tilespmem:$0x1F690] =	vst v62;
	v62 =	vld [tilespmem:$0xF0E0];
	_ =	sdelay $0x4  }
0x182: {  	[tilespmem:$0x1F6D0] =	vst v62;
	v62 =	vld [tilespmem:$0xF2E0];
	_ =	sdelay $0x4  }
0x183: {  	[tilespmem:$0x1F710] =	vst v62;
	v62 =	vld [tilespmem:$0xF4E0];
	_ =	sdelay $0x4  }
0x184: {  	[tilespmem:$0x1F750] =	vst v62;
	v62 =	vld [tilespmem:$0xF6E0];
	_ =	sdelay $0x4  }
0x185: {  	[tilespmem:$0x1F790] =	vst v62;
	v62 =	vld [tilespmem:$0xF8E0];
	_ =	sdelay $0x4  }
0x186: {  	[tilespmem:$0x1F7D0] =	vst v62;
	v62 =	vld [tilespmem:$0xFAE0];
	_ =	sdelay $0x4  }
0x187: {  	[tilespmem:$0x1F810] =	vst v62;
	v62 =	vld [tilespmem:$0xFCE0];
	_ =	sdelay $0x4  }
0x188: {  	[tilespmem:$0x1F850] =	vst v62;
	v62 =	vld [tilespmem:$0xFEE0];
	_ =	sdelay $0x4  }
0x189: {  	[tilespmem:$0x1F890] =	vst v62;
	v62 =	vld [tilespmem:$0x100E0];
	_ =	sdelay $0x4  }
0x18a: {  	[tilespmem:$0x1F8C0] =	vst v62;
	v62 =	vld [tilespmem:$0xE2F0];
	_ =	sdelay $0x4  }
0x18b: {  	[tilespmem:$0x1F560] =	vst v62;
	v62 =	vld [tilespmem:$0xE4F0];
	_ =	sdelay $0x3  }
0x18c: {  	v29 =	vld [tilespmem:$0xE250]  }
0x18d: {  	[tilespmem:$0x1F570] =	vst v62;
	v62 =	vld [tilespmem:$0xE6F0]  }
0x18e: {  	v23 =	vld [tilespmem:$0xE450]  }
0x18f: {  	v32 =	vld [tilespmem:$0xE650]  }
0x190: {  	v41 =	vld [tilespmem:$0xE850]  }
0x191: {  	v54 =	vld [tilespmem:$0xEA50]  }
0x192: {  	[tilespmem:$0x1F5B0] =	vst v62;
	v62 =	vld [tilespmem:$0xE8F0]  }
0x193: {  	v63 =	vld [tilespmem:$0xEC50]  }
0x194: {  	v2 =	vld [tilespmem:$0xEE50]  }
0x195: {  	v12 =	vld [tilespmem:$0xE260]  }
0x196: {  	v11 =	vld [tilespmem:$0xE460]  }
0x197: {  	[tilespmem:$0x1F5F0] =	vst v62;
	v62 =	vld [tilespmem:$0xEAF0]  }
0x198: {  	v16 =	vld [tilespmem:$0xE660]  }
0x199: {  	v19 =	vld [tilespmem:$0xE860]  }
0x19a: {  	v30 =	vld [tilespmem:$0xEA60]  }
0x19b: {  	v39 =	vld [tilespmem:$0xEC60]  }
0x19c: {  	[tilespmem:$0x1F630] =	vst v62;
	v62 =	vld [tilespmem:$0xECF0]  }
0x19d: {  	v46 =	vld [tilespmem:$0xEE60]  }
0x19e: {  	v58 =	vld [tilespmem:$0xF060]  }
0x19f: {  	v4 =	vld [tilespmem:$0xE270]  }
0x1a0: {  	v6 =	vld [tilespmem:$0xE670]  }
0x1a1: {  	[tilespmem:$0x1F670] =	vst v62;
	v62 =	vld [tilespmem:$0xEEF0]  }
0x1a2: {  	v9 =	vld [tilespmem:$0xE870]  }
0x1a3: {  	v14 =	vld [tilespmem:$0xEA70]  }
0x1a4: {  	v17 =	vld [tilespmem:$0xEC70]  }
0x1a5: {  	v22 =	vld [tilespmem:$0xEE70]  }
0x1a6: {  	[tilespmem:$0x1F6B0] =	vst v62;
	v62 =	vld [tilespmem:$0xF0F0]  }
0x1a7: {  	v33 =	vld [tilespmem:$0xF070]  }
0x1a8: {  	v1 =	vadd.f32 v1, v3;
	v42 =	vld [tilespmem:$0xF270]  }
0x1a9: {  	v51 =	vld [tilespmem:$0xF470]  }
0x1aa: {  	v1 =	vadd.f32 v5, v1;
	v24 =	vld [tilespmem:$0xF670]  }
0x1ab: {  	[tilespmem:$0x1F6F0] =	vst v62;
	v62 =	vld [tilespmem:$0xF2F0]  }
0x1ac: {  	v1 =	vadd.f32 v7, v1;
	v48 =	vld [tilespmem:$0xF870]  }
0x1ad: {  	v52 =	vld [tilespmem:$0xFA70]  }
0x1ae: {  	v1 =	vadd.f32 v8, v1;
	v55 =	vld [tilespmem:$0xFC70]  }
0x1af: {  	v61 =	vld [tilespmem:$0xFE70]  }
0x1b0: {  	v1 =	vadd.f32 v10, v1;
	[tilespmem:$0x1F730] =	vst v62;
	v62 =	vld [tilespmem:$0xF4F0]  }
0x1b1: {  	v36 =	vld [tilespmem:$0xE280]  }
0x1b2: {  	v1 =	vadd.f32 v13, v1;
	v43 =	vld [tilespmem:$0xE480]  }
0x1b3: {  	v25 =	vld [tilespmem:$0xE2B0]  }
0x1b4: {  	v1 =	vadd.f32 v15, v1;
	v3 =	vld [tilespmem:$0xEF10]  }
0x1b5: {  	[tilespmem:$0x1F770] =	vst v62;
	v62 =	vld [tilespmem:$0xF6F0]  }
0x1b6: {  	v21 =	vadd.f32 v21, v26;
	v1 =	vadd.f32 v18, v1;
	v26 =	vld [tilespmem:$0xF510]  }
0x1b7: {  	v8 =	vld [tilespmem:$0xFF10]  }
0x1b8: {  	v1 =	vadd.f32 v20, v1;
	v10 =	vld [tilespmem:$0xE320]  }
0x1b9: {  	v13 =	vld [tilespmem:$0xE520]  }
0x1ba: {  	v1 =	vadd.f32 v28, v1;
	[tilespmem:$0x1F7B0] =	vst v62;
	v62 =	vld [tilespmem:$0xF8F0]  }
0x1bb: {  	v15 =	vld [tilespmem:$0xE920]  }
0x1bc: {  	v1 =	vadd.f32 v34, v1;
	v18 =	vld [tilespmem:$0xED20]  }
0x1bd: {  	v20 =	vld [tilespmem:$0xEF20]  }
0x1be: {  	v1 =	vadd.f32 v38, v1;
	v28 =	vld [tilespmem:$0x1EEC0]  }
0x1bf: {  	[tilespmem:$0x1F7F0] =	vst v62;
	v62 =	vld [tilespmem:$0xFAF0]  }
0x1c0: {  	v1 =	vadd.f32 v44, v1;
	v34 =	vld [tilespmem:$0x1EED0]  }
0x1c1: {  	v38 =	vld [tilespmem:$0x1EEE0]  }
0x1c2: {  	v44 =	vadd.f32 v47, v1;
	v1 =	vld [tilespmem:$0xE330]  }
0x1c3: {  	v47 =	vld [tilespmem:$0x1EF00]  }
0x1c4: {  	v5 =	vadd.f32 v57, v44;
	[tilespmem:$0x1F830] =	vst v62;
	v62 =	vld [tilespmem:$0xFCF0]  }
0x1c5: {  	v7 =	vld [tilespmem:$0xE530]  }
0x1c6: {  	[tilespmem:$0x1FEF0] =	vst v5;
	v5 =	vld [tilespmem:$0xED30]  }
0x1c7: {  	v44 =	vld [tilespmem:$0x1EFD0]  }
0x1c8: {  	[tilespmem:$0x1EF50] =	vst v2;
	v2 =	vld [tilespmem:$0xF050]  }
0x1c9: {  	[tilespmem:$0x1F870] =	vst v62;
	v62 =	vld [tilespmem:$0xFEF0]  }
0x1ca: {  	[tilespmem:$0x1F070] =	vst v48;
	v48 =	vld [tilespmem:$0xE680]  }
0x1cb: {  	[tilespmem:$0x1F0B0] =	vst v52;
	v52 =	vld [tilespmem:$0xE880]  }
0x1cc: {  	[tilespmem:$0x1F0F0] =	vst v55;
	v55 =	vld [tilespmem:$0xEA80]  }
0x1cd: {  	[tilespmem:$0x1F130] =	vst v61;
	v61 =	vld [tilespmem:$0xEC80]  }
0x1ce: {  	[tilespmem:$0x1F8B0] =	vst v62;
	v62 =	vld [tilespmem:$0x100F0]  }
0x1cf: {  	[tilespmem:$0x1F150] =	vst v36;
	v36 =	vld [tilespmem:$0xF080]  }
0x1d0: {  	[tilespmem:$0x1F160] =	vst v43;
	v43 =	vld [tilespmem:$0xF280]  }
0x1d1: {  	[tilespmem:$0x1F030] =	vst v24;
	v24 =	vld [tilespmem:$0xE4B0]  }
0x1d2: {  	[tilespmem:$0x1F9E0] =	vst v3;
	v3 =	vadd.f32 v27, v21;
	v21 =	vld [tilespmem:$0xF310]  }
0x1d3: {  	[tilespmem:$0x1F8F0] =	vst v62;
	v62 =	vld [tilespmem:$0xE300]  }
0x1d4: {  	v27 =	vld [tilespmem:$0xF710]  }
0x1d5: {  	[tilespmem:$0x1FA60] =	vst v26;
	v26 =	vld [tilespmem:$0xE720]  }
0x1d6: {  	[tilespmem:$0x1F940] =	vst v13;
	v13 =	vld [tilespmem:$0xF720]  }
0x1d7: {  	[tilespmem:$0x1F9D0] =	vst v18;
	v18 =	vld [tilespmem:$0xFD20]  }
0x1d8: {  	[tilespmem:$0x1F8D0] =	vst v62;
	v62 =	vld [tilespmem:$0xE500]  }
0x1d9: {  	[tilespmem:$0x1FA00] =	vst v20;
	v20 =	vld [tilespmem:$0x10120]  }
0x1da: {  	v57 =	vadd.f32 v11, v12;
	v12 =	vld [tilespmem:$0x1EF20]  }
0x1db: {  	v3 =	vadd.f32 v31, v3;
	v31 =	vld [tilespmem:$0xF910]  }
0x1dc: {  	[tilespmem:$0x1F930] =	vst v10;
	v10 =	vadd.f32 v16, v57;
	v57 =	vld [tilespmem:$0xEF30]  }
0x1dd: {  	[tilespmem:$0x1F8E0] =	vst v62;
	v62 =	vld [tilespmem:$0xE700]  }
0x1de: {  	v3 =	vadd.f32 v35, v3;
	v35 =	vld [tilespmem:$0xFB10]  }
0x1df: {  	[tilespmem:$0x1EF70] =	vst v2;
	v2 =	vld [tilespmem:$0xF250]  }
0x1e0: {  	[tilespmem:$0x1F1A0] =	vst v48;
	v48 =	vld [tilespmem:$0xF480]  }
0x1e1: {  	[tilespmem:$0x1F1C0] =	vst v52;
	v52 =	vld [tilespmem:$0xF680]  }
0x1e2: {  	[tilespmem:$0x1F920] =	vst v62;
	v62 =	vld [tilespmem:$0xE900]  }
0x1e3: {  	[tilespmem:$0x1F1E0] =	vst v55;
	v55 =	vld [tilespmem:$0xF880]  }
0x1e4: {  	[tilespmem:$0x1F210] =	vst v61;
	v61 =	vld [tilespmem:$0xFA80]  }
0x1e5: {  	[tilespmem:$0x1F280] =	vst v36;
	v36 =	vld [tilespmem:$0xFE80]  }
0x1e6: {  	[tilespmem:$0x1F2C0] =	vst v43;
	v43 =	vld [tilespmem:$0x10080]  }
0x1e7: {  	[tilespmem:$0x1F960] =	vst v62;
	v62 =	vld [tilespmem:$0xEB00]  }
0x1e8: {  	[tilespmem:$0x1FA30] =	vst v21;
	v21 =	vld [tilespmem:$0x10110]  }
0x1e9: {  	[tilespmem:$0x1FA80] =	vst v27;
	v27 =	vld [tilespmem:$0xF320]  }
0x1ea: {  	v3 =	vadd.f32 v37, v3;
	v37 =	vld [tilespmem:$0xFB20]  }
0x1eb: {  	[tilespmem:$0x1FAA0] =	vst v31;
	v31 =	vld [tilespmem:$0xEB20]  }
0x1ec: {  	[tilespmem:$0x1F980] =	vst v62;
	v62 =	vld [tilespmem:$0xED00]  }
0x1ed: {  	v3 =	vadd.f32 v40, v3;
	v40 =	vld [tilespmem:$0x1EEF0]  }
0x1ee: {  	[tilespmem:$0x1FAE0] =	vst v35;
	v35 =	vld [tilespmem:$0xF920]  }
0x1ef: {  	[tilespmem:$0x1EF90] =	vst v2;
	v2 =	vld [tilespmem:$0xF450]  }
0x1f0: {  	[tilespmem:$0x1F300] =	vst v48;
	v48 =	vld [tilespmem:$0xE290]  }
0x1f1: {  	[tilespmem:$0x1F9A0] =	vst v62;
	v62 =	vld [tilespmem:$0xEF00]  }
0x1f2: {  	[tilespmem:$0x1F340] =	vst v52;
	v52 =	vld [tilespmem:$0xE490]  }
0x1f3: {  	[tilespmem:$0x1F380] =	vst v55;
	v55 =	vld [tilespmem:$0xE690]  }
0x1f4: {  	[tilespmem:$0x1F3C0] =	vst v61;
	v61 =	vld [tilespmem:$0xE890]  }
0x1f5: {  	[tilespmem:$0x1F440] =	vst v36;
	v36 =	vld [tilespmem:$0xEC90]  }
0x1f6: {  	[tilespmem:$0x1F9C0] =	vst v62;
	v62 =	vld [tilespmem:$0xF100]  }
0x1f7: {  	[tilespmem:$0x1F480] =	vst v43;
	v43 =	vld [tilespmem:$0xEE90]  }
0x1f8: {  	v3 =	vadd.f32 v45, v3;
	v45 =	vld [tilespmem:$0xFF20]  }
0x1f9: {  	[tilespmem:$0x1FA50] =	vst v27;
	v27 =	vld [tilespmem:$0x1EF40]  }
0x1fa: {  	[tilespmem:$0x1EFC0] =	vst v2;
	v2 =	vld [tilespmem:$0xF650]  }
0x1fb: {  	[tilespmem:$0x1F9F0] =	vst v62;
	v62 =	vld [tilespmem:$0xF300]  }
0x1fc: {  	[tilespmem:$0x1FB00] =	vst v37;
	v37 =	vld [tilespmem:$0xE340];
	v3 =	vadd.f32 v49, v3  }
0x1fd: {  	v49 =	vld [tilespmem:$0xF120]  }
0x1fe: {  	v3 =	vadd.f32 v56, v3;
	v56 =	vld [tilespmem:$0xF520]  }
0x1ff: {  	[tilespmem:$0x1EFF0] =	vst v2;
	v2 =	vld [tilespmem:$0xF850]  }
0x200: {  	[tilespmem:$0x1FA20] =	vst v62;
	v62 =	vld [tilespmem:$0xF500]  }
0x201: {  	[tilespmem:$0x1FAD0] =	vst v35;
	v35 =	vld [tilespmem:$0x1EF90]  }
0x202: {  	[tilespmem:$0x1F180] =	vst v48;
	v48 =	vld [tilespmem:$0xF090]  }
0x203: {  	[tilespmem:$0x1F190] =	vst v52;
	v52 =	vld [tilespmem:$0xF290]  }
0x204: {  	[tilespmem:$0x1F020] =	vst v2;
	v2 =	vld [tilespmem:$0xFA50]  }
0x205: {  	[tilespmem:$0x1FA40] =	vst v62;
	v62 =	vld [tilespmem:$0xF700]  }
0x206: {  	[tilespmem:$0x1F1B0] =	vst v55;
	v55 =	vld [tilespmem:$0xF490]  }
0x207: {  	[tilespmem:$0x1F1D0] =	vst v61;
	v61 =	vld [tilespmem:$0xF690]  }
0x208: {  	[tilespmem:$0x1F230] =	vst v36;
	v36 =	vld [tilespmem:$0xFA90]  }
0x209: {  	[tilespmem:$0x1F060] =	vst v2;
	v2 =	vld [tilespmem:$0xFC50]  }
0x20a: {  	[tilespmem:$0x1FA70] =	vst v62;
	v62 =	vld [tilespmem:$0xF900]  }
0x20b: {  	[tilespmem:$0x1F260] =	vst v43;
	v43 =	vld [tilespmem:$0xFC90];
	v3 =	vadd.f32 v60, v3  }
0x20c: {  	v60 =	vld [tilespmem:$0xE730]  }
0x20d: {  	v3 =	vadd.f32 v28, v3;
	v28 =	vld [tilespmem:$0x1EF50]  }
0x20e: {  	[tilespmem:$0x1F0A0] =	vst v2;
	v2 =	vld [tilespmem:$0xFE50]  }
0x20f: {  	[tilespmem:$0x1FA90] =	vst v62;
	v62 =	vld [tilespmem:$0xFB00]  }
0x210: {  	[tilespmem:$0x1F2A0] =	vst v48;
	v48 =	vld [tilespmem:$0xFE90]  }
0x211: {  	[tilespmem:$0x1F2E0] =	vst v52;
	v52 =	vld [tilespmem:$0x10090]  }
0x212: {  	[tilespmem:$0x1F360] =	vst v61;
	v61 =	vld [tilespmem:$0xE6A0]  }
0x213: {  	[tilespmem:$0x1F0E0] =	vst v2;
	v2 =	vld [tilespmem:$0x10050]  }
0x214: {  	[tilespmem:$0x1FAC0] =	vst v62;
	v62 =	vld [tilespmem:$0xFD00]  }
0x215: {  	[tilespmem:$0x1F320] =	vst v55;
	v55 =	vld [tilespmem:$0xE8A0]  }
0x216: {  	[tilespmem:$0x1F3E0] =	vst v36;
	v36 =	vld [tilespmem:$0xECA0]  }
0x217: {  	[tilespmem:$0x1F420] =	vst v43;
	v43 =	vld [tilespmem:$0xEEA0]  }
0x218: {  	v3 =	vadd.f32 v34, v3;
	[tilespmem:$0x1F120] =	vst v2;
	v2 =	vld [tilespmem:$0xF260]  }
0x219: {  	[tilespmem:$0x1FAF0] =	vst v62;
	v62 =	vld [tilespmem:$0xFF00]  }
0x21a: {  	v34 =	vld [tilespmem:$0x1EF80];
	v3 =	vadd.f32 v38, v3  }
0x21b: {  	v38 =	vld [tilespmem:$0x1EFA0]  }
0x21c: {  	v3 =	vadd.f32 v40, v3;
	v40 =	vld [tilespmem:$0xE540]  }
0x21d: {  	[tilespmem:$0x1EFB0] =	vst v2;
	v2 =	vld [tilespmem:$0xF460]  }
0x21e: {  	[tilespmem:$0x1FB20] =	vst v62;
	v62 =	vld [tilespmem:$0x10100]  }
0x21f: {  	[tilespmem:$0x1F4A0] =	vst v52;
	v52 =	vld [tilespmem:$0xE2A0]  }
0x220: {  	[tilespmem:$0x1F460] =	vst v48;
	v48 =	vld [tilespmem:$0xE4A0]  }
0x221: {  	[tilespmem:$0x1F1F0] =	vst v55;
	v55 =	vld [tilespmem:$0xF0A0]  }
0x222: {  	[tilespmem:$0x1EFE0] =	vst v2;
	v2 =	vld [tilespmem:$0xF660]  }
0x223: {  	[tilespmem:$0x1FB50] =	vst v62;
	v62 =	vld [tilespmem:$0xE310]  }
0x224: {  	[tilespmem:$0x1F250] =	vst v36;
	v36 =	vld [tilespmem:$0xF4A0]  }
0x225: {  	[tilespmem:$0x1F290] =	vst v43;
	v43 =	vld [tilespmem:$0xF6A0]  }
0x226: {  	v3 =	vadd.f32 v47, v3;
	v47 =	vld [tilespmem:$0xE940]  }
0x227: {  	[tilespmem:$0x1F010] =	vst v2;
	v2 =	vld [tilespmem:$0xF860]  }
0x228: {  	[tilespmem:$0x1F900] =	vst v62;
	v62 =	vld [tilespmem:$0xE510]  }
0x229: {  	[tilespmem:$0x1FEE0] =	vst v3;
	v3 =	vadd.f32 v50, v53;
	v50 =	vadd.f32 v23, v29;
	v23 =	vld [tilespmem:$0xF730]  }
0x22a: {  	v29 =	vld [tilespmem:$0x1EF60]  }
0x22b: {  	[tilespmem:$0x1FB70] =	vst v40;
	v40 =	vld [tilespmem:$0x1F0C0]  }
0x22c: {  	[tilespmem:$0x1F050] =	vst v2;
	v2 =	vld [tilespmem:$0xFA60]  }
0x22d: {  	[tilespmem:$0x1F910] =	vst v62;
	v62 =	vld [tilespmem:$0xE710]  }
0x22e: {  	[tilespmem:$0x1F2D0] =	vst v55;
	v55 =	vld [tilespmem:$0xF8A0]  }
0x22f: {  	[tilespmem:$0x1F350] =	vst v36;
	v36 =	vld [tilespmem:$0xFCA0]  }
0x230: {  	[tilespmem:$0x1F390] =	vst v43;
	v43 =	vld [tilespmem:$0xFEA0]  }
0x231: {  	[tilespmem:$0x1F090] =	vst v2;
	v2 =	vld [tilespmem:$0xFC60]  }
0x232: {  	[tilespmem:$0x1F950] =	vst v62;
	v62 =	vld [tilespmem:$0xE910]  }
0x233: {  	v53 =	vadd.f32 v59, v3;
	v3 =	vld [tilespmem:$0xE930]  }
0x234: {  	v59 =	vadd.f32 v32, v50;
	v32 =	vld [tilespmem:$0x1EF70]  }
0x235: {  	v50 =	vld [tilespmem:$0x1EFF0]  }
0x236: {  	[tilespmem:$0x1F0D0] =	vst v2;
	v2 =	vld [tilespmem:$0xFE60]  }
0x237: {  	[tilespmem:$0x1F970] =	vst v62;
	v62 =	vld [tilespmem:$0xEB10]  }
0x238: {  	[tilespmem:$0x1FBC0] =	vst v47;
	v47 =	vld [tilespmem:$0xFB40]  }
0x239: {  	v11 =	vadd.f32 v41, v59;
	v41 =	vld [tilespmem:$0x1EFC0]  }
0x23a: {  	v59 =	vld [tilespmem:$0xED40]  }
0x23b: {  	[tilespmem:$0x1F110] =	vst v2;
	v2 =	vld [tilespmem:$0x10060]  }
0x23c: {  	[tilespmem:$0x1F990] =	vst v62;
	v62 =	vld [tilespmem:$0xED10]  }
0x23d: {  	[tilespmem:$0x1FAB0] =	vst v23;
	v23 =	vld [tilespmem:$0x10130]  }
0x23e: {  	v16 =	vadd.f32 v19, v10;
	v19 =	vadd.f32 v54, v11;
	v54 =	vld [tilespmem:$0x1F000]  }
0x23f: {  	[tilespmem:$0x1F3D0] =	vst v55;
	v55 =	vld [tilespmem:$0x100A0]  }
0x240: {  	[tilespmem:$0x1F140] =	vst v2;
	v2 =	vld [tilespmem:$0xE470]  }
0x241: {  	[tilespmem:$0x1F9B0] =	vst v62;
	v62 =	vld [tilespmem:$0xF110]  }
0x242: {  	[tilespmem:$0x1F450] =	vst v36;
	v36 =	vld [tilespmem:$0xE6B0]  }
0x243: {  	[tilespmem:$0x1F490] =	vst v43;
	v43 =	vld [tilespmem:$0xE8B0]  }
0x244: {  	v10 =	vadd.f32 v63, v19;
	v19 =	vld [tilespmem:$0xFF30]  }
0x245: {  	v63 =	vld [tilespmem:$0x1F030];
	v2 =	vadd.f32 v2, v4  }
0x246: {  	v10 =	vadd.f32 v28, v10;
	[tilespmem:$0x1FA10] =	vst v62;
	v62 =	vld [tilespmem:$0xFD10]  }
0x247: {  	[tilespmem:$0x1FB60] =	vst v37;
	v37 =	vld [tilespmem:$0x1F0A0];
	v2 =	vadd.f32 v6, v2  }
0x248: {  	[tilespmem:$0x1FC00] =	vst v59;
	v59 =	vld [tilespmem:$0x1F130];
	v10 =	vadd.f32 v32, v10  }
0x249: {  	v28 =	vld [tilespmem:$0xF140];
	v9 =	vadd.f32 v9, v2  }
0x24a: {  	[tilespmem:$0x1F4C0] =	vst v55;
	v55 =	vld [tilespmem:$0xEAB0];
	v10 =	vadd.f32 v35, v10  }
0x24b: {  	v9 =	vadd.f32 v14, v9;
	[tilespmem:$0x1FB10] =	vst v62;
	v62 =	vld [tilespmem:$0x1EF10]  }
0x24c: {  	v32 =	vld [tilespmem:$0xF340];
	v10 =	vadd.f32 v41, v10  }
0x24d: {  	v35 =	vld [tilespmem:$0xF540];
	v9 =	vadd.f32 v17, v9  }
0x24e: {  	v10 =	vadd.f32 v50, v10;
	v50 =	vld [tilespmem:$0x1F100]  }
0x24f: {  	v2 =	vld [tilespmem:$0x1EF30];
	v9 =	vadd.f32 v22, v9  }
0x250: {  	[tilespmem:$0x1FB30] =	vst v8;
	v41 =	vld [tilespmem:$0x1F0D0];
	v8 =	vadd.f32 v62, v53  }
0x251: {  	v4 =	vld [tilespmem:$0xEB30];
	v9 =	vadd.f32 v33, v9  }
0x252: {  	v14 =	vld [tilespmem:$0xF930];
	v6 =	vadd.f32 v12, v8  }
0x253: {  	v17 =	vld [tilespmem:$0xEF40];
	v9 =	vadd.f32 v42, v9  }
0x254: {  	v22 =	vld [tilespmem:$0x1F040];
	v6 =	vadd.f32 v2, v6  }
0x255: {  	v42 =	vld [tilespmem:$0xE740];
	v9 =	vadd.f32 v51, v9  }
0x256: {  	v33 =	vld [tilespmem:$0x1F080];
	v8 =	vadd.f32 v30, v16;
	v6 =	vadd.f32 v27, v6  }
0x257: {  	v51 =	vld [tilespmem:$0xEB40];
	v9 =	vadd.f32 v63, v9  }
0x258: {  	v63 =	vld [tilespmem:$0x1F140];
	v8 =	vadd.f32 v39, v8;
	v6 =	vadd.f32 v29, v6  }
0x259: {  	v39 =	vld [tilespmem:$0x1EFB0]  }
0x25a: {  	[tilespmem:$0x1FBA0] =	vst v42;
	v42 =	vld [tilespmem:$0xF940];
	v8 =	vadd.f32 v46, v8;
	v6 =	vadd.f32 v34, v6  }
0x25b: {  	v46 =	vld [tilespmem:$0x1EFE0]  }
0x25c: {  	[tilespmem:$0x1FBE0] =	vst v51;
	v51 =	vld [tilespmem:$0x1F110];
	v8 =	vadd.f32 v58, v8;
	v6 =	vadd.f32 v38, v6  }
0x25d: {  	v58 =	vld [tilespmem:$0x1F010]  }
0x25e: {  	v62 =	vld [tilespmem:$0x1F020];
	v8 =	vadd.f32 v39, v8;
	v6 =	vadd.f32 v44, v6  }
0x25f: {  	v27 =	vld [tilespmem:$0x1F050]  }
0x260: {  	v29 =	vld [tilespmem:$0x1F060];
	v8 =	vadd.f32 v46, v8;
	v6 =	vadd.f32 v54, v6  }
0x261: {  	v34 =	vld [tilespmem:$0x1F090]  }
0x262: {  	[tilespmem:$0x1FD20] =	vst v47;
	v30 =	vld [tilespmem:$0xFD30];
	v8 =	vadd.f32 v58, v8;
	v6 =	vadd.f32 v22, v6  }
0x263: {  	[tilespmem:$0x1FC40] =	vst v28;
	v10 =	vadd.f32 v62, v10;
	v62 =	vld [tilespmem:$0xFF40]  }
0x264: {  	[tilespmem:$0x1FC60] =	vst v32;
	v44 =	vld [tilespmem:$0x1F0E0];
	v8 =	vadd.f32 v27, v8;
	v6 =	vadd.f32 v33, v6  }
0x265: {  	[tilespmem:$0x1FC90] =	vst v35;
	v39 =	vld [tilespmem:$0xF740];
	v10 =	vadd.f32 v29, v10  }
0x266: {  	[tilespmem:$0x1FC20] =	vst v17;
	v58 =	vld [tilespmem:$0x1F120];
	v8 =	vadd.f32 v34, v8;
	v6 =	vadd.f32 v40, v6  }
0x267: {  	[tilespmem:$0x1FCF0] =	vst v42;
	v10 =	vadd.f32 v37, v10;
	v54 =	vld [tilespmem:$0xFD40]  }
0x268: {  	v53 =	vld [tilespmem:$0xF130];
	[tilespmem:$0x1FB40] =	vst v30;
	v8 =	vadd.f32 v41, v8;
	v6 =	vadd.f32 v50, v6  }
0x269: {  	v12 =	vld [tilespmem:$0xF330];
	[tilespmem:$0x1FD80] =	vst v62;
	v10 =	vadd.f32 v44, v10  }
0x26a: {  	v16 =	vld [tilespmem:$0xFB30];
	[tilespmem:$0x1FF00] =	vst v6;
	v6 =	vadd.f32 v51, v8  }
0x26b: {  	v2 =	vld [tilespmem:$0xF530];
	[tilespmem:$0x1FCC0] =	vst v39;
	v8 =	vadd.f32 v58, v10  }
0x26c: {  	v30 =	vld [tilespmem:$0x1F070];
	[tilespmem:$0x1FD50] =	vst v54;
	v6 =	vadd.f32 v63, v6  }
0x26d: {  	v38 =	vld [tilespmem:$0x1F0B0];
	[tilespmem:$0x1FF10] =	vst v8  }
0x26e: {  	v46 =	vld [tilespmem:$0x1F0F0];
	[tilespmem:$0x1FF20] =	vst v6  }
0x26f: {  	v6 =	vld [tilespmem:$0x1F150]  }
0x270: {  	v17 =	vld [tilespmem:$0x1F160]  }
0x271: {  	v22 =	vld [tilespmem:$0x10140]  }
0x272: {  	v27 =	vld [tilespmem:$0x1F170]  }
0x273: {  	v28 =	vld [tilespmem:$0x1F180]  }
0x274: {  	v29 =	vld [tilespmem:$0x1F190]  }
0x275: {  	v9 =	vadd.f32 v30, v9;
	v30 =	vld [tilespmem:$0xE350]  }
0x276: {  	v32 =	vld [tilespmem:$0x1F1A0]  }
0x277: {  	v34 =	vld [tilespmem:$0xE550]  }
0x278: {  	v35 =	vld [tilespmem:$0x1F1B0]  }
0x279: {  	v9 =	vadd.f32 v38, v9;
	v38 =	vld [tilespmem:$0xE750]  }
0x27a: {  	v39 =	vld [tilespmem:$0x1F1C0]  }
0x27b: {  	v40 =	vld [tilespmem:$0xE950]  }
0x27c: {  	v41 =	vld [tilespmem:$0x1F1D0]  }
0x27d: {  	v42 =	vld [tilespmem:$0xEB50]  }
0x27e: {  	v44 =	vld [tilespmem:$0x1F1E0]  }
0x27f: {  	v9 =	vadd.f32 v46, v9;
	v46 =	vld [tilespmem:$0x1F1F0]  }
0x280: {  	v47 =	vld [tilespmem:$0xED50]  }
0x281: {  	v33 =	vadd.f32 v48, v52;
	v48 =	vld [tilespmem:$0x1F200]  }
0x282: {  	v50 =	vld [tilespmem:$0xEF50]  }
0x283: {  	v51 =	vld [tilespmem:$0x1F210]  }
0x284: {  	v52 =	vld [tilespmem:$0x1F220]  }
0x285: {  	v54 =	vld [tilespmem:$0xF150]  }
0x286: {  	v1 =	vadd.f32 v7, v1;
	v58 =	vld [tilespmem:$0x1F230]  }
0x287: {  	v8 =	vadd.f32 v59, v9;
	v59 =	vld [tilespmem:$0xF350]  }
0x288: {  	v1 =	vadd.f32 v60, v1;
	v9 =	vadd.f32 v61, v33;
	v61 =	vld [tilespmem:$0x1F240]  }
0x289: {  	v62 =	vld [tilespmem:$0x1F250]  }
0x28a: {  	v1 =	vadd.f32 v3, v1;
	v63 =	vld [tilespmem:$0xF550]  }
0x28b: {  	v37 =	vadd.f32 v24, v25;
	v24 =	vld [tilespmem:$0xF750]  }
0x28c: {  	v1 =	vadd.f32 v4, v1;
	v25 =	vld [tilespmem:$0x1F280]  }
0x28d: {  	v10 =	vadd.f32 v36, v37;
	v33 =	vld [tilespmem:$0x1F2C0]  }
0x28e: {  	v1 =	vadd.f32 v5, v1;
	v36 =	vld [tilespmem:$0x1F2E0]  }
0x28f: {  	v10 =	vadd.f32 v43, v10;
	v37 =	vld [tilespmem:$0x1F2F0]  }
0x290: {  	v1 =	vadd.f32 v57, v1;
	v43 =	vld [tilespmem:$0x1F330]  }
0x291: {  	v10 =	vadd.f32 v55, v10;
	v55 =	vld [tilespmem:$0x1F3C0]  }
0x292: {  	v1 =	vadd.f32 v53, v1;
	v3 =	vld [tilespmem:$0x1F9A0]  }
0x293: {  	v57 =	vld [tilespmem:$0x1FA30]  }
0x294: {  	v1 =	vadd.f32 v12, v1;
	v53 =	vld [tilespmem:$0xF990]  }
0x295: {  	v12 =	vld [tilespmem:$0x1FA80]  }
0x296: {  	v1 =	vadd.f32 v2, v1;
	v2 =	vld [tilespmem:$0x1FA90]  }
0x297: {  	v6 =	vadd.f32 v17, v6;
	v17 =	vld [tilespmem:$0x1F260]  }
0x298: {  	[tilespmem:$0x1FDB0] =	vst v22;
	v22 =	vld [tilespmem:$0x1F270]  }
0x299: {  	v8 =	vadd.f32 v27, v8;
	v27 =	vld [tilespmem:$0x1F290]  }
0x29a: {  	[tilespmem:$0x1FB80] =	vst v30;
	v30 =	vld [tilespmem:$0x1F2B0]  }
0x29b: {  	[tilespmem:$0x1FB90] =	vst v34;
	v34 =	vld [tilespmem:$0x1F2D0]  }
0x29c: {  	[tilespmem:$0x1FBB0] =	vst v38;
	v38 =	vld [tilespmem:$0xFF50]  }
0x29d: {  	[tilespmem:$0x1FBD0] =	vst v40;
	v40 =	vld [tilespmem:$0x1F310]  }
0x29e: {  	[tilespmem:$0x1FBF0] =	vst v42;
	v42 =	vld [tilespmem:$0x1F320]  }
0x29f: {  	v9 =	vadd.f32 v46, v9;
	v46 =	vld [tilespmem:$0x1F350]  }
0x2a0: {  	[tilespmem:$0x1FC10] =	vst v47;
	v47 =	vld [tilespmem:$0x1F360]  }
0x2a1: {  	[tilespmem:$0x1FCB0] =	vst v63;
	v63 =	vld [tilespmem:$0xE760]  }
0x2a2: {  	[tilespmem:$0x1FC30] =	vst v50;
	v50 =	vld [tilespmem:$0x1F380]  }
0x2a3: {  	[tilespmem:$0x1FC50] =	vst v54;
	v54 =	vld [tilespmem:$0x1F3B0]  }
0x2a4: {  	[tilespmem:$0x1FC80] =	vst v59;
	v59 =	vld [tilespmem:$0x1F3D0]  }
0x2a5: {  	[tilespmem:$0x1FCE0] =	vst v24;
	v24 =	vld [tilespmem:$0xF160]  }
0x2a6: {  	[tilespmem:$0x1FF30] =	vst v8;
	v8 =	vadd.f32 v29, v28;
	v28 =	vld [tilespmem:$0xF950]  }
0x2a7: {  	v29 =	vld [tilespmem:$0x1F2A0]  }
0x2a8: {  	v6 =	vadd.f32 v32, v6;
	v32 =	vld [tilespmem:$0xFB50]  }
0x2a9: {  	v9 =	vadd.f32 v52, v9;
	v52 =	vld [tilespmem:$0x1F3A0]  }
0x2aa: {  	v8 =	vadd.f32 v35, v8;
	v35 =	vld [tilespmem:$0xFD50]  }
0x2ab: {  	v6 =	vadd.f32 v39, v6;
	v39 =	vld [tilespmem:$0x1F300]  }
0x2ac: {  	v9 =	vadd.f32 v62, v9;
	v62 =	vld [tilespmem:$0x1F3F0]  }
0x2ad: {  	[tilespmem:$0x1FDA0] =	vst v38;
	v38 =	vld [tilespmem:$0xE360]  }
0x2ae: {  	v10 =	vadd.f32 v22, v10;
	v22 =	vld [tilespmem:$0x1F410]  }
0x2af: {  	[tilespmem:$0x1FC70] =	vst v24;
	v24 =	vld [tilespmem:$0x10160]  }
0x2b0: {  	v8 =	vadd.f32 v41, v8;
	v41 =	vld [tilespmem:$0x10150]  }
0x2b1: {  	v6 =	vadd.f32 v44, v6;
	v44 =	vld [tilespmem:$0x1F340]  }
0x2b2: {  	v9 =	vadd.f32 v27, v9;
	v27 =	vld [tilespmem:$0x1F430]  }
0x2b3: {  	[tilespmem:$0x1FD10] =	vst v28;
	v28 =	vld [tilespmem:$0xF360]  }
0x2b4: {  	v10 =	vadd.f32 v30, v10;
	v30 =	vld [tilespmem:$0x1F450]  }
0x2b5: {  	[tilespmem:$0x1FD40] =	vst v32;
	v32 =	vld [tilespmem:$0xF560]  }
0x2b6: {  	v8 =	vadd.f32 v48, v8;
	v48 =	vld [tilespmem:$0x1F370]  }
0x2b7: {  	v6 =	vadd.f32 v51, v6;
	v51 =	vld [tilespmem:$0x1F390]  }
0x2b8: {  	v9 =	vadd.f32 v34, v9;
	v34 =	vld [tilespmem:$0x1F470]  }
0x2b9: {  	[tilespmem:$0x1FD70] =	vst v35;
	v35 =	vld [tilespmem:$0xE560]  }
0x2ba: {  	v10 =	vadd.f32 v37, v10;
	v37 =	vld [tilespmem:$0x1F480]  }
0x2bb: {  	v8 =	vadd.f32 v58, v8;
	v58 =	vld [tilespmem:$0xE960]  }
0x2bc: {  	v6 =	vadd.f32 v61, v6;
	v61 =	vld [tilespmem:$0x1F3E0]  }
0x2bd: {  	v9 =	vadd.f32 v40, v9;
	v40 =	vld [tilespmem:$0xF960]  }
0x2be: {  	[tilespmem:$0x1FDF0] =	vst v24;
	v24 =	vld [tilespmem:$0xE370]  }
0x2bf: {  	[tilespmem:$0x1FDD0] =	vst v41;
	v41 =	vld [tilespmem:$0x1F4A0]  }
0x2c0: {  	v10 =	vadd.f32 v43, v10;
	v43 =	vld [tilespmem:$0xFB60]  }
0x2c1: {  	v8 =	vadd.f32 v17, v8;
	v17 =	vld [tilespmem:$0x1F400]  }
0x2c2: {  	v6 =	vadd.f32 v25, v6;
	v25 =	vld [tilespmem:$0x1F420]  }
0x2c3: {  	v9 =	vadd.f32 v46, v9;
	v46 =	vld [tilespmem:$0x1F4D0]  }
0x2c4: {  	[tilespmem:$0x1FCA0] =	vst v28;
	v28 =	vld [tilespmem:$0x1F570]  }
0x2c5: {  	[tilespmem:$0x1FCD0] =	vst v32;
	v32 =	vld [tilespmem:$0x1F5A0]  }
0x2c6: {  	v10 =	vadd.f32 v48, v10;
	v48 =	vld [tilespmem:$0xFD60]  }
0x2c7: {  	v9 =	vadd.f32 v51, v9;
	v51 =	vld [tilespmem:$0xEB60]  }
0x2c8: {  	v8 =	vadd.f32 v29, v8;
	v29 =	vld [tilespmem:$0x1F440]  }
0x2c9: {  	v6 =	vadd.f32 v33, v6;
	v33 =	vld [tilespmem:$0x1F460]  }
0x2ca: {  	v35 =	vadd.f32 v35, v38;
	v38 =	vld [tilespmem:$0xF9A0]  }
0x2cb: {  	v10 =	vadd.f32 v54, v10;
	v54 =	vld [tilespmem:$0xED60]  }
0x2cc: {  	[tilespmem:$0x1FD30] =	vst v40;
	v40 =	vld [tilespmem:$0x1F600]  }
0x2cd: {  	v9 =	vadd.f32 v59, v9;
	v59 =	vld [tilespmem:$0xEF60]  }
0x2ce: {  	v8 =	vadd.f32 v36, v8;
	v36 =	vld [tilespmem:$0xF760]  }
0x2cf: {  	v6 =	vadd.f32 v39, v6;
	v39 =	vld [tilespmem:$0x1F490]  }
0x2d0: {  	[tilespmem:$0x1FD60] =	vst v43;
	v43 =	vld [tilespmem:$0x1F630]  }
0x2d1: {  	v35 =	vadd.f32 v63, v35;
	v63 =	vld [tilespmem:$0xFDA0]  }
0x2d2: {  	v10 =	vadd.f32 v62, v10;
	v62 =	vld [tilespmem:$0x1F520]  }
0x2d3: {  	v8 =	vadd.f32 v42, v8;
	v42 =	vld [tilespmem:$0x1F4B0]  }
0x2d4: {  	v6 =	vadd.f32 v44, v6;
	v44 =	vld [tilespmem:$0x1F4C0]  }
0x2d5: {  	v9 =	vadd.f32 v22, v9;
	v22 =	vld [tilespmem:$0x1F540]  }
0x2d6: {  	[tilespmem:$0x1FD90] =	vst v48;
	v48 =	vld [tilespmem:$0x1F670]  }
0x2d7: {  	v58 =	vadd.f32 v58, v35;
	v35 =	vld [tilespmem:$0x101A0]  }
0x2d8: {  	v10 =	vadd.f32 v27, v10;
	v27 =	vld [tilespmem:$0x1F560]  }
0x2d9: {  	v8 =	vadd.f32 v47, v8;
	v47 =	vld [tilespmem:$0x1F4E0]  }
0x2da: {  	v6 =	vadd.f32 v50, v6;
	v50 =	vld [tilespmem:$0x1F4F0]  }
0x2db: {  	v9 =	vadd.f32 v30, v9;
	v30 =	vld [tilespmem:$0x1F590]  }
0x2dc: {  	v51 =	vadd.f32 v51, v58;
	v58 =	vld [tilespmem:$0xE5B0]  }
0x2dd: {  	v10 =	vadd.f32 v34, v10;
	v34 =	vld [tilespmem:$0x1F5C0]  }
0x2de: {  	[tilespmem:$0x1FD00] =	vst v36;
	v36 =	vld [tilespmem:$0x1F5D0]  }
0x2df: {  	v8 =	vadd.f32 v52, v8;
	v52 =	vld [tilespmem:$0x1F500]  }
0x2e0: {  	v6 =	vadd.f32 v55, v6;
	v55 =	vld [tilespmem:$0x1F510]  }
0x2e1: {  	v51 =	vadd.f32 v54, v51;
	v54 =	vld [tilespmem:$0xE9B0]  }
0x2e2: {  	v8 =	vadd.f32 v61, v8;
	v61 =	vld [tilespmem:$0xFF60]  }
0x2e3: {  	v6 =	vadd.f32 v17, v6;
	v17 =	vld [tilespmem:$0x1F530]  }
0x2e4: {  	v11 =	vadd.f32 v28, v27;
	v27 =	vld [tilespmem:$0xEB70]  }
0x2e5: {  	v28 =	vld [tilespmem:$0x1F6D0]  }
0x2e6: {  	v51 =	vadd.f32 v59, v51;
	v59 =	vld [tilespmem:$0xEDB0]  }
0x2e7: {  	v8 =	vadd.f32 v25, v8;
	v25 =	vld [tilespmem:$0x1F550]  }
0x2e8: {  	v6 =	vadd.f32 v29, v6;
	v29 =	vld [tilespmem:$0x1F580]  }
0x2e9: {  	v8 =	vadd.f32 v33, v8;
	v33 =	vld [tilespmem:$0x1F5B0]  }
0x2ea: {  	v6 =	vadd.f32 v37, v6;
	v37 =	vld [tilespmem:$0x1F5E0]  }
0x2eb: {  	[tilespmem:$0x1FDC0] =	vst v61;
	v61 =	vld [tilespmem:$0x1F6B0]  }
0x2ec: {  	[tilespmem:$0x1FF40] =	vst v6;
	v6 =	vadd.f32 v39, v9;
	v9 =	vadd.f32 v22, v17;
	v22 =	vld [tilespmem:$0xE570]  }
0x2ed: {  	v39 =	vld [tilespmem:$0x1F5F0]  }
0x2ee: {  	v8 =	vadd.f32 v41, v8;
	v41 =	vld [tilespmem:$0x1F610]  }
0x2ef: {  	v17 =	vld [tilespmem:$0x1F6C0]  }
0x2f0: {  	v9 =	vadd.f32 v30, v9;
	v30 =	vld [tilespmem:$0xED70]  }
0x2f1: {  	[tilespmem:$0x1FF50] =	vst v8;
	v8 =	vadd.f32 v42, v10;
	v42 =	vld [tilespmem:$0x1F620]  }
0x2f2: {  	v6 =	vadd.f32 v44, v6;
	v44 =	vld [tilespmem:$0x1F640]  }
0x2f3: {  	v10 =	vld [tilespmem:$0x1F9B0]  }
0x2f4: {  	v11 =	vadd.f32 v33, v11;
	v33 =	vld [tilespmem:$0xF170]  }
0x2f5: {  	[tilespmem:$0x1FF60] =	vst v6;
	v6 =	vadd.f32 v47, v46;
	v46 =	vld [tilespmem:$0x1F650]  }
0x2f6: {  	v47 =	vld [tilespmem:$0x1F660]  }
0x2f7: {  	v8 =	vadd.f32 v50, v8;
	v50 =	vld [tilespmem:$0x1F680]  }
0x2f8: {  	v9 =	vadd.f32 v36, v9;
	v36 =	vld [tilespmem:$0x1F6F0]  }
0x2f9: {  	v11 =	vadd.f32 v39, v11;
	v39 =	vld [tilespmem:$0x1F700]  }
0x2fa: {  	v22 =	vadd.f32 v22, v24;
	v24 =	vld [tilespmem:$0xE3B0]  }
0x2fb: {  	v6 =	vadd.f32 v62, v6;
	v62 =	vld [tilespmem:$0xE770]  }
0x2fc: {  	[tilespmem:$0x1FF70] =	vst v8;
	v8 =	vadd.f32 v55, v52;
	v52 =	vld [tilespmem:$0x1F690]  }
0x2fd: {  	v55 =	vld [tilespmem:$0x1F6A0]  }
0x2fe: {  	v9 =	vadd.f32 v41, v9;
	v41 =	vld [tilespmem:$0x1F710]  }
0x2ff: {  	v11 =	vadd.f32 v43, v11;
	v43 =	vld [tilespmem:$0xF970]  }
0x300: {  	v8 =	vadd.f32 v25, v8;
	v25 =	vld [tilespmem:$0xE970]  }
0x301: {  	v6 =	vadd.f32 v29, v6;
	v29 =	vld [tilespmem:$0x1F6E0]  }
0x302: {  	v9 =	vadd.f32 v46, v9;
	v46 =	vld [tilespmem:$0xFB70]  }
0x303: {  	v11 =	vadd.f32 v48, v11;
	v48 =	vld [tilespmem:$0xFD70]  }
0x304: {  	v8 =	vadd.f32 v32, v8;
	v32 =	vld [tilespmem:$0xEF70]  }
0x305: {  	v6 =	vadd.f32 v34, v6;
	v34 =	vld [tilespmem:$0xF370]  }
0x306: {  	v9 =	vadd.f32 v52, v9;
	v52 =	vld [tilespmem:$0x1F750]  }
0x307: {  	v11 =	vadd.f32 v61, v11;
	v61 =	vld [tilespmem:$0x1F760]  }
0x308: {  	v22 =	vadd.f32 v62, v22;
	v62 =	vld [tilespmem:$0xFFA0]  }
0x309: {  	v8 =	vadd.f32 v37, v8;
	v37 =	vld [tilespmem:$0xF570]  }
0x30a: {  	v6 =	vadd.f32 v40, v6;
	v40 =	vld [tilespmem:$0xF770]  }
0x30b: {  	v9 =	vadd.f32 v28, v9;
	v28 =	vld [tilespmem:$0x1F780]  }
0x30c: {  	v11 =	vadd.f32 v36, v11;
	v36 =	vld [tilespmem:$0x1F7A0]  }
0x30d: {  	v22 =	vadd.f32 v25, v22;
	v25 =	vld [tilespmem:$0xE7B0]  }
0x30e: {  	v8 =	vadd.f32 v42, v8;
	v42 =	vld [tilespmem:$0x1F720]  }
0x30f: {  	v6 =	vadd.f32 v44, v6;
	v44 =	vld [tilespmem:$0x1F730]  }
0x310: {  	v9 =	vadd.f32 v41, v9;
	v41 =	vld [tilespmem:$0x1F7C0]  }
0x311: {  	v22 =	vadd.f32 v27, v22;
	v27 =	vld [tilespmem:$0xEBB0]  }
0x312: {  	v8 =	vadd.f32 v47, v8;
	v47 =	vld [tilespmem:$0xFF70]  }
0x313: {  	v6 =	vadd.f32 v50, v6;
	v50 =	vld [tilespmem:$0x1F740]  }
0x314: {  	v9 =	vadd.f32 v52, v9;
	v52 =	vld [tilespmem:$0x1F7E0]  }
0x315: {  	v22 =	vadd.f32 v30, v22;
	v30 =	vld [tilespmem:$0xEFB0]  }
0x316: {  	v24 =	vadd.f32 v58, v24;
	v8 =	vadd.f32 v55, v8;
	v55 =	vld [tilespmem:$0x10170]  }
0x317: {  	v6 =	vadd.f32 v17, v6;
	v17 =	vld [tilespmem:$0x1F770]  }
0x318: {  	v25 =	vadd.f32 v25, v24;
	v24 =	vld [tilespmem:$0xFBC0]  }
0x319: {  	v11 =	vadd.f32 v44, v11;
	v44 =	vld [tilespmem:$0xE580]  }
0x31a: {  	v22 =	vadd.f32 v32, v22;
	v32 =	vld [tilespmem:$0x1FC80]  }
0x31b: {  	v8 =	vadd.f32 v29, v8;
	v29 =	vld [tilespmem:$0x1F790]  }
0x31c: {  	v6 =	vadd.f32 v39, v6;
	v39 =	vld [tilespmem:$0x1F7B0]  }
0x31d: {  	[tilespmem:$0x1FDE0] =	vst v47;
	v47 =	vld [tilespmem:$0xE980]  }
0x31e: {  	v22 =	vadd.f32 v33, v22;
	v33 =	vld [tilespmem:$0x1FC90]  }
0x31f: {  	v25 =	vadd.f32 v54, v25;
	v6 =	vadd.f32 v50, v6;
	v50 =	vld [tilespmem:$0xE380]  }
0x320: {  	v8 =	vadd.f32 v42, v8;
	v42 =	vld [tilespmem:$0x1F7D0]  }
0x321: {  	v25 =	vadd.f32 v27, v25;
	v27 =	vld [tilespmem:$0xE3D0]  }
0x322: {  	[tilespmem:$0x1FE00] =	vst v55;
	v55 =	vld [tilespmem:$0x1F7F0]  }
0x323: {  	v11 =	vadd.f32 v17, v11;
	v17 =	vld [tilespmem:$0xEB80]  }
0x324: {  	v22 =	vadd.f32 v34, v22;
	v34 =	vld [tilespmem:$0x1FCE0]  }
0x325: {  	v8 =	vadd.f32 v61, v8;
	v61 =	vld [tilespmem:$0xE780]  }
0x326: {  	v6 =	vadd.f32 v28, v6;
	v28 =	vld [tilespmem:$0x1F800]  }
0x327: {  	v9 =	vadd.f32 v29, v9;
	v29 =	vld [tilespmem:$0x1F810]  }
0x328: {  	v11 =	vadd.f32 v39, v11;
	v39 =	vld [tilespmem:$0x1F820]  }
0x329: {  	v22 =	vadd.f32 v37, v22;
	v37 =	vld [tilespmem:$0x1FCF0]  }
0x32a: {  	v8 =	vadd.f32 v36, v8;
	v36 =	vld [tilespmem:$0xED80]  }
0x32b: {  	v25 =	vadd.f32 v59, v25;
	v6 =	vadd.f32 v41, v6;
	v41 =	vld [tilespmem:$0x1F830]  }
0x32c: {  	[tilespmem:$0x1FE10] =	vst v47;
	v47 =	vld [tilespmem:$0x1F840]  }
0x32d: {  	v25 =	vadd.f32 v30, v25;
	v30 =	vld [tilespmem:$0xEBD0]  }
0x32e: {  	v9 =	vadd.f32 v42, v9;
	v42 =	vld [tilespmem:$0xEF80]  }
0x32f: {  	v22 =	vadd.f32 v40, v22;
	v40 =	vld [tilespmem:$0x1FD30]  }
0x330: {  	v44 =	vadd.f32 v44, v50;
	v50 =	vld [tilespmem:$0x1FE00]  }
0x331: {  	v8 =	vadd.f32 v52, v8;
	v52 =	vld [tilespmem:$0x1F850]  }
0x332: {  	v11 =	vadd.f32 v55, v11;
	v55 =	vld [tilespmem:$0xF180]  }
0x333: {  	[tilespmem:$0x1FE20] =	vst v17;
	v17 =	vld [tilespmem:$0x1F860]  }
0x334: {  	v6 =	vadd.f32 v28, v6;
	v28 =	vld [tilespmem:$0x1F870]  }
0x335: {  	v22 =	vadd.f32 v43, v22;
	v43 =	vld [tilespmem:$0x1FD60]  }
0x336: {  	v44 =	vadd.f32 v61, v44;
	v61 =	vld [tilespmem:$0x1FE10]  }
0x337: {  	v9 =	vadd.f32 v29, v9;
	v29 =	vld [tilespmem:$0xF380]  }
0x338: {  	v8 =	vadd.f32 v39, v8;
	v39 =	vld [tilespmem:$0x1F890]  }
0x339: {  	[tilespmem:$0x1FE30] =	vst v36;
	v36 =	vld [tilespmem:$0x1F880]  }
0x33a: {  	v11 =	vadd.f32 v41, v11;
	v41 =	vld [tilespmem:$0xF580]  }
0x33b: {  	v6 =	vadd.f32 v47, v6;
	v47 =	vld [tilespmem:$0x1F8B0]  }
0x33c: {  	v22 =	vadd.f32 v46, v22;
	v46 =	vld [tilespmem:$0xE7C0]  }
0x33d: {  	[tilespmem:$0x1FE40] =	vst v42;
	v42 =	vld [tilespmem:$0x1F8A0]  }
0x33e: {  	v9 =	vadd.f32 v52, v9;
	v52 =	vld [tilespmem:$0xF780]  }
0x33f: {  	[tilespmem:$0x1FE50] =	vst v55;
	v55 =	vld [tilespmem:$0x1F8C0]  }
0x340: {  	v8 =	vadd.f32 v17, v8;
	v17 =	vld [tilespmem:$0x1F8D0]  }
0x341: {  	v22 =	vadd.f32 v48, v22;
	v48 =	vld [tilespmem:$0x1FDD0]  }
0x342: {  	v11 =	vadd.f32 v28, v11;
	v28 =	vld [tilespmem:$0x1F8E0]  }
0x343: {  	v44 =	vadd.f32 v61, v44;
	v61 =	vld [tilespmem:$0x1FE20]  }
0x344: {  	[tilespmem:$0x1FE60] =	vst v29;
	v29 =	vld [tilespmem:$0xF980]  }
0x345: {  	v6 =	vadd.f32 v36, v6;
	v36 =	vld [tilespmem:$0x1F8F0]  }
0x346: {  	[tilespmem:$0x1FE70] =	vst v41;
	v41 =	vld [tilespmem:$0x1F910]  }
0x347: {  	v54 =	vld [tilespmem:$0x1FE60]  }
0x348: {  	v8 =	vadd.f32 v42, v8;
	v42 =	vld [tilespmem:$0xFB80]  }
0x349: {  	[tilespmem:$0x1FF80] =	vst v6;
	v6 =	vadd.f32 v39, v9;
	v39 =	vld [tilespmem:$0x1F900]  }
0x34a: {  	[tilespmem:$0x1FE80] =	vst v52;
	v52 =	vld [tilespmem:$0x1F930]  }
0x34b: {  	[tilespmem:$0x1FF90] =	vst v8;
	v8 =	vadd.f32 v47, v11;
	v47 =	vld [tilespmem:$0x1F920]  }
0x34c: {  	v59 =	vld [tilespmem:$0x1FE80]  }
0x34d: {  	v6 =	vadd.f32 v55, v6;
	v55 =	vld [tilespmem:$0x1F940]  }
0x34e: {  	[tilespmem:$0x1FE90] =	vst v29;
	v29 =	vld [tilespmem:$0xFF80]  }
0x34f: {  	v8 =	vadd.f32 v36, v8;
	v36 =	vld [tilespmem:$0x1F960]  }
0x350: {  	[tilespmem:$0x1FFA0] =	vst v6;
	v6 =	vadd.f32 v28, v17;
	v17 =	vld [tilespmem:$0xFD80]  }
0x351: {  	v28 =	vld [tilespmem:$0x1F950]  }
0x352: {  	[tilespmem:$0x1FEA0] =	vst v42;
	v42 =	vld [tilespmem:$0x1F970]  }
0x353: {  	[tilespmem:$0x1FFB0] =	vst v8;
	v8 =	vadd.f32 v41, v39;
	v41 =	vld [tilespmem:$0x10180]  }
0x354: {  	v6 =	vadd.f32 v47, v6;
	v47 =	vld [tilespmem:$0x1F980]  }
0x355: {  	[tilespmem:$0x1FEC0] =	vst v29;
	v29 =	vld [tilespmem:$0xE390]  }
0x356: {  	v9 =	vadd.f32 v55, v52;
	v55 =	vld [tilespmem:$0x1F990]  }
0x357: {  	v6 =	vadd.f32 v36, v6;
	v36 =	vld [tilespmem:$0xEB90]  }
0x358: {  	v39 =	vadd.f32 v26, v9;
	v26 =	vld [tilespmem:$0xE590]  }
0x359: {  	v8 =	vadd.f32 v28, v8;
	v28 =	vld [tilespmem:$0xE790]  }
0x35a: {  	[tilespmem:$0x1FEB0] =	vst v17;
	v17 =	vld [tilespmem:$0x1FAB0]  }
0x35b: {  	[tilespmem:$0x1FED0] =	vst v41;
	v41 =	vld [tilespmem:$0x1F9E0]  }
0x35c: {  	v52 =	vadd.f32 v15, v39;
	v15 =	vld [tilespmem:$0x1F9C0]  }
0x35d: {  	v39 =	vld [tilespmem:$0x1F9D0]  }
0x35e: {  	v8 =	vadd.f32 v42, v8;
	v42 =	vld [tilespmem:$0x1F9F0]  }
0x35f: {  	v6 =	vadd.f32 v47, v6;
	v47 =	vld [tilespmem:$0x1FA00]  }
0x360: {  	v9 =	vadd.f32 v31, v52;
	v31 =	vld [tilespmem:$0xE990]  }
0x361: {  	v52 =	vld [tilespmem:$0x1FA10]  }
0x362: {  	v60 =	vadd.f32 v55, v8;
	v55 =	vld [tilespmem:$0x1FA20]  }
0x363: {  	v3 =	vadd.f32 v3, v6;
	v8 =	vld [tilespmem:$0x1FAC0]  }
0x364: {  	v1 =	vadd.f32 v17, v1;
	v17 =	vld [tilespmem:$0x1FB10]  }
0x365: {  	v26 =	vadd.f32 v26, v29;
	v29 =	vld [tilespmem:$0xF3C0];
	v3 =	vadd.f32 v15, v3  }
0x366: {  	v11 =	vadd.f32 v10, v60;
	v60 =	vld [tilespmem:$0x1FA40]  }
0x367: {  	v10 =	vld [tilespmem:$0x1FA60];
	v3 =	vadd.f32 v42, v3  }
0x368: {  	v6 =	vadd.f32 v41, v11;
	v11 =	vld [tilespmem:$0x1FA70]  }
0x369: {  	v4 =	vadd.f32 v39, v9;
	v39 =	vld [tilespmem:$0xED90];
	v3 =	vadd.f32 v55, v3  }
0x36a: {  	v9 =	vld [tilespmem:$0x1FA50]  }
0x36b: {  	v15 =	vld [tilespmem:$0x1FAA0];
	v1 =	vadd.f32 v14, v1;
	v3 =	vadd.f32 v60, v3  }
0x36c: {  	v14 =	vld [tilespmem:$0xE7A0];
	v28 =	vadd.f32 v28, v26;
	v4 =	vadd.f32 v47, v4  }
0x36d: {  	v26 =	vld [tilespmem:$0xF9C0];
	v5 =	vadd.f32 v52, v6;
	v3 =	vadd.f32 v11, v3  }
0x36e: {  	v4 =	vadd.f32 v49, v4;
	v11 =	vld [tilespmem:$0x1FAF0]  }
0x36f: {  	v41 =	vld [tilespmem:$0xEF90];
	v5 =	vadd.f32 v57, v5;
	v2 =	vadd.f32 v2, v3  }
0x370: {  	v7 =	vadd.f32 v16, v1;
	v1 =	vld [tilespmem:$0x1FB20];
	v4 =	vadd.f32 v9, v4  }
0x371: {  	v42 =	vld [tilespmem:$0xF190];
	v5 =	vadd.f32 v10, v5;
	v2 =	vadd.f32 v8, v2  }
0x372: {  	v47 =	vld [tilespmem:$0xF390];
	v4 =	vadd.f32 v56, v4  }
0x373: {  	v9 =	vld [tilespmem:$0x1FAD0];
	v5 =	vadd.f32 v12, v5;
	v2 =	vadd.f32 v11, v2  }
0x374: {  	v10 =	vld [tilespmem:$0x1FAE0];
	v3 =	vadd.f32 v13, v4  }
0x375: {  	v4 =	vadd.f32 v15, v5;
	v5 =	vadd.f32 v1, v2;
	v2 =	vld [tilespmem:$0x1FB40]  }
0x376: {  	v15 =	vld [tilespmem:$0x1FB00]  }
0x377: {  	v16 =	vld [tilespmem:$0xEBA0]  }
0x378: {  	v58 =	vadd.f32 v31, v28;
	v28 =	vadd.f32 v61, v44;
	v61 =	vld [tilespmem:$0x1FE40]  }
0x379: {  	v3 =	vadd.f32 v9, v3;
	v1 =	vld [tilespmem:$0x1FB30]  }
0x37a: {  	v4 =	vadd.f32 v10, v4;
	v9 =	vadd.f32 v2, v7;
	v2 =	vld [tilespmem:$0x1FB50]  }
0x37b: {  	v44 =	vld [tilespmem:$0x1FE50];
	v3 =	vadd.f32 v15, v3  }
0x37c: {  	v52 =	vld [tilespmem:$0xF790];
	v4 =	vadd.f32 v17, v4  }
0x37d: {  	v49 =	vld [tilespmem:$0xF590];
	v6 =	vadd.f32 v18, v3  }
0x37e: {  	v55 =	vld [tilespmem:$0xFF90];
	v31 =	vadd.f32 v36, v58;
	v1 =	vadd.f32 v1, v4  }
0x37f: {  	v58 =	vld [tilespmem:$0x1FE30];
	v7 =	vadd.f32 v45, v6;
	v2 =	vadd.f32 v2, v5  }
0x380: {  	v36 =	vld [tilespmem:$0xE7D0];
	v1 =	vadd.f32 v21, v1  }
0x381: {  	v57 =	vld [tilespmem:$0xFD90];
	[tilespmem:$0x1FFC0] =	vst v2;
	v2 =	vadd.f32 v20, v7  }
0x382: {  	v3 =	vld [tilespmem:$0x1FB70];
	[tilespmem:$0x1FFD0] =	vst v1  }
0x383: {  	v1 =	vadd.f32 v19, v9;
	[tilespmem:$0x1FFE0] =	vst v2;
	v2 =	vld [tilespmem:$0x1FB60]  }
0x384: {  	v60 =	vld [tilespmem:$0xFB90]  }
0x385: {  	v31 =	vadd.f32 v39, v31;
	v39 =	vld [tilespmem:$0xF5F0];
	v1 =	vadd.f32 v23, v1  }
0x386: {  	v56 =	vld [tilespmem:$0x10190]  }
0x387: {  	[tilespmem:$0x1FFF0] =	vst v1;
	v1 =	vld [tilespmem:$0x1FB80]  }
0x388: {  	v2 =	vadd.f32 v3, v2;
	v3 =	vld [tilespmem:$0x1FB90]  }
0x389: {  	v31 =	vadd.f32 v41, v31;
	v41 =	vld [tilespmem:$0xF7E0]  }
0x38a: {  	v12 =	vld [tilespmem:$0xE5A0]  }
0x38b: {  	v28 =	vadd.f32 v58, v28;
	v58 =	vld [tilespmem:$0x1FE70]  }
0x38c: {  	v13 =	vld [tilespmem:$0xE3A0]  }
0x38d: {  	v1 =	vadd.f32 v3, v1;
	v3 =	vld [tilespmem:$0x1FBA0]  }
0x38e: {  	v31 =	vadd.f32 v42, v31;
	v42 =	vld [tilespmem:$0x1FEA0]  }
0x38f: {  	v28 =	vadd.f32 v61, v28;
	v61 =	vld [tilespmem:$0x1FE90]  }
0x390: {  	v8 =	vld [tilespmem:$0x1FCB0]  }
0x391: {  	v31 =	vadd.f32 v47, v31;
	v47 =	vld [tilespmem:$0xE3E0]  }
0x392: {  	v2 =	vadd.f32 v3, v2;
	v3 =	vld [tilespmem:$0x1FBB0]  }
0x393: {  	v10 =	vld [tilespmem:$0x1FCD0]  }
0x394: {  	v28 =	vadd.f32 v44, v28;
	v44 =	vld [tilespmem:$0x1FEB0]  }
0x395: {  	v11 =	vld [tilespmem:$0xF1A0]  }
0x396: {  	v31 =	vadd.f32 v49, v31;
	v49 =	vld [tilespmem:$0x1FEC0]  }
0x397: {  	v1 =	vadd.f32 v3, v1;
	v3 =	vld [tilespmem:$0x1FBC0]  }
0x398: {  	v17 =	vld [tilespmem:$0xEDA0]  }
0x399: {  	v12 =	vadd.f32 v12, v13;
	v13 =	vld [tilespmem:$0xF7C0]  }
0x39a: {  	v28 =	vadd.f32 v54, v28;
	v54 =	vld [tilespmem:$0x1FED0]  }
0x39b: {  	v15 =	vld [tilespmem:$0xE9A0]  }
0x39c: {  	v2 =	vadd.f32 v3, v2;
	v3 =	vld [tilespmem:$0x1FBD0]  }
0x39d: {  	v31 =	vadd.f32 v52, v31;
	v52 =	vld [tilespmem:$0xE5E0]  }
0x39e: {  	v12 =	vadd.f32 v14, v12;
	v14 =	vld [tilespmem:$0xFFC0]  }
0x39f: {  	v28 =	vadd.f32 v58, v28;
	v58 =	vld [tilespmem:$0xE7F0]  }
0x3a0: {  	v18 =	vld [tilespmem:$0xEFA0]  }
0x3a1: {  	v31 =	vadd.f32 v53, v31;
	v1 =	vadd.f32 v3, v1;
	v3 =	vld [tilespmem:$0x1FBE0]  }
0x3a2: {  	v53 =	vld [tilespmem:$0xE3F0]  }
0x3a3: {  	v31 =	vadd.f32 v60, v31;
	v60 =	vld [tilespmem:$0xE9E0]  }
0x3a4: {  	v45 =	vld [tilespmem:$0x1FCA0]  }
0x3a5: {  	v4 =	vld [tilespmem:$0xF5B0]  }
0x3a6: {  	v2 =	vadd.f32 v3, v2;
	v3 =	vld [tilespmem:$0x1FBF0]  }
0x3a7: {  	v28 =	vadd.f32 v59, v28;
	v6 =	vld [tilespmem:$0xE5C0]  }
0x3a8: {  	v12 =	vadd.f32 v15, v12;
	v15 =	vld [tilespmem:$0xFDC0]  }
0x3a9: {  	v28 =	vadd.f32 v61, v28;
	v61 =	vadd.f32 v52, v47;
	v47 =	vld [tilespmem:$0x1FEF0]  }
0x3aa: {  	v52 =	vld [tilespmem:$0x1FF00]  }
0x3ab: {  	v1 =	vadd.f32 v3, v1;
	v3 =	vld [tilespmem:$0x1FC00]  }
0x3ac: {  	v31 =	vadd.f32 v57, v31;
	v57 =	vld [tilespmem:$0xE7E0]  }
0x3ad: {  	v21 =	vld [tilespmem:$0xF7A0]  }
0x3ae: {  	v16 =	vadd.f32 v16, v12;
	v12 =	vld [tilespmem:$0x101C0]  }
0x3af: {  	v28 =	vadd.f32 v42, v28;
	v42 =	vld [tilespmem:$0x1FEE0]  }
0x3b0: {  	v2 =	vadd.f32 v3, v2;
	v3 =	vld [tilespmem:$0x1FC10]  }
0x3b1: {  	v31 =	vadd.f32 v55, v31;
	v55 =	vld [tilespmem:$0xE5F0]  }
0x3b2: {  	v19 =	vld [tilespmem:$0xF3A0]  }
0x3b3: {  	v9 =	vld [tilespmem:$0x1FCC0]  }
0x3b4: {  	v16 =	vadd.f32 v17, v16;
	v17 =	vld [tilespmem:$0xE5D0]  }
0x3b5: {  	v1 =	vadd.f32 v3, v1;
	v3 =	vld [tilespmem:$0x1FC20]  }
0x3b6: {  	v5 =	vld [tilespmem:$0xF9B0]  }
0x3b7: {  	v31 =	vadd.f32 v56, v31;
	v56 =	vld [tilespmem:$0x1FF20]  }
0x3b8: {  	[tilespmem:$0xE030] =	vst v47;
	v47 =	vld [tilespmem:$0xF9E0]  }
0x3b9: {  	[tilespmem:$0xE040] =	vst v52;
	v52 =	vld [tilespmem:$0xFBE0]  }
0x3ba: {  	v2 =	vadd.f32 v3, v2;
	v3 =	vld [tilespmem:$0x1FC30]  }
0x3bb: {  	v28 =	vadd.f32 v44, v28;
	v23 =	vld [tilespmem:$0xFBA0]  }
0x3bc: {  	v16 =	vadd.f32 v18, v16;
	v18 =	vld [tilespmem:$0xE9D0]  }
0x3bd: {  	v28 =	vadd.f32 v49, v28;
	v49 =	vld [tilespmem:$0xEDE0]  }
0x3be: {  	v44 =	vadd.f32 v57, v61;
	v57 =	vld [tilespmem:$0xEFF0]  }
0x3bf: {  	v1 =	vadd.f32 v3, v1;
	v3 =	vld [tilespmem:$0x1FC40]  }
0x3c0: {  	v20 =	vld [tilespmem:$0xF5A0]  }
0x3c1: {  	v7 =	vld [tilespmem:$0xFDB0]  }
0x3c2: {  	[tilespmem:$0xE020] =	vst v42;
	v42 =	vld [tilespmem:$0x1FFA0];
	v11 =	vadd.f32 v11, v16  }
0x3c3: {  	v16 =	vld [tilespmem:$0xEDD0]  }
0x3c4: {  	v11 =	vadd.f32 v19, v11;
	v2 =	vadd.f32 v3, v2;
	v3 =	vld [tilespmem:$0x1FC50]  }
0x3c5: {  	v28 =	vadd.f32 v54, v28;
	v54 =	vld [tilespmem:$0x1FF10]  }
0x3c6: {  	v59 =	vadd.f32 v17, v27;
	v27 =	vld [tilespmem:$0x1FF60];
	v11 =	vadd.f32 v20, v11  }
0x3c7: {  	v19 =	vld [tilespmem:$0xF1D0]  }
0x3c8: {  	[tilespmem:$0xE060] =	vst v56;
	v56 =	vld [tilespmem:$0xFDE0];
	v11 =	vadd.f32 v21, v11  }
0x3c9: {  	v1 =	vadd.f32 v3, v1;
	v3 =	vld [tilespmem:$0x1FC60]  }
0x3ca: {  	v20 =	vld [tilespmem:$0xF5D0];
	v11 =	vadd.f32 v38, v11  }
0x3cb: {  	[tilespmem:$0xE050] =	vst v54;
	v54 =	vld [tilespmem:$0xFBF0]  }
0x3cc: {  	v21 =	vld [tilespmem:$0xF9D0];
	v11 =	vadd.f32 v23, v11  }
0x3cd: {  	v38 =	vld [tilespmem:$0xFDD0]  }
0x3ce: {  	v11 =	vadd.f32 v63, v11;
	v2 =	vadd.f32 v3, v2;
	v3 =	vld [tilespmem:$0x1FC70]  }
0x3cf: {  	v23 =	vld [tilespmem:$0x101D0]  }
0x3d0: {  	v63 =	vld [tilespmem:$0xEBE0];
	v11 =	vadd.f32 v62, v11  }
0x3d1: {  	v62 =	vld [tilespmem:$0xE9F0]  }
0x3d2: {  	v11 =	vadd.f32 v35, v11;
	v35 =	vld [tilespmem:$0x1FF70];
	v1 =	vadd.f32 v32, v1  }
0x3d3: {  	v32 =	vld [tilespmem:$0xF3B0];
	v51 =	vadd.f32 v3, v51  }
0x3d4: {  	v1 =	vadd.f32 v8, v1;
	v8 =	vld [tilespmem:$0xE9C0]  }
0x3d5: {  	v51 =	vadd.f32 v45, v51;
	v45 =	vld [tilespmem:$0x1FD00]  }
0x3d6: {  	v1 =	vadd.f32 v34, v1;
	v34 =	vld [tilespmem:$0xFBB0];
	v2 =	vadd.f32 v33, v2  }
0x3d7: {  	v33 =	vld [tilespmem:$0xF7B0]  }
0x3d8: {  	v2 =	vadd.f32 v9, v2;
	v9 =	vld [tilespmem:$0x1FD10];
	v51 =	vadd.f32 v10, v51  }
0x3d9: {  	v3 =	vld [tilespmem:$0xF1B0]  }
0x3da: {  	v51 =	vadd.f32 v45, v51;
	v45 =	vld [tilespmem:$0x1FD40]  }
0x3db: {  	v2 =	vadd.f32 v37, v2;
	v37 =	vld [tilespmem:$0xFFB0]  }
0x3dc: {  	v10 =	vld [tilespmem:$0x1FD20]  }
0x3dd: {  	v1 =	vadd.f32 v9, v1;
	v9 =	vld [tilespmem:$0x101B0]  }
0x3de: {  	v3 =	vadd.f32 v3, v25;
	v25 =	vld [tilespmem:$0xEFD0]  }
0x3df: {  	v1 =	vadd.f32 v45, v1;
	v45 =	vld [tilespmem:$0x1FD70]  }
0x3e0: {  	v3 =	vadd.f32 v32, v3;
	v32 =	vld [tilespmem:$0xF3D0]  }
0x3e1: {  	v2 =	vadd.f32 v10, v2;
	v51 =	vadd.f32 v40, v51;
	v10 =	vld [tilespmem:$0x1FD50]  }
0x3e2: {  	v40 =	vld [tilespmem:$0xE3C0]  }
0x3e3: {  	v3 =	vadd.f32 v4, v3;
	v51 =	vadd.f32 v43, v51;
	v43 =	vld [tilespmem:$0x1FD80]  }
0x3e4: {  	v1 =	vadd.f32 v45, v1;
	v45 =	vld [tilespmem:$0x1FD90]  }
0x3e5: {  	v4 =	vld [tilespmem:$0xF7D0];
	v3 =	vadd.f32 v33, v3  }
0x3e6: {  	v33 =	vld [tilespmem:$0xFBD0];
	v2 =	vadd.f32 v10, v2  }
0x3e7: {  	v3 =	vadd.f32 v5, v3;
	v5 =	vld [tilespmem:$0xFFD0]  }
0x3e8: {  	v2 =	vadd.f32 v43, v2;
	v43 =	vld [tilespmem:$0x1FDA0]  }
0x3e9: {  	v51 =	vadd.f32 v45, v51;
	v45 =	vld [tilespmem:$0x1FDB0]  }
0x3ea: {  	v10 =	vld [tilespmem:$0xEBC0]  }
0x3eb: {  	v6 =	vadd.f32 v6, v40;
	v40 =	vld [tilespmem:$0x1FF90];
	v3 =	vadd.f32 v34, v3  }
0x3ec: {  	v34 =	vld [tilespmem:$0xF3F0]  }
0x3ed: {  	v6 =	vadd.f32 v46, v6;
	v46 =	vld [tilespmem:$0xEBF0];
	v3 =	vadd.f32 v7, v3  }
0x3ee: {  	v1 =	vadd.f32 v43, v1;
	v43 =	vadd.f32 v45, v2;
	v2 =	vld [tilespmem:$0x1FDC0]  }
0x3ef: {  	v7 =	vadd.f32 v55, v53;
	v53 =	vld [tilespmem:$0xEDF0]  }
0x3f0: {  	v3 =	vadd.f32 v37, v3;
	v45 =	vadd.f32 v48, v1;
	v1 =	vld [tilespmem:$0x1FDE0]  }
0x3f1: {  	v55 =	vld [tilespmem:$0xEFE0];
	v6 =	vadd.f32 v8, v6  }
0x3f2: {  	v3 =	vadd.f32 v9, v3;
	v9 =	vadd.f32 v36, v59;
	v48 =	vld [tilespmem:$0x1FDF0]  }
0x3f3: {  	v8 =	vadd.f32 v60, v44;
	v2 =	vadd.f32 v2, v51;
	v51 =	vld [tilespmem:$0xEDC0]  }
0x3f4: {  	v60 =	vld [tilespmem:$0x1FF40];
	v7 =	vadd.f32 v58, v7;
	v9 =	vadd.f32 v18, v9  }
0x3f5: {  	v6 =	vadd.f32 v10, v6;
	v22 =	vadd.f32 v1, v22;
	v1 =	vld [tilespmem:$0xEFC0]  }
0x3f6: {  	v44 =	vld [tilespmem:$0xF7F0];
	v8 =	vadd.f32 v63, v8;
	v9 =	vadd.f32 v30, v9  }
0x3f7: {  	v7 =	vadd.f32 v62, v7;
	v2 =	vadd.f32 v48, v2;
	v48 =	vld [tilespmem:$0xF1C0]  }
0x3f8: {  	v59 =	vld [tilespmem:$0xF1E0];
	v9 =	vadd.f32 v16, v9;
	v6 =	vadd.f32 v51, v6  }
0x3f9: {  	[tilespmem:$0xE190] =	vst v31;
	v62 =	vld [tilespmem:$0xF1F0];
	v61 =	vadd.f32 v49, v8;
	v7 =	vadd.f32 v46, v7  }
0x3fa: {  	[tilespmem:$0xE180] =	vst v28;
	v9 =	vadd.f32 v25, v9;
	v25 =	vld [tilespmem:$0xF3E0];
	v1 =	vadd.f32 v1, v6  }
0x3fb: {  	[tilespmem:$0xE0E0] =	vst v42;
	v7 =	vadd.f32 v53, v7;
	v50 =	vadd.f32 v50, v22;
	v22 =	vld [tilespmem:$0xF5C0]  }
0x3fc: {  	[tilespmem:$0xE0A0] =	vst v27;
	v58 =	vld [tilespmem:$0x1FF30];
	v6 =	vadd.f32 v55, v61;
	v1 =	vadd.f32 v48, v1  }
0x3fd: {  	[tilespmem:$0xE1A0] =	vst v11;
	v36 =	vld [tilespmem:$0xF5E0];
	v7 =	vadd.f32 v57, v7;
	v9 =	vadd.f32 v19, v9  }
0x3fe: {  	[tilespmem:$0xE0B0] =	vst v35;
	v37 =	vld [tilespmem:$0x1FF80];
	v6 =	vadd.f32 v59, v6;
	v1 =	vadd.f32 v29, v1  }
0x3ff: {  	[tilespmem:$0xE0D0] =	vst v40;
	v63 =	vld [tilespmem:$0x1FF50];
	v7 =	vadd.f32 v62, v7;
	v9 =	vadd.f32 v32, v9  }
0x400: {  	[tilespmem:$0xE080] =	vst v60;
	v46 =	vld [tilespmem:$0x1FFB0];
	v6 =	vadd.f32 v25, v6;
	v1 =	vadd.f32 v22, v1  }
0x401: {  	v49 =	vld [tilespmem:$0xF9F0];
	[tilespmem:$0xE1B0] =	vst v3;
	v7 =	vadd.f32 v34, v7;
	v9 =	vadd.f32 v20, v9  }
0x402: {  	[tilespmem:$0xE070] =	vst v58;
	v58 =	vld [tilespmem:$0xFFE0];
	v6 =	vadd.f32 v36, v6;
	v1 =	vadd.f32 v13, v1  }
0x403: {  	[tilespmem:$0xE0C0] =	vst v37;
	v53 =	vld [tilespmem:$0x1FFE0];
	v7 =	vadd.f32 v39, v7;
	v4 =	vadd.f32 v4, v9  }
0x404: {  	[tilespmem:$0xE090] =	vst v63;
	v57 =	vld [tilespmem:$0xFDF0];
	v6 =	vadd.f32 v41, v6;
	v1 =	vadd.f32 v26, v1  }
0x405: {  	[tilespmem:$0xE0F0] =	vst v46;
	v7 =	vadd.f32 v44, v7;
	v51 =	vld [tilespmem:$0x1FFD0];
	v4 =	vadd.f32 v21, v4  }
0x406: {  	[tilespmem:$0xE140] =	vst v43;
	v55 =	vld [tilespmem:$0x1FFF0];
	v6 =	vadd.f32 v47, v6;
	v1 =	vadd.f32 v24, v1  }
0x407: {  	[tilespmem:$0xE150] =	vst v45;
	v7 =	vadd.f32 v49, v7;
	v48 =	vld [tilespmem:$0x1FFC0];
	v4 =	vadd.f32 v33, v4  }
0x408: {  	[tilespmem:$0xE160] =	vst v2;
	v59 =	vld [tilespmem:$0xFFF0];
	v2 =	vadd.f32 v52, v6;
	v1 =	vadd.f32 v15, v1  }
0x409: {  	v60 =	vld [tilespmem:$0x101E0];
	[tilespmem:$0xE120] =	vst v53;
	v7 =	vadd.f32 v54, v7;
	v4 =	vadd.f32 v38, v4  }
0x40a: {  	[tilespmem:$0xE170] =	vst v50;
	v61 =	vld [tilespmem:$0x101F0];
	v2 =	vadd.f32 v56, v2;
	v1 =	vadd.f32 v14, v1  }
0x40b: {  	v62 =	vadd.f32 v57, v7;
	[tilespmem:$0xE110] =	vst v51;
	v4 =	vadd.f32 v5, v4  }
0x40c: {  	[tilespmem:$0xE130] =	vst v55;
	v2 =	vadd.f32 v58, v2;
	v1 =	vadd.f32 v12, v1  }
0x40d: {  	[tilespmem:$0xE100] =	vst v48;
	v63 =	vadd.f32 v59, v62;
	v3 =	vadd.f32 v23, v4  }
0x40e: {  	[tilespmem:$0xE1C0] =	vst v1;
	v1 =	vadd.f32 v60, v2  }
0x40f: {  	s4 =	sadd.s32 $0x1, s4;
	[tilespmem:$0xE1D0] =	vst v3;
	v2 =	vadd.f32 v61, v63  }
0x410: {  	p0 =	sne.s32 s4, s25;
	[tilespmem:$0xE1E0] =	vst v1  }
.Ltmp2:
0x411: {  	s10 =	simm.s32 $0x100;
	s11 =	simm.s32 $0xE000;
	[tilespmem:$0xE1F0] =	vst v2;
	(pc) =	sbr.rel @p0 .LBB2_1-.Ltmp2, $4  }
0x412: {  	[hbm4b:s24+s31] =	stream.strided.scatter [tilespmem:s11], [sflag:$0x2], $0x200, s10, s31, $0x38;
	[tilespmem:$0x12200] =	vst v63  }
0x413: {  	_ =	swait.ge [sflag:s30], $0x200  }
0x414: {  	[sflag:s30] =	ssyncset.done $0x0  }
0x415: {  	[sflag:s30] =	ssyncadd.s32 $0xFFFFFE00  }
0x416: {  	_ =	sfence.sel $0x180000  }
0x417: {  	[bflag:$0x0] =	sbarrier.arrive $0xFFFF  }
0x418: {  	_ =	strace $0x90000047  }
0x419: {  	s0 =	stileid.u32;
	[bflag:$0x2] =	sbarrier.arrive $0xFFFF  }
0x41a: {  	p0 =	sne.s32 s0, $0x0;
	s0 =	rddreg [dreg:$0x3]  }
0x41b: {  	s0 =	sadd.s32 @!p0 $0x100000, s0  }
0x41c: {  	[sflag:s0] =	ssyncadd.tile.s32 @!p0 $0x1;
	_ =	shalt  }
.Lfunc_end2:
_tile_overlayer_lowered:
.L_overlay_start_2:
0x41d: {  	(tag) =	ssettag $0x2  }
0x41e: {  	s0 =	rddreg [dreg:$0x0];
	s2 =	stileid.u32  }
0x41f: {  	s1 =	rddreg [dreg:$0x1];
	p0 =	sne.s32 s2, $0x0  }
0x420: {  	s3 =	rddreg [dreg:$0x2];
	[bflag:$0x3] =	sbarrier.arrive $0xFFFF;
	s2 =	simm.s32 @!p0 $0x1C02  }
0x421: {  	[timem:s3], [sflag:s2] =	dma.local @!p0 [hbm:s0], s1  }
0x422: {  	s0 =	simm.s32 @!p0 $0x2  }
0x423: {  	_ =	swait.ge @!p0 [sflag:s0], s1  }
0x424: {  	s1 =	ssub.s32 @!p0 $0x0, s1;
	[sflag:s0] =	ssyncset.done @!p0 $0x0  }
0x425: {  	[sflag:s0] =	ssyncadd.s32 @!p0 s1  }
0x426: {  	[bflag:$0x3] =	sbarrier.arrive $0xFFFF  }
0x427: {  	_ =	shalt  }

// kernel: kernel.8.cloned.1.call-start
scs
__scs_entry_jumppad:
0x0: {  	(pc) =	sbr.rel $0x88, $3  }
0x1: {  	(tag) =	ssettag $0x0;
	lr =	simm.s32 $0x1  }
0x2: {  	[smem:$0x3F9B] =	sst lr;
	_ =	strace $0xD0000000  }
0x3: {  	_ = 	snop  }
0x4: {  	_ = 	snop  }
0x5: {  	_ = 	snop  }
0x6: {  	_ = 	snop  }
0x7: {  	_ = 	snop  }
__scs_overlays_trampoline_lowered:
0x8: {  	[smem:$0x3FAA] =	sst s0  }
0x9: {  	[smem:$0x3FAB] =	sst s1  }
0xa: {  	[smem:$0x3FAC] =	sst s2  }
0xb: {  	[smem:$0x3FAD] =	sst s3  }
0xc: {  	[smem:$0x3FAE] =	sst s4  }
0xd: {  	[smem:$0x3FAF] =	sst s5  }
0xe: {  	[smem:$0x3FB0] =	sst s6  }
0xf: {  	[smem:$0x3FB1] =	sst s7  }
0x10: {  	[smem:$0x3FB2] =	sst s8  }
0x11: {  	[smem:$0x3FB3] =	sst s9;
	s0 =	simm.s32 @!p0 $0x0  }
0x12: {  	s1 =	sld [smem:$0x3F99];
	s0 =	simm.s32 @p0 $0x1  }
0x13: {  	[smem:$0x3FB4] =	sst s0;
	s0 =	simm.s32 @!p1 $0x0  }
0x14: {  	s2 =	sld [smem:$0x3F98];
	s0 =	simm.s32 @p1 $0x1  }
0x15: {  	[smem:$0x3FB5] =	sst s0;
	s0 =	simm.s32 @!p2 $0x0  }
0x16: {  	s3 =	sld [smem:$0x3FDB];
	s0 =	simm.s32 @p2 $0x1  }
0x17: {  	s4 =	simm.s32 $0x1BF5;
	[smem:$0x3FB7] =	sst s0  }
0x18: {  	s0 =	sld [smem:$0x3F9A];
	_ =	swait.ge [sflag:s4], $0x0  }
0x19: {  	s7 =	sld [smem:$0x3F9B]  }
0x1a: {  	s8 =	sadd.s32 $0xFFFFE003, lr  }
0x1b: {  	s9 =	sadd.s32 $0xFFFFFEF7, lr;
	s5 =	simm.s32 $0xFFFFFFFF;
	p2 =	slt.u32 s8, $0xFFFFF086  }
0x1c: {  	p1 =	slt.u32 s9, $0xF7A;
	s5 =	simm.s32 @!p2 $0x0  }
0x1d: {  	s5 =	simm.s32 @p1 $0x1;
	p0 =	seq.s32 s7, s2  }
0x1e: {  	s7 =	smul.u32 @!p0 $0xF7A, s2;
	p2 =	seq.s32 @!p0 s5, $0x0  }
0x1f: {  	s9 =	smul.u32 $0xF7A, s1;
	s8 =	simm.s32 @!p0 $0x1BF5;
	p2 =	por !p2, p0  }
0x20: {  	[sflag:s8] =	ssyncset.s32 @!p0 $0xFFFFF086;
	s6 =	sadd.s32 @!p0 s3, s7;
	s7 =	simm.s32 @!p0 $0x108  }
0x21: {  	s3 =	sadd.s32 s3, s9;
	s6 =	sadd.s32 @!p0 $0x88, s6;
	s7 =	simm.s32 @p2 $0x1082  }
0x22: {  	[simem:s7], [sflag:s8] =	dma.local @!p0 [hbm:s6], $0xF7A  }
0x23: {  	s9 =	sor.u32 $0xD0000000, s2;
	s6 =	simm.s32 $0x108;
	_ =	swait.ge @!p0 [sflag:s8], $0x0  }
0x24: {  	s3 =	sadd.s32 $0x88, s3;
	s6 =	simm.s32 @!p1 $0x1082;
	[sflag:s4] =	ssyncset.s32 $0xFFFFF086  }
0x25: {  	[simem:s6], [sflag:s4] =	dma.local [hbm:s3], $0xF7A  }
0x26: {  	[smem:$0x3F9B] =	sst s1;
	(tag) =	ssettag s2;
	_ =	strace s9  }
0x27: {  	s1 =	sld [smem:$0x3FAB]  }
0x28: {  	s2 =	sld [smem:$0x3FAC]  }
0x29: {  	s4 =	sld [smem:$0x3FAE]  }
0x2a: {  	p0 =	seq.s32 s5, $0x0;
	s5 =	sld [smem:$0x3FAF]  }
0x2b: {  	s6 =	sld [smem:$0x3FB0]  }
0x2c: {  	s7 =	sld [smem:$0x3FB1]  }
0x2d: {  	s3 =	simm.s32 $0x108;
	s8 =	sld [smem:$0x3FB2]  }
0x2e: {  	s3 =	simm.s32 @!p0 $0x1082;
	s9 =	sld [smem:$0x3FB3]  }
0x2f: {  	lr =	sadd.s32 s0, s3;
	s0 =	sld [smem:$0x3FAA]  }
0x30: {  	s3 =	sld [smem:$0x3FAD]  }
0x31: {  	[smem:$0x3FB6] =	sst s10  }
0x32: {  	s10 =	sld [smem:$0x3FB4];
	_ =	sdelay $0x3  }
0x33: {  	p0 =	seq.s32 s10, $0x1;
	s10 =	sld [smem:$0x3FB6];
	_ =	sdelay $0x3  }
0x34: {  	[smem:$0x3FB6] =	sst s10  }
0x35: {  	s10 =	sld [smem:$0x3FB5];
	_ =	sdelay $0x3  }
0x36: {  	p1 =	seq.s32 s10, $0x1;
	s10 =	sld [smem:$0x3FB6];
	_ =	sdelay $0x3  }
0x37: {  	[smem:$0x3FB6] =	sst s10  }
0x38: {  	s10 =	sld [smem:$0x3FB7]  }
0x39: {  	_ = 	snop;
	(pc) =	sbr.ind lr, $3  }
0x3a: {  	_ = 	snop  }
0x3b: {  	_ = 	snop  }
0x3c: {  	p2 =	seq.s32 s10, $0x1;
	s10 =	sld [smem:$0x3FB6]  }
0x3d: {  	_ =	shalt  }
0x3e: {  	_ =	shalt  }
0x3f: {  	_ =	shalt  }
0x40: {  	_ =	shalt  }
0x41: {  	_ =	shalt  }
0x42: {  	_ =	shalt  }
0x43: {  	_ =	shalt  }
0x44: {  	_ =	shalt  }
0x45: {  	_ =	shalt  }
0x46: {  	_ =	shalt  }
0x47: {  	_ =	shalt  }
0x48: {  	_ =	shalt  }
0x49: {  	_ =	shalt  }
0x4a: {  	_ =	shalt  }
0x4b: {  	_ =	shalt  }
0x4c: {  	_ =	shalt  }
0x4d: {  	_ =	shalt  }
0x4e: {  	_ =	shalt  }
0x4f: {  	_ =	shalt  }
0x50: {  	_ =	shalt  }
0x51: {  	_ =	shalt  }
0x52: {  	_ =	shalt  }
0x53: {  	_ =	shalt  }
0x54: {  	_ =	shalt  }
0x55: {  	_ =	shalt  }
0x56: {  	_ =	shalt  }
0x57: {  	_ =	shalt  }
0x58: {  	_ =	shalt  }
0x59: {  	_ =	shalt  }
0x5a: {  	_ =	shalt  }
0x5b: {  	_ =	shalt  }
0x5c: {  	_ =	shalt  }
0x5d: {  	_ =	shalt  }
0x5e: {  	_ =	shalt  }
0x5f: {  	_ =	shalt  }
0x60: {  	_ =	shalt  }
0x61: {  	_ =	shalt  }
0x62: {  	_ =	shalt  }
0x63: {  	_ =	shalt  }
0x64: {  	_ =	shalt  }
0x65: {  	_ =	shalt  }
0x66: {  	_ =	shalt  }
0x67: {  	_ =	shalt  }
0x68: {  	_ =	shalt  }
0x69: {  	_ =	shalt  }
0x6a: {  	_ =	shalt  }
0x6b: {  	_ =	shalt  }
0x6c: {  	_ =	shalt  }
0x6d: {  	_ =	shalt  }
0x6e: {  	_ =	shalt  }
0x6f: {  	_ =	shalt  }
0x70: {  	_ =	shalt  }
0x71: {  	_ =	shalt  }
0x72: {  	_ =	shalt  }
0x73: {  	_ =	shalt  }
0x74: {  	_ =	shalt  }
0x75: {  	_ =	shalt  }
0x76: {  	_ =	shalt  }
0x77: {  	_ =	shalt  }
0x78: {  	_ =	shalt  }
0x79: {  	_ =	shalt  }
0x7a: {  	_ =	shalt  }
0x7b: {  	_ =	shalt  }
0x7c: {  	_ =	shalt  }
0x7d: {  	_ =	shalt  }
0x7e: {  	_ =	shalt  }
0x7f: {  	_ =	shalt  }
0x80: {  	_ =	shalt  }
0x81: {  	_ =	shalt  }
0x82: {  	_ =	shalt  }
0x83: {  	_ =	shalt  }
0x84: {  	_ =	shalt  }
0x85: {  	_ =	shalt  }
0x86: {  	_ =	shalt  }
0x87: {  	_ =	shalt  }
.Lfunc_end0:
.L_simem_size_0:
called_computation.1_lowered:
.L_overlay_start_0:
0x88: {  	s2 =	sld [smem:$0x3FD9]  }
0x89: {  	s3 =	sld [smem:$0x3FFE];
	_ =	sdelay $0x1  }
0x8a: {  	s1 =	srdreg.scid  }
0x8b: {  	s0 =	sand.u32 $0x1, s1  }
0x8c: {  	s17 =	sshll.u32 s0, $0xA;
	s2 =	sadd.s32 s3, s2  }
0x8d: {  	s2 =	sadd.s32 s2, s17  }
0x8e: {  	[smem:$0x3FC2] =	sst s2  }
0x8f: {  	_ = 	snop  }
0x90: {  	s2 =	sld [smem:$0x3FD0];
	(tm) =	ssettm $0x1  }
0x91: {  	s18 =	sld [smem:$0x3FFB];
	_ =	sdelay $0x3  }
0x92: {  	_ =	strace s18  }
0x93: {  	s3 =	sld [smem:$0x3FFC];
	_ =	sdelay $0x3  }
0x94: {  	_ =	strace s3  }
0x95: {  	s3 =	sld [smem:$0x3FFD];
	_ =	sdelay $0x3  }
0x96: {  	_ =	strace s3  }
0x97: {  	_ =	strace $0x8FFFFFFF  }
0x98: {  	s19 =	sld [smem:$0x3FDB];
	_ =	sdelay $0x1  }
0x99: {  	s4 =	simm.s32 $_scs_section_size  }
0x9a: {  	s5 =	simm.s32 $_size__tile_overlayer_lowered;
	s6 =	simm.s32 $_tile_overlayer_lowered  }
0x9b: {  	s22 =	simm.s32 $0x1BFF;
	s21 =	sshll.u32 s6, $0x1;
	s3 =	sadd.s32 s4, s19  }
0x9c: {  	s7 =	simm.s32 $0x0;
	s20 =	sshll.u32 s5, $0x1;
	s5 =	sadd.s32 s21, s3  }
0x9d: {  	[timem:s7], [sflag:s22] =	dma.local [hbm:s5], s20  }
0x9e: {  	_ =	swait.ge [sflag:s22], s20  }
0x9f: {  	s4 =	ssub.s32 $0x0, s20;
	[sflag:s22] =	ssyncset.done $0x0  }
0xa0: {  	[sflag:s22] =	ssyncadd.s32 s4;
	_ =	sdelay $0x1  }
0xa1: {  	s23 =	simm.s32 $0x1B8B  }
0xa2: {  	_ =	swait.ge [sflag:s23], $0x1  }
0xa3: {  	[sflag:s23] =	ssyncset.done $0x0  }
0xa4: {  	s25 =	simm.s32 $0x1B8E;
	s24 =	sld [smem:$0x3FFE];
	[sflag:s23] =	ssyncadd.s32 $0xFFFFFFFF  }
0xa5: {  	s26 =	simm.s32 $execute0_lowered;
	[smem:$0x3FD2] =	sst s25  }
0xa6: {  	s5 =	sshll.u32 s26, $0x1;
	_ =	strace $0x80000049;
	[dreg:$0x1] =	wrdreg $0xFFFFFFFF  }
0xa7: {  	s28 =	simm.s32 $_size_execute0_lowered;
	s3 =	sadd.s32 s3, s5;
	[dreg:$0x0] =	wrdreg $0x0  }
0xa8: {  	s5 =	sshll.u32 s28, $0x1;
	[dreg:$0x2] =	wrdreg s3  }
0xa9: {  	[dreg:$0x3] =	wrdreg s5  }
0xaa: {  	[dreg:$0x4] =	wrdreg $0xC0  }
0xab: {  	_ =	task [dreg:s7], $0x5FFFF  }
0xac: {  	[dreg:$0x1] =	wrdreg $0xFFFFFFFF  }
0xad: {  	[dreg:$0x0] =	wrdreg $0x60  }
0xae: {  	[dreg:$0x2] =	wrdreg s24  }
0xaf: {  	[dreg:$0x3] =	wrdreg s2  }
0xb0: {  	[dreg:$0x4] =	wrdreg $0xA6000  }
0xb1: {  	[dreg:$0x5] =	wrdreg $0x9  }
0xb2: {  	_ =	task.clear_ibuf [dreg:s7], $0x6FFFF;
	_ =	strace $0x90000049  }
0xb3: {  	s29 =	simm.s32 $0x9;
	_ =	strace $0x8000004B  }
0xb4: {  	_ =	swait.ge [sflag:s29], $0x1  }
0xb5: {  	[sflag:s29] =	ssyncadd.s32 $0xFFFFFFFF  }
0xb6: {  	_ =	strace $0x9000004B  }
0xb7: {  	_ =	sfence  }
0xb8: {  	s30 =	sld [smem:$0x0];
	_ =	sdelay $0x2  }
0xb9: {  	s31 =	sshll.u32 s1, $0xD;
	s1 =	sshrl.u32 s1, $0x2  }
0xba: {  	s3 =	sand.u32 $0x4000, s31;
	s1 =	sadd.s32 s1, s30  }
0xbb: {  	s0 =	sor.u32 s3, s0;
	s1 =	sshll.u32 s1, $0x11  }
0xbc: {  	s0 =	sor.u32 s1, s0  }
0xbd: {  	s0 =	sadd.s32 $0x8F2B, s0  }
0xbe: {  	[sflag:s0] =	ssyncadd.remote.s32 $0x1  }
0xbf: {  	_ =	sfence.sel $0xFFFF  }
0xc0: {  	[dreg:$0x0] =	wrdreg $0xFFFFFFFF;
	(pc) =	sbr.abs _section_cstart, $3  }
0xc1: {  	[dreg:$0x1] =	wrdreg $0xFFFFFFFF  }
0xc2: {  	_ =	task.clear_ibuf [dreg:s7], $0x2FFFF;
	_ =	strace $0x9FFFFFFF  }
0xc3: {  	(tm) =	ssettm $0x7FFFFFFF  }
tec
execute0_lowered:
.L_overlay_start_1:
0x0: {  	(tag) =	ssettag $0x1  }
0x1: {  	s4 =	rddreg [dreg:$0x0]  }
0x2: {  	s10 =	rddreg [dreg:$0x1]  }
0x3: {  	s1 =	rddreg [dreg:$0x2]  }
0x4: {  	s0 =	rddreg [dreg:$0x3]  }
0x5: {  	s3 =	simm.s32 $0x0;
	s5 =	srdreg.scid;
	s2 =	stileid.u32  }
0x6: {  	s13 =	simm.s32 $0x4600;
	s14 =	simm.s32 $0x6600;
	s15 =	simm.s32 $0x80  }
0x7: {  	s16 =	simm.s32 $0x100;
	s17 =	simm.s32 $0x2;
	s18 =	simm.s32 $0x200  }
0x8: {  	s19 =	simm.s32 $0x400;
	s20 =	simm.s32 $0x600;
	s21 =	simm.s32 $0x1  }
0x9: {  	s22 =	simm.s32 $0x8600;
	s23 =	simm.s32 $0x0;
	[smem:$0x7FF] =	sst s3  }
0xa: {  	s5 =	sand.u32 $0x1, s5;
	s7 =	sshll.u32 s2, $0xA;
	s8 =	sshll.u32 s2, $0x7  }
0xb: {  	s9 =	sshll.u32 s2, $0x9;
	_ =	strace $0x8000004A;
	s6 =	sshll.u32 s5, $0xE  }
0xc: {  	s5 =	ssub.s32 $0x2, s5;
	s8 =	sadd.s32 s8, s4;
	s11 =	sor.u32 s7, s6  }
0xd: {  	s9 =	sadd.s32 s9, s1;
	s31 =	sshrl.u32 s5, $0x1;
	s7 =	sadd.s32 s11, s4  }
0xe: {  	s12 =	ssub.s32 s5, s31;
	s10 =	sadd.s32 s10, s11;
	s4 =	sadd.s32 $0x1200, s7  }
0xf: {  	s5 =	sadd.s32 $0x9200, s7;
	s6 =	sadd.s32 $0x19200, s7;
	s7 =	sadd.s32 $0x21200, s8  }
0x10: {  	s8 =	sadd.s32 $0x21210, s8;
	s11 =	smax.u32 s12, $0x1;
	s12 =	simm.s32 $0x2600  }
.LBB2_1:
0x11: {  	[tilespmem:s12], [sflag:$0x1] =	stream.linear.gather [hbm4b:s4+s3], $0x2000, $0x38;
	[tilespmem:$0xA800] =	vst v63  }
0x12: {  	_ = 	snop  }
0x13: {  	[tilespmem:s13], [sflag:$0x1] =	stream.linear.gather [hbm4b:s5+s3], $0x2000, $0x38;
	[tilespmem:$0xA800] =	vst v63  }
0x14: {  	_ = 	snop  }
0x15: {  	[tilespmem:s14], [sflag:$0x1] =	stream.linear.gather [hbm4b:s6+s3], $0x2000, $0x38;
	[tilespmem:$0xA800] =	vst v63  }
0x16: {  	_ = 	snop  }
0x17: {  	[tilespmem:s3], [sflag:$0x2] =	stream.strided.gather [hbm4b:s7+s15], $0x200, s16, s15, $0x38;
	[tilespmem:$0xA800] =	vst v63  }
0x18: {  	_ =	swait.ge [sflag:s17], $0x200  }
0x19: {  	[sflag:s17] =	ssyncset.done $0x0  }
0x1a: {  	[sflag:s17] =	ssyncadd.s32 $0xFFFFFE00  }
0x1b: {  	[tilespmem:s18], [sflag:$0x2] =	stream.strided.gather [hbm4b:s8+s15], $0x200, s16, s15, $0x38;
	[tilespmem:$0xA800] =	vst v63  }
0x1c: {  	_ =	swait.ge [sflag:s17], $0x200  }
0x1d: {  	[sflag:s17] =	ssyncset.done $0x0  }
0x1e: {  	[sflag:s17] =	ssyncadd.s32 $0xFFFFFE00  }
0x1f: {  	v0 =	vld [tilespmem:$0x0]  }
0x20: {  	v1 =	vld [tilespmem:$0x200]  }
0x21: {  	v2 =	vld [tilespmem:$0x10]  }
0x22: {  	v3 =	vld [tilespmem:$0x210]  }
0x23: {  	v4 =	vld [tilespmem:$0x20]  }
0x24: {  	v5 =	vld [tilespmem:$0x220]  }
0x25: {  	v6 =	vld [tilespmem:$0x30]  }
0x26: {  	v7 =	vld [tilespmem:$0x230]  }
0x27: {  	v8 =	vld [tilespmem:$0x40]  }
0x28: {  	v9 =	vld [tilespmem:$0x240]  }
0x29: {  	v10 =	vld [tilespmem:$0x50]  }
0x2a: {  	v11 =	vld [tilespmem:$0x250]  }
0x2b: {  	v12 =	vld [tilespmem:$0x60]  }
0x2c: {  	v13 =	vld [tilespmem:$0x260]  }
0x2d: {  	v14 =	vld [tilespmem:$0x70]  }
0x2e: {  	v15 =	vld [tilespmem:$0x270]  }
0x2f: {  	v16 =	vld [tilespmem:$0x80]  }
0x30: {  	v17 =	vld [tilespmem:$0x280]  }
0x31: {  	v18 =	vld [tilespmem:$0x90]  }
0x32: {  	v19 =	vld [tilespmem:$0x290]  }
0x33: {  	v20 =	vld [tilespmem:$0xA0]  }
0x34: {  	v21 =	vld [tilespmem:$0x2A0]  }
0x35: {  	v22 =	vld [tilespmem:$0xB0]  }
0x36: {  	v23 =	vld [tilespmem:$0x2B0]  }
0x37: {  	v24 =	vld [tilespmem:$0xC0]  }
0x38: {  	v25 =	vld [tilespmem:$0x2C0]  }
0x39: {  	v26 =	vld [tilespmem:$0xD0]  }
0x3a: {  	v27 =	vld [tilespmem:$0x2D0]  }
0x3b: {  	v28 =	vld [tilespmem:$0xE0]  }
0x3c: {  	v29 =	vld [tilespmem:$0x2E0]  }
0x3d: {  	v30 =	vld [tilespmem:$0xF0]  }
0x3e: {  	v31 =	vld [tilespmem:$0x2F0]  }
0x3f: {  	v32 =	vld [tilespmem:$0x100]  }
0x40: {  	v33 =	vld [tilespmem:$0x300]  }
0x41: {  	v34 =	vld [tilespmem:$0x110]  }
0x42: {  	v35 =	vld [tilespmem:$0x310]  }
0x43: {  	v36 =	vld [tilespmem:$0x120];
	v0 =	vadd.f32 v1, v0  }
0x44: {  	v42 =	vld [tilespmem:$0x370];
	v2 =	vadd.f32 v3, v2  }
0x45: {  	v44 =	vld [tilespmem:$0x180];
	(erf) = vrcp.f32 v0;
	v0 =	vadd.f32 v5, v4  }
0x46: {  	v46 =	vld [tilespmem:$0x380];
	(erf) = vrcp.f32 v2;
	v2 =	vadd.f32 v7, v6  }
0x47: {  	v48 =	vld [tilespmem:$0x190];
	(erf) = vrcp.f32 v0;
	v0 =	vadd.f32 v9, v8  }
0x48: {  	v50 =	vld [tilespmem:$0x390];
	(erf) = vrcp.f32 v2;
	v2 =	vadd.f32 v11, v10  }
0x49: {  	v52 =	vld [tilespmem:$0x1A0];
	(erf) = vrcp.f32 v0;
	v0 =	vadd.f32 v13, v12  }
0x4a: {  	v54 =	vld [tilespmem:$0x3A0];
	(erf) = vrcp.f32 v2;
	v2 =	vadd.f32 v15, v14  }
0x4b: {  	v56 =	vld [tilespmem:$0x1B0];
	(erf) = vrcp.f32 v0;
	v0 =	vadd.f32 v17, v16  }
0x4c: {  	v1 =	vld [tilespmem:$0x320];
	(erf) = vrcp.f32 v2;
	v2 =	vadd.f32 v19, v18  }
0x4d: {  	v3 =	vld [tilespmem:$0x130];
	(erf) = vrcp.f32 v0;
	v0 =	vadd.f32 v21, v20  }
0x4e: {  	v4 =	vld [tilespmem:$0x330];
	v43 =	vpop (erf);
	(erf) = vrcp.f32 v2;
	v2 =	vadd.f32 v23, v22  }
0x4f: {  	v5 =	vld [tilespmem:$0x140];
	v45 =	vpop (erf);
	(erf) = vrcp.f32 v0;
	v0 =	vadd.f32 v25, v24  }
0x50: {  	v6 =	vld [tilespmem:$0x340];
	v47 =	vpop (erf);
	(erf) = vrcp.f32 v2;
	v2 =	vadd.f32 v27, v26  }
0x51: {  	v7 =	vld [tilespmem:$0x150];
	[tilespmem:$0x400] =	vst v43;
	v49 =	vpop (erf);
	(erf) = vrcp.f32 v0;
	v0 =	vadd.f32 v29, v28  }
0x52: {  	v8 =	vld [tilespmem:$0x350];
	[tilespmem:$0x410] =	vst v45;
	v51 =	vpop (erf);
	(erf) = vrcp.f32 v2;
	v2 =	vadd.f32 v31, v30  }
0x53: {  	v9 =	vld [tilespmem:$0x160];
	[tilespmem:$0x420] =	vst v47;
	v53 =	vpop (erf);
	(erf) = vrcp.f32 v0;
	v0 =	vadd.f32 v33, v32  }
0x54: {  	v10 =	vld [tilespmem:$0x360];
	[tilespmem:$0x430] =	vst v49;
	v55 =	vpop (erf);
	(erf) = vrcp.f32 v2;
	v2 =	vadd.f32 v35, v34  }
0x55: {  	v11 =	vld [tilespmem:$0x170];
	[tilespmem:$0x440] =	vst v51;
	v57 =	vpop (erf);
	(erf) = vrcp.f32 v0;
	v0 =	vadd.f32 v1, v36  }
0x56: {  	[tilespmem:$0x450] =	vst v53;
	v1 =	vld [tilespmem:$0x3B0];
	v58 =	vpop (erf);
	(erf) = vrcp.f32 v2;
	v2 =	vadd.f32 v4, v3  }
0x57: {  	[tilespmem:$0x460] =	vst v55;
	v3 =	vld [tilespmem:$0x1C0];
	v4 =	vpop (erf);
	(erf) = vrcp.f32 v0;
	v0 =	vadd.f32 v6, v5  }
0x58: {  	v5 =	vld [tilespmem:$0x3C0];
	[tilespmem:$0x490] =	vst v4;
	v4 =	vpop (erf);
	(erf) = vrcp.f32 v2;
	v2 =	vadd.f32 v8, v7  }
0x59: {  	v6 =	vld [tilespmem:$0x1D0];
	[tilespmem:$0x4A0] =	vst v4;
	v4 =	vpop (erf);
	(erf) = vrcp.f32 v0;
	v0 =	vadd.f32 v10, v9  }
0x5a: {  	v7 =	vld [tilespmem:$0x3D0];
	[tilespmem:$0x4B0] =	vst v4;
	v4 =	vpop (erf);
	(erf) = vrcp.f32 v2;
	v2 =	vadd.f32 v42, v11  }
0x5b: {  	v8 =	vld [tilespmem:$0x1E0];
	[tilespmem:$0x4C0] =	vst v4;
	v4 =	vpop (erf);
	(erf) = vrcp.f32 v0  }
0x5c: {  	v9 =	vld [tilespmem:$0x3E0];
	v0 =	vadd.f32 v46, v44;
	[tilespmem:$0x4D0] =	vst v4;
	v4 =	vpop (erf);
	(erf) = vrcp.f32 v2;
	v2 =	vadd.f32 v50, v48  }
0x5d: {  	[tilespmem:$0x470] =	vst v57;
	v10 =	vld [tilespmem:$0x1F0]  }
0x5e: {  	v11 =	vld [tilespmem:$0x3F0];
	[tilespmem:$0x4E0] =	vst v4;
	v4 =	vpop (erf);
	(erf) = vrcp.f32 v0;
	v0 =	vadd.f32 v54, v52  }
0x5f: {  	v1 =	vadd.f32 v1, v56;
	[tilespmem:$0x4F0] =	vst v4;
	v4 =	vpop (erf);
	(erf) = vrcp.f32 v2  }
0x60: {  	[tilespmem:$0x480] =	vst v58;
	v2 =	vpop (erf);
	(erf) = vrcp.f32 v0;
	v0 =	vadd.f32 v5, v3  }
0x61: {  	[tilespmem:$0x510] =	vst v2;
	v2 =	vpop (erf);
	(erf) = vrcp.f32 v1;
	v1 =	vadd.f32 v7, v6  }
0x62: {  	[tilespmem:$0x520] =	vst v2;
	v2 =	vpop (erf);
	(erf) = vrcp.f32 v0;
	v0 =	vadd.f32 v9, v8  }
0x63: {  	[tilespmem:$0x530] =	vst v2;
	v2 =	vpop (erf);
	(erf) = vrcp.f32 v1;
	v1 =	vadd.f32 v11, v10  }
0x64: {  	[tilespmem:$0x500] =	vst v4  }
0x65: {  	[tilespmem:$0x540] =	vst v2;
	v2 =	vpop (erf);
	(erf) = vrcp.f32 v0  }
0x66: {  	[tilespmem:$0x550] =	vst v2;
	v0 =	vpop (erf);
	(erf) = vrcp.f32 v1  }
0x67: {  	v1 =	vpop (erf);
	[tilespmem:$0x560] =	vst v0  }
0x68: {  	v0 =	vpop (erf);
	[tilespmem:$0x570] =	vst v1  }
0x69: {  	v1 =	vpop (erf);
	[tilespmem:$0x580] =	vst v0  }
0x6a: {  	v0 =	vpop (erf);
	[tilespmem:$0x590] =	vst v1  }
0x6b: {  	v1 =	vpop (erf);
	[tilespmem:$0x5A0] =	vst v0  }
0x6c: {  	v0 =	vpop (erf);
	[tilespmem:$0x5B0] =	vst v1  }
0x6d: {  	v1 =	vpop (erf);
	[tilespmem:$0x5C0] =	vst v0  }
0x6e: {  	v0 =	vpop (erf);
	[tilespmem:$0x5D0] =	vst v1  }
0x6f: {  	[tilespmem:$0x5E0] =	vst v0;
	v0 =	vpop (erf)  }
0x70: {  	[tilespmem:$0x5F0] =	vst v0  }
0x71: {  	[spmem:s9] =	stream.linear.scatter [tilespmem:s19], [sflag:$0x2], $0x200, $0x38;
	[tilespmem:$0xA800] =	vst v63  }
0x72: {  	_ =	swait.ge [sflag:s17], $0x200  }
0x73: {  	[sflag:s17] =	ssyncset.done $0x0  }
0x74: {  	[sflag:s17] =	ssyncadd.s32 $0xFFFFFE00  }
0x75: {  	[bflag:$0x0] =	sbarrier.arrive $0xFFFF  }
0x76: {  	[tilespmem:s20], [sflag:$0x2] =	stream.linear.gather [spmem:s1], $0x2000, $0x38;
	[tilespmem:$0xA800] =	vst v63  }
0x77: {  	_ =	swait.ge [sflag:s17], $0x2000  }
0x78: {  	[sflag:s17] =	ssyncset.done $0x0  }
0x79: {  	[sflag:s17] =	ssyncadd.s32 $0xFFFFE000  }
0x7a: {  	_ =	swait.ge [sflag:s21], $0x2000  }
0x7b: {  	[sflag:s21] =	ssyncset.done $0x0  }
0x7c: {  	[sflag:s21] =	ssyncadd.s32 $0xFFFFE000  }
0x7d: {  	_ =	swait.ge [sflag:s21], $0x2000  }
0x7e: {  	[sflag:s21] =	ssyncset.done $0x0  }
0x7f: {  	[sflag:s21] =	ssyncadd.s32 $0xFFFFE000  }
0x80: {  	_ =	swait.ge [sflag:s21], $0x2000  }
0x81: {  	[sflag:s21] =	ssyncset.done $0x0  }
0x82: {  	s24 =	simm.s32 $0x2620;
	[sflag:s21] =	ssyncadd.s32 $0xFFFFE000  }
0x83: {  	s25 =	simm.s32 $0x4620;
	v0 =	vld [tilespmem:s24+$0x10]  }
0x84: {  	v1 =	vld [tilespmem:s25+$0x10]  }
0x85: {  	v2 =	vld [tilespmem:s24+$0xFFFFFFE0]  }
0x86: {  	v3 =	vld [tilespmem:s25+$0xFFFFFFE0]  }
0x87: {  	v4 =	vld [tilespmem:s24+$0x0]  }
0x88: {  	v5 =	vld [tilespmem:s25+$0xFFFFFFF0]  }
0x89: {  	s31 =	simm.s32 $0x6620;
	v6 =	vld [tilespmem:s25+$0x0]  }
0x8a: {  	v7 =	vld [tilespmem:s31+$0xFFFFFFE0]  }
0x8b: {  	s26 =	simm.s32 $0x2660;
	v8 =	vld [tilespmem:s31+$0xFFFFFFF0]  }
0x8c: {  	v9 =	vld [tilespmem:s26+$0x10]  }
0x8d: {  	v11 =	vld [tilespmem:s26+$0xFFFFFFF0];
	v0 =	vshll.u32 v0, $0xB  }
0x8e: {  	v0 =	vadd.s32 v1, v0;
	v1 =	vld [tilespmem:s24+$0xFFFFFFF0]  }
0x8f: {  	v59 =	vld [tilespmem:s26+$0x0]  }
0x90: {  	v63 =	vld [tilespmem:s31+$0x0];
	s24 =	simm.s32 $0x4660  }
0x91: {  	v2 =	vshll.u32 v2, $0xB;
	v10 =	vld [tilespmem:s24+$0x10]  }
0x92: {  	v4 =	vshll.u32 v4, $0xB;
	v2 =	vadd.s32 v3, v2;
	v3 =	vld [tilespmem:s31+$0x10]  }
0x93: {  	v4 =	vadd.s32 v6, v4;
	v6 =	vld [tilespmem:s24+$0xFFFFFFE0];
	v1 =	vshll.u32 v1, $0xB  }
0x94: {  	v1 =	vadd.s32 v5, v1;
	v5 =	vld [tilespmem:s26+$0xFFFFFFE0]  }
0x95: {  	v9 =	vshll.u32 v9, $0xB;
	v60 =	vld [tilespmem:s24+$0xFFFFFFF0]  }
0x96: {  	v0 =	vld.idx.msk [tilespmem:v0+s20+$0x0], $0xffff;
	v9 =	vadd.s32 v10, v9  }
0x97: {  	v2 =	vld.idx.msk [tilespmem:v2+s20+$0x0], $0xffff  }
0x98: {  	v62 =	vld.idx.msk [tilespmem:v4+s20+$0x0], $0xffff  }
0x99: {  	v61 =	vld.idx.msk [tilespmem:v1+s20+$0x0], $0xffff;
	v1 =	vshll.u32 v5, $0xB  }
0x9a: {  	v10 =	vld [tilespmem:s24+$0x0];
	v6 =	vadd.s32 v6, v1  }
0x9b: {  	s26 =	simm.s32 $0x6660;
	v0 =	vmul.f32 v3, v0;
	v4 =	vld.idx.msk [tilespmem:v9+s20+$0x0], $0xffff  }
0x9c: {  	s25 =	simm.s32 $0x8620;
	v5 =	vld [tilespmem:s26+$0x10];
	v1 =	vmul.f32 v7, v2  }
0x9d: {  	v3 =	vld [tilespmem:s26+$0xFFFFFFE0];
	[tilespmem:s25+$0x10] =	vst v0;
	v0 =	vshll.u32 v11, $0xB  }
0x9e: {  	v2 =	vshll.u32 v59, $0xB;
	[tilespmem:s25+$0xFFFFFFE0] =	vst v1;
	v1 =	vadd.s32 v60, v0;
	v0 =	vld [tilespmem:s26+$0xFFFFFFF0];
	v7 =	vmul.f32 v8, v61  }
0x9f: {  	s28 =	simm.s32 $0x4;
	s29 =	simm.s32 $0x26A0;
	v2 =	vadd.s32 v10, v2;
	v8 =	vmul.f32 v63, v62;
	v6 =	vld.idx.msk [tilespmem:v6+s20+$0x0], $0xffff  }
.LBB2_2:
0xa0: {  	v9 =	vld [tilespmem:s29+$0x10];
	s28 =	sadd.s32 $0x4, s28;
	s24 =	sadd.s32 $0x40, s24;
	[tilespmem:s25+$0xFFFFFFF0] =	vst v7  }
0xa1: {  	v7 =	vld [tilespmem:s24+$0x10];
	p0 =	slt.u32 s28, $0x1FC;
	v4 =	vmul.f32 v5, v4;
	[tilespmem:s25+$0x0] =	vst v8  }
0xa2: {  	s25 =	sadd.s32 $0x40, s25;
	v5 =	vld [tilespmem:s29+$0xFFFFFFF0]  }
0xa3: {  	v8 =	vld [tilespmem:s29+$0x0];
	[tilespmem:s25+$0x10] =	vst v4  }
0xa4: {  	v4 =	vld [tilespmem:s29+$0xFFFFFFE0]  }
0xa5: {  	v3 =	vmul.f32 v3, v6;
	v10 =	vld [tilespmem:s24+$0xFFFFFFE0];
	v9 =	vshll.u32 v9, $0xB  }
0xa6: {  	v6 =	vld [tilespmem:s24+$0xFFFFFFF0];
	v7 =	vadd.s32 v7, v9  }
0xa7: {  	v5 =	vshll.u32 v5, $0xB;
	v9 =	vld [tilespmem:s24+$0x0];
	[tilespmem:s25+$0xFFFFFFE0] =	vst v3  }
0xa8: {  	v3 =	vshll.u32 v8, $0xB;
	v8 =	vld.idx.msk [tilespmem:v1+s20+$0x0], $0xffff  }
0xa9: {  	v1 =	vshll.u32 v4, $0xB;
	v11 =	vld.idx.msk [tilespmem:v2+s20+$0x0], $0xffff  }
0xaa: {  	v10 =	vadd.s32 v10, v1;
	v12 =	vld [tilespmem:s26+$0x0]  }
.Ltmp0:
0xab: {  	s26 =	sadd.s32 $0x40, s26;
	v1 =	vadd.s32 v6, v5;
	v4 =	vld.idx.msk [tilespmem:v7+s20+$0x0], $0xffff;
	(pc) =	sbr.rel @p0 .LBB2_2-.Ltmp0, $4  }
0xac: {  	v2 =	vadd.s32 v9, v3;
	v5 =	vld [tilespmem:s26+$0x10]  }
0xad: {  	v3 =	vld [tilespmem:s26+$0xFFFFFFE0]  }
0xae: {  	v7 =	vmul.f32 v0, v8;
	v0 =	vld [tilespmem:s26+$0xFFFFFFF0]  }
0xaf: {  	s29 =	sadd.s32 $0x40, s29;
	v6 =	vld.idx.msk [tilespmem:v10+s20+$0x0], $0xffff;
	v8 =	vmul.f32 v12, v11  }
0xb0: {  	_ =	sdelay $0x3  }
0xb1: {  	v1 =	vld.idx.msk [tilespmem:v1+s20+$0x0], $0xffff  }
0xb2: {  	v2 =	vld.idx.msk [tilespmem:v2+s20+$0x0], $0xffff  }
0xb3: {  	v9 =	vld [tilespmem:s26+$0x0];
	_ =	sdelay $0x1  }
0xb4: {  	[tilespmem:s25+$0xFFFFFFF0] =	vst v7;
	v4 =	vmul.f32 v5, v4  }
0xb5: {  	s24 =	sadd.s32 $0x40, s25;
	[tilespmem:s25+$0x0] =	vst v8;
	v3 =	vmul.f32 v3, v6  }
0xb6: {  	[tilespmem:s24+$0x10] =	vst v4;
	v0 =	vmul.f32 v0, v1  }
0xb7: {  	s23 =	sadd.s32 $0x1, s23;
	v63 =	vmul.f32 v9, v2;
	[tilespmem:s24+$0xFFFFFFE0] =	vst v3  }
0xb8: {  	p0 =	sne.s32 s23, s11;
	[tilespmem:s24+$0xFFFFFFF0] =	vst v0  }
.Ltmp1:
0xb9: {  	[tilespmem:s24+$0x0] =	vst v63;
	(pc) =	sbr.rel @p0 .LBB2_1-.Ltmp1, $4  }
0xba: {  	[hbm4b:s10+s3] =	stream.linear.scatter [tilespmem:s22], [sflag:$0x2], $0x2000, $0x38;
	[tilespmem:$0xA800] =	vst v63  }
0xbb: {  	_ =	swait.ge [sflag:s17], $0x2000  }
0xbc: {  	[sflag:s17] =	ssyncset.done $0x0  }
0xbd: {  	[sflag:s17] =	ssyncadd.s32 $0xFFFFE000  }
0xbe: {  	_ =	sfence.sel $0x180000  }
0xbf: {  	[bflag:$0x0] =	sbarrier.arrive $0xFFFF  }
0xc0: {  	p0 =	sne.s32 s2, $0x0;
	_ =	strace $0x9000004A  }
0xc1: {  	s0 =	sadd.s32 @!p0 $0x100000, s0;
	[bflag:$0x2] =	sbarrier.arrive $0xFFFF  }
0xc2: {  	[sflag:s0] =	ssyncadd.tile.s32 @!p0 $0x1;
	_ =	shalt  }
.Lfunc_end2:
_tile_overlayer_lowered:
.L_overlay_start_2:
0xc3: {  	(tag) =	ssettag $0x2  }
0xc4: {  	s0 =	rddreg [dreg:$0x0];
	s2 =	stileid.u32  }
0xc5: {  	s1 =	rddreg [dreg:$0x1];
	p0 =	sne.s32 s2, $0x0  }
0xc6: {  	s3 =	rddreg [dreg:$0x2];
	[bflag:$0x3] =	sbarrier.arrive $0xFFFF;
	s2 =	simm.s32 @!p0 $0x1C02  }
0xc7: {  	[timem:s3], [sflag:s2] =	dma.local @!p0 [hbm:s0], s1  }
0xc8: {  	s0 =	simm.s32 @!p0 $0x2  }
0xc9: {  	_ =	swait.ge @!p0 [sflag:s0], s1  }
0xca: {  	s1 =	ssub.s32 @!p0 $0x0, s1;
	[sflag:s0] =	ssyncset.done @!p0 $0x0  }
0xcb: {  	[sflag:s0] =	ssyncadd.s32 @!p0 s1  }
0xcc: {  	[bflag:$0x3] =	sbarrier.arrive $0xFFFF  }
0xcd: {  	_ =	shalt  }

</sc_bundles>
